<compile_context>
chip_gen: v7x
topology: tpu7x:2x2x1
jax: 0.10.2.dev20260603
libtpu: 0.0.44.dev20260713+nightly
codegen_flags: <defaults>
</compile_context>

<pallas_src>
import jax
import jax.numpy as jnp
from jax import lax
from jax.experimental import pallas as pl
from jax.experimental.pallas import tpu as pltpu
from jax.experimental.pallas import tpu_sc as plsc

NC = 2
NS = 16
L = 16
NW = NC * NS
_NSTAT = 5

_SQRT2 = 1.4142135623730951
_LN2 = 0.6931471805599453


def _vlog(x):
    bits = lax.bitcast_convert_type(x, jnp.int32)
    e = lax.shift_right_logical(bits, 23) - 127
    m_bits = (bits & jnp.int32(0x7FFFFF)) | jnp.int32(0x3F800000)
    m = lax.bitcast_convert_type(m_bits, jnp.float32)
    big = m > _SQRT2
    m = jnp.where(big, 0.5 * m, m)
    e = e + jnp.where(big, 1, 0)
    ef = e.astype(jnp.float32)
    t = (m - 1.0) / (m + 1.0)
    t2 = t * t
    p = jnp.float32(1.0 / 7.0)
    p = p * t2 + jnp.float32(1.0 / 5.0)
    p = p * t2 + jnp.float32(1.0 / 3.0)
    p = p * t2 + 1.0
    return ef * jnp.float32(_LN2) + 2.0 * t * p


def _make_sc_kernel(B, D, interpret=False):
    bpw = B // NW

    def body(cw_hbm, xw_hbm, co_hbm, w_hbm, cembT_hbm, xembT_hbm,
             cbiasT_hbm, xbiasT_hbm, out_hbm,
             idx_cv, idx_xv, blk_c0, blk_c1, blk_c2, blk_c3,
             blk_x0, blk_x1, blk_x2, blk_x3, prodT_v, co_v, w_v,
             bbl_c0, bbl_c1, bbl_c2, bbl_c3, bbl_x0, bbl_x1, bbl_x2, bbl_x3,
             bcT_v, bxT_v, part_v, sem0, sem1, sem2, sem3):
        wid = lax.axis_index("c") * NS + lax.axis_index("s")
        base = wid * bpw
        pltpu.sync_copy(cw_hbm.at[pl.ds(base, bpw)], idx_cv)
        pltpu.sync_copy(xw_hbm.at[pl.ds(base, bpw)], idx_xv)
        pltpu.sync_copy(co_hbm.at[pl.ds(base, bpw)], co_v)
        pltpu.sync_copy(w_hbm.at[pl.ds(base, bpw)], w_v)

        zero = jnp.zeros((L,), jnp.float32)
        lane = lax.iota(jnp.int32, L)
        zeros16 = jnp.zeros((L,), jnp.int32)
        lane0 = lane == 0

        NSLOT = 4
        NPRE = 3
        blks_c = [blk_c0, blk_c1, blk_c2, blk_c3]
        blks_x = [blk_x0, blk_x1, blk_x2, blk_x3]
        bbls_c = [bbl_c0, bbl_c1, bbl_c2, bbl_c3]
        bbls_x = [bbl_x0, bbl_x1, bbl_x2, bbl_x3]
        sems = [sem0, sem1, sem2, sem3]

        def fetch_group(g, _):
            gb = g * L
            vecc = idx_cv[pl.ds(gb, L)]
            vecx = idx_xv[pl.ds(gb, L)]

            def fire(k):
                s = k % NSLOT
                vc = vecc[k]
                vx = vecx[k]
                bc = pl.multiple_of(vc & jnp.int32(-128), 128)
                bx = pl.multiple_of(vx & jnp.int32(-128), 128)
                return (
                    pltpu.async_copy(cembT_hbm.at[:, pl.ds(bc, 128)],
                                     blks_c[s], sems[s]),
                    pltpu.async_copy(xembT_hbm.at[:, pl.ds(bx, 128)],
                                     blks_x[s], sems[s]),
                    pltpu.async_copy(cbiasT_hbm.at[:, pl.ds(bc, 128)],
                                     bbls_c[s], sems[s]),
                    pltpu.async_copy(xbiasT_hbm.at[:, pl.ds(bx, 128)],
                                     bbls_x[s], sems[s]),
                )

            descs = {}
            for k in range(NPRE):
                descs[k] = fire(k)
            for k in range(L):
                if k + NPRE < L:
                    descs[k + NPRE] = fire(k + NPRE)
                for cp in descs.pop(k):
                    cp.wait()
                s = k % NSLOT
                vc = vecc[k]
                vx = vecx[k]
                colc = jnp.full((L,), vc & 127, jnp.int32)
                colx = jnp.full((L,), vx & 127, jnp.int32)
                jcol = jnp.full((L,), gb + k, jnp.int32)
                prod = zero
                for db in range(D // L):
                    drow = db * L + lane
                    prod = prod + (
                        plsc.load_gather(blks_c[s], [drow, colc])
                        * plsc.load_gather(blks_x[s], [drow, colx]))
                plsc.store_scatter(prodT_v, [lane, jcol], prod)
                plsc.store_scatter(
                    bcT_v, [zeros16, jcol],
                    plsc.load_gather(bbls_c[s], [zeros16, colc]), mask=lane0)
                plsc.store_scatter(
                    bxT_v, [zeros16, jcol],
                    plsc.load_gather(bbls_x[s], [zeros16, colx]), mask=lane0)
            return 0

        lax.fori_loop(0, bpw // L, fetch_group, 0)
        s_wa2 = zero
        s_wa = zero
        s_w = zero
        s_b = zero
        s_b2 = zero
        for g in range(bpw // L):
            sl = pl.ds(g * L, L)
            col = g * L + lane

            sim = zero
            for r in range(L):
                rrow = jnp.full((L,), r, jnp.int32)
                sim = sim + plsc.load_gather(prodT_v, [rrow, col])
            a = sim - _vlog(co_v[sl])
            wg = w_v[sl]
            s_wa2 = s_wa2 + wg * a * a
            s_wa = s_wa + wg * a
            s_w = s_w + wg
            bg = (plsc.load_gather(bcT_v, [zeros16, col])
                  + plsc.load_gather(bxT_v, [zeros16, col]))
            s_b = s_b + bg
            s_b2 = s_b2 + bg * bg

        part_v[pl.ds(0 * L, L)] = s_wa2
        part_v[pl.ds(1 * L, L)] = s_wa
        part_v[pl.ds(2 * L, L)] = s_w
        part_v[pl.ds(3 * L, L)] = s_b
        part_v[pl.ds(4 * L, L)] = s_b2
        pltpu.sync_copy(part_v, out_hbm.at[pl.ds(wid * _NSTAT * L, _NSTAT * L)])

    return pl.kernel(
        body,
        out_type=jax.ShapeDtypeStruct((NW * _NSTAT * L,), jnp.float32),
        mesh=plsc.VectorSubcoreMesh(core_axis_name="c", subcore_axis_name="s",
                                    num_cores=NC),
        scratch_types=[
            pltpu.VMEM((bpw,), jnp.int32),
            pltpu.VMEM((bpw,), jnp.int32),
            pltpu.VMEM((D, 128), jnp.float32),
            pltpu.VMEM((D, 128), jnp.float32),
            pltpu.VMEM((D, 128), jnp.float32),
            pltpu.VMEM((D, 128), jnp.float32),
            pltpu.VMEM((D, 128), jnp.float32),
            pltpu.VMEM((D, 128), jnp.float32),
            pltpu.VMEM((D, 128), jnp.float32),
            pltpu.VMEM((D, 128), jnp.float32),
            pltpu.VMEM((L, bpw), jnp.float32),
            pltpu.VMEM((bpw,), jnp.float32),
            pltpu.VMEM((bpw,), jnp.float32),
            pltpu.VMEM((1, 128), jnp.float32),
            pltpu.VMEM((1, 128), jnp.float32),
            pltpu.VMEM((1, 128), jnp.float32),
            pltpu.VMEM((1, 128), jnp.float32),
            pltpu.VMEM((1, 128), jnp.float32),
            pltpu.VMEM((1, 128), jnp.float32),
            pltpu.VMEM((1, 128), jnp.float32),
            pltpu.VMEM((1, 128), jnp.float32),
            pltpu.VMEM((1, bpw), jnp.float32),
            pltpu.VMEM((1, bpw), jnp.float32),
            pltpu.VMEM((_NSTAT * L,), jnp.float32),
            pltpu.SemaphoreType.DMA,
            pltpu.SemaphoreType.DMA,
            pltpu.SemaphoreType.DMA,
            pltpu.SemaphoreType.DMA,
        ],
        compiler_params=pltpu.CompilerParams(needs_layout_passes=False),
        interpret=interpret,
    )


def kernel(center_word, context_word, co_mat_val, weight_mat_val,
           center_embedding, context_embedding, center_bias, context_bias):
    B = center_word.shape[0]
    V, D = center_embedding.shape
    cw = center_word.astype(jnp.int32)
    xw = context_word.astype(jnp.int32)
    co = co_mat_val.astype(jnp.float32)
    wv = weight_mat_val.astype(jnp.float32)

    partials = _make_sc_kernel(B, D)(
        cw, xw, co, wv,
        center_embedding.T, context_embedding.T,
        center_bias.astype(jnp.float32).T, context_bias.astype(jnp.float32).T)
    p = partials.reshape(NW, _NSTAT, L).sum(axis=(0, 2))
    s_wa2, s_wa, s_w, s_b, s_b2 = p[0], p[1], p[2], p[3], p[4]
    return 0.5 * (B * s_wa2 + 2.0 * s_b * s_wa + s_b2 * s_w)

# --- scband reference (transcript-rebuilt; emitter-appended) ---
"""Pipeline reference for scband-glove-20066087206928 (READ-ONLY COPY).

The authoritative reference and input builder live on the scoring server;
editing this copy changes nothing except your own understanding.
"""

import jax, jax.numpy as jnp
import numpy as np

VOCAB = 1000000
D_MODEL = 64
BATCH = 4096

def _xavier_uniform(key, shape):
    fan_in, fan_out = shape[0], shape[1]
    bound = np.sqrt(6.0 / (fan_in + fan_out))
    return jax.random.uniform(key, shape, dtype=jnp.float32, minval=-bound, maxval=bound)

def setup_inputs(seed: int = 0) -> dict:
    key = jax.random.key(seed)
    k1, k2, k3, k4, k5, k6 = jax.random.split(key, 6)
    center_word = jax.random.randint(k1, (BATCH,), 0, VOCAB, dtype=jnp.int64 if jax.config.jax_enable_x64 else jnp.int32)
    context_word = jax.random.randint(k2, (BATCH,), 0, VOCAB, dtype=jnp.int64 if jax.config.jax_enable_x64 else jnp.int32)
    # co-occurrence counts must be positive (log is taken); shift uniform away from 0
    co_mat_val = jax.random.uniform(k3, (BATCH,), dtype=jnp.float32) * 50.0 + 1.0
    weight_mat_val = jax.random.uniform(k4, (BATCH,), dtype=jnp.float32)
    center_embedding = _xavier_uniform(k5, (VOCAB, D_MODEL))
    context_embedding = _xavier_uniform(k6, (VOCAB, D_MODEL))
    center_bias = jnp.zeros((VOCAB, 1), dtype=jnp.float32)
    context_bias = jnp.zeros((VOCAB, 1), dtype=jnp.float32)
    return {
        "center_word": center_word,
        "context_word": context_word,
        "co_mat_val": co_mat_val,
        "weight_mat_val": weight_mat_val,
        "center_embedding": center_embedding,
        "context_embedding": context_embedding,
        "center_bias": center_bias,
        "context_bias": context_bias,
    }

def reference(center_word, context_word, co_mat_val, weight_mat_val,
              center_embedding, context_embedding, center_bias, context_bias):
    # Embedding lookups (gather)
    center_word_embedding = jnp.take(center_embedding, center_word, axis=0)    # [B, d]
    context_word_embedding = jnp.take(context_embedding, context_word, axis=0)  # [B, d]
    center_word_bias = jnp.take(center_bias, center_word, axis=0)              # [B, 1]
    context_word_bias = jnp.take(context_bias, context_word, axis=0)           # [B, 1]
    similarity = jnp.sum(center_word_embedding * context_word_embedding, axis=1)  # [B]
    # Faithful to the torch code: [B] + [B,1] broadcasts to [B,B]
    loss = similarity + center_word_bias + context_word_bias - jnp.log(co_mat_val)
    loss = 0.5 * weight_mat_val * loss * loss
    return jnp.mean(jnp.sum(loss))

if __name__ == "__main__":
    import jax
    _d = setup_inputs()
    print(jax.jit(kernel)(*tuple(_d.values())))

</pallas_src>

<mosaic_0001>
#map = affine_map<(d0, d1) -> (0)>
#map1 = affine_map<(d0, d1) -> (0, 0)>
module attributes {stable_mosaic.version = 14 : i64} {
  func.func @body(%arg0: i32, %arg1: i32, %arg2: memref<4096xi32, #tpu.memory_space<hbm>>, %arg3: memref<4096xi32, #tpu.memory_space<hbm>>, %arg4: memref<4096xf32, #tpu.memory_space<hbm>>, %arg5: memref<4096xf32, #tpu.memory_space<hbm>>, %arg6: memref<64x1000000xf32, #tpu.memory_space<hbm>>, %arg7: memref<64x1000000xf32, #tpu.memory_space<hbm>>, %arg8: memref<1x1000000xf32, #tpu.memory_space<hbm>>, %arg9: memref<1x1000000xf32, #tpu.memory_space<hbm>>, %arg10: memref<2560xf32, #tpu.memory_space<hbm>>, %arg11: memref<128xi32, #tpu.memory_space<vmem>>, %arg12: memref<128xi32, #tpu.memory_space<vmem>>, %arg13: memref<64x128xf32, #tpu.memory_space<vmem>>, %arg14: memref<64x128xf32, #tpu.memory_space<vmem>>, %arg15: memref<64x128xf32, #tpu.memory_space<vmem>>, %arg16: memref<64x128xf32, #tpu.memory_space<vmem>>, %arg17: memref<64x128xf32, #tpu.memory_space<vmem>>, %arg18: memref<64x128xf32, #tpu.memory_space<vmem>>, %arg19: memref<64x128xf32, #tpu.memory_space<vmem>>, %arg20: memref<64x128xf32, #tpu.memory_space<vmem>>, %arg21: memref<16x128xf32, #tpu.memory_space<vmem>>, %arg22: memref<128xf32, #tpu.memory_space<vmem>>, %arg23: memref<128xf32, #tpu.memory_space<vmem>>, %arg24: memref<1x128xf32, #tpu.memory_space<vmem>>, %arg25: memref<1x128xf32, #tpu.memory_space<vmem>>, %arg26: memref<1x128xf32, #tpu.memory_space<vmem>>, %arg27: memref<1x128xf32, #tpu.memory_space<vmem>>, %arg28: memref<1x128xf32, #tpu.memory_space<vmem>>, %arg29: memref<1x128xf32, #tpu.memory_space<vmem>>, %arg30: memref<1x128xf32, #tpu.memory_space<vmem>>, %arg31: memref<1x128xf32, #tpu.memory_space<vmem>>, %arg32: memref<1x128xf32, #tpu.memory_space<vmem>>, %arg33: memref<1x128xf32, #tpu.memory_space<vmem>>, %arg34: memref<80xf32, #tpu.memory_space<vmem>>, %arg35: memref<!tpu.dma_semaphore, #tpu.memory_space<semaphore_mem>>, %arg36: memref<!tpu.dma_semaphore, #tpu.memory_space<semaphore_mem>>, %arg37: memref<!tpu.dma_semaphore, #tpu.memory_space<semaphore_mem>>, %arg38: memref<!tpu.dma_semaphore, #tpu.memory_space<semaphore_mem>>) attributes {dimension_semantics = [#tpu.dimension_semantics<core_parallel>, #tpu.dimension_semantics<subcore_parallel>], iteration_bounds = array<i64: 2, 16>, scalar_prefetch = 0 : i64, scratch_operands = 28 : i64, tpu.core_type = #tpu.core_type<sc_vector_subcore>, window_params = [{transform_indices = #map}, {transform_indices = #map}, {transform_indices = #map}, {transform_indices = #map}, {transform_indices = #map1}, {transform_indices = #map1}, {transform_indices = #map1}, {transform_indices = #map1}, {transform_indices = #map}]} {
    %mul3A = arith.constant 16 : i32
    %mul3A_0 = arith.muli %arg0, %mul3A : i32
    %add3A = arith.addi %mul3A_0, %arg1 : i32
    %mul3A_1 = arith.constant 128 : i32
    %mul3A_2 = arith.muli %add3A, %mul3A_1 : i32
    "tpu.region"() ({
      %run_scoped3A = tpu.sem_alloc : memref<!tpu.dma_semaphore, #tpu.memory_space<semaphore_mem>>
      %dma_start3A = tpu.memref_slice %arg2[%mul3A_2] : memref<4096xi32, #tpu.memory_space<hbm>> -> memref<128xi32, #tpu.memory_space<hbm>>
      %dma_start3A_1151 = tpu.memref_slice %arg2[%mul3A_2] : memref<4096xi32, #tpu.memory_space<hbm>> -> memref<128xi32, #tpu.memory_space<hbm>>
      tpu.enqueue_dma source(%dma_start3A_1151 : memref<128xi32, #tpu.memory_space<hbm>>) target(%arg11 : memref<128xi32, #tpu.memory_space<vmem>>) target_semaphore(%run_scoped3A : memref<!tpu.dma_semaphore, #tpu.memory_space<semaphore_mem>>)
      %dma_wait3A = tpu.memref_slice %arg2[%mul3A_2] : memref<4096xi32, #tpu.memory_space<hbm>> -> memref<128xi32, #tpu.memory_space<hbm>>
      %dma_wait3A_1152 = tpu.memref_slice %arg2[%mul3A_2] : memref<4096xi32, #tpu.memory_space<hbm>> -> memref<128xi32, #tpu.memory_space<hbm>>
      tpu.wait_dma2 semaphore(%run_scoped3A : memref<!tpu.dma_semaphore, #tpu.memory_space<semaphore_mem>>) src(%dma_wait3A_1152 : memref<128xi32, #tpu.memory_space<hbm>>) dst(%arg11 : memref<128xi32, #tpu.memory_space<vmem>>)
      tpu.yield
    }) : () -> ()
    "tpu.region"() ({
      %run_scoped3A = tpu.sem_alloc : memref<!tpu.dma_semaphore, #tpu.memory_space<semaphore_mem>>
      %dma_start3A = tpu.memref_slice %arg3[%mul3A_2] : memref<4096xi32, #tpu.memory_space<hbm>> -> memref<128xi32, #tpu.memory_space<hbm>>
      %dma_start3A_1151 = tpu.memref_slice %arg3[%mul3A_2] : memref<4096xi32, #tpu.memory_space<hbm>> -> memref<128xi32, #tpu.memory_space<hbm>>
      tpu.enqueue_dma source(%dma_start3A_1151 : memref<128xi32, #tpu.memory_space<hbm>>) target(%arg12 : memref<128xi32, #tpu.memory_space<vmem>>) target_semaphore(%run_scoped3A : memref<!tpu.dma_semaphore, #tpu.memory_space<semaphore_mem>>)
      %dma_wait3A = tpu.memref_slice %arg3[%mul3A_2] : memref<4096xi32, #tpu.memory_space<hbm>> -> memref<128xi32, #tpu.memory_space<hbm>>
      %dma_wait3A_1152 = tpu.memref_slice %arg3[%mul3A_2] : memref<4096xi32, #tpu.memory_space<hbm>> -> memref<128xi32, #tpu.memory_space<hbm>>
      tpu.wait_dma2 semaphore(%run_scoped3A : memref<!tpu.dma_semaphore, #tpu.memory_space<semaphore_mem>>) src(%dma_wait3A_1152 : memref<128xi32, #tpu.memory_space<hbm>>) dst(%arg12 : memref<128xi32, #tpu.memory_space<vmem>>)
      tpu.yield
    }) : () -> ()
    "tpu.region"() ({
      %run_scoped3A = tpu.sem_alloc : memref<!tpu.dma_semaphore, #tpu.memory_space<semaphore_mem>>
      %dma_start3A = tpu.memref_slice %arg4[%mul3A_2] : memref<4096xf32, #tpu.memory_space<hbm>> -> memref<128xf32, #tpu.memory_space<hbm>>
      %dma_start3A_1151 = tpu.memref_slice %arg4[%mul3A_2] : memref<4096xf32, #tpu.memory_space<hbm>> -> memref<128xf32, #tpu.memory_space<hbm>>
      tpu.enqueue_dma source(%dma_start3A_1151 : memref<128xf32, #tpu.memory_space<hbm>>) target(%arg22 : memref<128xf32, #tpu.memory_space<vmem>>) target_semaphore(%run_scoped3A : memref<!tpu.dma_semaphore, #tpu.memory_space<semaphore_mem>>)
      %dma_wait3A = tpu.memref_slice %arg4[%mul3A_2] : memref<4096xf32, #tpu.memory_space<hbm>> -> memref<128xf32, #tpu.memory_space<hbm>>
      %dma_wait3A_1152 = tpu.memref_slice %arg4[%mul3A_2] : memref<4096xf32, #tpu.memory_space<hbm>> -> memref<128xf32, #tpu.memory_space<hbm>>
      tpu.wait_dma2 semaphore(%run_scoped3A : memref<!tpu.dma_semaphore, #tpu.memory_space<semaphore_mem>>) src(%dma_wait3A_1152 : memref<128xf32, #tpu.memory_space<hbm>>) dst(%arg22 : memref<128xf32, #tpu.memory_space<vmem>>)
      tpu.yield
    }) : () -> ()
    "tpu.region"() ({
      %run_scoped3A = tpu.sem_alloc : memref<!tpu.dma_semaphore, #tpu.memory_space<semaphore_mem>>
      %dma_start3A = tpu.memref_slice %arg5[%mul3A_2] : memref<4096xf32, #tpu.memory_space<hbm>> -> memref<128xf32, #tpu.memory_space<hbm>>
      %dma_start3A_1151 = tpu.memref_slice %arg5[%mul3A_2] : memref<4096xf32, #tpu.memory_space<hbm>> -> memref<128xf32, #tpu.memory_space<hbm>>
      tpu.enqueue_dma source(%dma_start3A_1151 : memref<128xf32, #tpu.memory_space<hbm>>) target(%arg23 : memref<128xf32, #tpu.memory_space<vmem>>) target_semaphore(%run_scoped3A : memref<!tpu.dma_semaphore, #tpu.memory_space<semaphore_mem>>)
      %dma_wait3A = tpu.memref_slice %arg5[%mul3A_2] : memref<4096xf32, #tpu.memory_space<hbm>> -> memref<128xf32, #tpu.memory_space<hbm>>
      %dma_wait3A_1152 = tpu.memref_slice %arg5[%mul3A_2] : memref<4096xf32, #tpu.memory_space<hbm>> -> memref<128xf32, #tpu.memory_space<hbm>>
      tpu.wait_dma2 semaphore(%run_scoped3A : memref<!tpu.dma_semaphore, #tpu.memory_space<semaphore_mem>>) src(%dma_wait3A_1152 : memref<128xf32, #tpu.memory_space<hbm>>) dst(%arg23 : memref<128xf32, #tpu.memory_space<vmem>>)
      tpu.yield
    }) : () -> ()
    %broadcast_in_dim3A = arith.constant 0.000000e+00 : f32
    %broadcast_in_dim3A_3 = vector.broadcast %broadcast_in_dim3A : f32 to vector<16xf32>
    %iota3A = tpu.iota {dimensions = array<i32: 0>} : vector<16xi32>
    %broadcast_in_dim3A_4 = arith.constant 0 : i32
    %broadcast_in_dim3A_5 = vector.broadcast %broadcast_in_dim3A_4 : i32 to vector<16xi32>
    %eq3A = arith.constant 0 : i32
    %eq3A_6 = vector.broadcast %eq3A : i32 to vector<16xi32>
    %eq3A_7 = arith.cmpi eq, %iota3A, %eq3A_6 : vector<16xi32>
    %scan3A = arith.constant 0 : i32
    %scan3A_8 = arith.constant 0 : i32
    %scan3A_9 = arith.constant 8 : i32
    %scan3A_10 = arith.addi %scan3A_8, %scan3A_9 : i32
    %scan3A_11 = arith.constant 1 : i32
    %scan3A_12 = scf.for %scan3A_1151 = %scan3A_8 to %scan3A_10 step %scan3A_11 iter_args(%scan3A_1152 = %scan3A) -> (i32)  : i32 {
      %mul3A_1153 = arith.constant 16 : i32
      %mul3A_1154 = arith.muli %scan3A_1151, %mul3A_1153 : i32
      %get3A_1155 = arith.index_cast %mul3A_1154 : i32 to index
      %get3A_1156 = tpu.vector_load %arg11[%get3A_1155] {strides = array<i32>} : memref<128xi32, #tpu.memory_space<vmem>>, vector<16xi32>,
      %get3A_1157 = arith.index_cast %mul3A_1154 : i32 to index
      %get3A_1158 = tpu.vector_load %arg12[%get3A_1157] {strides = array<i32>} : memref<128xi32, #tpu.memory_space<vmem>>, vector<16xi32>,
      %slice3A = vector.extract_strided_slice %get3A_1156 {offsets = [0], sizes = [1], strides = [1]} : vector<16xi32> to vector<1xi32>
      %squeeze3A = vector.extract %slice3A[0] : i32 from vector<1xi32>
      %slice3A_1159 = vector.extract_strided_slice %get3A_1158 {offsets = [0], sizes = [1], strides = [1]} : vector<16xi32> to vector<1xi32>
      %squeeze3A_1160 = vector.extract %slice3A_1159[0] : i32 from vector<1xi32>
      %and3A_1161 = arith.constant -128 : i32
      %and3A_1162 = arith.andi %squeeze3A, %and3A_1161 : i32
      %multiple_of3A = tpu.assume_multiple %and3A_1162, 128 : i32
      %and3A_1163 = arith.constant -128 : i32
      %and3A_1164 = arith.andi %squeeze3A_1160, %and3A_1163 : i32
      %multiple_of3A_1165 = tpu.assume_multiple %and3A_1164, 128 : i32
      %dma_start3A = arith.constant 0 : i32
      %dma_start3A_1166 = tpu.memref_slice %arg6[%dma_start3A, %multiple_of3A] : memref<64x1000000xf32, #tpu.memory_space<hbm>> -> memref<64x128xf32, #tpu.memory_space<hbm>>
      %dma_start3A_1167 = arith.constant 0 : i32
      %dma_start3A_1168 = tpu.memref_slice %arg6[%dma_start3A_1167, %multiple_of3A] : memref<64x1000000xf32, #tpu.memory_space<hbm>> -> memref<64x128xf32, #tpu.memory_space<hbm>>
      tpu.enqueue_dma source(%dma_start3A_1168 : memref<64x128xf32, #tpu.memory_space<hbm>>) target(%arg13 : memref<64x128xf32, #tpu.memory_space<vmem>>) target_semaphore(%arg35 : memref<!tpu.dma_semaphore, #tpu.memory_space<semaphore_mem>>)
      %dma_start3A_1169 = arith.constant 0 : i32
      %dma_start3A_1170 = tpu.memref_slice %arg7[%dma_start3A_1169, %multiple_of3A_1165] : memref<64x1000000xf32, #tpu.memory_space<hbm>> -> memref<64x128xf32, #tpu.memory_space<hbm>>
      %dma_start3A_1171 = arith.constant 0 : i32
      %dma_start3A_1172 = tpu.memref_slice %arg7[%dma_start3A_1171, %multiple_of3A_1165] : memref<64x1000000xf32, #tpu.memory_space<hbm>> -> memref<64x128xf32, #tpu.memory_space<hbm>>
      tpu.enqueue_dma source(%dma_start3A_1172 : memref<64x128xf32, #tpu.memory_space<hbm>>) target(%arg17 : memref<64x128xf32, #tpu.memory_space<vmem>>) target_semaphore(%arg35 : memref<!tpu.dma_semaphore, #tpu.memory_space<semaphore_mem>>)
      %dma_start3A_1173 = arith.constant 0 : i32
      %dma_start3A_1174 = tpu.memref_slice %arg8[%dma_start3A_1173, %multiple_of3A] : memref<1x1000000xf32, #tpu.memory_space<hbm>> -> memref<1x128xf32, #tpu.memory_space<hbm>>
      %dma_start3A_1175 = arith.constant 0 : i32
      %dma_start3A_1176 = tpu.memref_slice %arg8[%dma_start3A_1175, %multiple_of3A] : memref<1x1000000xf32, #tpu.memory_space<hbm>> -> memref<1x128xf32, #tpu.memory_space<hbm>>
      tpu.enqueue_dma source(%dma_start3A_1176 : memref<1x128xf32, #tpu.memory_space<hbm>>) target(%arg24 : memref<1x128xf32, #tpu.memory_space<vmem>>) target_semaphore(%arg35 : memref<!tpu.dma_semaphore, #tpu.memory_space<semaphore_mem>>)
      %dma_start3A_1177 = arith.constant 0 : i32
      %dma_start3A_1178 = tpu.memref_slice %arg9[%dma_start3A_1177, %multiple_of3A_1165] : memref<1x1000000xf32, #tpu.memory_space<hbm>> -> memref<1x128xf32, #tpu.memory_space<hbm>>
      %dma_start3A_1179 = arith.constant 0 : i32
      %dma_start3A_1180 = tpu.memref_slice %arg9[%dma_start3A_1179, %multiple_of3A_1165] : memref<1x1000000xf32, #tpu.memory_space<hbm>> -> memref<1x128xf32, #tpu.memory_space<hbm>>
      tpu.enqueue_dma source(%dma_start3A_1180 : memref<1x128xf32, #tpu.memory_space<hbm>>) target(%arg28 : memref<1x128xf32, #tpu.memory_space<vmem>>) target_semaphore(%arg35 : memref<!tpu.dma_semaphore, #tpu.memory_space<semaphore_mem>>)
      %slice3A_1181 = vector.extract_strided_slice %get3A_1156 {offsets = [1], sizes = [1], strides = [1]} : vector<16xi32> to vector<1xi32>
      %squeeze3A_1182 = vector.extract %slice3A_1181[0] : i32 from vector<1xi32>
      %slice3A_1183 = vector.extract_strided_slice %get3A_1158 {offsets = [1], sizes = [1], strides = [1]} : vector<16xi32> to vector<1xi32>
      %squeeze3A_1184 = vector.extract %slice3A_1183[0] : i32 from vector<1xi32>
      %and3A_1185 = arith.constant -128 : i32
      %and3A_1186 = arith.andi %squeeze3A_1182, %and3A_1185 : i32
      %multiple_of3A_1187 = tpu.assume_multiple %and3A_1186, 128 : i32
      %and3A_1188 = arith.constant -128 : i32
      %and3A_1189 = arith.andi %squeeze3A_1184, %and3A_1188 : i32
      %multiple_of3A_1190 = tpu.assume_multiple %and3A_1189, 128 : i32
      %dma_start3A_1191 = arith.constant 0 : i32
      %dma_start3A_1192 = tpu.memref_slice %arg6[%dma_start3A_1191, %multiple_of3A_1187] : memref<64x1000000xf32, #tpu.memory_space<hbm>> -> memref<64x128xf32, #tpu.memory_space<hbm>>
      %dma_start3A_1193 = arith.constant 0 : i32
      %dma_start3A_1194 = tpu.memref_slice %arg6[%dma_start3A_1193, %multiple_of3A_1187] : memref<64x1000000xf32, #tpu.memory_space<hbm>> -> memref<64x128xf32, #tpu.memory_space<hbm>>
      tpu.enqueue_dma source(%dma_start3A_1194 : memref<64x128xf32, #tpu.memory_space<hbm>>) target(%arg14 : memref<64x128xf32, #tpu.memory_space<vmem>>) target_semaphore(%arg36 : memref<!tpu.dma_semaphore, #tpu.memory_space<semaphore_mem>>)
      %dma_start3A_1195 = arith.constant 0 : i32
      %dma_start3A_1196 = tpu.memref_slice %arg7[%dma_start3A_1195, %multiple_of3A_1190] : memref<64x1000000xf32, #tpu.memory_space<hbm>> -> memref<64x128xf32, #tpu.memory_space<hbm>>
      %dma_start3A_1197 = arith.constant 0 : i32
      %dma_start3A_1198 = tpu.memref_slice %arg7[%dma_start3A_1197, %multiple_of3A_1190] : memref<64x1000000xf32, #tpu.memory_space<hbm>> -> memref<64x128xf32, #tpu.memory_space<hbm>>
      tpu.enqueue_dma source(%dma_start3A_1198 : memref<64x128xf32, #tpu.memory_space<hbm>>) target(%arg18 : memref<64x128xf32, #tpu.memory_space<vmem>>) target_semaphore(%arg36 : memref<!tpu.dma_semaphore, #tpu.memory_space<semaphore_mem>>)
      %dma_start3A_1199 = arith.constant 0 : i32
      %dma_start3A_1200 = tpu.memref_slice %arg8[%dma_start3A_1199, %multiple_of3A_1187] : memref<1x1000000xf32, #tpu.memory_space<hbm>> -> memref<1x128xf32, #tpu.memory_space<hbm>>
      %dma_start3A_1201 = arith.constant 0 : i32
      %dma_start3A_1202 = tpu.memref_slice %arg8[%dma_start3A_1201, %multiple_of3A_1187] : memref<1x1000000xf32, #tpu.memory_space<hbm>> -> memref<1x128xf32, #tpu.memory_space<hbm>>
      tpu.enqueue_dma source(%dma_start3A_1202 : memref<1x128xf32, #tpu.memory_space<hbm>>) target(%arg25 : memref<1x128xf32, #tpu.memory_space<vmem>>) target_semaphore(%arg36 : memref<!tpu.dma_semaphore, #tpu.memory_space<semaphore_mem>>)
      %dma_start3A_1203 = arith.constant 0 : i32
      %dma_start3A_1204 = tpu.memref_slice %arg9[%dma_start3A_1203, %multiple_of3A_1190] : memref<1x1000000xf32, #tpu.memory_space<hbm>> -> memref<1x128xf32, #tpu.memory_space<hbm>>
      %dma_start3A_1205 = arith.constant 0 : i32
      %dma_start3A_1206 = tpu.memref_slice %arg9[%dma_start3A_1205, %multiple_of3A_1190] : memref<1x1000000xf32, #tpu.memory_space<hbm>> -> memref<1x128xf32, #tpu.memory_space<hbm>>
      tpu.enqueue_dma source(%dma_start3A_1206 : memref<1x128xf32, #tpu.memory_space<hbm>>) target(%arg29 : memref<1x128xf32, #tpu.memory_space<vmem>>) target_semaphore(%arg36 : memref<!tpu.dma_semaphore, #tpu.memory_space<semaphore_mem>>)
      %slice3A_1207 = vector.extract_strided_slice %get3A_1156 {offsets = [2], sizes = [1], strides = [1]} : vector<16xi32> to vector<1xi32>
      %squeeze3A_1208 = vector.extract %slice3A_1207[0] : i32 from vector<1xi32>
      %slice3A_1209 = vector.extract_strided_slice %get3A_1158 {offsets = [2], sizes = [1], strides = [1]} : vector<16xi32> to vector<1xi32>
      %squeeze3A_1210 = vector.extract %slice3A_1209[0] : i32 from vector<1xi32>
      %and3A_1211 = arith.constant -128 : i32
      %and3A_1212 = arith.andi %squeeze3A_1208, %and3A_1211 : i32
      %multiple_of3A_1213 = tpu.assume_multiple %and3A_1212, 128 : i32
      %and3A_1214 = arith.constant -128 : i32
      %and3A_1215 = arith.andi %squeeze3A_1210, %and3A_1214 : i32
      %multiple_of3A_1216 = tpu.assume_multiple %and3A_1215, 128 : i32
      %dma_start3A_1217 = arith.constant 0 : i32
      %dma_start3A_1218 = tpu.memref_slice %arg6[%dma_start3A_1217, %multiple_of3A_1213] : memref<64x1000000xf32, #tpu.memory_space<hbm>> -> memref<64x128xf32, #tpu.memory_space<hbm>>
      %dma_start3A_1219 = arith.constant 0 : i32
      %dma_start3A_1220 = tpu.memref_slice %arg6[%dma_start3A_1219, %multiple_of3A_1213] : memref<64x1000000xf32, #tpu.memory_space<hbm>> -> memref<64x128xf32, #tpu.memory_space<hbm>>
      tpu.enqueue_dma source(%dma_start3A_1220 : memref<64x128xf32, #tpu.memory_space<hbm>>) target(%arg15 : memref<64x128xf32, #tpu.memory_space<vmem>>) target_semaphore(%arg37 : memref<!tpu.dma_semaphore, #tpu.memory_space<semaphore_mem>>)
      %dma_start3A_1221 = arith.constant 0 : i32
      %dma_start3A_1222 = tpu.memref_slice %arg7[%dma_start3A_1221, %multiple_of3A_1216] : memref<64x1000000xf32, #tpu.memory_space<hbm>> -> memref<64x128xf32, #tpu.memory_space<hbm>>
      %dma_start3A_1223 = arith.constant 0 : i32
      %dma_start3A_1224 = tpu.memref_slice %arg7[%dma_start3A_1223, %multiple_of3A_1216] : memref<64x1000000xf32, #tpu.memory_space<hbm>> -> memref<64x128xf32, #tpu.memory_space<hbm>>
      tpu.enqueue_dma source(%dma_start3A_1224 : memref<64x128xf32, #tpu.memory_space<hbm>>) target(%arg19 : memref<64x128xf32, #tpu.memory_space<vmem>>) target_semaphore(%arg37 : memref<!tpu.dma_semaphore, #tpu.memory_space<semaphore_mem>>)
      %dma_start3A_1225 = arith.constant 0 : i32
      %dma_start3A_1226 = tpu.memref_slice %arg8[%dma_start3A_1225, %multiple_of3A_1213] : memref<1x1000000xf32, #tpu.memory_space<hbm>> -> memref<1x128xf32, #tpu.memory_space<hbm>>
      %dma_start3A_1227 = arith.constant 0 : i32
      %dma_start3A_1228 = tpu.memref_slice %arg8[%dma_start3A_1227, %multiple_of3A_1213] : memref<1x1000000xf32, #tpu.memory_space<hbm>> -> memref<1x128xf32, #tpu.memory_space<hbm>>
      tpu.enqueue_dma source(%dma_start3A_1228 : memref<1x128xf32, #tpu.memory_space<hbm>>) target(%arg26 : memref<1x128xf32, #tpu.memory_space<vmem>>) target_semaphore(%arg37 : memref<!tpu.dma_semaphore, #tpu.memory_space<semaphore_mem>>)
      %dma_start3A_1229 = arith.constant 0 : i32
      %dma_start3A_1230 = tpu.memref_slice %arg9[%dma_start3A_1229, %multiple_of3A_1216] : memref<1x1000000xf32, #tpu.memory_space<hbm>> -> memref<1x128xf32, #tpu.memory_space<hbm>>
      %dma_start3A_1231 = arith.constant 0 : i32
      %dma_start3A_1232 = tpu.memref_slice %arg9[%dma_start3A_1231, %multiple_of3A_1216] : memref<1x1000000xf32, #tpu.memory_space<hbm>> -> memref<1x128xf32, #tpu.memory_space<hbm>>
      tpu.enqueue_dma source(%dma_start3A_1232 : memref<1x128xf32, #tpu.memory_space<hbm>>) target(%arg30 : memref<1x128xf32, #tpu.memory_space<vmem>>) target_semaphore(%arg37 : memref<!tpu.dma_semaphore, #tpu.memory_space<semaphore_mem>>)
      %slice3A_1233 = vector.extract_strided_slice %get3A_1156 {offsets = [3], sizes = [1], strides = [1]} : vector<16xi32> to vector<1xi32>
      %squeeze3A_1234 = vector.extract %slice3A_1233[0] : i32 from vector<1xi32>
      %slice3A_1235 = vector.extract_strided_slice %get3A_1158 {offsets = [3], sizes = [1], strides = [1]} : vector<16xi32> to vector<1xi32>
      %squeeze3A_1236 = vector.extract %slice3A_1235[0] : i32 from vector<1xi32>
      %and3A_1237 = arith.constant -128 : i32
      %and3A_1238 = arith.andi %squeeze3A_1234, %and3A_1237 : i32
      %multiple_of3A_1239 = tpu.assume_multiple %and3A_1238, 128 : i32
      %and3A_1240 = arith.constant -128 : i32
      %and3A_1241 = arith.andi %squeeze3A_1236, %and3A_1240 : i32
      %multiple_of3A_1242 = tpu.assume_multiple %and3A_1241, 128 : i32
      %dma_start3A_1243 = arith.constant 0 : i32
      %dma_start3A_1244 = tpu.memref_slice %arg6[%dma_start3A_1243, %multiple_of3A_1239] : memref<64x1000000xf32, #tpu.memory_space<hbm>> -> memref<64x128xf32, #tpu.memory_space<hbm>>
      %dma_start3A_1245 = arith.constant 0 : i32
      %dma_start3A_1246 = tpu.memref_slice %arg6[%dma_start3A_1245, %multiple_of3A_1239] : memref<64x1000000xf32, #tpu.memory_space<hbm>> -> memref<64x128xf32, #tpu.memory_space<hbm>>
      tpu.enqueue_dma source(%dma_start3A_1246 : memref<64x128xf32, #tpu.memory_space<hbm>>) target(%arg16 : memref<64x128xf32, #tpu.memory_space<vmem>>) target_semaphore(%arg38 : memref<!tpu.dma_semaphore, #tpu.memory_space<semaphore_mem>>)
      %dma_start3A_1247 = arith.constant 0 : i32
      %dma_start3A_1248 = tpu.memref_slice %arg7[%dma_start3A_1247, %multiple_of3A_1242] : memref<64x1000000xf32, #tpu.memory_space<hbm>> -> memref<64x128xf32, #tpu.memory_space<hbm>>
      %dma_start3A_1249 = arith.constant 0 : i32
      %dma_start3A_1250 = tpu.memref_slice %arg7[%dma_start3A_1249, %multiple_of3A_1242] : memref<64x1000000xf32, #tpu.memory_space<hbm>> -> memref<64x128xf32, #tpu.memory_space<hbm>>
      tpu.enqueue_dma source(%dma_start3A_1250 : memref<64x128xf32, #tpu.memory_space<hbm>>) target(%arg20 : memref<64x128xf32, #tpu.memory_space<vmem>>) target_semaphore(%arg38 : memref<!tpu.dma_semaphore, #tpu.memory_space<semaphore_mem>>)
      %dma_start3A_1251 = arith.constant 0 : i32
      %dma_start3A_1252 = tpu.memref_slice %arg8[%dma_start3A_1251, %multiple_of3A_1239] : memref<1x1000000xf32, #tpu.memory_space<hbm>> -> memref<1x128xf32, #tpu.memory_space<hbm>>
      %dma_start3A_1253 = arith.constant 0 : i32
      %dma_start3A_1254 = tpu.memref_slice %arg8[%dma_start3A_1253, %multiple_of3A_1239] : memref<1x1000000xf32, #tpu.memory_space<hbm>> -> memref<1x128xf32, #tpu.memory_space<hbm>>
      tpu.enqueue_dma source(%dma_start3A_1254 : memref<1x128xf32, #tpu.memory_space<hbm>>) target(%arg27 : memref<1x128xf32, #tpu.memory_space<vmem>>) target_semaphore(%arg38 : memref<!tpu.dma_semaphore, #tpu.memory_space<semaphore_mem>>)
      %dma_start3A_1255 = arith.constant 0 : i32
      %dma_start3A_1256 = tpu.memref_slice %arg9[%dma_start3A_1255, %multiple_of3A_1242] : memref<1x1000000xf32, #tpu.memory_space<hbm>> -> memref<1x128xf32, #tpu.memory_space<hbm>>
      %dma_start3A_1257 = arith.constant 0 : i32
      %dma_start3A_1258 = tpu.memref_slice %arg9[%dma_start3A_1257, %multiple_of3A_1242] : memref<1x1000000xf32, #tpu.memory_space<hbm>> -> memref<1x128xf32, #tpu.memory_space<hbm>>
      tpu.enqueue_dma source(%dma_start3A_1258 : memref<1x128xf32, #tpu.memory_space<hbm>>) target(%arg31 : memref<1x128xf32, #tpu.memory_space<vmem>>) target_semaphore(%arg38 : memref<!tpu.dma_semaphore, #tpu.memory_space<semaphore_mem>>)
      %dma_wait3A = arith.constant 0 : i32
      %dma_wait3A_1259 = tpu.memref_slice %arg6[%dma_wait3A, %multiple_of3A] : memref<64x1000000xf32, #tpu.memory_space<hbm>> -> memref<64x128xf32, #tpu.memory_space<hbm>>
      %dma_wait3A_1260 = arith.constant 0 : i32
      %dma_wait3A_1261 = tpu.memref_slice %arg6[%dma_wait3A_1260, %multiple_of3A] : memref<64x1000000xf32, #tpu.memory_space<hbm>> -> memref<64x128xf32, #tpu.memory_space<hbm>>
      tpu.wait_dma2 semaphore(%arg35 : memref<!tpu.dma_semaphore, #tpu.memory_space<semaphore_mem>>) src(%dma_wait3A_1261 : memref<64x128xf32, #tpu.memory_space<hbm>>) dst(%arg13 : memref<64x128xf32, #tpu.memory_space<vmem>>)
      %dma_wait3A_1262 = arith.constant 0 : i32
      %dma_wait3A_1263 = tpu.memref_slice %arg7[%dma_wait3A_1262, %multiple_of3A_1165] : memref<64x1000000xf32, #tpu.memory_space<hbm>> -> memref<64x128xf32, #tpu.memory_space<hbm>>
      %dma_wait3A_1264 = arith.constant 0 : i32
      %dma_wait3A_1265 = tpu.memref_slice %arg7[%dma_wait3A_1264, %multiple_of3A_1165] : memref<64x1000000xf32, #tpu.memory_space<hbm>> -> memref<64x128xf32, #tpu.memory_space<hbm>>
      tpu.wait_dma2 semaphore(%arg35 : memref<!tpu.dma_semaphore, #tpu.memory_space<semaphore_mem>>) src(%dma_wait3A_1265 : memref<64x128xf32, #tpu.memory_space<hbm>>) dst(%arg17 : memref<64x128xf32, #tpu.memory_space<vmem>>)
      %dma_wait3A_1266 = arith.constant 0 : i32
      %dma_wait3A_1267 = tpu.memref_slice %arg8[%dma_wait3A_1266, %multiple_of3A] : memref<1x1000000xf32, #tpu.memory_space<hbm>> -> memref<1x128xf32, #tpu.memory_space<hbm>>
      %dma_wait3A_1268 = arith.constant 0 : i32
      %dma_wait3A_1269 = tpu.memref_slice %arg8[%dma_wait3A_1268, %multiple_of3A] : memref<1x1000000xf32, #tpu.memory_space<hbm>> -> memref<1x128xf32, #tpu.memory_space<hbm>>
      tpu.wait_dma2 semaphore(%arg35 : memref<!tpu.dma_semaphore, #tpu.memory_space<semaphore_mem>>) src(%dma_wait3A_1269 : memref<1x128xf32, #tpu.memory_space<hbm>>) dst(%arg24 : memref<1x128xf32, #tpu.memory_space<vmem>>)
      %dma_wait3A_1270 = arith.constant 0 : i32
      %dma_wait3A_1271 = tpu.memref_slice %arg9[%dma_wait3A_1270, %multiple_of3A_1165] : memref<1x1000000xf32, #tpu.memory_space<hbm>> -> memref<1x128xf32, #tpu.memory_space<hbm>>
      %dma_wait3A_1272 = arith.constant 0 : i32
      %dma_wait3A_1273 = tpu.memref_slice %arg9[%dma_wait3A_1272, %multiple_of3A_1165] : memref<1x1000000xf32, #tpu.memory_space<hbm>> -> memref<1x128xf32, #tpu.memory_space<hbm>>
      tpu.wait_dma2 semaphore(%arg35 : memref<!tpu.dma_semaphore, #tpu.memory_space<semaphore_mem>>) src(%dma_wait3A_1273 : memref<1x128xf32, #tpu.memory_space<hbm>>) dst(%arg28 : memref<1x128xf32, #tpu.memory_space<vmem>>)
      %slice3A_1274 = vector.extract_strided_slice %get3A_1156 {offsets = [0], sizes = [1], strides = [1]} : vector<16xi32> to vector<1xi32>
      %squeeze3A_1275 = vector.extract %slice3A_1274[0] : i32 from vector<1xi32>
      %slice3A_1276 = vector.extract_strided_slice %get3A_1158 {offsets = [0], sizes = [1], strides = [1]} : vector<16xi32> to vector<1xi32>
      %squeeze3A_1277 = vector.extract %slice3A_1276[0] : i32 from vector<1xi32>
      %and3A_1278 = arith.constant 127 : i32
      %and3A_1279 = arith.andi %squeeze3A_1275, %and3A_1278 : i32
      %broadcast_in_dim3A_1280 = vector.broadcast %and3A_1279 : i32 to vector<16xi32>
      %and3A_1281 = arith.constant 127 : i32
      %and3A_1282 = arith.andi %squeeze3A_1277, %and3A_1281 : i32
      %broadcast_in_dim3A_1283 = vector.broadcast %and3A_1282 : i32 to vector<16xi32>
      %add3A_1284 = arith.constant 0 : i32
      %add3A_1285 = arith.addi %mul3A_1154, %add3A_1284 : i32
      %broadcast_in_dim3A_1286 = vector.broadcast %add3A_1285 : i32 to vector<16xi32>
      %add3A_1287 = arith.constant 0 : i32
      %add3A_1288 = vector.broadcast %add3A_1287 : i32 to vector<16xi32>
      %add3A_1289 = arith.addi %add3A_1288, %iota3A : vector<16xi32>
      %gather3A_1290 = tpu.vector_load_idx %arg13[%add3A_1289, %broadcast_in_dim3A_1280] : memref<64x128xf32, #tpu.memory_space<vmem>>[vector<16xi32>, vector<16xi32>], vector<16xf32>,
      %gather3A_1291 = tpu.vector_load_idx %arg17[%add3A_1289, %broadcast_in_dim3A_1283] : memref<64x128xf32, #tpu.memory_space<vmem>>[vector<16xi32>, vector<16xi32>], vector<16xf32>,
      %mul3A_1292 = arith.mulf %gather3A_1290, %gather3A_1291 : vector<16xf32>
      %add3A_1293 = arith.addf %broadcast_in_dim3A_3, %mul3A_1292 : vector<16xf32>
      %add3A_1294 = arith.constant 16 : i32
      %add3A_1295 = vector.broadcast %add3A_1294 : i32 to vector<16xi32>
      %add3A_1296 = arith.addi %add3A_1295, %iota3A : vector<16xi32>
      %gather3A_1297 = tpu.vector_load_idx %arg13[%add3A_1296, %broadcast_in_dim3A_1280] : memref<64x128xf32, #tpu.memory_space<vmem>>[vector<16xi32>, vector<16xi32>], vector<16xf32>,
      %gather3A_1298 = tpu.vector_load_idx %arg17[%add3A_1296, %broadcast_in_dim3A_1283] : memref<64x128xf32, #tpu.memory_space<vmem>>[vector<16xi32>, vector<16xi32>], vector<16xf32>,
      %mul3A_1299 = arith.mulf %gather3A_1297, %gather3A_1298 : vector<16xf32>
      %add3A_1300 = arith.addf %add3A_1293, %mul3A_1299 : vector<16xf32>
      %add3A_1301 = arith.constant 32 : i32
      %add3A_1302 = vector.broadcast %add3A_1301 : i32 to vector<16xi32>
      %add3A_1303 = arith.addi %add3A_1302, %iota3A : vector<16xi32>
      %gather3A_1304 = tpu.vector_load_idx %arg13[%add3A_1303, %broadcast_in_dim3A_1280] : memref<64x128xf32, #tpu.memory_space<vmem>>[vector<16xi32>, vector<16xi32>], vector<16xf32>,
      %gather3A_1305 = tpu.vector_load_idx %arg17[%add3A_1303, %broadcast_in_dim3A_1283] : memref<64x128xf32, #tpu.memory_space<vmem>>[vector<16xi32>, vector<16xi32>], vector<16xf32>,
      %mul3A_1306 = arith.mulf %gather3A_1304, %gather3A_1305 : vector<16xf32>
      %add3A_1307 = arith.addf %add3A_1300, %mul3A_1306 : vector<16xf32>
      %add3A_1308 = arith.constant 48 : i32
      %add3A_1309 = vector.broadcast %add3A_1308 : i32 to vector<16xi32>
      %add3A_1310 = arith.addi %add3A_1309, %iota3A : vector<16xi32>
      %gather3A_1311 = tpu.vector_load_idx %arg13[%add3A_1310, %broadcast_in_dim3A_1280] : memref<64x128xf32, #tpu.memory_space<vmem>>[vector<16xi32>, vector<16xi32>], vector<16xf32>,
      %gather3A_1312 = tpu.vector_load_idx %arg17[%add3A_1310, %broadcast_in_dim3A_1283] : memref<64x128xf32, #tpu.memory_space<vmem>>[vector<16xi32>, vector<16xi32>], vector<16xf32>,
      %mul3A_1313 = arith.mulf %gather3A_1311, %gather3A_1312 : vector<16xf32>
      %add3A_1314 = arith.addf %add3A_1307, %mul3A_1313 : vector<16xf32>
      tpu.vector_store_idx %arg21[%iota3A, %broadcast_in_dim3A_1286], %add3A_1314 : memref<16x128xf32, #tpu.memory_space<vmem>>[vector<16xi32>, vector<16xi32>], vector<16xf32>,
      %gather3A_1315 = tpu.vector_load_idx %arg24[%broadcast_in_dim3A_5, %broadcast_in_dim3A_1280] : memref<1x128xf32, #tpu.memory_space<vmem>>[vector<16xi32>, vector<16xi32>], vector<16xf32>,
      tpu.vector_store_idx %arg32[%broadcast_in_dim3A_5, %broadcast_in_dim3A_1286], %gather3A_1315 masked %eq3A_7 : memref<1x128xf32, #tpu.memory_space<vmem>>[vector<16xi32>, vector<16xi32>], vector<16xf32>, vector<16xi1>
      %gather3A_1316 = tpu.vector_load_idx %arg28[%broadcast_in_dim3A_5, %broadcast_in_dim3A_1283] : memref<1x128xf32, #tpu.memory_space<vmem>>[vector<16xi32>, vector<16xi32>], vector<16xf32>,
      tpu.vector_store_idx %arg33[%broadcast_in_dim3A_5, %broadcast_in_dim3A_1286], %gather3A_1316 masked %eq3A_7 : memref<1x128xf32, #tpu.memory_space<vmem>>[vector<16xi32>, vector<16xi32>], vector<16xf32>, vector<16xi1>
      %slice3A_1317 = vector.extract_strided_slice %get3A_1156 {offsets = [4], sizes = [1], strides = [1]} : vector<16xi32> to vector<1xi32>
      %squeeze3A_1318 = vector.extract %slice3A_1317[0] : i32 from vector<1xi32>
      %slice3A_1319 = vector.extract_strided_slice %get3A_1158 {offsets = [4], sizes = [1], strides = [1]} : vector<16xi32> to vector<1xi32>
      %squeeze3A_1320 = vector.extract %slice3A_1319[0] : i32 from vector<1xi32>
      %and3A_1321 = arith.constant -128 : i32
      %and3A_1322 = arith.andi %squeeze3A_1318, %and3A_1321 : i32
      %multiple_of3A_1323 = tpu.assume_multiple %and3A_1322, 128 : i32
      %and3A_1324 = arith.constant -128 : i32
      %and3A_1325 = arith.andi %squeeze3A_1320, %and3A_1324 : i32
      %multiple_of3A_1326 = tpu.assume_multiple %and3A_1325, 128 : i32
      %dma_start3A_1327 = arith.constant 0 : i32
      %dma_start3A_1328 = tpu.memref_slice %arg6[%dma_start3A_1327, %multiple_of3A_1323] : memref<64x1000000xf32, #tpu.memory_space<hbm>> -> memref<64x128xf32, #tpu.memory_space<hbm>>
      %dma_start3A_1329 = arith.constant 0 : i32
      %dma_start3A_1330 = tpu.memref_slice %arg6[%dma_start3A_1329, %multiple_of3A_1323] : memref<64x1000000xf32, #tpu.memory_space<hbm>> -> memref<64x128xf32, #tpu.memory_space<hbm>>
      tpu.enqueue_dma source(%dma_start3A_1330 : memref<64x128xf32, #tpu.memory_space<hbm>>) target(%arg13 : memref<64x128xf32, #tpu.memory_space<vmem>>) target_semaphore(%arg35 : memref<!tpu.dma_semaphore, #tpu.memory_space<semaphore_mem>>)
      %dma_start3A_1331 = arith.constant 0 : i32
      %dma_start3A_1332 = tpu.memref_slice %arg7[%dma_start3A_1331, %multiple_of3A_1326] : memref<64x1000000xf32, #tpu.memory_space<hbm>> -> memref<64x128xf32, #tpu.memory_space<hbm>>
      %dma_start3A_1333 = arith.constant 0 : i32
      %dma_start3A_1334 = tpu.memref_slice %arg7[%dma_start3A_1333, %multiple_of3A_1326] : memref<64x1000000xf32, #tpu.memory_space<hbm>> -> memref<64x128xf32, #tpu.memory_space<hbm>>
      tpu.enqueue_dma source(%dma_start3A_1334 : memref<64x128xf32, #tpu.memory_space<hbm>>) target(%arg17 : memref<64x128xf32, #tpu.memory_space<vmem>>) target_semaphore(%arg35 : memref<!tpu.dma_semaphore, #tpu.memory_space<semaphore_mem>>)
      %dma_start3A_1335 = arith.constant 0 : i32
      %dma_start3A_1336 = tpu.memref_slice %arg8[%dma_start3A_1335, %multiple_of3A_1323] : memref<1x1000000xf32, #tpu.memory_space<hbm>> -> memref<1x128xf32, #tpu.memory_space<hbm>>
      %dma_start3A_1337 = arith.constant 0 : i32
      %dma_start3A_1338 = tpu.memref_slice %arg8[%dma_start3A_1337, %multiple_of3A_1323] : memref<1x1000000xf32, #tpu.memory_space<hbm>> -> memref<1x128xf32, #tpu.memory_space<hbm>>
      tpu.enqueue_dma source(%dma_start3A_1338 : memref<1x128xf32, #tpu.memory_space<hbm>>) target(%arg24 : memref<1x128xf32, #tpu.memory_space<vmem>>) target_semaphore(%arg35 : memref<!tpu.dma_semaphore, #tpu.memory_space<semaphore_mem>>)
      %dma_start3A_1339 = arith.constant 0 : i32
      %dma_start3A_1340 = tpu.memref_slice %arg9[%dma_start3A_1339, %multiple_of3A_1326] : memref<1x1000000xf32, #tpu.memory_space<hbm>> -> memref<1x128xf32, #tpu.memory_space<hbm>>
      %dma_start3A_1341 = arith.constant 0 : i32
      %dma_start3A_1342 = tpu.memref_slice %arg9[%dma_start3A_1341, %multiple_of3A_1326] : memref<1x1000000xf32, #tpu.memory_space<hbm>> -> memref<1x128xf32, #tpu.memory_space<hbm>>
      tpu.enqueue_dma source(%dma_start3A_1342 : memref<1x128xf32, #tpu.memory_space<hbm>>) target(%arg28 : memref<1x128xf32, #tpu.memory_space<vmem>>) target_semaphore(%arg35 : memref<!tpu.dma_semaphore, #tpu.memory_space<semaphore_mem>>)
      %dma_wait3A_1343 = arith.constant 0 : i32
      %dma_wait3A_1344 = tpu.memref_slice %arg6[%dma_wait3A_1343, %multiple_of3A_1187] : memref<64x1000000xf32, #tpu.memory_space<hbm>> -> memref<64x128xf32, #tpu.memory_space<hbm>>
      %dma_wait3A_1345 = arith.constant 0 : i32
      %dma_wait3A_1346 = tpu.memref_slice %arg6[%dma_wait3A_1345, %multiple_of3A_1187] : memref<64x1000000xf32, #tpu.memory_space<hbm>> -> memref<64x128xf32, #tpu.memory_space<hbm>>
      tpu.wait_dma2 semaphore(%arg36 : memref<!tpu.dma_semaphore, #tpu.memory_space<semaphore_mem>>) src(%dma_wait3A_1346 : memref<64x128xf32, #tpu.memory_space<hbm>>) dst(%arg14 : memref<64x128xf32, #tpu.memory_space<vmem>>)
      %dma_wait3A_1347 = arith.constant 0 : i32
      %dma_wait3A_1348 = tpu.memref_slice %arg7[%dma_wait3A_1347, %multiple_of3A_1190] : memref<64x1000000xf32, #tpu.memory_space<hbm>> -> memref<64x128xf32, #tpu.memory_space<hbm>>
      %dma_wait3A_1349 = arith.constant 0 : i32
      %dma_wait3A_1350 = tpu.memref_slice %arg7[%dma_wait3A_1349, %multiple_of3A_1190] : memref<64x1000000xf32, #tpu.memory_space<hbm>> -> memref<64x128xf32, #tpu.memory_space<hbm>>
      tpu.wait_dma2 semaphore(%arg36 : memref<!tpu.dma_semaphore, #tpu.memory_space<semaphore_mem>>) src(%dma_wait3A_1350 : memref<64x128xf32, #tpu.memory_space<hbm>>) dst(%arg18 : memref<64x128xf32, #tpu.memory_space<vmem>>)
      %dma_wait3A_1351 = arith.constant 0 : i32
      %dma_wait3A_1352 = tpu.memref_slice %arg8[%dma_wait3A_1351, %multiple_of3A_1187] : memref<1x1000000xf32, #tpu.memory_space<hbm>> -> memref<1x128xf32, #tpu.memory_space<hbm>>
      %dma_wait3A_1353 = arith.constant 0 : i32
      %dma_wait3A_1354 = tpu.memref_slice %arg8[%dma_wait3A_1353, %multiple_of3A_1187] : memref<1x1000000xf32, #tpu.memory_space<hbm>> -> memref<1x128xf32, #tpu.memory_space<hbm>>
      tpu.wait_dma2 semaphore(%arg36 : memref<!tpu.dma_semaphore, #tpu.memory_space<semaphore_mem>>) src(%dma_wait3A_1354 : memref<1x128xf32, #tpu.memory_space<hbm>>) dst(%arg25 : memref<1x128xf32, #tpu.memory_space<vmem>>)
      %dma_wait3A_1355 = arith.constant 0 : i32
      %dma_wait3A_1356 = tpu.memref_slice %arg9[%dma_wait3A_1355, %multiple_of3A_1190] : memref<1x1000000xf32, #tpu.memory_space<hbm>> -> memref<1x128xf32, #tpu.memory_space<hbm>>
      %dma_wait3A_1357 = arith.constant 0 : i32
      %dma_wait3A_1358 = tpu.memref_slice %arg9[%dma_wait3A_1357, %multiple_of3A_1190] : memref<1x1000000xf32, #tpu.memory_space<hbm>> -> memref<1x128xf32, #tpu.memory_space<hbm>>
      tpu.wait_dma2 semaphore(%arg36 : memref<!tpu.dma_semaphore, #tpu.memory_space<semaphore_mem>>) src(%dma_wait3A_1358 : memref<1x128xf32, #tpu.memory_space<hbm>>) dst(%arg29 : memref<1x128xf32, #tpu.memory_space<vmem>>)
      %slice3A_1359 = vector.extract_strided_slice %get3A_1156 {offsets = [1], sizes = [1], strides = [1]} : vector<16xi32> to vector<1xi32>
      %squeeze3A_1360 = vector.extract %slice3A_1359[0] : i32 from vector<1xi32>
      %slice3A_1361 = vector.extract_strided_slice %get3A_1158 {offsets = [1], sizes = [1], strides = [1]} : vector<16xi32> to vector<1xi32>
      %squeeze3A_1362 = vector.extract %slice3A_1361[0] : i32 from vector<1xi32>
      %and3A_1363 = arith.constant 127 : i32
      %and3A_1364 = arith.andi %squeeze3A_1360, %and3A_1363 : i32
      %broadcast_in_dim3A_1365 = vector.broadcast %and3A_1364 : i32 to vector<16xi32>
      %and3A_1366 = arith.constant 127 : i32
      %and3A_1367 = arith.andi %squeeze3A_1362, %and3A_1366 : i32
      %broadcast_in_dim3A_1368 = vector.broadcast %and3A_1367 : i32 to vector<16xi32>
      %add3A_1369 = arith.constant 1 : i32
      %add3A_1370 = arith.addi %mul3A_1154, %add3A_1369 : i32
      %broadcast_in_dim3A_1371 = vector.broadcast %add3A_1370 : i32 to vector<16xi32>
      %add3A_1372 = arith.constant 0 : i32
      %add3A_1373 = vector.broadcast %add3A_1372 : i32 to vector<16xi32>
      %add3A_1374 = arith.addi %add3A_1373, %iota3A : vector<16xi32>
      %gather3A_1375 = tpu.vector_load_idx %arg14[%add3A_1374, %broadcast_in_dim3A_1365] : memref<64x128xf32, #tpu.memory_space<vmem>>[vector<16xi32>, vector<16xi32>], vector<16xf32>,
      %gather3A_1376 = tpu.vector_load_idx %arg18[%add3A_1374, %broadcast_in_dim3A_1368] : memref<64x128xf32, #tpu.memory_space<vmem>>[vector<16xi32>, vector<16xi32>], vector<16xf32>,
      %mul3A_1377 = arith.mulf %gather3A_1375, %gather3A_1376 : vector<16xf32>
      %add3A_1378 = arith.addf %broadcast_in_dim3A_3, %mul3A_1377 : vector<16xf32>
      %add3A_1379 = arith.constant 16 : i32
      %add3A_1380 = vector.broadcast %add3A_1379 : i32 to vector<16xi32>
      %add3A_1381 = arith.addi %add3A_1380, %iota3A : vector<16xi32>
      %gather3A_1382 = tpu.vector_load_idx %arg14[%add3A_1381, %broadcast_in_dim3A_1365] : memref<64x128xf32, #tpu.memory_space<vmem>>[vector<16xi32>, vector<16xi32>], vector<16xf32>,
      %gather3A_1383 = tpu.vector_load_idx %arg18[%add3A_1381, %broadcast_in_dim3A_1368] : memref<64x128xf32, #tpu.memory_space<vmem>>[vector<16xi32>, vector<16xi32>], vector<16xf32>,
      %mul3A_1384 = arith.mulf %gather3A_1382, %gather3A_1383 : vector<16xf32>
      %add3A_1385 = arith.addf %add3A_1378, %mul3A_1384 : vector<16xf32>
      %add3A_1386 = arith.constant 32 : i32
      %add3A_1387 = vector.broadcast %add3A_1386 : i32 to vector<16xi32>
      %add3A_1388 = arith.addi %add3A_1387, %iota3A : vector<16xi32>
      %gather3A_1389 = tpu.vector_load_idx %arg14[%add3A_1388, %broadcast_in_dim3A_1365] : memref<64x128xf32, #tpu.memory_space<vmem>>[vector<16xi32>, vector<16xi32>], vector<16xf32>,
      %gather3A_1390 = tpu.vector_load_idx %arg18[%add3A_1388, %broadcast_in_dim3A_1368] : memref<64x128xf32, #tpu.memory_space<vmem>>[vector<16xi32>, vector<16xi32>], vector<16xf32>,
      %mul3A_1391 = arith.mulf %gather3A_1389, %gather3A_1390 : vector<16xf32>
      %add3A_1392 = arith.addf %add3A_1385, %mul3A_1391 : vector<16xf32>
      %add3A_1393 = arith.constant 48 : i32
      %add3A_1394 = vector.broadcast %add3A_1393 : i32 to vector<16xi32>
      %add3A_1395 = arith.addi %add3A_1394, %iota3A : vector<16xi32>
      %gather3A_1396 = tpu.vector_load_idx %arg14[%add3A_1395, %broadcast_in_dim3A_1365] : memref<64x128xf32, #tpu.memory_space<vmem>>[vector<16xi32>, vector<16xi32>], vector<16xf32>,
      %gather3A_1397 = tpu.vector_load_idx %arg18[%add3A_1395, %broadcast_in_dim3A_1368] : memref<64x128xf32, #tpu.memory_space<vmem>>[vector<16xi32>, vector<16xi32>], vector<16xf32>,
      %mul3A_1398 = arith.mulf %gather3A_1396, %gather3A_1397 : vector<16xf32>
      %add3A_1399 = arith.addf %add3A_1392, %mul3A_1398 : vector<16xf32>
      tpu.vector_store_idx %arg21[%iota3A, %broadcast_in_dim3A_1371], %add3A_1399 : memref<16x128xf32, #tpu.memory_space<vmem>>[vector<16xi32>, vector<16xi32>], vector<16xf32>,
      %gather3A_1400 = tpu.vector_load_idx %arg25[%broadcast_in_dim3A_5, %broadcast_in_dim3A_1365] : memref<1x128xf32, #tpu.memory_space<vmem>>[vector<16xi32>, vector<16xi32>], vector<16xf32>,
      tpu.vector_store_idx %arg32[%broadcast_in_dim3A_5, %broadcast_in_dim3A_1371], %gather3A_1400 masked %eq3A_7 : memref<1x128xf32, #tpu.memory_space<vmem>>[vector<16xi32>, vector<16xi32>], vector<16xf32>, vector<16xi1>
      %gather3A_1401 = tpu.vector_load_idx %arg29[%broadcast_in_dim3A_5, %broadcast_in_dim3A_1368] : memref<1x128xf32, #tpu.memory_space<vmem>>[vector<16xi32>, vector<16xi32>], vector<16xf32>,
      tpu.vector_store_idx %arg33[%broadcast_in_dim3A_5, %broadcast_in_dim3A_1371], %gather3A_1401 masked %eq3A_7 : memref<1x128xf32, #tpu.memory_space<vmem>>[vector<16xi32>, vector<16xi32>], vector<16xf32>, vector<16xi1>
      %slice3A_1402 = vector.extract_strided_slice %get3A_1156 {offsets = [5], sizes = [1], strides = [1]} : vector<16xi32> to vector<1xi32>
      %squeeze3A_1403 = vector.extract %slice3A_1402[0] : i32 from vector<1xi32>
      %slice3A_1404 = vector.extract_strided_slice %get3A_1158 {offsets = [5], sizes = [1], strides = [1]} : vector<16xi32> to vector<1xi32>
      %squeeze3A_1405 = vector.extract %slice3A_1404[0] : i32 from vector<1xi32>
      %and3A_1406 = arith.constant -128 : i32
      %and3A_1407 = arith.andi %squeeze3A_1403, %and3A_1406 : i32
      %multiple_of3A_1408 = tpu.assume_multiple %and3A_1407, 128 : i32
      %and3A_1409 = arith.constant -128 : i32
      %and3A_1410 = arith.andi %squeeze3A_1405, %and3A_1409 : i32
      %multiple_of3A_1411 = tpu.assume_multiple %and3A_1410, 128 : i32
      %dma_start3A_1412 = arith.constant 0 : i32
      %dma_start3A_1413 = tpu.memref_slice %arg6[%dma_start3A_1412, %multiple_of3A_1408] : memref<64x1000000xf32, #tpu.memory_space<hbm>> -> memref<64x128xf32, #tpu.memory_space<hbm>>
      %dma_start3A_1414 = arith.constant 0 : i32
      %dma_start3A_1415 = tpu.memref_slice %arg6[%dma_start3A_1414, %multiple_of3A_1408] : memref<64x1000000xf32, #tpu.memory_space<hbm>> -> memref<64x128xf32, #tpu.memory_space<hbm>>
      tpu.enqueue_dma source(%dma_start3A_1415 : memref<64x128xf32, #tpu.memory_space<hbm>>) target(%arg14 : memref<64x128xf32, #tpu.memory_space<vmem>>) target_semaphore(%arg36 : memref<!tpu.dma_semaphore, #tpu.memory_space<semaphore_mem>>)
      %dma_start3A_1416 = arith.constant 0 : i32
      %dma_start3A_1417 = tpu.memref_slice %arg7[%dma_start3A_1416, %multiple_of3A_1411] : memref<64x1000000xf32, #tpu.memory_space<hbm>> -> memref<64x128xf32, #tpu.memory_space<hbm>>
      %dma_start3A_1418 = arith.constant 0 : i32
      %dma_start3A_1419 = tpu.memref_slice %arg7[%dma_start3A_1418, %multiple_of3A_1411] : memref<64x1000000xf32, #tpu.memory_space<hbm>> -> memref<64x128xf32, #tpu.memory_space<hbm>>
      tpu.enqueue_dma source(%dma_start3A_1419 : memref<64x128xf32, #tpu.memory_space<hbm>>) target(%arg18 : memref<64x128xf32, #tpu.memory_space<vmem>>) target_semaphore(%arg36 : memref<!tpu.dma_semaphore, #tpu.memory_space<semaphore_mem>>)
      %dma_start3A_1420 = arith.constant 0 : i32
      %dma_start3A_1421 = tpu.memref_slice %arg8[%dma_start3A_1420, %multiple_of3A_1408] : memref<1x1000000xf32, #tpu.memory_space<hbm>> -> memref<1x128xf32, #tpu.memory_space<hbm>>
      %dma_start3A_1422 = arith.constant 0 : i32
      %dma_start3A_1423 = tpu.memref_slice %arg8[%dma_start3A_1422, %multiple_of3A_1408] : memref<1x1000000xf32, #tpu.memory_space<hbm>> -> memref<1x128xf32, #tpu.memory_space<hbm>>
      tpu.enqueue_dma source(%dma_start3A_1423 : memref<1x128xf32, #tpu.memory_space<hbm>>) target(%arg25 : memref<1x128xf32, #tpu.memory_space<vmem>>) target_semaphore(%arg36 : memref<!tpu.dma_semaphore, #tpu.memory_space<semaphore_mem>>)
      %dma_start3A_1424 = arith.constant 0 : i32
      %dma_start3A_1425 = tpu.memref_slice %arg9[%dma_start3A_1424, %multiple_of3A_1411] : memref<1x1000000xf32, #tpu.memory_space<hbm>> -> memref<1x128xf32, #tpu.memory_space<hbm>>
      %dma_start3A_1426 = arith.constant 0 : i32
      %dma_start3A_1427 = tpu.memref_slice %arg9[%dma_start3A_1426, %multiple_of3A_1411] : memref<1x1000000xf32, #tpu.memory_space<hbm>> -> memref<1x128xf32, #tpu.memory_space<hbm>>
      tpu.enqueue_dma source(%dma_start3A_1427 : memref<1x128xf32, #tpu.memory_space<hbm>>) target(%arg29 : memref<1x128xf32, #tpu.memory_space<vmem>>) target_semaphore(%arg36 : memref<!tpu.dma_semaphore, #tpu.memory_space<semaphore_mem>>)
      %dma_wait3A_1428 = arith.constant 0 : i32
      %dma_wait3A_1429 = tpu.memref_slice %arg6[%dma_wait3A_1428, %multiple_of3A_1213] : memref<64x1000000xf32, #tpu.memory_space<hbm>> -> memref<64x128xf32, #tpu.memory_space<hbm>>
      %dma_wait3A_1430 = arith.constant 0 : i32
      %dma_wait3A_1431 = tpu.memref_slice %arg6[%dma_wait3A_1430, %multiple_of3A_1213] : memref<64x1000000xf32, #tpu.memory_space<hbm>> -> memref<64x128xf32, #tpu.memory_space<hbm>>
      tpu.wait_dma2 semaphore(%arg37 : memref<!tpu.dma_semaphore, #tpu.memory_space<semaphore_mem>>) src(%dma_wait3A_1431 : memref<64x128xf32, #tpu.memory_space<hbm>>) dst(%arg15 : memref<64x128xf32, #tpu.memory_space<vmem>>)
      %dma_wait3A_1432 = arith.constant 0 : i32
      %dma_wait3A_1433 = tpu.memref_slice %arg7[%dma_wait3A_1432, %multiple_of3A_1216] : memref<64x1000000xf32, #tpu.memory_space<hbm>> -> memref<64x128xf32, #tpu.memory_space<hbm>>
      %dma_wait3A_1434 = arith.constant 0 : i32
      %dma_wait3A_1435 = tpu.memref_slice %arg7[%dma_wait3A_1434, %multiple_of3A_1216] : memref<64x1000000xf32, #tpu.memory_space<hbm>> -> memref<64x128xf32, #tpu.memory_space<hbm>>
      tpu.wait_dma2 semaphore(%arg37 : memref<!tpu.dma_semaphore, #tpu.memory_space<semaphore_mem>>) src(%dma_wait3A_1435 : memref<64x128xf32, #tpu.memory_space<hbm>>) dst(%arg19 : memref<64x128xf32, #tpu.memory_space<vmem>>)
      %dma_wait3A_1436 = arith.constant 0 : i32
      %dma_wait3A_1437 = tpu.memref_slice %arg8[%dma_wait3A_1436, %multiple_of3A_1213] : memref<1x1000000xf32, #tpu.memory_space<hbm>> -> memref<1x128xf32, #tpu.memory_space<hbm>>
      %dma_wait3A_1438 = arith.constant 0 : i32
      %dma_wait3A_1439 = tpu.memref_slice %arg8[%dma_wait3A_1438, %multiple_of3A_1213] : memref<1x1000000xf32, #tpu.memory_space<hbm>> -> memref<1x128xf32, #tpu.memory_space<hbm>>
      tpu.wait_dma2 semaphore(%arg37 : memref<!tpu.dma_semaphore, #tpu.memory_space<semaphore_mem>>) src(%dma_wait3A_1439 : memref<1x128xf32, #tpu.memory_space<hbm>>) dst(%arg26 : memref<1x128xf32, #tpu.memory_space<vmem>>)
      %dma_wait3A_1440 = arith.constant 0 : i32
      %dma_wait3A_1441 = tpu.memref_slice %arg9[%dma_wait3A_1440, %multiple_of3A_1216] : memref<1x1000000xf32, #tpu.memory_space<hbm>> -> memref<1x128xf32, #tpu.memory_space<hbm>>
      %dma_wait3A_1442 = arith.constant 0 : i32
      %dma_wait3A_1443 = tpu.memref_slice %arg9[%dma_wait3A_1442, %multiple_of3A_1216] : memref<1x1000000xf32, #tpu.memory_space<hbm>> -> memref<1x128xf32, #tpu.memory_space<hbm>>
      tpu.wait_dma2 semaphore(%arg37 : memref<!tpu.dma_semaphore, #tpu.memory_space<semaphore_mem>>) src(%dma_wait3A_1443 : memref<1x128xf32, #tpu.memory_space<hbm>>) dst(%arg30 : memref<1x128xf32, #tpu.memory_space<vmem>>)
      %slice3A_1444 = vector.extract_strided_slice %get3A_1156 {offsets = [2], sizes = [1], strides = [1]} : vector<16xi32> to vector<1xi32>
      %squeeze3A_1445 = vector.extract %slice3A_1444[0] : i32 from vector<1xi32>
      %slice3A_1446 = vector.extract_strided_slice %get3A_1158 {offsets = [2], sizes = [1], strides = [1]} : vector<16xi32> to vector<1xi32>
      %squeeze3A_1447 = vector.extract %slice3A_1446[0] : i32 from vector<1xi32>
      %and3A_1448 = arith.constant 127 : i32
      %and3A_1449 = arith.andi %squeeze3A_1445, %and3A_1448 : i32
      %broadcast_in_dim3A_1450 = vector.broadcast %and3A_1449 : i32 to vector<16xi32>
      %and3A_1451 = arith.constant 127 : i32
      %and3A_1452 = arith.andi %squeeze3A_1447, %and3A_1451 : i32
      %broadcast_in_dim3A_1453 = vector.broadcast %and3A_1452 : i32 to vector<16xi32>
      %add3A_1454 = arith.constant 2 : i32
      %add3A_1455 = arith.addi %mul3A_1154, %add3A_1454 : i32
      %broadcast_in_dim3A_1456 = vector.broadcast %add3A_1455 : i32 to vector<16xi32>
      %add3A_1457 = arith.constant 0 : i32
      %add3A_1458 = vector.broadcast %add3A_1457 : i32 to vector<16xi32>
      %add3A_1459 = arith.addi %add3A_1458, %iota3A : vector<16xi32>
      %gather3A_1460 = tpu.vector_load_idx %arg15[%add3A_1459, %broadcast_in_dim3A_1450] : memref<64x128xf32, #tpu.memory_space<vmem>>[vector<16xi32>, vector<16xi32>], vector<16xf32>,
      %gather3A_1461 = tpu.vector_load_idx %arg19[%add3A_1459, %broadcast_in_dim3A_1453] : memref<64x128xf32, #tpu.memory_space<vmem>>[vector<16xi32>, vector<16xi32>], vector<16xf32>,
      %mul3A_1462 = arith.mulf %gather3A_1460, %gather3A_1461 : vector<16xf32>
      %add3A_1463 = arith.addf %broadcast_in_dim3A_3, %mul3A_1462 : vector<16xf32>
      %add3A_1464 = arith.constant 16 : i32
      %add3A_1465 = vector.broadcast %add3A_1464 : i32 to vector<16xi32>
      %add3A_1466 = arith.addi %add3A_1465, %iota3A : vector<16xi32>
      %gather3A_1467 = tpu.vector_load_idx %arg15[%add3A_1466, %broadcast_in_dim3A_1450] : memref<64x128xf32, #tpu.memory_space<vmem>>[vector<16xi32>, vector<16xi32>], vector<16xf32>,
      %gather3A_1468 = tpu.vector_load_idx %arg19[%add3A_1466, %broadcast_in_dim3A_1453] : memref<64x128xf32, #tpu.memory_space<vmem>>[vector<16xi32>, vector<16xi32>], vector<16xf32>,
      %mul3A_1469 = arith.mulf %gather3A_1467, %gather3A_1468 : vector<16xf32>
      %add3A_1470 = arith.addf %add3A_1463, %mul3A_1469 : vector<16xf32>
      %add3A_1471 = arith.constant 32 : i32
      %add3A_1472 = vector.broadcast %add3A_1471 : i32 to vector<16xi32>
      %add3A_1473 = arith.addi %add3A_1472, %iota3A : vector<16xi32>
      %gather3A_1474 = tpu.vector_load_idx %arg15[%add3A_1473, %broadcast_in_dim3A_1450] : memref<64x128xf32, #tpu.memory_space<vmem>>[vector<16xi32>, vector<16xi32>], vector<16xf32>,
      %gather3A_1475 = tpu.vector_load_idx %arg19[%add3A_1473, %broadcast_in_dim3A_1453] : memref<64x128xf32, #tpu.memory_space<vmem>>[vector<16xi32>, vector<16xi32>], vector<16xf32>,
      %mul3A_1476 = arith.mulf %gather3A_1474, %gather3A_1475 : vector<16xf32>
      %add3A_1477 = arith.addf %add3A_1470, %mul3A_1476 : vector<16xf32>
      %add3A_1478 = arith.constant 48 : i32
      %add3A_1479 = vector.broadcast %add3A_1478 : i32 to vector<16xi32>
      %add3A_1480 = arith.addi %add3A_1479, %iota3A : vector<16xi32>
      %gather3A_1481 = tpu.vector_load_idx %arg15[%add3A_1480, %broadcast_in_dim3A_1450] : memref<64x128xf32, #tpu.memory_space<vmem>>[vector<16xi32>, vector<16xi32>], vector<16xf32>,
      %gather3A_1482 = tpu.vector_load_idx %arg19[%add3A_1480, %broadcast_in_dim3A_1453] : memref<64x128xf32, #tpu.memory_space<vmem>>[vector<16xi32>, vector<16xi32>], vector<16xf32>,
      %mul3A_1483 = arith.mulf %gather3A_1481, %gather3A_1482 : vector<16xf32>
      %add3A_1484 = arith.addf %add3A_1477, %mul3A_1483 : vector<16xf32>
      tpu.vector_store_idx %arg21[%iota3A, %broadcast_in_dim3A_1456], %add3A_1484 : memref<16x128xf32, #tpu.memory_space<vmem>>[vector<16xi32>, vector<16xi32>], vector<16xf32>,
      %gather3A_1485 = tpu.vector_load_idx %arg26[%broadcast_in_dim3A_5, %broadcast_in_dim3A_1450] : memref<1x128xf32, #tpu.memory_space<vmem>>[vector<16xi32>, vector<16xi32>], vector<16xf32>,
      tpu.vector_store_idx %arg32[%broadcast_in_dim3A_5, %broadcast_in_dim3A_1456], %gather3A_1485 masked %eq3A_7 : memref<1x128xf32, #tpu.memory_space<vmem>>[vector<16xi32>, vector<16xi32>], vector<16xf32>, vector<16xi1>
      %gather3A_1486 = tpu.vector_load_idx %arg30[%broadcast_in_dim3A_5, %broadcast_in_dim3A_1453] : memref<1x128xf32, #tpu.memory_space<vmem>>[vector<16xi32>, vector<16xi32>], vector<16xf32>,
      tpu.vector_store_idx %arg33[%broadcast_in_dim3A_5, %broadcast_in_dim3A_1456], %gather3A_1486 masked %eq3A_7 : memref<1x128xf32, #tpu.memory_space<vmem>>[vector<16xi32>, vector<16xi32>], vector<16xf32>, vector<16xi1>
      %slice3A_1487 = vector.extract_strided_slice %get3A_1156 {offsets = [6], sizes = [1], strides = [1]} : vector<16xi32> to vector<1xi32>
      %squeeze3A_1488 = vector.extract %slice3A_1487[0] : i32 from vector<1xi32>
      %slice3A_1489 = vector.extract_strided_slice %get3A_1158 {offsets = [6], sizes = [1], strides = [1]} : vector<16xi32> to vector<1xi32>
      %squeeze3A_1490 = vector.extract %slice3A_1489[0] : i32 from vector<1xi32>
      %and3A_1491 = arith.constant -128 : i32
      %and3A_1492 = arith.andi %squeeze3A_1488, %and3A_1491 : i32
      %multiple_of3A_1493 = tpu.assume_multiple %and3A_1492, 128 : i32
      %and3A_1494 = arith.constant -128 : i32
      %and3A_1495 = arith.andi %squeeze3A_1490, %and3A_1494 : i32
      %multiple_of3A_1496 = tpu.assume_multiple %and3A_1495, 128 : i32
      %dma_start3A_1497 = arith.constant 0 : i32
      %dma_start3A_1498 = tpu.memref_slice %arg6[%dma_start3A_1497, %multiple_of3A_1493] : memref<64x1000000xf32, #tpu.memory_space<hbm>> -> memref<64x128xf32, #tpu.memory_space<hbm>>
      %dma_start3A_1499 = arith.constant 0 : i32
      %dma_start3A_1500 = tpu.memref_slice %arg6[%dma_start3A_1499, %multiple_of3A_1493] : memref<64x1000000xf32, #tpu.memory_space<hbm>> -> memref<64x128xf32, #tpu.memory_space<hbm>>
      tpu.enqueue_dma source(%dma_start3A_1500 : memref<64x128xf32, #tpu.memory_space<hbm>>) target(%arg15 : memref<64x128xf32, #tpu.memory_space<vmem>>) target_semaphore(%arg37 : memref<!tpu.dma_semaphore, #tpu.memory_space<semaphore_mem>>)
      %dma_start3A_1501 = arith.constant 0 : i32
      %dma_start3A_1502 = tpu.memref_slice %arg7[%dma_start3A_1501, %multiple_of3A_1496] : memref<64x1000000xf32, #tpu.memory_space<hbm>> -> memref<64x128xf32, #tpu.memory_space<hbm>>
      %dma_start3A_1503 = arith.constant 0 : i32
      %dma_start3A_1504 = tpu.memref_slice %arg7[%dma_start3A_1503, %multiple_of3A_1496] : memref<64x1000000xf32, #tpu.memory_space<hbm>> -> memref<64x128xf32, #tpu.memory_space<hbm>>
      tpu.enqueue_dma source(%dma_start3A_1504 : memref<64x128xf32, #tpu.memory_space<hbm>>) target(%arg19 : memref<64x128xf32, #tpu.memory_space<vmem>>) target_semaphore(%arg37 : memref<!tpu.dma_semaphore, #tpu.memory_space<semaphore_mem>>)
      %dma_start3A_1505 = arith.constant 0 : i32
      %dma_start3A_1506 = tpu.memref_slice %arg8[%dma_start3A_1505, %multiple_of3A_1493] : memref<1x1000000xf32, #tpu.memory_space<hbm>> -> memref<1x128xf32, #tpu.memory_space<hbm>>
      %dma_start3A_1507 = arith.constant 0 : i32
      %dma_start3A_1508 = tpu.memref_slice %arg8[%dma_start3A_1507, %multiple_of3A_1493] : memref<1x1000000xf32, #tpu.memory_space<hbm>> -> memref<1x128xf32, #tpu.memory_space<hbm>>
      tpu.enqueue_dma source(%dma_start3A_1508 : memref<1x128xf32, #tpu.memory_space<hbm>>) target(%arg26 : memref<1x128xf32, #tpu.memory_space<vmem>>) target_semaphore(%arg37 : memref<!tpu.dma_semaphore, #tpu.memory_space<semaphore_mem>>)
      %dma_start3A_1509 = arith.constant 0 : i32
      %dma_start3A_1510 = tpu.memref_slice %arg9[%dma_start3A_1509, %multiple_of3A_1496] : memref<1x1000000xf32, #tpu.memory_space<hbm>> -> memref<1x128xf32, #tpu.memory_space<hbm>>
      %dma_start3A_1511 = arith.constant 0 : i32
      %dma_start3A_1512 = tpu.memref_slice %arg9[%dma_start3A_1511, %multiple_of3A_1496] : memref<1x1000000xf32, #tpu.memory_space<hbm>> -> memref<1x128xf32, #tpu.memory_space<hbm>>
      tpu.enqueue_dma source(%dma_start3A_1512 : memref<1x128xf32, #tpu.memory_space<hbm>>) target(%arg30 : memref<1x128xf32, #tpu.memory_space<vmem>>) target_semaphore(%arg37 : memref<!tpu.dma_semaphore, #tpu.memory_space<semaphore_mem>>)
      %dma_wait3A_1513 = arith.constant 0 : i32
      %dma_wait3A_1514 = tpu.memref_slice %arg6[%dma_wait3A_1513, %multiple_of3A_1239] : memref<64x1000000xf32, #tpu.memory_space<hbm>> -> memref<64x128xf32, #tpu.memory_space<hbm>>
      %dma_wait3A_1515 = arith.constant 0 : i32
      %dma_wait3A_1516 = tpu.memref_slice %arg6[%dma_wait3A_1515, %multiple_of3A_1239] : memref<64x1000000xf32, #tpu.memory_space<hbm>> -> memref<64x128xf32, #tpu.memory_space<hbm>>
      tpu.wait_dma2 semaphore(%arg38 : memref<!tpu.dma_semaphore, #tpu.memory_space<semaphore_mem>>) src(%dma_wait3A_1516 : memref<64x128xf32, #tpu.memory_space<hbm>>) dst(%arg16 : memref<64x128xf32, #tpu.memory_space<vmem>>)
      %dma_wait3A_1517 = arith.constant 0 : i32
      %dma_wait3A_1518 = tpu.memref_slice %arg7[%dma_wait3A_1517, %multiple_of3A_1242] : memref<64x1000000xf32, #tpu.memory_space<hbm>> -> memref<64x128xf32, #tpu.memory_space<hbm>>
      %dma_wait3A_1519 = arith.constant 0 : i32
      %dma_wait3A_1520 = tpu.memref_slice %arg7[%dma_wait3A_1519, %multiple_of3A_1242] : memref<64x1000000xf32, #tpu.memory_space<hbm>> -> memref<64x128xf32, #tpu.memory_space<hbm>>
      tpu.wait_dma2 semaphore(%arg38 : memref<!tpu.dma_semaphore, #tpu.memory_space<semaphore_mem>>) src(%dma_wait3A_1520 : memref<64x128xf32, #tpu.memory_space<hbm>>) dst(%arg20 : memref<64x128xf32, #tpu.memory_space<vmem>>)
      %dma_wait3A_1521 = arith.constant 0 : i32
      %dma_wait3A_1522 = tpu.memref_slice %arg8[%dma_wait3A_1521, %multiple_of3A_1239] : memref<1x1000000xf32, #tpu.memory_space<hbm>> -> memref<1x128xf32, #tpu.memory_space<hbm>>
      %dma_wait3A_1523 = arith.constant 0 : i32
      %dma_wait3A_1524 = tpu.memref_slice %arg8[%dma_wait3A_1523, %multiple_of3A_1239] : memref<1x1000000xf32, #tpu.memory_space<hbm>> -> memref<1x128xf32, #tpu.memory_space<hbm>>
      tpu.wait_dma2 semaphore(%arg38 : memref<!tpu.dma_semaphore, #tpu.memory_space<semaphore_mem>>) src(%dma_wait3A_1524 : memref<1x128xf32, #tpu.memory_space<hbm>>) dst(%arg27 : memref<1x128xf32, #tpu.memory_space<vmem>>)
      %dma_wait3A_1525 = arith.constant 0 : i32
      %dma_wait3A_1526 = tpu.memref_slice %arg9[%dma_wait3A_1525, %multiple_of3A_1242] : memref<1x1000000xf32, #tpu.memory_space<hbm>> -> memref<1x128xf32, #tpu.memory_space<hbm>>
      %dma_wait3A_1527 = arith.constant 0 : i32
      %dma_wait3A_1528 = tpu.memref_slice %arg9[%dma_wait3A_1527, %multiple_of3A_1242] : memref<1x1000000xf32, #tpu.memory_space<hbm>> -> memref<1x128xf32, #tpu.memory_space<hbm>>
      tpu.wait_dma2 semaphore(%arg38 : memref<!tpu.dma_semaphore, #tpu.memory_space<semaphore_mem>>) src(%dma_wait3A_1528 : memref<1x128xf32, #tpu.memory_space<hbm>>) dst(%arg31 : memref<1x128xf32, #tpu.memory_space<vmem>>)
      %slice3A_1529 = vector.extract_strided_slice %get3A_1156 {offsets = [3], sizes = [1], strides = [1]} : vector<16xi32> to vector<1xi32>
      %squeeze3A_1530 = vector.extract %slice3A_1529[0] : i32 from vector<1xi32>
      %slice3A_1531 = vector.extract_strided_slice %get3A_1158 {offsets = [3], sizes = [1], strides = [1]} : vector<16xi32> to vector<1xi32>
      %squeeze3A_1532 = vector.extract %slice3A_1531[0] : i32 from vector<1xi32>
      %and3A_1533 = arith.constant 127 : i32
      %and3A_1534 = arith.andi %squeeze3A_1530, %and3A_1533 : i32
      %broadcast_in_dim3A_1535 = vector.broadcast %and3A_1534 : i32 to vector<16xi32>
      %and3A_1536 = arith.constant 127 : i32
      %and3A_1537 = arith.andi %squeeze3A_1532, %and3A_1536 : i32
      %broadcast_in_dim3A_1538 = vector.broadcast %and3A_1537 : i32 to vector<16xi32>
      %add3A_1539 = arith.constant 3 : i32
      %add3A_1540 = arith.addi %mul3A_1154, %add3A_1539 : i32
      %broadcast_in_dim3A_1541 = vector.broadcast %add3A_1540 : i32 to vector<16xi32>
      %add3A_1542 = arith.constant 0 : i32
      %add3A_1543 = vector.broadcast %add3A_1542 : i32 to vector<16xi32>
      %add3A_1544 = arith.addi %add3A_1543, %iota3A : vector<16xi32>
      %gather3A_1545 = tpu.vector_load_idx %arg16[%add3A_1544, %broadcast_in_dim3A_1535] : memref<64x128xf32, #tpu.memory_space<vmem>>[vector<16xi32>, vector<16xi32>], vector<16xf32>,
      %gather3A_1546 = tpu.vector_load_idx %arg20[%add3A_1544, %broadcast_in_dim3A_1538] : memref<64x128xf32, #tpu.memory_space<vmem>>[vector<16xi32>, vector<16xi32>], vector<16xf32>,
      %mul3A_1547 = arith.mulf %gather3A_1545, %gather3A_1546 : vector<16xf32>
      %add3A_1548 = arith.addf %broadcast_in_dim3A_3, %mul3A_1547 : vector<16xf32>
      %add3A_1549 = arith.constant 16 : i32
      %add3A_1550 = vector.broadcast %add3A_1549 : i32 to vector<16xi32>
      %add3A_1551 = arith.addi %add3A_1550, %iota3A : vector<16xi32>
      %gather3A_1552 = tpu.vector_load_idx %arg16[%add3A_1551, %broadcast_in_dim3A_1535] : memref<64x128xf32, #tpu.memory_space<vmem>>[vector<16xi32>, vector<16xi32>], vector<16xf32>,
      %gather3A_1553 = tpu.vector_load_idx %arg20[%add3A_1551, %broadcast_in_dim3A_1538] : memref<64x128xf32, #tpu.memory_space<vmem>>[vector<16xi32>, vector<16xi32>], vector<16xf32>,
      %mul3A_1554 = arith.mulf %gather3A_1552, %gather3A_1553 : vector<16xf32>
      %add3A_1555 = arith.addf %add3A_1548, %mul3A_1554 : vector<16xf32>
      %add3A_1556 = arith.constant 32 : i32
      %add3A_1557 = vector.broadcast %add3A_1556 : i32 to vector<16xi32>
      %add3A_1558 = arith.addi %add3A_1557, %iota3A : vector<16xi32>
      %gather3A_1559 = tpu.vector_load_idx %arg16[%add3A_1558, %broadcast_in_dim3A_1535] : memref<64x128xf32, #tpu.memory_space<vmem>>[vector<16xi32>, vector<16xi32>], vector<16xf32>,
      %gather3A_1560 = tpu.vector_load_idx %arg20[%add3A_1558, %broadcast_in_dim3A_1538] : memref<64x128xf32, #tpu.memory_space<vmem>>[vector<16xi32>, vector<16xi32>], vector<16xf32>,
      %mul3A_1561 = arith.mulf %gather3A_1559, %gather3A_1560 : vector<16xf32>
      %add3A_1562 = arith.addf %add3A_1555, %mul3A_1561 : vector<16xf32>
      %add3A_1563 = arith.constant 48 : i32
      %add3A_1564 = vector.broadcast %add3A_1563 : i32 to vector<16xi32>
      %add3A_1565 = arith.addi %add3A_1564, %iota3A : vector<16xi32>
      %gather3A_1566 = tpu.vector_load_idx %arg16[%add3A_1565, %broadcast_in_dim3A_1535] : memref<64x128xf32, #tpu.memory_space<vmem>>[vector<16xi32>, vector<16xi32>], vector<16xf32>,
      %gather3A_1567 = tpu.vector_load_idx %arg20[%add3A_1565, %broadcast_in_dim3A_1538] : memref<64x128xf32, #tpu.memory_space<vmem>>[vector<16xi32>, vector<16xi32>], vector<16xf32>,
      %mul3A_1568 = arith.mulf %gather3A_1566, %gather3A_1567 : vector<16xf32>
      %add3A_1569 = arith.addf %add3A_1562, %mul3A_1568 : vector<16xf32>
      tpu.vector_store_idx %arg21[%iota3A, %broadcast_in_dim3A_1541], %add3A_1569 : memref<16x128xf32, #tpu.memory_space<vmem>>[vector<16xi32>, vector<16xi32>], vector<16xf32>,
      %gather3A_1570 = tpu.vector_load_idx %arg27[%broadcast_in_dim3A_5, %broadcast_in_dim3A_1535] : memref<1x128xf32, #tpu.memory_space<vmem>>[vector<16xi32>, vector<16xi32>], vector<16xf32>,
      tpu.vector_store_idx %arg32[%broadcast_in_dim3A_5, %broadcast_in_dim3A_1541], %gather3A_1570 masked %eq3A_7 : memref<1x128xf32, #tpu.memory_space<vmem>>[vector<16xi32>, vector<16xi32>], vector<16xf32>, vector<16xi1>
      %gather3A_1571 = tpu.vector_load_idx %arg31[%broadcast_in_dim3A_5, %broadcast_in_dim3A_1538] : memref<1x128xf32, #tpu.memory_space<vmem>>[vector<16xi32>, vector<16xi32>], vector<16xf32>,
      tpu.vector_store_idx %arg33[%broadcast_in_dim3A_5, %broadcast_in_dim3A_1541], %gather3A_1571 masked %eq3A_7 : memref<1x128xf32, #tpu.memory_space<vmem>>[vector<16xi32>, vector<16xi32>], vector<16xf32>, vector<16xi1>
      %slice3A_1572 = vector.extract_strided_slice %get3A_1156 {offsets = [7], sizes = [1], strides = [1]} : vector<16xi32> to vector<1xi32>
      %squeeze3A_1573 = vector.extract %slice3A_1572[0] : i32 from vector<1xi32>
      %slice3A_1574 = vector.extract_strided_slice %get3A_1158 {offsets = [7], sizes = [1], strides = [1]} : vector<16xi32> to vector<1xi32>
      %squeeze3A_1575 = vector.extract %slice3A_1574[0] : i32 from vector<1xi32>
      %and3A_1576 = arith.constant -128 : i32
      %and3A_1577 = arith.andi %squeeze3A_1573, %and3A_1576 : i32
      %multiple_of3A_1578 = tpu.assume_multiple %and3A_1577, 128 : i32
      %and3A_1579 = arith.constant -128 : i32
      %and3A_1580 = arith.andi %squeeze3A_1575, %and3A_1579 : i32
      %multiple_of3A_1581 = tpu.assume_multiple %and3A_1580, 128 : i32
      %dma_start3A_1582 = arith.constant 0 : i32
      %dma_start3A_1583 = tpu.memref_slice %arg6[%dma_start3A_1582, %multiple_of3A_1578] : memref<64x1000000xf32, #tpu.memory_space<hbm>> -> memref<64x128xf32, #tpu.memory_space<hbm>>
      %dma_start3A_1584 = arith.constant 0 : i32
      %dma_start3A_1585 = tpu.memref_slice %arg6[%dma_start3A_1584, %multiple_of3A_1578] : memref<64x1000000xf32, #tpu.memory_space<hbm>> -> memref<64x128xf32, #tpu.memory_space<hbm>>
      tpu.enqueue_dma source(%dma_start3A_1585 : memref<64x128xf32, #tpu.memory_space<hbm>>) target(%arg16 : memref<64x128xf32, #tpu.memory_space<vmem>>) target_semaphore(%arg38 : memref<!tpu.dma_semaphore, #tpu.memory_space<semaphore_mem>>)
      %dma_start3A_1586 = arith.constant 0 : i32
      %dma_start3A_1587 = tpu.memref_slice %arg7[%dma_start3A_1586, %multiple_of3A_1581] : memref<64x1000000xf32, #tpu.memory_space<hbm>> -> memref<64x128xf32, #tpu.memory_space<hbm>>
      %dma_start3A_1588 = arith.constant 0 : i32
      %dma_start3A_1589 = tpu.memref_slice %arg7[%dma_start3A_1588, %multiple_of3A_1581] : memref<64x1000000xf32, #tpu.memory_space<hbm>> -> memref<64x128xf32, #tpu.memory_space<hbm>>
      tpu.enqueue_dma source(%dma_start3A_1589 : memref<64x128xf32, #tpu.memory_space<hbm>>) target(%arg20 : memref<64x128xf32, #tpu.memory_space<vmem>>) target_semaphore(%arg38 : memref<!tpu.dma_semaphore, #tpu.memory_space<semaphore_mem>>)
      %dma_start3A_1590 = arith.constant 0 : i32
      %dma_start3A_1591 = tpu.memref_slice %arg8[%dma_start3A_1590, %multiple_of3A_1578] : memref<1x1000000xf32, #tpu.memory_space<hbm>> -> memref<1x128xf32, #tpu.memory_space<hbm>>
      %dma_start3A_1592 = arith.constant 0 : i32
      %dma_start3A_1593 = tpu.memref_slice %arg8[%dma_start3A_1592, %multiple_of3A_1578] : memref<1x1000000xf32, #tpu.memory_space<hbm>> -> memref<1x128xf32, #tpu.memory_space<hbm>>
      tpu.enqueue_dma source(%dma_start3A_1593 : memref<1x128xf32, #tpu.memory_space<hbm>>) target(%arg27 : memref<1x128xf32, #tpu.memory_space<vmem>>) target_semaphore(%arg38 : memref<!tpu.dma_semaphore, #tpu.memory_space<semaphore_mem>>)
      %dma_start3A_1594 = arith.constant 0 : i32
      %dma_start3A_1595 = tpu.memref_slice %arg9[%dma_start3A_1594, %multiple_of3A_1581] : memref<1x1000000xf32, #tpu.memory_space<hbm>> -> memref<1x128xf32, #tpu.memory_space<hbm>>
      %dma_start3A_1596 = arith.constant 0 : i32
      %dma_start3A_1597 = tpu.memref_slice %arg9[%dma_start3A_1596, %multiple_of3A_1581] : memref<1x1000000xf32, #tpu.memory_space<hbm>> -> memref<1x128xf32, #tpu.memory_space<hbm>>
      tpu.enqueue_dma source(%dma_start3A_1597 : memref<1x128xf32, #tpu.memory_space<hbm>>) target(%arg31 : memref<1x128xf32, #tpu.memory_space<vmem>>) target_semaphore(%arg38 : memref<!tpu.dma_semaphore, #tpu.memory_space<semaphore_mem>>)
      %dma_wait3A_1598 = arith.constant 0 : i32
      %dma_wait3A_1599 = tpu.memref_slice %arg6[%dma_wait3A_1598, %multiple_of3A_1323] : memref<64x1000000xf32, #tpu.memory_space<hbm>> -> memref<64x128xf32, #tpu.memory_space<hbm>>
      %dma_wait3A_1600 = arith.constant 0 : i32
      %dma_wait3A_1601 = tpu.memref_slice %arg6[%dma_wait3A_1600, %multiple_of3A_1323] : memref<64x1000000xf32, #tpu.memory_space<hbm>> -> memref<64x128xf32, #tpu.memory_space<hbm>>
      tpu.wait_dma2 semaphore(%arg35 : memref<!tpu.dma_semaphore, #tpu.memory_space<semaphore_mem>>) src(%dma_wait3A_1601 : memref<64x128xf32, #tpu.memory_space<hbm>>) dst(%arg13 : memref<64x128xf32, #tpu.memory_space<vmem>>)
      %dma_wait3A_1602 = arith.constant 0 : i32
      %dma_wait3A_1603 = tpu.memref_slice %arg7[%dma_wait3A_1602, %multiple_of3A_1326] : memref<64x1000000xf32, #tpu.memory_space<hbm>> -> memref<64x128xf32, #tpu.memory_space<hbm>>
      %dma_wait3A_1604 = arith.constant 0 : i32
      %dma_wait3A_1605 = tpu.memref_slice %arg7[%dma_wait3A_1604, %multiple_of3A_1326] : memref<64x1000000xf32, #tpu.memory_space<hbm>> -> memref<64x128xf32, #tpu.memory_space<hbm>>
      tpu.wait_dma2 semaphore(%arg35 : memref<!tpu.dma_semaphore, #tpu.memory_space<semaphore_mem>>) src(%dma_wait3A_1605 : memref<64x128xf32, #tpu.memory_space<hbm>>) dst(%arg17 : memref<64x128xf32, #tpu.memory_space<vmem>>)
      %dma_wait3A_1606 = arith.constant 0 : i32
      %dma_wait3A_1607 = tpu.memref_slice %arg8[%dma_wait3A_1606, %multiple_of3A_1323] : memref<1x1000000xf32, #tpu.memory_space<hbm>> -> memref<1x128xf32, #tpu.memory_space<hbm>>
      %dma_wait3A_1608 = arith.constant 0 : i32
      %dma_wait3A_1609 = tpu.memref_slice %arg8[%dma_wait3A_1608, %multiple_of3A_1323] : memref<1x1000000xf32, #tpu.memory_space<hbm>> -> memref<1x128xf32, #tpu.memory_space<hbm>>
      tpu.wait_dma2 semaphore(%arg35 : memref<!tpu.dma_semaphore, #tpu.memory_space<semaphore_mem>>) src(%dma_wait3A_1609 : memref<1x128xf32, #tpu.memory_space<hbm>>) dst(%arg24 : memref<1x128xf32, #tpu.memory_space<vmem>>)
      %dma_wait3A_1610 = arith.constant 0 : i32
      %dma_wait3A_1611 = tpu.memref_slice %arg9[%dma_wait3A_1610, %multiple_of3A_1326] : memref<1x1000000xf32, #tpu.memory_space<hbm>> -> memref<1x128xf32, #tpu.memory_space<hbm>>
      %dma_wait3A_1612 = arith.constant 0 : i32
      %dma_wait3A_1613 = tpu.memref_slice %arg9[%dma_wait3A_1612, %multiple_of3A_1326] : memref<1x1000000xf32, #tpu.memory_space<hbm>> -> memref<1x128xf32, #tpu.memory_space<hbm>>
      tpu.wait_dma2 semaphore(%arg35 : memref<!tpu.dma_semaphore, #tpu.memory_space<semaphore_mem>>) src(%dma_wait3A_1613 : memref<1x128xf32, #tpu.memory_space<hbm>>) dst(%arg28 : memref<1x128xf32, #tpu.memory_space<vmem>>)
      %slice3A_1614 = vector.extract_strided_slice %get3A_1156 {offsets = [4], sizes = [1], strides = [1]} : vector<16xi32> to vector<1xi32>
      %squeeze3A_1615 = vector.extract %slice3A_1614[0] : i32 from vector<1xi32>
      %slice3A_1616 = vector.extract_strided_slice %get3A_1158 {offsets = [4], sizes = [1], strides = [1]} : vector<16xi32> to vector<1xi32>
      %squeeze3A_1617 = vector.extract %slice3A_1616[0] : i32 from vector<1xi32>
      %and3A_1618 = arith.constant 127 : i32
      %and3A_1619 = arith.andi %squeeze3A_1615, %and3A_1618 : i32
      %broadcast_in_dim3A_1620 = vector.broadcast %and3A_1619 : i32 to vector<16xi32>
      %and3A_1621 = arith.constant 127 : i32
      %and3A_1622 = arith.andi %squeeze3A_1617, %and3A_1621 : i32
      %broadcast_in_dim3A_1623 = vector.broadcast %and3A_1622 : i32 to vector<16xi32>
      %add3A_1624 = arith.constant 4 : i32
      %add3A_1625 = arith.addi %mul3A_1154, %add3A_1624 : i32
      %broadcast_in_dim3A_1626 = vector.broadcast %add3A_1625 : i32 to vector<16xi32>
      %add3A_1627 = arith.constant 0 : i32
      %add3A_1628 = vector.broadcast %add3A_1627 : i32 to vector<16xi32>
      %add3A_1629 = arith.addi %add3A_1628, %iota3A : vector<16xi32>
      %gather3A_1630 = tpu.vector_load_idx %arg13[%add3A_1629, %broadcast_in_dim3A_1620] : memref<64x128xf32, #tpu.memory_space<vmem>>[vector<16xi32>, vector<16xi32>], vector<16xf32>,
      %gather3A_1631 = tpu.vector_load_idx %arg17[%add3A_1629, %broadcast_in_dim3A_1623] : memref<64x128xf32, #tpu.memory_space<vmem>>[vector<16xi32>, vector<16xi32>], vector<16xf32>,
      %mul3A_1632 = arith.mulf %gather3A_1630, %gather3A_1631 : vector<16xf32>
      %add3A_1633 = arith.addf %broadcast_in_dim3A_3, %mul3A_1632 : vector<16xf32>
      %add3A_1634 = arith.constant 16 : i32
      %add3A_1635 = vector.broadcast %add3A_1634 : i32 to vector<16xi32>
      %add3A_1636 = arith.addi %add3A_1635, %iota3A : vector<16xi32>
      %gather3A_1637 = tpu.vector_load_idx %arg13[%add3A_1636, %broadcast_in_dim3A_1620] : memref<64x128xf32, #tpu.memory_space<vmem>>[vector<16xi32>, vector<16xi32>], vector<16xf32>,
      %gather3A_1638 = tpu.vector_load_idx %arg17[%add3A_1636, %broadcast_in_dim3A_1623] : memref<64x128xf32, #tpu.memory_space<vmem>>[vector<16xi32>, vector<16xi32>], vector<16xf32>,
      %mul3A_1639 = arith.mulf %gather3A_1637, %gather3A_1638 : vector<16xf32>
      %add3A_1640 = arith.addf %add3A_1633, %mul3A_1639 : vector<16xf32>
      %add3A_1641 = arith.constant 32 : i32
      %add3A_1642 = vector.broadcast %add3A_1641 : i32 to vector<16xi32>
      %add3A_1643 = arith.addi %add3A_1642, %iota3A : vector<16xi32>
      %gather3A_1644 = tpu.vector_load_idx %arg13[%add3A_1643, %broadcast_in_dim3A_1620] : memref<64x128xf32, #tpu.memory_space<vmem>>[vector<16xi32>, vector<16xi32>], vector<16xf32>,
      %gather3A_1645 = tpu.vector_load_idx %arg17[%add3A_1643, %broadcast_in_dim3A_1623] : memref<64x128xf32, #tpu.memory_space<vmem>>[vector<16xi32>, vector<16xi32>], vector<16xf32>,
      %mul3A_1646 = arith.mulf %gather3A_1644, %gather3A_1645 : vector<16xf32>
      %add3A_1647 = arith.addf %add3A_1640, %mul3A_1646 : vector<16xf32>
      %add3A_1648 = arith.constant 48 : i32
      %add3A_1649 = vector.broadcast %add3A_1648 : i32 to vector<16xi32>
      %add3A_1650 = arith.addi %add3A_1649, %iota3A : vector<16xi32>
      %gather3A_1651 = tpu.vector_load_idx %arg13[%add3A_1650, %broadcast_in_dim3A_1620] : memref<64x128xf32, #tpu.memory_space<vmem>>[vector<16xi32>, vector<16xi32>], vector<16xf32>,
      %gather3A_1652 = tpu.vector_load_idx %arg17[%add3A_1650, %broadcast_in_dim3A_1623] : memref<64x128xf32, #tpu.memory_space<vmem>>[vector<16xi32>, vector<16xi32>], vector<16xf32>,
      %mul3A_1653 = arith.mulf %gather3A_1651, %gather3A_1652 : vector<16xf32>
      %add3A_1654 = arith.addf %add3A_1647, %mul3A_1653 : vector<16xf32>
      tpu.vector_store_idx %arg21[%iota3A, %broadcast_in_dim3A_1626], %add3A_1654 : memref<16x128xf32, #tpu.memory_space<vmem>>[vector<16xi32>, vector<16xi32>], vector<16xf32>,
      %gather3A_1655 = tpu.vector_load_idx %arg24[%broadcast_in_dim3A_5, %broadcast_in_dim3A_1620] : memref<1x128xf32, #tpu.memory_space<vmem>>[vector<16xi32>, vector<16xi32>], vector<16xf32>,
      tpu.vector_store_idx %arg32[%broadcast_in_dim3A_5, %broadcast_in_dim3A_1626], %gather3A_1655 masked %eq3A_7 : memref<1x128xf32, #tpu.memory_space<vmem>>[vector<16xi32>, vector<16xi32>], vector<16xf32>, vector<16xi1>
      %gather3A_1656 = tpu.vector_load_idx %arg28[%broadcast_in_dim3A_5, %broadcast_in_dim3A_1623] : memref<1x128xf32, #tpu.memory_space<vmem>>[vector<16xi32>, vector<16xi32>], vector<16xf32>,
      tpu.vector_store_idx %arg33[%broadcast_in_dim3A_5, %broadcast_in_dim3A_1626], %gather3A_1656 masked %eq3A_7 : memref<1x128xf32, #tpu.memory_space<vmem>>[vector<16xi32>, vector<16xi32>], vector<16xf32>, vector<16xi1>
      %slice3A_1657 = vector.extract_strided_slice %get3A_1156 {offsets = [8], sizes = [1], strides = [1]} : vector<16xi32> to vector<1xi32>
      %squeeze3A_1658 = vector.extract %slice3A_1657[0] : i32 from vector<1xi32>
      %slice3A_1659 = vector.extract_strided_slice %get3A_1158 {offsets = [8], sizes = [1], strides = [1]} : vector<16xi32> to vector<1xi32>
      %squeeze3A_1660 = vector.extract %slice3A_1659[0] : i32 from vector<1xi32>
      %and3A_1661 = arith.constant -128 : i32
      %and3A_1662 = arith.andi %squeeze3A_1658, %and3A_1661 : i32
      %multiple_of3A_1663 = tpu.assume_multiple %and3A_1662, 128 : i32
      %and3A_1664 = arith.constant -128 : i32
      %and3A_1665 = arith.andi %squeeze3A_1660, %and3A_1664 : i32
      %multiple_of3A_1666 = tpu.assume_multiple %and3A_1665, 128 : i32
      %dma_start3A_1667 = arith.constant 0 : i32
      %dma_start3A_1668 = tpu.memref_slice %arg6[%dma_start3A_1667, %multiple_of3A_1663] : memref<64x1000000xf32, #tpu.memory_space<hbm>> -> memref<64x128xf32, #tpu.memory_space<hbm>>
      %dma_start3A_1669 = arith.constant 0 : i32
      %dma_start3A_1670 = tpu.memref_slice %arg6[%dma_start3A_1669, %multiple_of3A_1663] : memref<64x1000000xf32, #tpu.memory_space<hbm>> -> memref<64x128xf32, #tpu.memory_space<hbm>>
      tpu.enqueue_dma source(%dma_start3A_1670 : memref<64x128xf32, #tpu.memory_space<hbm>>) target(%arg13 : memref<64x128xf32, #tpu.memory_space<vmem>>) target_semaphore(%arg35 : memref<!tpu.dma_semaphore, #tpu.memory_space<semaphore_mem>>)
      %dma_start3A_1671 = arith.constant 0 : i32
      %dma_start3A_1672 = tpu.memref_slice %arg7[%dma_start3A_1671, %multiple_of3A_1666] : memref<64x1000000xf32, #tpu.memory_space<hbm>> -> memref<64x128xf32, #tpu.memory_space<hbm>>
      %dma_start3A_1673 = arith.constant 0 : i32
      %dma_start3A_1674 = tpu.memref_slice %arg7[%dma_start3A_1673, %multiple_of3A_1666] : memref<64x1000000xf32, #tpu.memory_space<hbm>> -> memref<64x128xf32, #tpu.memory_space<hbm>>
      tpu.enqueue_dma source(%dma_start3A_1674 : memref<64x128xf32, #tpu.memory_space<hbm>>) target(%arg17 : memref<64x128xf32, #tpu.memory_space<vmem>>) target_semaphore(%arg35 : memref<!tpu.dma_semaphore, #tpu.memory_space<semaphore_mem>>)
      %dma_start3A_1675 = arith.constant 0 : i32
      %dma_start3A_1676 = tpu.memref_slice %arg8[%dma_start3A_1675, %multiple_of3A_1663] : memref<1x1000000xf32, #tpu.memory_space<hbm>> -> memref<1x128xf32, #tpu.memory_space<hbm>>
      %dma_start3A_1677 = arith.constant 0 : i32
      %dma_start3A_1678 = tpu.memref_slice %arg8[%dma_start3A_1677, %multiple_of3A_1663] : memref<1x1000000xf32, #tpu.memory_space<hbm>> -> memref<1x128xf32, #tpu.memory_space<hbm>>
      tpu.enqueue_dma source(%dma_start3A_1678 : memref<1x128xf32, #tpu.memory_space<hbm>>) target(%arg24 : memref<1x128xf32, #tpu.memory_space<vmem>>) target_semaphore(%arg35 : memref<!tpu.dma_semaphore, #tpu.memory_space<semaphore_mem>>)
      %dma_start3A_1679 = arith.constant 0 : i32
      %dma_start3A_1680 = tpu.memref_slice %arg9[%dma_start3A_1679, %multiple_of3A_1666] : memref<1x1000000xf32, #tpu.memory_space<hbm>> -> memref<1x128xf32, #tpu.memory_space<hbm>>
      %dma_start3A_1681 = arith.constant 0 : i32
      %dma_start3A_1682 = tpu.memref_slice %arg9[%dma_start3A_1681, %multiple_of3A_1666] : memref<1x1000000xf32, #tpu.memory_space<hbm>> -> memref<1x128xf32, #tpu.memory_space<hbm>>
      tpu.enqueue_dma source(%dma_start3A_1682 : memref<1x128xf32, #tpu.memory_space<hbm>>) target(%arg28 : memref<1x128xf32, #tpu.memory_space<vmem>>) target_semaphore(%arg35 : memref<!tpu.dma_semaphore, #tpu.memory_space<semaphore_mem>>)
      %dma_wait3A_1683 = arith.constant 0 : i32
      %dma_wait3A_1684 = tpu.memref_slice %arg6[%dma_wait3A_1683, %multiple_of3A_1408] : memref<64x1000000xf32, #tpu.memory_space<hbm>> -> memref<64x128xf32, #tpu.memory_space<hbm>>
      %dma_wait3A_1685 = arith.constant 0 : i32
      %dma_wait3A_1686 = tpu.memref_slice %arg6[%dma_wait3A_1685, %multiple_of3A_1408] : memref<64x1000000xf32, #tpu.memory_space<hbm>> -> memref<64x128xf32, #tpu.memory_space<hbm>>
      tpu.wait_dma2 semaphore(%arg36 : memref<!tpu.dma_semaphore, #tpu.memory_space<semaphore_mem>>) src(%dma_wait3A_1686 : memref<64x128xf32, #tpu.memory_space<hbm>>) dst(%arg14 : memref<64x128xf32, #tpu.memory_space<vmem>>)
      %dma_wait3A_1687 = arith.constant 0 : i32
      %dma_wait3A_1688 = tpu.memref_slice %arg7[%dma_wait3A_1687, %multiple_of3A_1411] : memref<64x1000000xf32, #tpu.memory_space<hbm>> -> memref<64x128xf32, #tpu.memory_space<hbm>>
      %dma_wait3A_1689 = arith.constant 0 : i32
      %dma_wait3A_1690 = tpu.memref_slice %arg7[%dma_wait3A_1689, %multiple_of3A_1411] : memref<64x1000000xf32, #tpu.memory_space<hbm>> -> memref<64x128xf32, #tpu.memory_space<hbm>>
      tpu.wait_dma2 semaphore(%arg36 : memref<!tpu.dma_semaphore, #tpu.memory_space<semaphore_mem>>) src(%dma_wait3A_1690 : memref<64x128xf32, #tpu.memory_space<hbm>>) dst(%arg18 : memref<64x128xf32, #tpu.memory_space<vmem>>)
      %dma_wait3A_1691 = arith.constant 0 : i32
      %dma_wait3A_1692 = tpu.memref_slice %arg8[%dma_wait3A_1691, %multiple_of3A_1408] : memref<1x1000000xf32, #tpu.memory_space<hbm>> -> memref<1x128xf32, #tpu.memory_space<hbm>>
      %dma_wait3A_1693 = arith.constant 0 : i32
      %dma_wait3A_1694 = tpu.memref_slice %arg8[%dma_wait3A_1693, %multiple_of3A_1408] : memref<1x1000000xf32, #tpu.memory_space<hbm>> -> memref<1x128xf32, #tpu.memory_space<hbm>>
      tpu.wait_dma2 semaphore(%arg36 : memref<!tpu.dma_semaphore, #tpu.memory_space<semaphore_mem>>) src(%dma_wait3A_1694 : memref<1x128xf32, #tpu.memory_space<hbm>>) dst(%arg25 : memref<1x128xf32, #tpu.memory_space<vmem>>)
      %dma_wait3A_1695 = arith.constant 0 : i32
      %dma_wait3A_1696 = tpu.memref_slice %arg9[%dma_wait3A_1695, %multiple_of3A_1411] : memref<1x1000000xf32, #tpu.memory_space<hbm>> -> memref<1x128xf32, #tpu.memory_space<hbm>>
      %dma_wait3A_1697 = arith.constant 0 : i32
      %dma_wait3A_1698 = tpu.memref_slice %arg9[%dma_wait3A_1697, %multiple_of3A_1411] : memref<1x1000000xf32, #tpu.memory_space<hbm>> -> memref<1x128xf32, #tpu.memory_space<hbm>>
      tpu.wait_dma2 semaphore(%arg36 : memref<!tpu.dma_semaphore, #tpu.memory_space<semaphore_mem>>) src(%dma_wait3A_1698 : memref<1x128xf32, #tpu.memory_space<hbm>>) dst(%arg29 : memref<1x128xf32, #tpu.memory_space<vmem>>)
      %slice3A_1699 = vector.extract_strided_slice %get3A_1156 {offsets = [5], sizes = [1], strides = [1]} : vector<16xi32> to vector<1xi32>
      %squeeze3A_1700 = vector.extract %slice3A_1699[0] : i32 from vector<1xi32>
      %slice3A_1701 = vector.extract_strided_slice %get3A_1158 {offsets = [5], sizes = [1], strides = [1]} : vector<16xi32> to vector<1xi32>
      %squeeze3A_1702 = vector.extract %slice3A_1701[0] : i32 from vector<1xi32>
      %and3A_1703 = arith.constant 127 : i32
      %and3A_1704 = arith.andi %squeeze3A_1700, %and3A_1703 : i32
      %broadcast_in_dim3A_1705 = vector.broadcast %and3A_1704 : i32 to vector<16xi32>
      %and3A_1706 = arith.constant 127 : i32
      %and3A_1707 = arith.andi %squeeze3A_1702, %and3A_1706 : i32
      %broadcast_in_dim3A_1708 = vector.broadcast %and3A_1707 : i32 to vector<16xi32>
      %add3A_1709 = arith.constant 5 : i32
      %add3A_1710 = arith.addi %mul3A_1154, %add3A_1709 : i32
      %broadcast_in_dim3A_1711 = vector.broadcast %add3A_1710 : i32 to vector<16xi32>
      %add3A_1712 = arith.constant 0 : i32
      %add3A_1713 = vector.broadcast %add3A_1712 : i32 to vector<16xi32>
      %add3A_1714 = arith.addi %add3A_1713, %iota3A : vector<16xi32>
      %gather3A_1715 = tpu.vector_load_idx %arg14[%add3A_1714, %broadcast_in_dim3A_1705] : memref<64x128xf32, #tpu.memory_space<vmem>>[vector<16xi32>, vector<16xi32>], vector<16xf32>,
      %gather3A_1716 = tpu.vector_load_idx %arg18[%add3A_1714, %broadcast_in_dim3A_1708] : memref<64x128xf32, #tpu.memory_space<vmem>>[vector<16xi32>, vector<16xi32>], vector<16xf32>,
      %mul3A_1717 = arith.mulf %gather3A_1715, %gather3A_1716 : vector<16xf32>
      %add3A_1718 = arith.addf %broadcast_in_dim3A_3, %mul3A_1717 : vector<16xf32>
      %add3A_1719 = arith.constant 16 : i32
      %add3A_1720 = vector.broadcast %add3A_1719 : i32 to vector<16xi32>
      %add3A_1721 = arith.addi %add3A_1720, %iota3A : vector<16xi32>
      %gather3A_1722 = tpu.vector_load_idx %arg14[%add3A_1721, %broadcast_in_dim3A_1705] : memref<64x128xf32, #tpu.memory_space<vmem>>[vector<16xi32>, vector<16xi32>], vector<16xf32>,
      %gather3A_1723 = tpu.vector_load_idx %arg18[%add3A_1721, %broadcast_in_dim3A_1708] : memref<64x128xf32, #tpu.memory_space<vmem>>[vector<16xi32>, vector<16xi32>], vector<16xf32>,
      %mul3A_1724 = arith.mulf %gather3A_1722, %gather3A_1723 : vector<16xf32>
      %add3A_1725 = arith.addf %add3A_1718, %mul3A_1724 : vector<16xf32>
      %add3A_1726 = arith.constant 32 : i32
      %add3A_1727 = vector.broadcast %add3A_1726 : i32 to vector<16xi32>
      %add3A_1728 = arith.addi %add3A_1727, %iota3A : vector<16xi32>
      %gather3A_1729 = tpu.vector_load_idx %arg14[%add3A_1728, %broadcast_in_dim3A_1705] : memref<64x128xf32, #tpu.memory_space<vmem>>[vector<16xi32>, vector<16xi32>], vector<16xf32>,
      %gather3A_1730 = tpu.vector_load_idx %arg18[%add3A_1728, %broadcast_in_dim3A_1708] : memref<64x128xf32, #tpu.memory_space<vmem>>[vector<16xi32>, vector<16xi32>], vector<16xf32>,
      %mul3A_1731 = arith.mulf %gather3A_1729, %gather3A_1730 : vector<16xf32>
      %add3A_1732 = arith.addf %add3A_1725, %mul3A_1731 : vector<16xf32>
      %add3A_1733 = arith.constant 48 : i32
      %add3A_1734 = vector.broadcast %add3A_1733 : i32 to vector<16xi32>
      %add3A_1735 = arith.addi %add3A_1734, %iota3A : vector<16xi32>
      %gather3A_1736 = tpu.vector_load_idx %arg14[%add3A_1735, %broadcast_in_dim3A_1705] : memref<64x128xf32, #tpu.memory_space<vmem>>[vector<16xi32>, vector<16xi32>], vector<16xf32>,
      %gather3A_1737 = tpu.vector_load_idx %arg18[%add3A_1735, %broadcast_in_dim3A_1708] : memref<64x128xf32, #tpu.memory_space<vmem>>[vector<16xi32>, vector<16xi32>], vector<16xf32>,
      %mul3A_1738 = arith.mulf %gather3A_1736, %gather3A_1737 : vector<16xf32>
      %add3A_1739 = arith.addf %add3A_1732, %mul3A_1738 : vector<16xf32>
      tpu.vector_store_idx %arg21[%iota3A, %broadcast_in_dim3A_1711], %add3A_1739 : memref<16x128xf32, #tpu.memory_space<vmem>>[vector<16xi32>, vector<16xi32>], vector<16xf32>,
      %gather3A_1740 = tpu.vector_load_idx %arg25[%broadcast_in_dim3A_5, %broadcast_in_dim3A_1705] : memref<1x128xf32, #tpu.memory_space<vmem>>[vector<16xi32>, vector<16xi32>], vector<16xf32>,
      tpu.vector_store_idx %arg32[%broadcast_in_dim3A_5, %broadcast_in_dim3A_1711], %gather3A_1740 masked %eq3A_7 : memref<1x128xf32, #tpu.memory_space<vmem>>[vector<16xi32>, vector<16xi32>], vector<16xf32>, vector<16xi1>
      %gather3A_1741 = tpu.vector_load_idx %arg29[%broadcast_in_dim3A_5, %broadcast_in_dim3A_1708] : memref<1x128xf32, #tpu.memory_space<vmem>>[vector<16xi32>, vector<16xi32>], vector<16xf32>,
      tpu.vector_store_idx %arg33[%broadcast_in_dim3A_5, %broadcast_in_dim3A_1711], %gather3A_1741 masked %eq3A_7 : memref<1x128xf32, #tpu.memory_space<vmem>>[vector<16xi32>, vector<16xi32>], vector<16xf32>, vector<16xi1>
      %slice3A_1742 = vector.extract_strided_slice %get3A_1156 {offsets = [9], sizes = [1], strides = [1]} : vector<16xi32> to vector<1xi32>
      %squeeze3A_1743 = vector.extract %slice3A_1742[0] : i32 from vector<1xi32>
      %slice3A_1744 = vector.extract_strided_slice %get3A_1158 {offsets = [9], sizes = [1], strides = [1]} : vector<16xi32> to vector<1xi32>
      %squeeze3A_1745 = vector.extract %slice3A_1744[0] : i32 from vector<1xi32>
      %and3A_1746 = arith.constant -128 : i32
      %and3A_1747 = arith.andi %squeeze3A_1743, %and3A_1746 : i32
      %multiple_of3A_1748 = tpu.assume_multiple %and3A_1747, 128 : i32
      %and3A_1749 = arith.constant -128 : i32
      %and3A_1750 = arith.andi %squeeze3A_1745, %and3A_1749 : i32
      %multiple_of3A_1751 = tpu.assume_multiple %and3A_1750, 128 : i32
      %dma_start3A_1752 = arith.constant 0 : i32
      %dma_start3A_1753 = tpu.memref_slice %arg6[%dma_start3A_1752, %multiple_of3A_1748] : memref<64x1000000xf32, #tpu.memory_space<hbm>> -> memref<64x128xf32, #tpu.memory_space<hbm>>
      %dma_start3A_1754 = arith.constant 0 : i32
      %dma_start3A_1755 = tpu.memref_slice %arg6[%dma_start3A_1754, %multiple_of3A_1748] : memref<64x1000000xf32, #tpu.memory_space<hbm>> -> memref<64x128xf32, #tpu.memory_space<hbm>>
      tpu.enqueue_dma source(%dma_start3A_1755 : memref<64x128xf32, #tpu.memory_space<hbm>>) target(%arg14 : memref<64x128xf32, #tpu.memory_space<vmem>>) target_semaphore(%arg36 : memref<!tpu.dma_semaphore, #tpu.memory_space<semaphore_mem>>)
      %dma_start3A_1756 = arith.constant 0 : i32
      %dma_start3A_1757 = tpu.memref_slice %arg7[%dma_start3A_1756, %multiple_of3A_1751] : memref<64x1000000xf32, #tpu.memory_space<hbm>> -> memref<64x128xf32, #tpu.memory_space<hbm>>
      %dma_start3A_1758 = arith.constant 0 : i32
      %dma_start3A_1759 = tpu.memref_slice %arg7[%dma_start3A_1758, %multiple_of3A_1751] : memref<64x1000000xf32, #tpu.memory_space<hbm>> -> memref<64x128xf32, #tpu.memory_space<hbm>>
      tpu.enqueue_dma source(%dma_start3A_1759 : memref<64x128xf32, #tpu.memory_space<hbm>>) target(%arg18 : memref<64x128xf32, #tpu.memory_space<vmem>>) target_semaphore(%arg36 : memref<!tpu.dma_semaphore, #tpu.memory_space<semaphore_mem>>)
      %dma_start3A_1760 = arith.constant 0 : i32
      %dma_start3A_1761 = tpu.memref_slice %arg8[%dma_start3A_1760, %multiple_of3A_1748] : memref<1x1000000xf32, #tpu.memory_space<hbm>> -> memref<1x128xf32, #tpu.memory_space<hbm>>
      %dma_start3A_1762 = arith.constant 0 : i32
      %dma_start3A_1763 = tpu.memref_slice %arg8[%dma_start3A_1762, %multiple_of3A_1748] : memref<1x1000000xf32, #tpu.memory_space<hbm>> -> memref<1x128xf32, #tpu.memory_space<hbm>>
      tpu.enqueue_dma source(%dma_start3A_1763 : memref<1x128xf32, #tpu.memory_space<hbm>>) target(%arg25 : memref<1x128xf32, #tpu.memory_space<vmem>>) target_semaphore(%arg36 : memref<!tpu.dma_semaphore, #tpu.memory_space<semaphore_mem>>)
      %dma_start3A_1764 = arith.constant 0 : i32
      %dma_start3A_1765 = tpu.memref_slice %arg9[%dma_start3A_1764, %multiple_of3A_1751] : memref<1x1000000xf32, #tpu.memory_space<hbm>> -> memref<1x128xf32, #tpu.memory_space<hbm>>
      %dma_start3A_1766 = arith.constant 0 : i32
      %dma_start3A_1767 = tpu.memref_slice %arg9[%dma_start3A_1766, %multiple_of3A_1751] : memref<1x1000000xf32, #tpu.memory_space<hbm>> -> memref<1x128xf32, #tpu.memory_space<hbm>>
      tpu.enqueue_dma source(%dma_start3A_1767 : memref<1x128xf32, #tpu.memory_space<hbm>>) target(%arg29 : memref<1x128xf32, #tpu.memory_space<vmem>>) target_semaphore(%arg36 : memref<!tpu.dma_semaphore, #tpu.memory_space<semaphore_mem>>)
      %dma_wait3A_1768 = arith.constant 0 : i32
      %dma_wait3A_1769 = tpu.memref_slice %arg6[%dma_wait3A_1768, %multiple_of3A_1493] : memref<64x1000000xf32, #tpu.memory_space<hbm>> -> memref<64x128xf32, #tpu.memory_space<hbm>>
      %dma_wait3A_1770 = arith.constant 0 : i32
      %dma_wait3A_1771 = tpu.memref_slice %arg6[%dma_wait3A_1770, %multiple_of3A_1493] : memref<64x1000000xf32, #tpu.memory_space<hbm>> -> memref<64x128xf32, #tpu.memory_space<hbm>>
      tpu.wait_dma2 semaphore(%arg37 : memref<!tpu.dma_semaphore, #tpu.memory_space<semaphore_mem>>) src(%dma_wait3A_1771 : memref<64x128xf32, #tpu.memory_space<hbm>>) dst(%arg15 : memref<64x128xf32, #tpu.memory_space<vmem>>)
      %dma_wait3A_1772 = arith.constant 0 : i32
      %dma_wait3A_1773 = tpu.memref_slice %arg7[%dma_wait3A_1772, %multiple_of3A_1496] : memref<64x1000000xf32, #tpu.memory_space<hbm>> -> memref<64x128xf32, #tpu.memory_space<hbm>>
      %dma_wait3A_1774 = arith.constant 0 : i32
      %dma_wait3A_1775 = tpu.memref_slice %arg7[%dma_wait3A_1774, %multiple_of3A_1496] : memref<64x1000000xf32, #tpu.memory_space<hbm>> -> memref<64x128xf32, #tpu.memory_space<hbm>>
      tpu.wait_dma2 semaphore(%arg37 : memref<!tpu.dma_semaphore, #tpu.memory_space<semaphore_mem>>) src(%dma_wait3A_1775 : memref<64x128xf32, #tpu.memory_space<hbm>>) dst(%arg19 : memref<64x128xf32, #tpu.memory_space<vmem>>)
      %dma_wait3A_1776 = arith.constant 0 : i32
      %dma_wait3A_1777 = tpu.memref_slice %arg8[%dma_wait3A_1776, %multiple_of3A_1493] : memref<1x1000000xf32, #tpu.memory_space<hbm>> -> memref<1x128xf32, #tpu.memory_space<hbm>>
      %dma_wait3A_1778 = arith.constant 0 : i32
      %dma_wait3A_1779 = tpu.memref_slice %arg8[%dma_wait3A_1778, %multiple_of3A_1493] : memref<1x1000000xf32, #tpu.memory_space<hbm>> -> memref<1x128xf32, #tpu.memory_space<hbm>>
      tpu.wait_dma2 semaphore(%arg37 : memref<!tpu.dma_semaphore, #tpu.memory_space<semaphore_mem>>) src(%dma_wait3A_1779 : memref<1x128xf32, #tpu.memory_space<hbm>>) dst(%arg26 : memref<1x128xf32, #tpu.memory_space<vmem>>)
      %dma_wait3A_1780 = arith.constant 0 : i32
      %dma_wait3A_1781 = tpu.memref_slice %arg9[%dma_wait3A_1780, %multiple_of3A_1496] : memref<1x1000000xf32, #tpu.memory_space<hbm>> -> memref<1x128xf32, #tpu.memory_space<hbm>>
      %dma_wait3A_1782 = arith.constant 0 : i32
      %dma_wait3A_1783 = tpu.memref_slice %arg9[%dma_wait3A_1782, %multiple_of3A_1496] : memref<1x1000000xf32, #tpu.memory_space<hbm>> -> memref<1x128xf32, #tpu.memory_space<hbm>>
      tpu.wait_dma2 semaphore(%arg37 : memref<!tpu.dma_semaphore, #tpu.memory_space<semaphore_mem>>) src(%dma_wait3A_1783 : memref<1x128xf32, #tpu.memory_space<hbm>>) dst(%arg30 : memref<1x128xf32, #tpu.memory_space<vmem>>)
      %slice3A_1784 = vector.extract_strided_slice %get3A_1156 {offsets = [6], sizes = [1], strides = [1]} : vector<16xi32> to vector<1xi32>
      %squeeze3A_1785 = vector.extract %slice3A_1784[0] : i32 from vector<1xi32>
      %slice3A_1786 = vector.extract_strided_slice %get3A_1158 {offsets = [6], sizes = [1], strides = [1]} : vector<16xi32> to vector<1xi32>
      %squeeze3A_1787 = vector.extract %slice3A_1786[0] : i32 from vector<1xi32>
      %and3A_1788 = arith.constant 127 : i32
      %and3A_1789 = arith.andi %squeeze3A_1785, %and3A_1788 : i32
      %broadcast_in_dim3A_1790 = vector.broadcast %and3A_1789 : i32 to vector<16xi32>
      %and3A_1791 = arith.constant 127 : i32
      %and3A_1792 = arith.andi %squeeze3A_1787, %and3A_1791 : i32
      %broadcast_in_dim3A_1793 = vector.broadcast %and3A_1792 : i32 to vector<16xi32>
      %add3A_1794 = arith.constant 6 : i32
      %add3A_1795 = arith.addi %mul3A_1154, %add3A_1794 : i32
      %broadcast_in_dim3A_1796 = vector.broadcast %add3A_1795 : i32 to vector<16xi32>
      %add3A_1797 = arith.constant 0 : i32
      %add3A_1798 = vector.broadcast %add3A_1797 : i32 to vector<16xi32>
      %add3A_1799 = arith.addi %add3A_1798, %iota3A : vector<16xi32>
      %gather3A_1800 = tpu.vector_load_idx %arg15[%add3A_1799, %broadcast_in_dim3A_1790] : memref<64x128xf32, #tpu.memory_space<vmem>>[vector<16xi32>, vector<16xi32>], vector<16xf32>,
      %gather3A_1801 = tpu.vector_load_idx %arg19[%add3A_1799, %broadcast_in_dim3A_1793] : memref<64x128xf32, #tpu.memory_space<vmem>>[vector<16xi32>, vector<16xi32>], vector<16xf32>,
      %mul3A_1802 = arith.mulf %gather3A_1800, %gather3A_1801 : vector<16xf32>
      %add3A_1803 = arith.addf %broadcast_in_dim3A_3, %mul3A_1802 : vector<16xf32>
      %add3A_1804 = arith.constant 16 : i32
      %add3A_1805 = vector.broadcast %add3A_1804 : i32 to vector<16xi32>
      %add3A_1806 = arith.addi %add3A_1805, %iota3A : vector<16xi32>
      %gather3A_1807 = tpu.vector_load_idx %arg15[%add3A_1806, %broadcast_in_dim3A_1790] : memref<64x128xf32, #tpu.memory_space<vmem>>[vector<16xi32>, vector<16xi32>], vector<16xf32>,
      %gather3A_1808 = tpu.vector_load_idx %arg19[%add3A_1806, %broadcast_in_dim3A_1793] : memref<64x128xf32, #tpu.memory_space<vmem>>[vector<16xi32>, vector<16xi32>], vector<16xf32>,
      %mul3A_1809 = arith.mulf %gather3A_1807, %gather3A_1808 : vector<16xf32>
      %add3A_1810 = arith.addf %add3A_1803, %mul3A_1809 : vector<16xf32>
      %add3A_1811 = arith.constant 32 : i32
      %add3A_1812 = vector.broadcast %add3A_1811 : i32 to vector<16xi32>
      %add3A_1813 = arith.addi %add3A_1812, %iota3A : vector<16xi32>
      %gather3A_1814 = tpu.vector_load_idx %arg15[%add3A_1813, %broadcast_in_dim3A_1790] : memref<64x128xf32, #tpu.memory_space<vmem>>[vector<16xi32>, vector<16xi32>], vector<16xf32>,
      %gather3A_1815 = tpu.vector_load_idx %arg19[%add3A_1813, %broadcast_in_dim3A_1793] : memref<64x128xf32, #tpu.memory_space<vmem>>[vector<16xi32>, vector<16xi32>], vector<16xf32>,
      %mul3A_1816 = arith.mulf %gather3A_1814, %gather3A_1815 : vector<16xf32>
      %add3A_1817 = arith.addf %add3A_1810, %mul3A_1816 : vector<16xf32>
      %add3A_1818 = arith.constant 48 : i32
      %add3A_1819 = vector.broadcast %add3A_1818 : i32 to vector<16xi32>
      %add3A_1820 = arith.addi %add3A_1819, %iota3A : vector<16xi32>
      %gather3A_1821 = tpu.vector_load_idx %arg15[%add3A_1820, %broadcast_in_dim3A_1790] : memref<64x128xf32, #tpu.memory_space<vmem>>[vector<16xi32>, vector<16xi32>], vector<16xf32>,
      %gather3A_1822 = tpu.vector_load_idx %arg19[%add3A_1820, %broadcast_in_dim3A_1793] : memref<64x128xf32, #tpu.memory_space<vmem>>[vector<16xi32>, vector<16xi32>], vector<16xf32>,
      %mul3A_1823 = arith.mulf %gather3A_1821, %gather3A_1822 : vector<16xf32>
      %add3A_1824 = arith.addf %add3A_1817, %mul3A_1823 : vector<16xf32>
      tpu.vector_store_idx %arg21[%iota3A, %broadcast_in_dim3A_1796], %add3A_1824 : memref<16x128xf32, #tpu.memory_space<vmem>>[vector<16xi32>, vector<16xi32>], vector<16xf32>,
      %gather3A_1825 = tpu.vector_load_idx %arg26[%broadcast_in_dim3A_5, %broadcast_in_dim3A_1790] : memref<1x128xf32, #tpu.memory_space<vmem>>[vector<16xi32>, vector<16xi32>], vector<16xf32>,
      tpu.vector_store_idx %arg32[%broadcast_in_dim3A_5, %broadcast_in_dim3A_1796], %gather3A_1825 masked %eq3A_7 : memref<1x128xf32, #tpu.memory_space<vmem>>[vector<16xi32>, vector<16xi32>], vector<16xf32>, vector<16xi1>
      %gather3A_1826 = tpu.vector_load_idx %arg30[%broadcast_in_dim3A_5, %broadcast_in_dim3A_1793] : memref<1x128xf32, #tpu.memory_space<vmem>>[vector<16xi32>, vector<16xi32>], vector<16xf32>,
      tpu.vector_store_idx %arg33[%broadcast_in_dim3A_5, %broadcast_in_dim3A_1796], %gather3A_1826 masked %eq3A_7 : memref<1x128xf32, #tpu.memory_space<vmem>>[vector<16xi32>, vector<16xi32>], vector<16xf32>, vector<16xi1>
      %slice3A_1827 = vector.extract_strided_slice %get3A_1156 {offsets = [10], sizes = [1], strides = [1]} : vector<16xi32> to vector<1xi32>
      %squeeze3A_1828 = vector.extract %slice3A_1827[0] : i32 from vector<1xi32>
      %slice3A_1829 = vector.extract_strided_slice %get3A_1158 {offsets = [10], sizes = [1], strides = [1]} : vector<16xi32> to vector<1xi32>
      %squeeze3A_1830 = vector.extract %slice3A_1829[0] : i32 from vector<1xi32>
      %and3A_1831 = arith.constant -128 : i32
      %and3A_1832 = arith.andi %squeeze3A_1828, %and3A_1831 : i32
      %multiple_of3A_1833 = tpu.assume_multiple %and3A_1832, 128 : i32
      %and3A_1834 = arith.constant -128 : i32
      %and3A_1835 = arith.andi %squeeze3A_1830, %and3A_1834 : i32
      %multiple_of3A_1836 = tpu.assume_multiple %and3A_1835, 128 : i32
      %dma_start3A_1837 = arith.constant 0 : i32
      %dma_start3A_1838 = tpu.memref_slice %arg6[%dma_start3A_1837, %multiple_of3A_1833] : memref<64x1000000xf32, #tpu.memory_space<hbm>> -> memref<64x128xf32, #tpu.memory_space<hbm>>
      %dma_start3A_1839 = arith.constant 0 : i32
      %dma_start3A_1840 = tpu.memref_slice %arg6[%dma_start3A_1839, %multiple_of3A_1833] : memref<64x1000000xf32, #tpu.memory_space<hbm>> -> memref<64x128xf32, #tpu.memory_space<hbm>>
      tpu.enqueue_dma source(%dma_start3A_1840 : memref<64x128xf32, #tpu.memory_space<hbm>>) target(%arg15 : memref<64x128xf32, #tpu.memory_space<vmem>>) target_semaphore(%arg37 : memref<!tpu.dma_semaphore, #tpu.memory_space<semaphore_mem>>)
      %dma_start3A_1841 = arith.constant 0 : i32
      %dma_start3A_1842 = tpu.memref_slice %arg7[%dma_start3A_1841, %multiple_of3A_1836] : memref<64x1000000xf32, #tpu.memory_space<hbm>> -> memref<64x128xf32, #tpu.memory_space<hbm>>
      %dma_start3A_1843 = arith.constant 0 : i32
      %dma_start3A_1844 = tpu.memref_slice %arg7[%dma_start3A_1843, %multiple_of3A_1836] : memref<64x1000000xf32, #tpu.memory_space<hbm>> -> memref<64x128xf32, #tpu.memory_space<hbm>>
      tpu.enqueue_dma source(%dma_start3A_1844 : memref<64x128xf32, #tpu.memory_space<hbm>>) target(%arg19 : memref<64x128xf32, #tpu.memory_space<vmem>>) target_semaphore(%arg37 : memref<!tpu.dma_semaphore, #tpu.memory_space<semaphore_mem>>)
      %dma_start3A_1845 = arith.constant 0 : i32
      %dma_start3A_1846 = tpu.memref_slice %arg8[%dma_start3A_1845, %multiple_of3A_1833] : memref<1x1000000xf32, #tpu.memory_space<hbm>> -> memref<1x128xf32, #tpu.memory_space<hbm>>
      %dma_start3A_1847 = arith.constant 0 : i32
      %dma_start3A_1848 = tpu.memref_slice %arg8[%dma_start3A_1847, %multiple_of3A_1833] : memref<1x1000000xf32, #tpu.memory_space<hbm>> -> memref<1x128xf32, #tpu.memory_space<hbm>>
      tpu.enqueue_dma source(%dma_start3A_1848 : memref<1x128xf32, #tpu.memory_space<hbm>>) target(%arg26 : memref<1x128xf32, #tpu.memory_space<vmem>>) target_semaphore(%arg37 : memref<!tpu.dma_semaphore, #tpu.memory_space<semaphore_mem>>)
      %dma_start3A_1849 = arith.constant 0 : i32
      %dma_start3A_1850 = tpu.memref_slice %arg9[%dma_start3A_1849, %multiple_of3A_1836] : memref<1x1000000xf32, #tpu.memory_space<hbm>> -> memref<1x128xf32, #tpu.memory_space<hbm>>
      %dma_start3A_1851 = arith.constant 0 : i32
      %dma_start3A_1852 = tpu.memref_slice %arg9[%dma_start3A_1851, %multiple_of3A_1836] : memref<1x1000000xf32, #tpu.memory_space<hbm>> -> memref<1x128xf32, #tpu.memory_space<hbm>>
      tpu.enqueue_dma source(%dma_start3A_1852 : memref<1x128xf32, #tpu.memory_space<hbm>>) target(%arg30 : memref<1x128xf32, #tpu.memory_space<vmem>>) target_semaphore(%arg37 : memref<!tpu.dma_semaphore, #tpu.memory_space<semaphore_mem>>)
      %dma_wait3A_1853 = arith.constant 0 : i32
      %dma_wait3A_1854 = tpu.memref_slice %arg6[%dma_wait3A_1853, %multiple_of3A_1578] : memref<64x1000000xf32, #tpu.memory_space<hbm>> -> memref<64x128xf32, #tpu.memory_space<hbm>>
      %dma_wait3A_1855 = arith.constant 0 : i32
      %dma_wait3A_1856 = tpu.memref_slice %arg6[%dma_wait3A_1855, %multiple_of3A_1578] : memref<64x1000000xf32, #tpu.memory_space<hbm>> -> memref<64x128xf32, #tpu.memory_space<hbm>>
      tpu.wait_dma2 semaphore(%arg38 : memref<!tpu.dma_semaphore, #tpu.memory_space<semaphore_mem>>) src(%dma_wait3A_1856 : memref<64x128xf32, #tpu.memory_space<hbm>>) dst(%arg16 : memref<64x128xf32, #tpu.memory_space<vmem>>)
      %dma_wait3A_1857 = arith.constant 0 : i32
      %dma_wait3A_1858 = tpu.memref_slice %arg7[%dma_wait3A_1857, %multiple_of3A_1581] : memref<64x1000000xf32, #tpu.memory_space<hbm>> -> memref<64x128xf32, #tpu.memory_space<hbm>>
      %dma_wait3A_1859 = arith.constant 0 : i32
      %dma_wait3A_1860 = tpu.memref_slice %arg7[%dma_wait3A_1859, %multiple_of3A_1581] : memref<64x1000000xf32, #tpu.memory_space<hbm>> -> memref<64x128xf32, #tpu.memory_space<hbm>>
      tpu.wait_dma2 semaphore(%arg38 : memref<!tpu.dma_semaphore, #tpu.memory_space<semaphore_mem>>) src(%dma_wait3A_1860 : memref<64x128xf32, #tpu.memory_space<hbm>>) dst(%arg20 : memref<64x128xf32, #tpu.memory_space<vmem>>)
      %dma_wait3A_1861 = arith.constant 0 : i32
      %dma_wait3A_1862 = tpu.memref_slice %arg8[%dma_wait3A_1861, %multiple_of3A_1578] : memref<1x1000000xf32, #tpu.memory_space<hbm>> -> memref<1x128xf32, #tpu.memory_space<hbm>>
      %dma_wait3A_1863 = arith.constant 0 : i32
      %dma_wait3A_1864 = tpu.memref_slice %arg8[%dma_wait3A_1863, %multiple_of3A_1578] : memref<1x1000000xf32, #tpu.memory_space<hbm>> -> memref<1x128xf32, #tpu.memory_space<hbm>>
      tpu.wait_dma2 semaphore(%arg38 : memref<!tpu.dma_semaphore, #tpu.memory_space<semaphore_mem>>) src(%dma_wait3A_1864 : memref<1x128xf32, #tpu.memory_space<hbm>>) dst(%arg27 : memref<1x128xf32, #tpu.memory_space<vmem>>)
      %dma_wait3A_1865 = arith.constant 0 : i32
      %dma_wait3A_1866 = tpu.memref_slice %arg9[%dma_wait3A_1865, %multiple_of3A_1581] : memref<1x1000000xf32, #tpu.memory_space<hbm>> -> memref<1x128xf32, #tpu.memory_space<hbm>>
      %dma_wait3A_1867 = arith.constant 0 : i32
      %dma_wait3A_1868 = tpu.memref_slice %arg9[%dma_wait3A_1867, %multiple_of3A_1581] : memref<1x1000000xf32, #tpu.memory_space<hbm>> -> memref<1x128xf32, #tpu.memory_space<hbm>>
      tpu.wait_dma2 semaphore(%arg38 : memref<!tpu.dma_semaphore, #tpu.memory_space<semaphore_mem>>) src(%dma_wait3A_1868 : memref<1x128xf32, #tpu.memory_space<hbm>>) dst(%arg31 : memref<1x128xf32, #tpu.memory_space<vmem>>)
      %slice3A_1869 = vector.extract_strided_slice %get3A_1156 {offsets = [7], sizes = [1], strides = [1]} : vector<16xi32> to vector<1xi32>
      %squeeze3A_1870 = vector.extract %slice3A_1869[0] : i32 from vector<1xi32>
      %slice3A_1871 = vector.extract_strided_slice %get3A_1158 {offsets = [7], sizes = [1], strides = [1]} : vector<16xi32> to vector<1xi32>
      %squeeze3A_1872 = vector.extract %slice3A_1871[0] : i32 from vector<1xi32>
      %and3A_1873 = arith.constant 127 : i32
      %and3A_1874 = arith.andi %squeeze3A_1870, %and3A_1873 : i32
      %broadcast_in_dim3A_1875 = vector.broadcast %and3A_1874 : i32 to vector<16xi32>
      %and3A_1876 = arith.constant 127 : i32
      %and3A_1877 = arith.andi %squeeze3A_1872, %and3A_1876 : i32
      %broadcast_in_dim3A_1878 = vector.broadcast %and3A_1877 : i32 to vector<16xi32>
      %add3A_1879 = arith.constant 7 : i32
      %add3A_1880 = arith.addi %mul3A_1154, %add3A_1879 : i32
      %broadcast_in_dim3A_1881 = vector.broadcast %add3A_1880 : i32 to vector<16xi32>
      %add3A_1882 = arith.constant 0 : i32
      %add3A_1883 = vector.broadcast %add3A_1882 : i32 to vector<16xi32>
      %add3A_1884 = arith.addi %add3A_1883, %iota3A : vector<16xi32>
      %gather3A_1885 = tpu.vector_load_idx %arg16[%add3A_1884, %broadcast_in_dim3A_1875] : memref<64x128xf32, #tpu.memory_space<vmem>>[vector<16xi32>, vector<16xi32>], vector<16xf32>,
      %gather3A_1886 = tpu.vector_load_idx %arg20[%add3A_1884, %broadcast_in_dim3A_1878] : memref<64x128xf32, #tpu.memory_space<vmem>>[vector<16xi32>, vector<16xi32>], vector<16xf32>,
      %mul3A_1887 = arith.mulf %gather3A_1885, %gather3A_1886 : vector<16xf32>
      %add3A_1888 = arith.addf %broadcast_in_dim3A_3, %mul3A_1887 : vector<16xf32>
      %add3A_1889 = arith.constant 16 : i32
      %add3A_1890 = vector.broadcast %add3A_1889 : i32 to vector<16xi32>
      %add3A_1891 = arith.addi %add3A_1890, %iota3A : vector<16xi32>
      %gather3A_1892 = tpu.vector_load_idx %arg16[%add3A_1891, %broadcast_in_dim3A_1875] : memref<64x128xf32, #tpu.memory_space<vmem>>[vector<16xi32>, vector<16xi32>], vector<16xf32>,
      %gather3A_1893 = tpu.vector_load_idx %arg20[%add3A_1891, %broadcast_in_dim3A_1878] : memref<64x128xf32, #tpu.memory_space<vmem>>[vector<16xi32>, vector<16xi32>], vector<16xf32>,
      %mul3A_1894 = arith.mulf %gather3A_1892, %gather3A_1893 : vector<16xf32>
      %add3A_1895 = arith.addf %add3A_1888, %mul3A_1894 : vector<16xf32>
      %add3A_1896 = arith.constant 32 : i32
      %add3A_1897 = vector.broadcast %add3A_1896 : i32 to vector<16xi32>
      %add3A_1898 = arith.addi %add3A_1897, %iota3A : vector<16xi32>
      %gather3A_1899 = tpu.vector_load_idx %arg16[%add3A_1898, %broadcast_in_dim3A_1875] : memref<64x128xf32, #tpu.memory_space<vmem>>[vector<16xi32>, vector<16xi32>], vector<16xf32>,
      %gather3A_1900 = tpu.vector_load_idx %arg20[%add3A_1898, %broadcast_in_dim3A_1878] : memref<64x128xf32, #tpu.memory_space<vmem>>[vector<16xi32>, vector<16xi32>], vector<16xf32>,
      %mul3A_1901 = arith.mulf %gather3A_1899, %gather3A_1900 : vector<16xf32>
      %add3A_1902 = arith.addf %add3A_1895, %mul3A_1901 : vector<16xf32>
      %add3A_1903 = arith.constant 48 : i32
      %add3A_1904 = vector.broadcast %add3A_1903 : i32 to vector<16xi32>
      %add3A_1905 = arith.addi %add3A_1904, %iota3A : vector<16xi32>
      %gather3A_1906 = tpu.vector_load_idx %arg16[%add3A_1905, %broadcast_in_dim3A_1875] : memref<64x128xf32, #tpu.memory_space<vmem>>[vector<16xi32>, vector<16xi32>], vector<16xf32>,
      %gather3A_1907 = tpu.vector_load_idx %arg20[%add3A_1905, %broadcast_in_dim3A_1878] : memref<64x128xf32, #tpu.memory_space<vmem>>[vector<16xi32>, vector<16xi32>], vector<16xf32>,
      %mul3A_1908 = arith.mulf %gather3A_1906, %gather3A_1907 : vector<16xf32>
      %add3A_1909 = arith.addf %add3A_1902, %mul3A_1908 : vector<16xf32>
      tpu.vector_store_idx %arg21[%iota3A, %broadcast_in_dim3A_1881], %add3A_1909 : memref<16x128xf32, #tpu.memory_space<vmem>>[vector<16xi32>, vector<16xi32>], vector<16xf32>,
      %gather3A_1910 = tpu.vector_load_idx %arg27[%broadcast_in_dim3A_5, %broadcast_in_dim3A_1875] : memref<1x128xf32, #tpu.memory_space<vmem>>[vector<16xi32>, vector<16xi32>], vector<16xf32>,
      tpu.vector_store_idx %arg32[%broadcast_in_dim3A_5, %broadcast_in_dim3A_1881], %gather3A_1910 masked %eq3A_7 : memref<1x128xf32, #tpu.memory_space<vmem>>[vector<16xi32>, vector<16xi32>], vector<16xf32>, vector<16xi1>
      %gather3A_1911 = tpu.vector_load_idx %arg31[%broadcast_in_dim3A_5, %broadcast_in_dim3A_1878] : memref<1x128xf32, #tpu.memory_space<vmem>>[vector<16xi32>, vector<16xi32>], vector<16xf32>,
      tpu.vector_store_idx %arg33[%broadcast_in_dim3A_5, %broadcast_in_dim3A_1881], %gather3A_1911 masked %eq3A_7 : memref<1x128xf32, #tpu.memory_space<vmem>>[vector<16xi32>, vector<16xi32>], vector<16xf32>, vector<16xi1>
      %slice3A_1912 = vector.extract_strided_slice %get3A_1156 {offsets = [11], sizes = [1], strides = [1]} : vector<16xi32> to vector<1xi32>
      %squeeze3A_1913 = vector.extract %slice3A_1912[0] : i32 from vector<1xi32>
      %slice3A_1914 = vector.extract_strided_slice %get3A_1158 {offsets = [11], sizes = [1], strides = [1]} : vector<16xi32> to vector<1xi32>
      %squeeze3A_1915 = vector.extract %slice3A_1914[0] : i32 from vector<1xi32>
      %and3A_1916 = arith.constant -128 : i32
      %and3A_1917 = arith.andi %squeeze3A_1913, %and3A_1916 : i32
      %multiple_of3A_1918 = tpu.assume_multiple %and3A_1917, 128 : i32
      %and3A_1919 = arith.constant -128 : i32
      %and3A_1920 = arith.andi %squeeze3A_1915, %and3A_1919 : i32
      %multiple_of3A_1921 = tpu.assume_multiple %and3A_1920, 128 : i32
      %dma_start3A_1922 = arith.constant 0 : i32
      %dma_start3A_1923 = tpu.memref_slice %arg6[%dma_start3A_1922, %multiple_of3A_1918] : memref<64x1000000xf32, #tpu.memory_space<hbm>> -> memref<64x128xf32, #tpu.memory_space<hbm>>
      %dma_start3A_1924 = arith.constant 0 : i32
      %dma_start3A_1925 = tpu.memref_slice %arg6[%dma_start3A_1924, %multiple_of3A_1918] : memref<64x1000000xf32, #tpu.memory_space<hbm>> -> memref<64x128xf32, #tpu.memory_space<hbm>>
      tpu.enqueue_dma source(%dma_start3A_1925 : memref<64x128xf32, #tpu.memory_space<hbm>>) target(%arg16 : memref<64x128xf32, #tpu.memory_space<vmem>>) target_semaphore(%arg38 : memref<!tpu.dma_semaphore, #tpu.memory_space<semaphore_mem>>)
      %dma_start3A_1926 = arith.constant 0 : i32
      %dma_start3A_1927 = tpu.memref_slice %arg7[%dma_start3A_1926, %multiple_of3A_1921] : memref<64x1000000xf32, #tpu.memory_space<hbm>> -> memref<64x128xf32, #tpu.memory_space<hbm>>
      %dma_start3A_1928 = arith.constant 0 : i32
      %dma_start3A_1929 = tpu.memref_slice %arg7[%dma_start3A_1928, %multiple_of3A_1921] : memref<64x1000000xf32, #tpu.memory_space<hbm>> -> memref<64x128xf32, #tpu.memory_space<hbm>>
      tpu.enqueue_dma source(%dma_start3A_1929 : memref<64x128xf32, #tpu.memory_space<hbm>>) target(%arg20 : memref<64x128xf32, #tpu.memory_space<vmem>>) target_semaphore(%arg38 : memref<!tpu.dma_semaphore, #tpu.memory_space<semaphore_mem>>)
      %dma_start3A_1930 = arith.constant 0 : i32
      %dma_start3A_1931 = tpu.memref_slice %arg8[%dma_start3A_1930, %multiple_of3A_1918] : memref<1x1000000xf32, #tpu.memory_space<hbm>> -> memref<1x128xf32, #tpu.memory_space<hbm>>
      %dma_start3A_1932 = arith.constant 0 : i32
      %dma_start3A_1933 = tpu.memref_slice %arg8[%dma_start3A_1932, %multiple_of3A_1918] : memref<1x1000000xf32, #tpu.memory_space<hbm>> -> memref<1x128xf32, #tpu.memory_space<hbm>>
      tpu.enqueue_dma source(%dma_start3A_1933 : memref<1x128xf32, #tpu.memory_space<hbm>>) target(%arg27 : memref<1x128xf32, #tpu.memory_space<vmem>>) target_semaphore(%arg38 : memref<!tpu.dma_semaphore, #tpu.memory_space<semaphore_mem>>)
      %dma_start3A_1934 = arith.constant 0 : i32
      %dma_start3A_1935 = tpu.memref_slice %arg9[%dma_start3A_1934, %multiple_of3A_1921] : memref<1x1000000xf32, #tpu.memory_space<hbm>> -> memref<1x128xf32, #tpu.memory_space<hbm>>
      %dma_start3A_1936 = arith.constant 0 : i32
      %dma_start3A_1937 = tpu.memref_slice %arg9[%dma_start3A_1936, %multiple_of3A_1921] : memref<1x1000000xf32, #tpu.memory_space<hbm>> -> memref<1x128xf32, #tpu.memory_space<hbm>>
      tpu.enqueue_dma source(%dma_start3A_1937 : memref<1x128xf32, #tpu.memory_space<hbm>>) target(%arg31 : memref<1x128xf32, #tpu.memory_space<vmem>>) target_semaphore(%arg38 : memref<!tpu.dma_semaphore, #tpu.memory_space<semaphore_mem>>)
      %dma_wait3A_1938 = arith.constant 0 : i32
      %dma_wait3A_1939 = tpu.memref_slice %arg6[%dma_wait3A_1938, %multiple_of3A_1663] : memref<64x1000000xf32, #tpu.memory_space<hbm>> -> memref<64x128xf32, #tpu.memory_space<hbm>>
      %dma_wait3A_1940 = arith.constant 0 : i32
      %dma_wait3A_1941 = tpu.memref_slice %arg6[%dma_wait3A_1940, %multiple_of3A_1663] : memref<64x1000000xf32, #tpu.memory_space<hbm>> -> memref<64x128xf32, #tpu.memory_space<hbm>>
      tpu.wait_dma2 semaphore(%arg35 : memref<!tpu.dma_semaphore, #tpu.memory_space<semaphore_mem>>) src(%dma_wait3A_1941 : memref<64x128xf32, #tpu.memory_space<hbm>>) dst(%arg13 : memref<64x128xf32, #tpu.memory_space<vmem>>)
      %dma_wait3A_1942 = arith.constant 0 : i32
      %dma_wait3A_1943 = tpu.memref_slice %arg7[%dma_wait3A_1942, %multiple_of3A_1666] : memref<64x1000000xf32, #tpu.memory_space<hbm>> -> memref<64x128xf32, #tpu.memory_space<hbm>>
      %dma_wait3A_1944 = arith.constant 0 : i32
      %dma_wait3A_1945 = tpu.memref_slice %arg7[%dma_wait3A_1944, %multiple_of3A_1666] : memref<64x1000000xf32, #tpu.memory_space<hbm>> -> memref<64x128xf32, #tpu.memory_space<hbm>>
      tpu.wait_dma2 semaphore(%arg35 : memref<!tpu.dma_semaphore, #tpu.memory_space<semaphore_mem>>) src(%dma_wait3A_1945 : memref<64x128xf32, #tpu.memory_space<hbm>>) dst(%arg17 : memref<64x128xf32, #tpu.memory_space<vmem>>)
      %dma_wait3A_1946 = arith.constant 0 : i32
      %dma_wait3A_1947 = tpu.memref_slice %arg8[%dma_wait3A_1946, %multiple_of3A_1663] : memref<1x1000000xf32, #tpu.memory_space<hbm>> -> memref<1x128xf32, #tpu.memory_space<hbm>>
      %dma_wait3A_1948 = arith.constant 0 : i32
      %dma_wait3A_1949 = tpu.memref_slice %arg8[%dma_wait3A_1948, %multiple_of3A_1663] : memref<1x1000000xf32, #tpu.memory_space<hbm>> -> memref<1x128xf32, #tpu.memory_space<hbm>>
      tpu.wait_dma2 semaphore(%arg35 : memref<!tpu.dma_semaphore, #tpu.memory_space<semaphore_mem>>) src(%dma_wait3A_1949 : memref<1x128xf32, #tpu.memory_space<hbm>>) dst(%arg24 : memref<1x128xf32, #tpu.memory_space<vmem>>)
      %dma_wait3A_1950 = arith.constant 0 : i32
      %dma_wait3A_1951 = tpu.memref_slice %arg9[%dma_wait3A_1950, %multiple_of3A_1666] : memref<1x1000000xf32, #tpu.memory_space<hbm>> -> memref<1x128xf32, #tpu.memory_space<hbm>>
      %dma_wait3A_1952 = arith.constant 0 : i32
      %dma_wait3A_1953 = tpu.memref_slice %arg9[%dma_wait3A_1952, %multiple_of3A_1666] : memref<1x1000000xf32, #tpu.memory_space<hbm>> -> memref<1x128xf32, #tpu.memory_space<hbm>>
      tpu.wait_dma2 semaphore(%arg35 : memref<!tpu.dma_semaphore, #tpu.memory_space<semaphore_mem>>) src(%dma_wait3A_1953 : memref<1x128xf32, #tpu.memory_space<hbm>>) dst(%arg28 : memref<1x128xf32, #tpu.memory_space<vmem>>)
      %slice3A_1954 = vector.extract_strided_slice %get3A_1156 {offsets = [8], sizes = [1], strides = [1]} : vector<16xi32> to vector<1xi32>
      %squeeze3A_1955 = vector.extract %slice3A_1954[0] : i32 from vector<1xi32>
      %slice3A_1956 = vector.extract_strided_slice %get3A_1158 {offsets = [8], sizes = [1], strides = [1]} : vector<16xi32> to vector<1xi32>
      %squeeze3A_1957 = vector.extract %slice3A_1956[0] : i32 from vector<1xi32>
      %and3A_1958 = arith.constant 127 : i32
      %and3A_1959 = arith.andi %squeeze3A_1955, %and3A_1958 : i32
      %broadcast_in_dim3A_1960 = vector.broadcast %and3A_1959 : i32 to vector<16xi32>
      %and3A_1961 = arith.constant 127 : i32
      %and3A_1962 = arith.andi %squeeze3A_1957, %and3A_1961 : i32
      %broadcast_in_dim3A_1963 = vector.broadcast %and3A_1962 : i32 to vector<16xi32>
      %add3A_1964 = arith.constant 8 : i32
      %add3A_1965 = arith.addi %mul3A_1154, %add3A_1964 : i32
      %broadcast_in_dim3A_1966 = vector.broadcast %add3A_1965 : i32 to vector<16xi32>
      %add3A_1967 = arith.constant 0 : i32
      %add3A_1968 = vector.broadcast %add3A_1967 : i32 to vector<16xi32>
      %add3A_1969 = arith.addi %add3A_1968, %iota3A : vector<16xi32>
      %gather3A_1970 = tpu.vector_load_idx %arg13[%add3A_1969, %broadcast_in_dim3A_1960] : memref<64x128xf32, #tpu.memory_space<vmem>>[vector<16xi32>, vector<16xi32>], vector<16xf32>,
      %gather3A_1971 = tpu.vector_load_idx %arg17[%add3A_1969, %broadcast_in_dim3A_1963] : memref<64x128xf32, #tpu.memory_space<vmem>>[vector<16xi32>, vector<16xi32>], vector<16xf32>,
      %mul3A_1972 = arith.mulf %gather3A_1970, %gather3A_1971 : vector<16xf32>
      %add3A_1973 = arith.addf %broadcast_in_dim3A_3, %mul3A_1972 : vector<16xf32>
      %add3A_1974 = arith.constant 16 : i32
      %add3A_1975 = vector.broadcast %add3A_1974 : i32 to vector<16xi32>
      %add3A_1976 = arith.addi %add3A_1975, %iota3A : vector<16xi32>
      %gather3A_1977 = tpu.vector_load_idx %arg13[%add3A_1976, %broadcast_in_dim3A_1960] : memref<64x128xf32, #tpu.memory_space<vmem>>[vector<16xi32>, vector<16xi32>], vector<16xf32>,
      %gather3A_1978 = tpu.vector_load_idx %arg17[%add3A_1976, %broadcast_in_dim3A_1963] : memref<64x128xf32, #tpu.memory_space<vmem>>[vector<16xi32>, vector<16xi32>], vector<16xf32>,
      %mul3A_1979 = arith.mulf %gather3A_1977, %gather3A_1978 : vector<16xf32>
      %add3A_1980 = arith.addf %add3A_1973, %mul3A_1979 : vector<16xf32>
      %add3A_1981 = arith.constant 32 : i32
      %add3A_1982 = vector.broadcast %add3A_1981 : i32 to vector<16xi32>
      %add3A_1983 = arith.addi %add3A_1982, %iota3A : vector<16xi32>
      %gather3A_1984 = tpu.vector_load_idx %arg13[%add3A_1983, %broadcast_in_dim3A_1960] : memref<64x128xf32, #tpu.memory_space<vmem>>[vector<16xi32>, vector<16xi32>], vector<16xf32>,
      %gather3A_1985 = tpu.vector_load_idx %arg17[%add3A_1983, %broadcast_in_dim3A_1963] : memref<64x128xf32, #tpu.memory_space<vmem>>[vector<16xi32>, vector<16xi32>], vector<16xf32>,
      %mul3A_1986 = arith.mulf %gather3A_1984, %gather3A_1985 : vector<16xf32>
      %add3A_1987 = arith.addf %add3A_1980, %mul3A_1986 : vector<16xf32>
      %add3A_1988 = arith.constant 48 : i32
      %add3A_1989 = vector.broadcast %add3A_1988 : i32 to vector<16xi32>
      %add3A_1990 = arith.addi %add3A_1989, %iota3A : vector<16xi32>
      %gather3A_1991 = tpu.vector_load_idx %arg13[%add3A_1990, %broadcast_in_dim3A_1960] : memref<64x128xf32, #tpu.memory_space<vmem>>[vector<16xi32>, vector<16xi32>], vector<16xf32>,
      %gather3A_1992 = tpu.vector_load_idx %arg17[%add3A_1990, %broadcast_in_dim3A_1963] : memref<64x128xf32, #tpu.memory_space<vmem>>[vector<16xi32>, vector<16xi32>], vector<16xf32>,
      %mul3A_1993 = arith.mulf %gather3A_1991, %gather3A_1992 : vector<16xf32>
      %add3A_1994 = arith.addf %add3A_1987, %mul3A_1993 : vector<16xf32>
      tpu.vector_store_idx %arg21[%iota3A, %broadcast_in_dim3A_1966], %add3A_1994 : memref<16x128xf32, #tpu.memory_space<vmem>>[vector<16xi32>, vector<16xi32>], vector<16xf32>,
      %gather3A_1995 = tpu.vector_load_idx %arg24[%broadcast_in_dim3A_5, %broadcast_in_dim3A_1960] : memref<1x128xf32, #tpu.memory_space<vmem>>[vector<16xi32>, vector<16xi32>], vector<16xf32>,
      tpu.vector_store_idx %arg32[%broadcast_in_dim3A_5, %broadcast_in_dim3A_1966], %gather3A_1995 masked %eq3A_7 : memref<1x128xf32, #tpu.memory_space<vmem>>[vector<16xi32>, vector<16xi32>], vector<16xf32>, vector<16xi1>
      %gather3A_1996 = tpu.vector_load_idx %arg28[%broadcast_in_dim3A_5, %broadcast_in_dim3A_1963] : memref<1x128xf32, #tpu.memory_space<vmem>>[vector<16xi32>, vector<16xi32>], vector<16xf32>,
      tpu.vector_store_idx %arg33[%broadcast_in_dim3A_5, %broadcast_in_dim3A_1966], %gather3A_1996 masked %eq3A_7 : memref<1x128xf32, #tpu.memory_space<vmem>>[vector<16xi32>, vector<16xi32>], vector<16xf32>, vector<16xi1>
      %slice3A_1997 = vector.extract_strided_slice %get3A_1156 {offsets = [12], sizes = [1], strides = [1]} : vector<16xi32> to vector<1xi32>
      %squeeze3A_1998 = vector.extract %slice3A_1997[0] : i32 from vector<1xi32>
      %slice3A_1999 = vector.extract_strided_slice %get3A_1158 {offsets = [12], sizes = [1], strides = [1]} : vector<16xi32> to vector<1xi32>
      %squeeze3A_2000 = vector.extract %slice3A_1999[0] : i32 from vector<1xi32>
      %and3A_2001 = arith.constant -128 : i32
      %and3A_2002 = arith.andi %squeeze3A_1998, %and3A_2001 : i32
      %multiple_of3A_2003 = tpu.assume_multiple %and3A_2002, 128 : i32
      %and3A_2004 = arith.constant -128 : i32
      %and3A_2005 = arith.andi %squeeze3A_2000, %and3A_2004 : i32
      %multiple_of3A_2006 = tpu.assume_multiple %and3A_2005, 128 : i32
      %dma_start3A_2007 = arith.constant 0 : i32
      %dma_start3A_2008 = tpu.memref_slice %arg6[%dma_start3A_2007, %multiple_of3A_2003] : memref<64x1000000xf32, #tpu.memory_space<hbm>> -> memref<64x128xf32, #tpu.memory_space<hbm>>
      %dma_start3A_2009 = arith.constant 0 : i32
      %dma_start3A_2010 = tpu.memref_slice %arg6[%dma_start3A_2009, %multiple_of3A_2003] : memref<64x1000000xf32, #tpu.memory_space<hbm>> -> memref<64x128xf32, #tpu.memory_space<hbm>>
      tpu.enqueue_dma source(%dma_start3A_2010 : memref<64x128xf32, #tpu.memory_space<hbm>>) target(%arg13 : memref<64x128xf32, #tpu.memory_space<vmem>>) target_semaphore(%arg35 : memref<!tpu.dma_semaphore, #tpu.memory_space<semaphore_mem>>)
      %dma_start3A_2011 = arith.constant 0 : i32
      %dma_start3A_2012 = tpu.memref_slice %arg7[%dma_start3A_2011, %multiple_of3A_2006] : memref<64x1000000xf32, #tpu.memory_space<hbm>> -> memref<64x128xf32, #tpu.memory_space<hbm>>
      %dma_start3A_2013 = arith.constant 0 : i32
      %dma_start3A_2014 = tpu.memref_slice %arg7[%dma_start3A_2013, %multiple_of3A_2006] : memref<64x1000000xf32, #tpu.memory_space<hbm>> -> memref<64x128xf32, #tpu.memory_space<hbm>>
      tpu.enqueue_dma source(%dma_start3A_2014 : memref<64x128xf32, #tpu.memory_space<hbm>>) target(%arg17 : memref<64x128xf32, #tpu.memory_space<vmem>>) target_semaphore(%arg35 : memref<!tpu.dma_semaphore, #tpu.memory_space<semaphore_mem>>)
      %dma_start3A_2015 = arith.constant 0 : i32
      %dma_start3A_2016 = tpu.memref_slice %arg8[%dma_start3A_2015, %multiple_of3A_2003] : memref<1x1000000xf32, #tpu.memory_space<hbm>> -> memref<1x128xf32, #tpu.memory_space<hbm>>
      %dma_start3A_2017 = arith.constant 0 : i32
      %dma_start3A_2018 = tpu.memref_slice %arg8[%dma_start3A_2017, %multiple_of3A_2003] : memref<1x1000000xf32, #tpu.memory_space<hbm>> -> memref<1x128xf32, #tpu.memory_space<hbm>>
      tpu.enqueue_dma source(%dma_start3A_2018 : memref<1x128xf32, #tpu.memory_space<hbm>>) target(%arg24 : memref<1x128xf32, #tpu.memory_space<vmem>>) target_semaphore(%arg35 : memref<!tpu.dma_semaphore, #tpu.memory_space<semaphore_mem>>)
      %dma_start3A_2019 = arith.constant 0 : i32
      %dma_start3A_2020 = tpu.memref_slice %arg9[%dma_start3A_2019, %multiple_of3A_2006] : memref<1x1000000xf32, #tpu.memory_space<hbm>> -> memref<1x128xf32, #tpu.memory_space<hbm>>
      %dma_start3A_2021 = arith.constant 0 : i32
      %dma_start3A_2022 = tpu.memref_slice %arg9[%dma_start3A_2021, %multiple_of3A_2006] : memref<1x1000000xf32, #tpu.memory_space<hbm>> -> memref<1x128xf32, #tpu.memory_space<hbm>>
      tpu.enqueue_dma source(%dma_start3A_2022 : memref<1x128xf32, #tpu.memory_space<hbm>>) target(%arg28 : memref<1x128xf32, #tpu.memory_space<vmem>>) target_semaphore(%arg35 : memref<!tpu.dma_semaphore, #tpu.memory_space<semaphore_mem>>)
      %dma_wait3A_2023 = arith.constant 0 : i32
      %dma_wait3A_2024 = tpu.memref_slice %arg6[%dma_wait3A_2023, %multiple_of3A_1748] : memref<64x1000000xf32, #tpu.memory_space<hbm>> -> memref<64x128xf32, #tpu.memory_space<hbm>>
      %dma_wait3A_2025 = arith.constant 0 : i32
      %dma_wait3A_2026 = tpu.memref_slice %arg6[%dma_wait3A_2025, %multiple_of3A_1748] : memref<64x1000000xf32, #tpu.memory_space<hbm>> -> memref<64x128xf32, #tpu.memory_space<hbm>>
      tpu.wait_dma2 semaphore(%arg36 : memref<!tpu.dma_semaphore, #tpu.memory_space<semaphore_mem>>) src(%dma_wait3A_2026 : memref<64x128xf32, #tpu.memory_space<hbm>>) dst(%arg14 : memref<64x128xf32, #tpu.memory_space<vmem>>)
      %dma_wait3A_2027 = arith.constant 0 : i32
      %dma_wait3A_2028 = tpu.memref_slice %arg7[%dma_wait3A_2027, %multiple_of3A_1751] : memref<64x1000000xf32, #tpu.memory_space<hbm>> -> memref<64x128xf32, #tpu.memory_space<hbm>>
      %dma_wait3A_2029 = arith.constant 0 : i32
      %dma_wait3A_2030 = tpu.memref_slice %arg7[%dma_wait3A_2029, %multiple_of3A_1751] : memref<64x1000000xf32, #tpu.memory_space<hbm>> -> memref<64x128xf32, #tpu.memory_space<hbm>>
      tpu.wait_dma2 semaphore(%arg36 : memref<!tpu.dma_semaphore, #tpu.memory_space<semaphore_mem>>) src(%dma_wait3A_2030 : memref<64x128xf32, #tpu.memory_space<hbm>>) dst(%arg18 : memref<64x128xf32, #tpu.memory_space<vmem>>)
      %dma_wait3A_2031 = arith.constant 0 : i32
      %dma_wait3A_2032 = tpu.memref_slice %arg8[%dma_wait3A_2031, %multiple_of3A_1748] : memref<1x1000000xf32, #tpu.memory_space<hbm>> -> memref<1x128xf32, #tpu.memory_space<hbm>>
      %dma_wait3A_2033 = arith.constant 0 : i32
      %dma_wait3A_2034 = tpu.memref_slice %arg8[%dma_wait3A_2033, %multiple_of3A_1748] : memref<1x1000000xf32, #tpu.memory_space<hbm>> -> memref<1x128xf32, #tpu.memory_space<hbm>>
      tpu.wait_dma2 semaphore(%arg36 : memref<!tpu.dma_semaphore, #tpu.memory_space<semaphore_mem>>) src(%dma_wait3A_2034 : memref<1x128xf32, #tpu.memory_space<hbm>>) dst(%arg25 : memref<1x128xf32, #tpu.memory_space<vmem>>)
      %dma_wait3A_2035 = arith.constant 0 : i32
      %dma_wait3A_2036 = tpu.memref_slice %arg9[%dma_wait3A_2035, %multiple_of3A_1751] : memref<1x1000000xf32, #tpu.memory_space<hbm>> -> memref<1x128xf32, #tpu.memory_space<hbm>>
      %dma_wait3A_2037 = arith.constant 0 : i32
      %dma_wait3A_2038 = tpu.memref_slice %arg9[%dma_wait3A_2037, %multiple_of3A_1751] : memref<1x1000000xf32, #tpu.memory_space<hbm>> -> memref<1x128xf32, #tpu.memory_space<hbm>>
      tpu.wait_dma2 semaphore(%arg36 : memref<!tpu.dma_semaphore, #tpu.memory_space<semaphore_mem>>) src(%dma_wait3A_2038 : memref<1x128xf32, #tpu.memory_space<hbm>>) dst(%arg29 : memref<1x128xf32, #tpu.memory_space<vmem>>)
      %slice3A_2039 = vector.extract_strided_slice %get3A_1156 {offsets = [9], sizes = [1], strides = [1]} : vector<16xi32> to vector<1xi32>
      %squeeze3A_2040 = vector.extract %slice3A_2039[0] : i32 from vector<1xi32>
      %slice3A_2041 = vector.extract_strided_slice %get3A_1158 {offsets = [9], sizes = [1], strides = [1]} : vector<16xi32> to vector<1xi32>
      %squeeze3A_2042 = vector.extract %slice3A_2041[0] : i32 from vector<1xi32>
      %and3A_2043 = arith.constant 127 : i32
      %and3A_2044 = arith.andi %squeeze3A_2040, %and3A_2043 : i32
      %broadcast_in_dim3A_2045 = vector.broadcast %and3A_2044 : i32 to vector<16xi32>
      %and3A_2046 = arith.constant 127 : i32
      %and3A_2047 = arith.andi %squeeze3A_2042, %and3A_2046 : i32
      %broadcast_in_dim3A_2048 = vector.broadcast %and3A_2047 : i32 to vector<16xi32>
      %add3A_2049 = arith.constant 9 : i32
      %add3A_2050 = arith.addi %mul3A_1154, %add3A_2049 : i32
      %broadcast_in_dim3A_2051 = vector.broadcast %add3A_2050 : i32 to vector<16xi32>
      %add3A_2052 = arith.constant 0 : i32
      %add3A_2053 = vector.broadcast %add3A_2052 : i32 to vector<16xi32>
      %add3A_2054 = arith.addi %add3A_2053, %iota3A : vector<16xi32>
      %gather3A_2055 = tpu.vector_load_idx %arg14[%add3A_2054, %broadcast_in_dim3A_2045] : memref<64x128xf32, #tpu.memory_space<vmem>>[vector<16xi32>, vector<16xi32>], vector<16xf32>,
      %gather3A_2056 = tpu.vector_load_idx %arg18[%add3A_2054, %broadcast_in_dim3A_2048] : memref<64x128xf32, #tpu.memory_space<vmem>>[vector<16xi32>, vector<16xi32>], vector<16xf32>,
      %mul3A_2057 = arith.mulf %gather3A_2055, %gather3A_2056 : vector<16xf32>
      %add3A_2058 = arith.addf %broadcast_in_dim3A_3, %mul3A_2057 : vector<16xf32>
      %add3A_2059 = arith.constant 16 : i32
      %add3A_2060 = vector.broadcast %add3A_2059 : i32 to vector<16xi32>
      %add3A_2061 = arith.addi %add3A_2060, %iota3A : vector<16xi32>
      %gather3A_2062 = tpu.vector_load_idx %arg14[%add3A_2061, %broadcast_in_dim3A_2045] : memref<64x128xf32, #tpu.memory_space<vmem>>[vector<16xi32>, vector<16xi32>], vector<16xf32>,
      %gather3A_2063 = tpu.vector_load_idx %arg18[%add3A_2061, %broadcast_in_dim3A_2048] : memref<64x128xf32, #tpu.memory_space<vmem>>[vector<16xi32>, vector<16xi32>], vector<16xf32>,
      %mul3A_2064 = arith.mulf %gather3A_2062, %gather3A_2063 : vector<16xf32>
      %add3A_2065 = arith.addf %add3A_2058, %mul3A_2064 : vector<16xf32>
      %add3A_2066 = arith.constant 32 : i32
      %add3A_2067 = vector.broadcast %add3A_2066 : i32 to vector<16xi32>
      %add3A_2068 = arith.addi %add3A_2067, %iota3A : vector<16xi32>
      %gather3A_2069 = tpu.vector_load_idx %arg14[%add3A_2068, %broadcast_in_dim3A_2045] : memref<64x128xf32, #tpu.memory_space<vmem>>[vector<16xi32>, vector<16xi32>], vector<16xf32>,
      %gather3A_2070 = tpu.vector_load_idx %arg18[%add3A_2068, %broadcast_in_dim3A_2048] : memref<64x128xf32, #tpu.memory_space<vmem>>[vector<16xi32>, vector<16xi32>], vector<16xf32>,
      %mul3A_2071 = arith.mulf %gather3A_2069, %gather3A_2070 : vector<16xf32>
      %add3A_2072 = arith.addf %add3A_2065, %mul3A_2071 : vector<16xf32>
      %add3A_2073 = arith.constant 48 : i32
      %add3A_2074 = vector.broadcast %add3A_2073 : i32 to vector<16xi32>
      %add3A_2075 = arith.addi %add3A_2074, %iota3A : vector<16xi32>
      %gather3A_2076 = tpu.vector_load_idx %arg14[%add3A_2075, %broadcast_in_dim3A_2045] : memref<64x128xf32, #tpu.memory_space<vmem>>[vector<16xi32>, vector<16xi32>], vector<16xf32>,
      %gather3A_2077 = tpu.vector_load_idx %arg18[%add3A_2075, %broadcast_in_dim3A_2048] : memref<64x128xf32, #tpu.memory_space<vmem>>[vector<16xi32>, vector<16xi32>], vector<16xf32>,
      %mul3A_2078 = arith.mulf %gather3A_2076, %gather3A_2077 : vector<16xf32>
      %add3A_2079 = arith.addf %add3A_2072, %mul3A_2078 : vector<16xf32>
      tpu.vector_store_idx %arg21[%iota3A, %broadcast_in_dim3A_2051], %add3A_2079 : memref<16x128xf32, #tpu.memory_space<vmem>>[vector<16xi32>, vector<16xi32>], vector<16xf32>,
      %gather3A_2080 = tpu.vector_load_idx %arg25[%broadcast_in_dim3A_5, %broadcast_in_dim3A_2045] : memref<1x128xf32, #tpu.memory_space<vmem>>[vector<16xi32>, vector<16xi32>], vector<16xf32>,
      tpu.vector_store_idx %arg32[%broadcast_in_dim3A_5, %broadcast_in_dim3A_2051], %gather3A_2080 masked %eq3A_7 : memref<1x128xf32, #tpu.memory_space<vmem>>[vector<16xi32>, vector<16xi32>], vector<16xf32>, vector<16xi1>
      %gather3A_2081 = tpu.vector_load_idx %arg29[%broadcast_in_dim3A_5, %broadcast_in_dim3A_2048] : memref<1x128xf32, #tpu.memory_space<vmem>>[vector<16xi32>, vector<16xi32>], vector<16xf32>,
      tpu.vector_store_idx %arg33[%broadcast_in_dim3A_5, %broadcast_in_dim3A_2051], %gather3A_2081 masked %eq3A_7 : memref<1x128xf32, #tpu.memory_space<vmem>>[vector<16xi32>, vector<16xi32>], vector<16xf32>, vector<16xi1>
      %slice3A_2082 = vector.extract_strided_slice %get3A_1156 {offsets = [13], sizes = [1], strides = [1]} : vector<16xi32> to vector<1xi32>
      %squeeze3A_2083 = vector.extract %slice3A_2082[0] : i32 from vector<1xi32>
      %slice3A_2084 = vector.extract_strided_slice %get3A_1158 {offsets = [13], sizes = [1], strides = [1]} : vector<16xi32> to vector<1xi32>
      %squeeze3A_2085 = vector.extract %slice3A_2084[0] : i32 from vector<1xi32>
      %and3A_2086 = arith.constant -128 : i32
      %and3A_2087 = arith.andi %squeeze3A_2083, %and3A_2086 : i32
      %multiple_of3A_2088 = tpu.assume_multiple %and3A_2087, 128 : i32
      %and3A_2089 = arith.constant -128 : i32
      %and3A_2090 = arith.andi %squeeze3A_2085, %and3A_2089 : i32
      %multiple_of3A_2091 = tpu.assume_multiple %and3A_2090, 128 : i32
      %dma_start3A_2092 = arith.constant 0 : i32
      %dma_start3A_2093 = tpu.memref_slice %arg6[%dma_start3A_2092, %multiple_of3A_2088] : memref<64x1000000xf32, #tpu.memory_space<hbm>> -> memref<64x128xf32, #tpu.memory_space<hbm>>
      %dma_start3A_2094 = arith.constant 0 : i32
      %dma_start3A_2095 = tpu.memref_slice %arg6[%dma_start3A_2094, %multiple_of3A_2088] : memref<64x1000000xf32, #tpu.memory_space<hbm>> -> memref<64x128xf32, #tpu.memory_space<hbm>>
      tpu.enqueue_dma source(%dma_start3A_2095 : memref<64x128xf32, #tpu.memory_space<hbm>>) target(%arg14 : memref<64x128xf32, #tpu.memory_space<vmem>>) target_semaphore(%arg36 : memref<!tpu.dma_semaphore, #tpu.memory_space<semaphore_mem>>)
      %dma_start3A_2096 = arith.constant 0 : i32
      %dma_start3A_2097 = tpu.memref_slice %arg7[%dma_start3A_2096, %multiple_of3A_2091] : memref<64x1000000xf32, #tpu.memory_space<hbm>> -> memref<64x128xf32, #tpu.memory_space<hbm>>
      %dma_start3A_2098 = arith.constant 0 : i32
      %dma_start3A_2099 = tpu.memref_slice %arg7[%dma_start3A_2098, %multiple_of3A_2091] : memref<64x1000000xf32, #tpu.memory_space<hbm>> -> memref<64x128xf32, #tpu.memory_space<hbm>>
      tpu.enqueue_dma source(%dma_start3A_2099 : memref<64x128xf32, #tpu.memory_space<hbm>>) target(%arg18 : memref<64x128xf32, #tpu.memory_space<vmem>>) target_semaphore(%arg36 : memref<!tpu.dma_semaphore, #tpu.memory_space<semaphore_mem>>)
      %dma_start3A_2100 = arith.constant 0 : i32
      %dma_start3A_2101 = tpu.memref_slice %arg8[%dma_start3A_2100, %multiple_of3A_2088] : memref<1x1000000xf32, #tpu.memory_space<hbm>> -> memref<1x128xf32, #tpu.memory_space<hbm>>
      %dma_start3A_2102 = arith.constant 0 : i32
      %dma_start3A_2103 = tpu.memref_slice %arg8[%dma_start3A_2102, %multiple_of3A_2088] : memref<1x1000000xf32, #tpu.memory_space<hbm>> -> memref<1x128xf32, #tpu.memory_space<hbm>>
      tpu.enqueue_dma source(%dma_start3A_2103 : memref<1x128xf32, #tpu.memory_space<hbm>>) target(%arg25 : memref<1x128xf32, #tpu.memory_space<vmem>>) target_semaphore(%arg36 : memref<!tpu.dma_semaphore, #tpu.memory_space<semaphore_mem>>)
      %dma_start3A_2104 = arith.constant 0 : i32
      %dma_start3A_2105 = tpu.memref_slice %arg9[%dma_start3A_2104, %multiple_of3A_2091] : memref<1x1000000xf32, #tpu.memory_space<hbm>> -> memref<1x128xf32, #tpu.memory_space<hbm>>
      %dma_start3A_2106 = arith.constant 0 : i32
      %dma_start3A_2107 = tpu.memref_slice %arg9[%dma_start3A_2106, %multiple_of3A_2091] : memref<1x1000000xf32, #tpu.memory_space<hbm>> -> memref<1x128xf32, #tpu.memory_space<hbm>>
      tpu.enqueue_dma source(%dma_start3A_2107 : memref<1x128xf32, #tpu.memory_space<hbm>>) target(%arg29 : memref<1x128xf32, #tpu.memory_space<vmem>>) target_semaphore(%arg36 : memref<!tpu.dma_semaphore, #tpu.memory_space<semaphore_mem>>)
      %dma_wait3A_2108 = arith.constant 0 : i32
      %dma_wait3A_2109 = tpu.memref_slice %arg6[%dma_wait3A_2108, %multiple_of3A_1833] : memref<64x1000000xf32, #tpu.memory_space<hbm>> -> memref<64x128xf32, #tpu.memory_space<hbm>>
      %dma_wait3A_2110 = arith.constant 0 : i32
      %dma_wait3A_2111 = tpu.memref_slice %arg6[%dma_wait3A_2110, %multiple_of3A_1833] : memref<64x1000000xf32, #tpu.memory_space<hbm>> -> memref<64x128xf32, #tpu.memory_space<hbm>>
      tpu.wait_dma2 semaphore(%arg37 : memref<!tpu.dma_semaphore, #tpu.memory_space<semaphore_mem>>) src(%dma_wait3A_2111 : memref<64x128xf32, #tpu.memory_space<hbm>>) dst(%arg15 : memref<64x128xf32, #tpu.memory_space<vmem>>)
      %dma_wait3A_2112 = arith.constant 0 : i32
      %dma_wait3A_2113 = tpu.memref_slice %arg7[%dma_wait3A_2112, %multiple_of3A_1836] : memref<64x1000000xf32, #tpu.memory_space<hbm>> -> memref<64x128xf32, #tpu.memory_space<hbm>>
      %dma_wait3A_2114 = arith.constant 0 : i32
      %dma_wait3A_2115 = tpu.memref_slice %arg7[%dma_wait3A_2114, %multiple_of3A_1836] : memref<64x1000000xf32, #tpu.memory_space<hbm>> -> memref<64x128xf32, #tpu.memory_space<hbm>>
      tpu.wait_dma2 semaphore(%arg37 : memref<!tpu.dma_semaphore, #tpu.memory_space<semaphore_mem>>) src(%dma_wait3A_2115 : memref<64x128xf32, #tpu.memory_space<hbm>>) dst(%arg19 : memref<64x128xf32, #tpu.memory_space<vmem>>)
      %dma_wait3A_2116 = arith.constant 0 : i32
      %dma_wait3A_2117 = tpu.memref_slice %arg8[%dma_wait3A_2116, %multiple_of3A_1833] : memref<1x1000000xf32, #tpu.memory_space<hbm>> -> memref<1x128xf32, #tpu.memory_space<hbm>>
      %dma_wait3A_2118 = arith.constant 0 : i32
      %dma_wait3A_2119 = tpu.memref_slice %arg8[%dma_wait3A_2118, %multiple_of3A_1833] : memref<1x1000000xf32, #tpu.memory_space<hbm>> -> memref<1x128xf32, #tpu.memory_space<hbm>>
      tpu.wait_dma2 semaphore(%arg37 : memref<!tpu.dma_semaphore, #tpu.memory_space<semaphore_mem>>) src(%dma_wait3A_2119 : memref<1x128xf32, #tpu.memory_space<hbm>>) dst(%arg26 : memref<1x128xf32, #tpu.memory_space<vmem>>)
      %dma_wait3A_2120 = arith.constant 0 : i32
      %dma_wait3A_2121 = tpu.memref_slice %arg9[%dma_wait3A_2120, %multiple_of3A_1836] : memref<1x1000000xf32, #tpu.memory_space<hbm>> -> memref<1x128xf32, #tpu.memory_space<hbm>>
      %dma_wait3A_2122 = arith.constant 0 : i32
      %dma_wait3A_2123 = tpu.memref_slice %arg9[%dma_wait3A_2122, %multiple_of3A_1836] : memref<1x1000000xf32, #tpu.memory_space<hbm>> -> memref<1x128xf32, #tpu.memory_space<hbm>>
      tpu.wait_dma2 semaphore(%arg37 : memref<!tpu.dma_semaphore, #tpu.memory_space<semaphore_mem>>) src(%dma_wait3A_2123 : memref<1x128xf32, #tpu.memory_space<hbm>>) dst(%arg30 : memref<1x128xf32, #tpu.memory_space<vmem>>)
      %slice3A_2124 = vector.extract_strided_slice %get3A_1156 {offsets = [10], sizes = [1], strides = [1]} : vector<16xi32> to vector<1xi32>
      %squeeze3A_2125 = vector.extract %slice3A_2124[0] : i32 from vector<1xi32>
      %slice3A_2126 = vector.extract_strided_slice %get3A_1158 {offsets = [10], sizes = [1], strides = [1]} : vector<16xi32> to vector<1xi32>
      %squeeze3A_2127 = vector.extract %slice3A_2126[0] : i32 from vector<1xi32>
      %and3A_2128 = arith.constant 127 : i32
      %and3A_2129 = arith.andi %squeeze3A_2125, %and3A_2128 : i32
      %broadcast_in_dim3A_2130 = vector.broadcast %and3A_2129 : i32 to vector<16xi32>
      %and3A_2131 = arith.constant 127 : i32
      %and3A_2132 = arith.andi %squeeze3A_2127, %and3A_2131 : i32
      %broadcast_in_dim3A_2133 = vector.broadcast %and3A_2132 : i32 to vector<16xi32>
      %add3A_2134 = arith.constant 10 : i32
      %add3A_2135 = arith.addi %mul3A_1154, %add3A_2134 : i32
      %broadcast_in_dim3A_2136 = vector.broadcast %add3A_2135 : i32 to vector<16xi32>
      %add3A_2137 = arith.constant 0 : i32
      %add3A_2138 = vector.broadcast %add3A_2137 : i32 to vector<16xi32>
      %add3A_2139 = arith.addi %add3A_2138, %iota3A : vector<16xi32>
      %gather3A_2140 = tpu.vector_load_idx %arg15[%add3A_2139, %broadcast_in_dim3A_2130] : memref<64x128xf32, #tpu.memory_space<vmem>>[vector<16xi32>, vector<16xi32>], vector<16xf32>,
      %gather3A_2141 = tpu.vector_load_idx %arg19[%add3A_2139, %broadcast_in_dim3A_2133] : memref<64x128xf32, #tpu.memory_space<vmem>>[vector<16xi32>, vector<16xi32>], vector<16xf32>,
      %mul3A_2142 = arith.mulf %gather3A_2140, %gather3A_2141 : vector<16xf32>
      %add3A_2143 = arith.addf %broadcast_in_dim3A_3, %mul3A_2142 : vector<16xf32>
      %add3A_2144 = arith.constant 16 : i32
      %add3A_2145 = vector.broadcast %add3A_2144 : i32 to vector<16xi32>
      %add3A_2146 = arith.addi %add3A_2145, %iota3A : vector<16xi32>
      %gather3A_2147 = tpu.vector_load_idx %arg15[%add3A_2146, %broadcast_in_dim3A_2130] : memref<64x128xf32, #tpu.memory_space<vmem>>[vector<16xi32>, vector<16xi32>], vector<16xf32>,
      %gather3A_2148 = tpu.vector_load_idx %arg19[%add3A_2146, %broadcast_in_dim3A_2133] : memref<64x128xf32, #tpu.memory_space<vmem>>[vector<16xi32>, vector<16xi32>], vector<16xf32>,
      %mul3A_2149 = arith.mulf %gather3A_2147, %gather3A_2148 : vector<16xf32>
      %add3A_2150 = arith.addf %add3A_2143, %mul3A_2149 : vector<16xf32>
      %add3A_2151 = arith.constant 32 : i32
      %add3A_2152 = vector.broadcast %add3A_2151 : i32 to vector<16xi32>
      %add3A_2153 = arith.addi %add3A_2152, %iota3A : vector<16xi32>
      %gather3A_2154 = tpu.vector_load_idx %arg15[%add3A_2153, %broadcast_in_dim3A_2130] : memref<64x128xf32, #tpu.memory_space<vmem>>[vector<16xi32>, vector<16xi32>], vector<16xf32>,
      %gather3A_2155 = tpu.vector_load_idx %arg19[%add3A_2153, %broadcast_in_dim3A_2133] : memref<64x128xf32, #tpu.memory_space<vmem>>[vector<16xi32>, vector<16xi32>], vector<16xf32>,
      %mul3A_2156 = arith.mulf %gather3A_2154, %gather3A_2155 : vector<16xf32>
      %add3A_2157 = arith.addf %add3A_2150, %mul3A_2156 : vector<16xf32>
      %add3A_2158 = arith.constant 48 : i32
      %add3A_2159 = vector.broadcast %add3A_2158 : i32 to vector<16xi32>
      %add3A_2160 = arith.addi %add3A_2159, %iota3A : vector<16xi32>
      %gather3A_2161 = tpu.vector_load_idx %arg15[%add3A_2160, %broadcast_in_dim3A_2130] : memref<64x128xf32, #tpu.memory_space<vmem>>[vector<16xi32>, vector<16xi32>], vector<16xf32>,
      %gather3A_2162 = tpu.vector_load_idx %arg19[%add3A_2160, %broadcast_in_dim3A_2133] : memref<64x128xf32, #tpu.memory_space<vmem>>[vector<16xi32>, vector<16xi32>], vector<16xf32>,
      %mul3A_2163 = arith.mulf %gather3A_2161, %gather3A_2162 : vector<16xf32>
      %add3A_2164 = arith.addf %add3A_2157, %mul3A_2163 : vector<16xf32>
      tpu.vector_store_idx %arg21[%iota3A, %broadcast_in_dim3A_2136], %add3A_2164 : memref<16x128xf32, #tpu.memory_space<vmem>>[vector<16xi32>, vector<16xi32>], vector<16xf32>,
      %gather3A_2165 = tpu.vector_load_idx %arg26[%broadcast_in_dim3A_5, %broadcast_in_dim3A_2130] : memref<1x128xf32, #tpu.memory_space<vmem>>[vector<16xi32>, vector<16xi32>], vector<16xf32>,
      tpu.vector_store_idx %arg32[%broadcast_in_dim3A_5, %broadcast_in_dim3A_2136], %gather3A_2165 masked %eq3A_7 : memref<1x128xf32, #tpu.memory_space<vmem>>[vector<16xi32>, vector<16xi32>], vector<16xf32>, vector<16xi1>
      %gather3A_2166 = tpu.vector_load_idx %arg30[%broadcast_in_dim3A_5, %broadcast_in_dim3A_2133] : memref<1x128xf32, #tpu.memory_space<vmem>>[vector<16xi32>, vector<16xi32>], vector<16xf32>,
      tpu.vector_store_idx %arg33[%broadcast_in_dim3A_5, %broadcast_in_dim3A_2136], %gather3A_2166 masked %eq3A_7 : memref<1x128xf32, #tpu.memory_space<vmem>>[vector<16xi32>, vector<16xi32>], vector<16xf32>, vector<16xi1>
      %slice3A_2167 = vector.extract_strided_slice %get3A_1156 {offsets = [14], sizes = [1], strides = [1]} : vector<16xi32> to vector<1xi32>
      %squeeze3A_2168 = vector.extract %slice3A_2167[0] : i32 from vector<1xi32>
      %slice3A_2169 = vector.extract_strided_slice %get3A_1158 {offsets = [14], sizes = [1], strides = [1]} : vector<16xi32> to vector<1xi32>
      %squeeze3A_2170 = vector.extract %slice3A_2169[0] : i32 from vector<1xi32>
      %and3A_2171 = arith.constant -128 : i32
      %and3A_2172 = arith.andi %squeeze3A_2168, %and3A_2171 : i32
      %multiple_of3A_2173 = tpu.assume_multiple %and3A_2172, 128 : i32
      %and3A_2174 = arith.constant -128 : i32
      %and3A_2175 = arith.andi %squeeze3A_2170, %and3A_2174 : i32
      %multiple_of3A_2176 = tpu.assume_multiple %and3A_2175, 128 : i32
      %dma_start3A_2177 = arith.constant 0 : i32
      %dma_start3A_2178 = tpu.memref_slice %arg6[%dma_start3A_2177, %multiple_of3A_2173] : memref<64x1000000xf32, #tpu.memory_space<hbm>> -> memref<64x128xf32, #tpu.memory_space<hbm>>
      %dma_start3A_2179 = arith.constant 0 : i32
      %dma_start3A_2180 = tpu.memref_slice %arg6[%dma_start3A_2179, %multiple_of3A_2173] : memref<64x1000000xf32, #tpu.memory_space<hbm>> -> memref<64x128xf32, #tpu.memory_space<hbm>>
      tpu.enqueue_dma source(%dma_start3A_2180 : memref<64x128xf32, #tpu.memory_space<hbm>>) target(%arg15 : memref<64x128xf32, #tpu.memory_space<vmem>>) target_semaphore(%arg37 : memref<!tpu.dma_semaphore, #tpu.memory_space<semaphore_mem>>)
      %dma_start3A_2181 = arith.constant 0 : i32
      %dma_start3A_2182 = tpu.memref_slice %arg7[%dma_start3A_2181, %multiple_of3A_2176] : memref<64x1000000xf32, #tpu.memory_space<hbm>> -> memref<64x128xf32, #tpu.memory_space<hbm>>
      %dma_start3A_2183 = arith.constant 0 : i32
      %dma_start3A_2184 = tpu.memref_slice %arg7[%dma_start3A_2183, %multiple_of3A_2176] : memref<64x1000000xf32, #tpu.memory_space<hbm>> -> memref<64x128xf32, #tpu.memory_space<hbm>>
      tpu.enqueue_dma source(%dma_start3A_2184 : memref<64x128xf32, #tpu.memory_space<hbm>>) target(%arg19 : memref<64x128xf32, #tpu.memory_space<vmem>>) target_semaphore(%arg37 : memref<!tpu.dma_semaphore, #tpu.memory_space<semaphore_mem>>)
      %dma_start3A_2185 = arith.constant 0 : i32
      %dma_start3A_2186 = tpu.memref_slice %arg8[%dma_start3A_2185, %multiple_of3A_2173] : memref<1x1000000xf32, #tpu.memory_space<hbm>> -> memref<1x128xf32, #tpu.memory_space<hbm>>
      %dma_start3A_2187 = arith.constant 0 : i32
      %dma_start3A_2188 = tpu.memref_slice %arg8[%dma_start3A_2187, %multiple_of3A_2173] : memref<1x1000000xf32, #tpu.memory_space<hbm>> -> memref<1x128xf32, #tpu.memory_space<hbm>>
      tpu.enqueue_dma source(%dma_start3A_2188 : memref<1x128xf32, #tpu.memory_space<hbm>>) target(%arg26 : memref<1x128xf32, #tpu.memory_space<vmem>>) target_semaphore(%arg37 : memref<!tpu.dma_semaphore, #tpu.memory_space<semaphore_mem>>)
      %dma_start3A_2189 = arith.constant 0 : i32
      %dma_start3A_2190 = tpu.memref_slice %arg9[%dma_start3A_2189, %multiple_of3A_2176] : memref<1x1000000xf32, #tpu.memory_space<hbm>> -> memref<1x128xf32, #tpu.memory_space<hbm>>
      %dma_start3A_2191 = arith.constant 0 : i32
      %dma_start3A_2192 = tpu.memref_slice %arg9[%dma_start3A_2191, %multiple_of3A_2176] : memref<1x1000000xf32, #tpu.memory_space<hbm>> -> memref<1x128xf32, #tpu.memory_space<hbm>>
      tpu.enqueue_dma source(%dma_start3A_2192 : memref<1x128xf32, #tpu.memory_space<hbm>>) target(%arg30 : memref<1x128xf32, #tpu.memory_space<vmem>>) target_semaphore(%arg37 : memref<!tpu.dma_semaphore, #tpu.memory_space<semaphore_mem>>)
      %dma_wait3A_2193 = arith.constant 0 : i32
      %dma_wait3A_2194 = tpu.memref_slice %arg6[%dma_wait3A_2193, %multiple_of3A_1918] : memref<64x1000000xf32, #tpu.memory_space<hbm>> -> memref<64x128xf32, #tpu.memory_space<hbm>>
      %dma_wait3A_2195 = arith.constant 0 : i32
      %dma_wait3A_2196 = tpu.memref_slice %arg6[%dma_wait3A_2195, %multiple_of3A_1918] : memref<64x1000000xf32, #tpu.memory_space<hbm>> -> memref<64x128xf32, #tpu.memory_space<hbm>>
      tpu.wait_dma2 semaphore(%arg38 : memref<!tpu.dma_semaphore, #tpu.memory_space<semaphore_mem>>) src(%dma_wait3A_2196 : memref<64x128xf32, #tpu.memory_space<hbm>>) dst(%arg16 : memref<64x128xf32, #tpu.memory_space<vmem>>)
      %dma_wait3A_2197 = arith.constant 0 : i32
      %dma_wait3A_2198 = tpu.memref_slice %arg7[%dma_wait3A_2197, %multiple_of3A_1921] : memref<64x1000000xf32, #tpu.memory_space<hbm>> -> memref<64x128xf32, #tpu.memory_space<hbm>>
      %dma_wait3A_2199 = arith.constant 0 : i32
      %dma_wait3A_2200 = tpu.memref_slice %arg7[%dma_wait3A_2199, %multiple_of3A_1921] : memref<64x1000000xf32, #tpu.memory_space<hbm>> -> memref<64x128xf32, #tpu.memory_space<hbm>>
      tpu.wait_dma2 semaphore(%arg38 : memref<!tpu.dma_semaphore, #tpu.memory_space<semaphore_mem>>) src(%dma_wait3A_2200 : memref<64x128xf32, #tpu.memory_space<hbm>>) dst(%arg20 : memref<64x128xf32, #tpu.memory_space<vmem>>)
      %dma_wait3A_2201 = arith.constant 0 : i32
      %dma_wait3A_2202 = tpu.memref_slice %arg8[%dma_wait3A_2201, %multiple_of3A_1918] : memref<1x1000000xf32, #tpu.memory_space<hbm>> -> memref<1x128xf32, #tpu.memory_space<hbm>>
      %dma_wait3A_2203 = arith.constant 0 : i32
      %dma_wait3A_2204 = tpu.memref_slice %arg8[%dma_wait3A_2203, %multiple_of3A_1918] : memref<1x1000000xf32, #tpu.memory_space<hbm>> -> memref<1x128xf32, #tpu.memory_space<hbm>>
      tpu.wait_dma2 semaphore(%arg38 : memref<!tpu.dma_semaphore, #tpu.memory_space<semaphore_mem>>) src(%dma_wait3A_2204 : memref<1x128xf32, #tpu.memory_space<hbm>>) dst(%arg27 : memref<1x128xf32, #tpu.memory_space<vmem>>)
      %dma_wait3A_2205 = arith.constant 0 : i32
      %dma_wait3A_2206 = tpu.memref_slice %arg9[%dma_wait3A_2205, %multiple_of3A_1921] : memref<1x1000000xf32, #tpu.memory_space<hbm>> -> memref<1x128xf32, #tpu.memory_space<hbm>>
      %dma_wait3A_2207 = arith.constant 0 : i32
      %dma_wait3A_2208 = tpu.memref_slice %arg9[%dma_wait3A_2207, %multiple_of3A_1921] : memref<1x1000000xf32, #tpu.memory_space<hbm>> -> memref<1x128xf32, #tpu.memory_space<hbm>>
      tpu.wait_dma2 semaphore(%arg38 : memref<!tpu.dma_semaphore, #tpu.memory_space<semaphore_mem>>) src(%dma_wait3A_2208 : memref<1x128xf32, #tpu.memory_space<hbm>>) dst(%arg31 : memref<1x128xf32, #tpu.memory_space<vmem>>)
      %slice3A_2209 = vector.extract_strided_slice %get3A_1156 {offsets = [11], sizes = [1], strides = [1]} : vector<16xi32> to vector<1xi32>
      %squeeze3A_2210 = vector.extract %slice3A_2209[0] : i32 from vector<1xi32>
      %slice3A_2211 = vector.extract_strided_slice %get3A_1158 {offsets = [11], sizes = [1], strides = [1]} : vector<16xi32> to vector<1xi32>
      %squeeze3A_2212 = vector.extract %slice3A_2211[0] : i32 from vector<1xi32>
      %and3A_2213 = arith.constant 127 : i32
      %and3A_2214 = arith.andi %squeeze3A_2210, %and3A_2213 : i32
      %broadcast_in_dim3A_2215 = vector.broadcast %and3A_2214 : i32 to vector<16xi32>
      %and3A_2216 = arith.constant 127 : i32
      %and3A_2217 = arith.andi %squeeze3A_2212, %and3A_2216 : i32
      %broadcast_in_dim3A_2218 = vector.broadcast %and3A_2217 : i32 to vector<16xi32>
      %add3A_2219 = arith.constant 11 : i32
      %add3A_2220 = arith.addi %mul3A_1154, %add3A_2219 : i32
      %broadcast_in_dim3A_2221 = vector.broadcast %add3A_2220 : i32 to vector<16xi32>
      %add3A_2222 = arith.constant 0 : i32
      %add3A_2223 = vector.broadcast %add3A_2222 : i32 to vector<16xi32>
      %add3A_2224 = arith.addi %add3A_2223, %iota3A : vector<16xi32>
      %gather3A_2225 = tpu.vector_load_idx %arg16[%add3A_2224, %broadcast_in_dim3A_2215] : memref<64x128xf32, #tpu.memory_space<vmem>>[vector<16xi32>, vector<16xi32>], vector<16xf32>,
      %gather3A_2226 = tpu.vector_load_idx %arg20[%add3A_2224, %broadcast_in_dim3A_2218] : memref<64x128xf32, #tpu.memory_space<vmem>>[vector<16xi32>, vector<16xi32>], vector<16xf32>,
      %mul3A_2227 = arith.mulf %gather3A_2225, %gather3A_2226 : vector<16xf32>
      %add3A_2228 = arith.addf %broadcast_in_dim3A_3, %mul3A_2227 : vector<16xf32>
      %add3A_2229 = arith.constant 16 : i32
      %add3A_2230 = vector.broadcast %add3A_2229 : i32 to vector<16xi32>
      %add3A_2231 = arith.addi %add3A_2230, %iota3A : vector<16xi32>
      %gather3A_2232 = tpu.vector_load_idx %arg16[%add3A_2231, %broadcast_in_dim3A_2215] : memref<64x128xf32, #tpu.memory_space<vmem>>[vector<16xi32>, vector<16xi32>], vector<16xf32>,
      %gather3A_2233 = tpu.vector_load_idx %arg20[%add3A_2231, %broadcast_in_dim3A_2218] : memref<64x128xf32, #tpu.memory_space<vmem>>[vector<16xi32>, vector<16xi32>], vector<16xf32>,
      %mul3A_2234 = arith.mulf %gather3A_2232, %gather3A_2233 : vector<16xf32>
      %add3A_2235 = arith.addf %add3A_2228, %mul3A_2234 : vector<16xf32>
      %add3A_2236 = arith.constant 32 : i32
      %add3A_2237 = vector.broadcast %add3A_2236 : i32 to vector<16xi32>
      %add3A_2238 = arith.addi %add3A_2237, %iota3A : vector<16xi32>
      %gather3A_2239 = tpu.vector_load_idx %arg16[%add3A_2238, %broadcast_in_dim3A_2215] : memref<64x128xf32, #tpu.memory_space<vmem>>[vector<16xi32>, vector<16xi32>], vector<16xf32>,
      %gather3A_2240 = tpu.vector_load_idx %arg20[%add3A_2238, %broadcast_in_dim3A_2218] : memref<64x128xf32, #tpu.memory_space<vmem>>[vector<16xi32>, vector<16xi32>], vector<16xf32>,
      %mul3A_2241 = arith.mulf %gather3A_2239, %gather3A_2240 : vector<16xf32>
      %add3A_2242 = arith.addf %add3A_2235, %mul3A_2241 : vector<16xf32>
      %add3A_2243 = arith.constant 48 : i32
      %add3A_2244 = vector.broadcast %add3A_2243 : i32 to vector<16xi32>
      %add3A_2245 = arith.addi %add3A_2244, %iota3A : vector<16xi32>
      %gather3A_2246 = tpu.vector_load_idx %arg16[%add3A_2245, %broadcast_in_dim3A_2215] : memref<64x128xf32, #tpu.memory_space<vmem>>[vector<16xi32>, vector<16xi32>], vector<16xf32>,
      %gather3A_2247 = tpu.vector_load_idx %arg20[%add3A_2245, %broadcast_in_dim3A_2218] : memref<64x128xf32, #tpu.memory_space<vmem>>[vector<16xi32>, vector<16xi32>], vector<16xf32>,
      %mul3A_2248 = arith.mulf %gather3A_2246, %gather3A_2247 : vector<16xf32>
      %add3A_2249 = arith.addf %add3A_2242, %mul3A_2248 : vector<16xf32>
      tpu.vector_store_idx %arg21[%iota3A, %broadcast_in_dim3A_2221], %add3A_2249 : memref<16x128xf32, #tpu.memory_space<vmem>>[vector<16xi32>, vector<16xi32>], vector<16xf32>,
      %gather3A_2250 = tpu.vector_load_idx %arg27[%broadcast_in_dim3A_5, %broadcast_in_dim3A_2215] : memref<1x128xf32, #tpu.memory_space<vmem>>[vector<16xi32>, vector<16xi32>], vector<16xf32>,
      tpu.vector_store_idx %arg32[%broadcast_in_dim3A_5, %broadcast_in_dim3A_2221], %gather3A_2250 masked %eq3A_7 : memref<1x128xf32, #tpu.memory_space<vmem>>[vector<16xi32>, vector<16xi32>], vector<16xf32>, vector<16xi1>
      %gather3A_2251 = tpu.vector_load_idx %arg31[%broadcast_in_dim3A_5, %broadcast_in_dim3A_2218] : memref<1x128xf32, #tpu.memory_space<vmem>>[vector<16xi32>, vector<16xi32>], vector<16xf32>,
      tpu.vector_store_idx %arg33[%broadcast_in_dim3A_5, %broadcast_in_dim3A_2221], %gather3A_2251 masked %eq3A_7 : memref<1x128xf32, #tpu.memory_space<vmem>>[vector<16xi32>, vector<16xi32>], vector<16xf32>, vector<16xi1>
      %slice3A_2252 = vector.extract_strided_slice %get3A_1156 {offsets = [15], sizes = [1], strides = [1]} : vector<16xi32> to vector<1xi32>
      %squeeze3A_2253 = vector.extract %slice3A_2252[0] : i32 from vector<1xi32>
      %slice3A_2254 = vector.extract_strided_slice %get3A_1158 {offsets = [15], sizes = [1], strides = [1]} : vector<16xi32> to vector<1xi32>
      %squeeze3A_2255 = vector.extract %slice3A_2254[0] : i32 from vector<1xi32>
      %and3A_2256 = arith.constant -128 : i32
      %and3A_2257 = arith.andi %squeeze3A_2253, %and3A_2256 : i32
      %multiple_of3A_2258 = tpu.assume_multiple %and3A_2257, 128 : i32
      %and3A_2259 = arith.constant -128 : i32
      %and3A_2260 = arith.andi %squeeze3A_2255, %and3A_2259 : i32
      %multiple_of3A_2261 = tpu.assume_multiple %and3A_2260, 128 : i32
      %dma_start3A_2262 = arith.constant 0 : i32
      %dma_start3A_2263 = tpu.memref_slice %arg6[%dma_start3A_2262, %multiple_of3A_2258] : memref<64x1000000xf32, #tpu.memory_space<hbm>> -> memref<64x128xf32, #tpu.memory_space<hbm>>
      %dma_start3A_2264 = arith.constant 0 : i32
      %dma_start3A_2265 = tpu.memref_slice %arg6[%dma_start3A_2264, %multiple_of3A_2258] : memref<64x1000000xf32, #tpu.memory_space<hbm>> -> memref<64x128xf32, #tpu.memory_space<hbm>>
      tpu.enqueue_dma source(%dma_start3A_2265 : memref<64x128xf32, #tpu.memory_space<hbm>>) target(%arg16 : memref<64x128xf32, #tpu.memory_space<vmem>>) target_semaphore(%arg38 : memref<!tpu.dma_semaphore, #tpu.memory_space<semaphore_mem>>)
      %dma_start3A_2266 = arith.constant 0 : i32
      %dma_start3A_2267 = tpu.memref_slice %arg7[%dma_start3A_2266, %multiple_of3A_2261] : memref<64x1000000xf32, #tpu.memory_space<hbm>> -> memref<64x128xf32, #tpu.memory_space<hbm>>
      %dma_start3A_2268 = arith.constant 0 : i32
      %dma_start3A_2269 = tpu.memref_slice %arg7[%dma_start3A_2268, %multiple_of3A_2261] : memref<64x1000000xf32, #tpu.memory_space<hbm>> -> memref<64x128xf32, #tpu.memory_space<hbm>>
      tpu.enqueue_dma source(%dma_start3A_2269 : memref<64x128xf32, #tpu.memory_space<hbm>>) target(%arg20 : memref<64x128xf32, #tpu.memory_space<vmem>>) target_semaphore(%arg38 : memref<!tpu.dma_semaphore, #tpu.memory_space<semaphore_mem>>)
      %dma_start3A_2270 = arith.constant 0 : i32
      %dma_start3A_2271 = tpu.memref_slice %arg8[%dma_start3A_2270, %multiple_of3A_2258] : memref<1x1000000xf32, #tpu.memory_space<hbm>> -> memref<1x128xf32, #tpu.memory_space<hbm>>
      %dma_start3A_2272 = arith.constant 0 : i32
      %dma_start3A_2273 = tpu.memref_slice %arg8[%dma_start3A_2272, %multiple_of3A_2258] : memref<1x1000000xf32, #tpu.memory_space<hbm>> -> memref<1x128xf32, #tpu.memory_space<hbm>>
      tpu.enqueue_dma source(%dma_start3A_2273 : memref<1x128xf32, #tpu.memory_space<hbm>>) target(%arg27 : memref<1x128xf32, #tpu.memory_space<vmem>>) target_semaphore(%arg38 : memref<!tpu.dma_semaphore, #tpu.memory_space<semaphore_mem>>)
      %dma_start3A_2274 = arith.constant 0 : i32
      %dma_start3A_2275 = tpu.memref_slice %arg9[%dma_start3A_2274, %multiple_of3A_2261] : memref<1x1000000xf32, #tpu.memory_space<hbm>> -> memref<1x128xf32, #tpu.memory_space<hbm>>
      %dma_start3A_2276 = arith.constant 0 : i32
      %dma_start3A_2277 = tpu.memref_slice %arg9[%dma_start3A_2276, %multiple_of3A_2261] : memref<1x1000000xf32, #tpu.memory_space<hbm>> -> memref<1x128xf32, #tpu.memory_space<hbm>>
      tpu.enqueue_dma source(%dma_start3A_2277 : memref<1x128xf32, #tpu.memory_space<hbm>>) target(%arg31 : memref<1x128xf32, #tpu.memory_space<vmem>>) target_semaphore(%arg38 : memref<!tpu.dma_semaphore, #tpu.memory_space<semaphore_mem>>)
      %dma_wait3A_2278 = arith.constant 0 : i32
      %dma_wait3A_2279 = tpu.memref_slice %arg6[%dma_wait3A_2278, %multiple_of3A_2003] : memref<64x1000000xf32, #tpu.memory_space<hbm>> -> memref<64x128xf32, #tpu.memory_space<hbm>>
      %dma_wait3A_2280 = arith.constant 0 : i32
      %dma_wait3A_2281 = tpu.memref_slice %arg6[%dma_wait3A_2280, %multiple_of3A_2003] : memref<64x1000000xf32, #tpu.memory_space<hbm>> -> memref<64x128xf32, #tpu.memory_space<hbm>>
      tpu.wait_dma2 semaphore(%arg35 : memref<!tpu.dma_semaphore, #tpu.memory_space<semaphore_mem>>) src(%dma_wait3A_2281 : memref<64x128xf32, #tpu.memory_space<hbm>>) dst(%arg13 : memref<64x128xf32, #tpu.memory_space<vmem>>)
      %dma_wait3A_2282 = arith.constant 0 : i32
      %dma_wait3A_2283 = tpu.memref_slice %arg7[%dma_wait3A_2282, %multiple_of3A_2006] : memref<64x1000000xf32, #tpu.memory_space<hbm>> -> memref<64x128xf32, #tpu.memory_space<hbm>>
      %dma_wait3A_2284 = arith.constant 0 : i32
      %dma_wait3A_2285 = tpu.memref_slice %arg7[%dma_wait3A_2284, %multiple_of3A_2006] : memref<64x1000000xf32, #tpu.memory_space<hbm>> -> memref<64x128xf32, #tpu.memory_space<hbm>>
      tpu.wait_dma2 semaphore(%arg35 : memref<!tpu.dma_semaphore, #tpu.memory_space<semaphore_mem>>) src(%dma_wait3A_2285 : memref<64x128xf32, #tpu.memory_space<hbm>>) dst(%arg17 : memref<64x128xf32, #tpu.memory_space<vmem>>)
      %dma_wait3A_2286 = arith.constant 0 : i32
      %dma_wait3A_2287 = tpu.memref_slice %arg8[%dma_wait3A_2286, %multiple_of3A_2003] : memref<1x1000000xf32, #tpu.memory_space<hbm>> -> memref<1x128xf32, #tpu.memory_space<hbm>>
      %dma_wait3A_2288 = arith.constant 0 : i32
      %dma_wait3A_2289 = tpu.memref_slice %arg8[%dma_wait3A_2288, %multiple_of3A_2003] : memref<1x1000000xf32, #tpu.memory_space<hbm>> -> memref<1x128xf32, #tpu.memory_space<hbm>>
      tpu.wait_dma2 semaphore(%arg35 : memref<!tpu.dma_semaphore, #tpu.memory_space<semaphore_mem>>) src(%dma_wait3A_2289 : memref<1x128xf32, #tpu.memory_space<hbm>>) dst(%arg24 : memref<1x128xf32, #tpu.memory_space<vmem>>)
      %dma_wait3A_2290 = arith.constant 0 : i32
      %dma_wait3A_2291 = tpu.memref_slice %arg9[%dma_wait3A_2290, %multiple_of3A_2006] : memref<1x1000000xf32, #tpu.memory_space<hbm>> -> memref<1x128xf32, #tpu.memory_space<hbm>>
      %dma_wait3A_2292 = arith.constant 0 : i32
      %dma_wait3A_2293 = tpu.memref_slice %arg9[%dma_wait3A_2292, %multiple_of3A_2006] : memref<1x1000000xf32, #tpu.memory_space<hbm>> -> memref<1x128xf32, #tpu.memory_space<hbm>>
      tpu.wait_dma2 semaphore(%arg35 : memref<!tpu.dma_semaphore, #tpu.memory_space<semaphore_mem>>) src(%dma_wait3A_2293 : memref<1x128xf32, #tpu.memory_space<hbm>>) dst(%arg28 : memref<1x128xf32, #tpu.memory_space<vmem>>)
      %slice3A_2294 = vector.extract_strided_slice %get3A_1156 {offsets = [12], sizes = [1], strides = [1]} : vector<16xi32> to vector<1xi32>
      %squeeze3A_2295 = vector.extract %slice3A_2294[0] : i32 from vector<1xi32>
      %slice3A_2296 = vector.extract_strided_slice %get3A_1158 {offsets = [12], sizes = [1], strides = [1]} : vector<16xi32> to vector<1xi32>
      %squeeze3A_2297 = vector.extract %slice3A_2296[0] : i32 from vector<1xi32>
      %and3A_2298 = arith.constant 127 : i32
      %and3A_2299 = arith.andi %squeeze3A_2295, %and3A_2298 : i32
      %broadcast_in_dim3A_2300 = vector.broadcast %and3A_2299 : i32 to vector<16xi32>
      %and3A_2301 = arith.constant 127 : i32
      %and3A_2302 = arith.andi %squeeze3A_2297, %and3A_2301 : i32
      %broadcast_in_dim3A_2303 = vector.broadcast %and3A_2302 : i32 to vector<16xi32>
      %add3A_2304 = arith.constant 12 : i32
      %add3A_2305 = arith.addi %mul3A_1154, %add3A_2304 : i32
      %broadcast_in_dim3A_2306 = vector.broadcast %add3A_2305 : i32 to vector<16xi32>
      %add3A_2307 = arith.constant 0 : i32
      %add3A_2308 = vector.broadcast %add3A_2307 : i32 to vector<16xi32>
      %add3A_2309 = arith.addi %add3A_2308, %iota3A : vector<16xi32>
      %gather3A_2310 = tpu.vector_load_idx %arg13[%add3A_2309, %broadcast_in_dim3A_2300] : memref<64x128xf32, #tpu.memory_space<vmem>>[vector<16xi32>, vector<16xi32>], vector<16xf32>,
      %gather3A_2311 = tpu.vector_load_idx %arg17[%add3A_2309, %broadcast_in_dim3A_2303] : memref<64x128xf32, #tpu.memory_space<vmem>>[vector<16xi32>, vector<16xi32>], vector<16xf32>,
      %mul3A_2312 = arith.mulf %gather3A_2310, %gather3A_2311 : vector<16xf32>
      %add3A_2313 = arith.addf %broadcast_in_dim3A_3, %mul3A_2312 : vector<16xf32>
      %add3A_2314 = arith.constant 16 : i32
      %add3A_2315 = vector.broadcast %add3A_2314 : i32 to vector<16xi32>
      %add3A_2316 = arith.addi %add3A_2315, %iota3A : vector<16xi32>
      %gather3A_2317 = tpu.vector_load_idx %arg13[%add3A_2316, %broadcast_in_dim3A_2300] : memref<64x128xf32, #tpu.memory_space<vmem>>[vector<16xi32>, vector<16xi32>], vector<16xf32>,
      %gather3A_2318 = tpu.vector_load_idx %arg17[%add3A_2316, %broadcast_in_dim3A_2303] : memref<64x128xf32, #tpu.memory_space<vmem>>[vector<16xi32>, vector<16xi32>], vector<16xf32>,
      %mul3A_2319 = arith.mulf %gather3A_2317, %gather3A_2318 : vector<16xf32>
      %add3A_2320 = arith.addf %add3A_2313, %mul3A_2319 : vector<16xf32>
      %add3A_2321 = arith.constant 32 : i32
      %add3A_2322 = vector.broadcast %add3A_2321 : i32 to vector<16xi32>
      %add3A_2323 = arith.addi %add3A_2322, %iota3A : vector<16xi32>
      %gather3A_2324 = tpu.vector_load_idx %arg13[%add3A_2323, %broadcast_in_dim3A_2300] : memref<64x128xf32, #tpu.memory_space<vmem>>[vector<16xi32>, vector<16xi32>], vector<16xf32>,
      %gather3A_2325 = tpu.vector_load_idx %arg17[%add3A_2323, %broadcast_in_dim3A_2303] : memref<64x128xf32, #tpu.memory_space<vmem>>[vector<16xi32>, vector<16xi32>], vector<16xf32>,
      %mul3A_2326 = arith.mulf %gather3A_2324, %gather3A_2325 : vector<16xf32>
      %add3A_2327 = arith.addf %add3A_2320, %mul3A_2326 : vector<16xf32>
      %add3A_2328 = arith.constant 48 : i32
      %add3A_2329 = vector.broadcast %add3A_2328 : i32 to vector<16xi32>
      %add3A_2330 = arith.addi %add3A_2329, %iota3A : vector<16xi32>
      %gather3A_2331 = tpu.vector_load_idx %arg13[%add3A_2330, %broadcast_in_dim3A_2300] : memref<64x128xf32, #tpu.memory_space<vmem>>[vector<16xi32>, vector<16xi32>], vector<16xf32>,
      %gather3A_2332 = tpu.vector_load_idx %arg17[%add3A_2330, %broadcast_in_dim3A_2303] : memref<64x128xf32, #tpu.memory_space<vmem>>[vector<16xi32>, vector<16xi32>], vector<16xf32>,
      %mul3A_2333 = arith.mulf %gather3A_2331, %gather3A_2332 : vector<16xf32>
      %add3A_2334 = arith.addf %add3A_2327, %mul3A_2333 : vector<16xf32>
      tpu.vector_store_idx %arg21[%iota3A, %broadcast_in_dim3A_2306], %add3A_2334 : memref<16x128xf32, #tpu.memory_space<vmem>>[vector<16xi32>, vector<16xi32>], vector<16xf32>,
      %gather3A_2335 = tpu.vector_load_idx %arg24[%broadcast_in_dim3A_5, %broadcast_in_dim3A_2300] : memref<1x128xf32, #tpu.memory_space<vmem>>[vector<16xi32>, vector<16xi32>], vector<16xf32>,
      tpu.vector_store_idx %arg32[%broadcast_in_dim3A_5, %broadcast_in_dim3A_2306], %gather3A_2335 masked %eq3A_7 : memref<1x128xf32, #tpu.memory_space<vmem>>[vector<16xi32>, vector<16xi32>], vector<16xf32>, vector<16xi1>
      %gather3A_2336 = tpu.vector_load_idx %arg28[%broadcast_in_dim3A_5, %broadcast_in_dim3A_2303] : memref<1x128xf32, #tpu.memory_space<vmem>>[vector<16xi32>, vector<16xi32>], vector<16xf32>,
      tpu.vector_store_idx %arg33[%broadcast_in_dim3A_5, %broadcast_in_dim3A_2306], %gather3A_2336 masked %eq3A_7 : memref<1x128xf32, #tpu.memory_space<vmem>>[vector<16xi32>, vector<16xi32>], vector<16xf32>, vector<16xi1>
      %dma_wait3A_2337 = arith.constant 0 : i32
      %dma_wait3A_2338 = tpu.memref_slice %arg6[%dma_wait3A_2337, %multiple_of3A_2088] : memref<64x1000000xf32, #tpu.memory_space<hbm>> -> memref<64x128xf32, #tpu.memory_space<hbm>>
      %dma_wait3A_2339 = arith.constant 0 : i32
      %dma_wait3A_2340 = tpu.memref_slice %arg6[%dma_wait3A_2339, %multiple_of3A_2088] : memref<64x1000000xf32, #tpu.memory_space<hbm>> -> memref<64x128xf32, #tpu.memory_space<hbm>>
      tpu.wait_dma2 semaphore(%arg36 : memref<!tpu.dma_semaphore, #tpu.memory_space<semaphore_mem>>) src(%dma_wait3A_2340 : memref<64x128xf32, #tpu.memory_space<hbm>>) dst(%arg14 : memref<64x128xf32, #tpu.memory_space<vmem>>)
      %dma_wait3A_2341 = arith.constant 0 : i32
      %dma_wait3A_2342 = tpu.memref_slice %arg7[%dma_wait3A_2341, %multiple_of3A_2091] : memref<64x1000000xf32, #tpu.memory_space<hbm>> -> memref<64x128xf32, #tpu.memory_space<hbm>>
      %dma_wait3A_2343 = arith.constant 0 : i32
      %dma_wait3A_2344 = tpu.memref_slice %arg7[%dma_wait3A_2343, %multiple_of3A_2091] : memref<64x1000000xf32, #tpu.memory_space<hbm>> -> memref<64x128xf32, #tpu.memory_space<hbm>>
      tpu.wait_dma2 semaphore(%arg36 : memref<!tpu.dma_semaphore, #tpu.memory_space<semaphore_mem>>) src(%dma_wait3A_2344 : memref<64x128xf32, #tpu.memory_space<hbm>>) dst(%arg18 : memref<64x128xf32, #tpu.memory_space<vmem>>)
      %dma_wait3A_2345 = arith.constant 0 : i32
      %dma_wait3A_2346 = tpu.memref_slice %arg8[%dma_wait3A_2345, %multiple_of3A_2088] : memref<1x1000000xf32, #tpu.memory_space<hbm>> -> memref<1x128xf32, #tpu.memory_space<hbm>>
      %dma_wait3A_2347 = arith.constant 0 : i32
      %dma_wait3A_2348 = tpu.memref_slice %arg8[%dma_wait3A_2347, %multiple_of3A_2088] : memref<1x1000000xf32, #tpu.memory_space<hbm>> -> memref<1x128xf32, #tpu.memory_space<hbm>>
      tpu.wait_dma2 semaphore(%arg36 : memref<!tpu.dma_semaphore, #tpu.memory_space<semaphore_mem>>) src(%dma_wait3A_2348 : memref<1x128xf32, #tpu.memory_space<hbm>>) dst(%arg25 : memref<1x128xf32, #tpu.memory_space<vmem>>)
      %dma_wait3A_2349 = arith.constant 0 : i32
      %dma_wait3A_2350 = tpu.memref_slice %arg9[%dma_wait3A_2349, %multiple_of3A_2091] : memref<1x1000000xf32, #tpu.memory_space<hbm>> -> memref<1x128xf32, #tpu.memory_space<hbm>>
      %dma_wait3A_2351 = arith.constant 0 : i32
      %dma_wait3A_2352 = tpu.memref_slice %arg9[%dma_wait3A_2351, %multiple_of3A_2091] : memref<1x1000000xf32, #tpu.memory_space<hbm>> -> memref<1x128xf32, #tpu.memory_space<hbm>>
      tpu.wait_dma2 semaphore(%arg36 : memref<!tpu.dma_semaphore, #tpu.memory_space<semaphore_mem>>) src(%dma_wait3A_2352 : memref<1x128xf32, #tpu.memory_space<hbm>>) dst(%arg29 : memref<1x128xf32, #tpu.memory_space<vmem>>)
      %slice3A_2353 = vector.extract_strided_slice %get3A_1156 {offsets = [13], sizes = [1], strides = [1]} : vector<16xi32> to vector<1xi32>
      %squeeze3A_2354 = vector.extract %slice3A_2353[0] : i32 from vector<1xi32>
      %slice3A_2355 = vector.extract_strided_slice %get3A_1158 {offsets = [13], sizes = [1], strides = [1]} : vector<16xi32> to vector<1xi32>
      %squeeze3A_2356 = vector.extract %slice3A_2355[0] : i32 from vector<1xi32>
      %and3A_2357 = arith.constant 127 : i32
      %and3A_2358 = arith.andi %squeeze3A_2354, %and3A_2357 : i32
      %broadcast_in_dim3A_2359 = vector.broadcast %and3A_2358 : i32 to vector<16xi32>
      %and3A_2360 = arith.constant 127 : i32
      %and3A_2361 = arith.andi %squeeze3A_2356, %and3A_2360 : i32
      %broadcast_in_dim3A_2362 = vector.broadcast %and3A_2361 : i32 to vector<16xi32>
      %add3A_2363 = arith.constant 13 : i32
      %add3A_2364 = arith.addi %mul3A_1154, %add3A_2363 : i32
      %broadcast_in_dim3A_2365 = vector.broadcast %add3A_2364 : i32 to vector<16xi32>
      %add3A_2366 = arith.constant 0 : i32
      %add3A_2367 = vector.broadcast %add3A_2366 : i32 to vector<16xi32>
      %add3A_2368 = arith.addi %add3A_2367, %iota3A : vector<16xi32>
      %gather3A_2369 = tpu.vector_load_idx %arg14[%add3A_2368, %broadcast_in_dim3A_2359] : memref<64x128xf32, #tpu.memory_space<vmem>>[vector<16xi32>, vector<16xi32>], vector<16xf32>,
      %gather3A_2370 = tpu.vector_load_idx %arg18[%add3A_2368, %broadcast_in_dim3A_2362] : memref<64x128xf32, #tpu.memory_space<vmem>>[vector<16xi32>, vector<16xi32>], vector<16xf32>,
      %mul3A_2371 = arith.mulf %gather3A_2369, %gather3A_2370 : vector<16xf32>
      %add3A_2372 = arith.addf %broadcast_in_dim3A_3, %mul3A_2371 : vector<16xf32>
      %add3A_2373 = arith.constant 16 : i32
      %add3A_2374 = vector.broadcast %add3A_2373 : i32 to vector<16xi32>
      %add3A_2375 = arith.addi %add3A_2374, %iota3A : vector<16xi32>
      %gather3A_2376 = tpu.vector_load_idx %arg14[%add3A_2375, %broadcast_in_dim3A_2359] : memref<64x128xf32, #tpu.memory_space<vmem>>[vector<16xi32>, vector<16xi32>], vector<16xf32>,
      %gather3A_2377 = tpu.vector_load_idx %arg18[%add3A_2375, %broadcast_in_dim3A_2362] : memref<64x128xf32, #tpu.memory_space<vmem>>[vector<16xi32>, vector<16xi32>], vector<16xf32>,
      %mul3A_2378 = arith.mulf %gather3A_2376, %gather3A_2377 : vector<16xf32>
      %add3A_2379 = arith.addf %add3A_2372, %mul3A_2378 : vector<16xf32>
      %add3A_2380 = arith.constant 32 : i32
      %add3A_2381 = vector.broadcast %add3A_2380 : i32 to vector<16xi32>
      %add3A_2382 = arith.addi %add3A_2381, %iota3A : vector<16xi32>
      %gather3A_2383 = tpu.vector_load_idx %arg14[%add3A_2382, %broadcast_in_dim3A_2359] : memref<64x128xf32, #tpu.memory_space<vmem>>[vector<16xi32>, vector<16xi32>], vector<16xf32>,
      %gather3A_2384 = tpu.vector_load_idx %arg18[%add3A_2382, %broadcast_in_dim3A_2362] : memref<64x128xf32, #tpu.memory_space<vmem>>[vector<16xi32>, vector<16xi32>], vector<16xf32>,
      %mul3A_2385 = arith.mulf %gather3A_2383, %gather3A_2384 : vector<16xf32>
      %add3A_2386 = arith.addf %add3A_2379, %mul3A_2385 : vector<16xf32>
      %add3A_2387 = arith.constant 48 : i32
      %add3A_2388 = vector.broadcast %add3A_2387 : i32 to vector<16xi32>
      %add3A_2389 = arith.addi %add3A_2388, %iota3A : vector<16xi32>
      %gather3A_2390 = tpu.vector_load_idx %arg14[%add3A_2389, %broadcast_in_dim3A_2359] : memref<64x128xf32, #tpu.memory_space<vmem>>[vector<16xi32>, vector<16xi32>], vector<16xf32>,
      %gather3A_2391 = tpu.vector_load_idx %arg18[%add3A_2389, %broadcast_in_dim3A_2362] : memref<64x128xf32, #tpu.memory_space<vmem>>[vector<16xi32>, vector<16xi32>], vector<16xf32>,
      %mul3A_2392 = arith.mulf %gather3A_2390, %gather3A_2391 : vector<16xf32>
      %add3A_2393 = arith.addf %add3A_2386, %mul3A_2392 : vector<16xf32>
      tpu.vector_store_idx %arg21[%iota3A, %broadcast_in_dim3A_2365], %add3A_2393 : memref<16x128xf32, #tpu.memory_space<vmem>>[vector<16xi32>, vector<16xi32>], vector<16xf32>,
      %gather3A_2394 = tpu.vector_load_idx %arg25[%broadcast_in_dim3A_5, %broadcast_in_dim3A_2359] : memref<1x128xf32, #tpu.memory_space<vmem>>[vector<16xi32>, vector<16xi32>], vector<16xf32>,
      tpu.vector_store_idx %arg32[%broadcast_in_dim3A_5, %broadcast_in_dim3A_2365], %gather3A_2394 masked %eq3A_7 : memref<1x128xf32, #tpu.memory_space<vmem>>[vector<16xi32>, vector<16xi32>], vector<16xf32>, vector<16xi1>
      %gather3A_2395 = tpu.vector_load_idx %arg29[%broadcast_in_dim3A_5, %broadcast_in_dim3A_2362] : memref<1x128xf32, #tpu.memory_space<vmem>>[vector<16xi32>, vector<16xi32>], vector<16xf32>,
      tpu.vector_store_idx %arg33[%broadcast_in_dim3A_5, %broadcast_in_dim3A_2365], %gather3A_2395 masked %eq3A_7 : memref<1x128xf32, #tpu.memory_space<vmem>>[vector<16xi32>, vector<16xi32>], vector<16xf32>, vector<16xi1>
      %dma_wait3A_2396 = arith.constant 0 : i32
      %dma_wait3A_2397 = tpu.memref_slice %arg6[%dma_wait3A_2396, %multiple_of3A_2173] : memref<64x1000000xf32, #tpu.memory_space<hbm>> -> memref<64x128xf32, #tpu.memory_space<hbm>>
      %dma_wait3A_2398 = arith.constant 0 : i32
      %dma_wait3A_2399 = tpu.memref_slice %arg6[%dma_wait3A_2398, %multiple_of3A_2173] : memref<64x1000000xf32, #tpu.memory_space<hbm>> -> memref<64x128xf32, #tpu.memory_space<hbm>>
      tpu.wait_dma2 semaphore(%arg37 : memref<!tpu.dma_semaphore, #tpu.memory_space<semaphore_mem>>) src(%dma_wait3A_2399 : memref<64x128xf32, #tpu.memory_space<hbm>>) dst(%arg15 : memref<64x128xf32, #tpu.memory_space<vmem>>)
      %dma_wait3A_2400 = arith.constant 0 : i32
      %dma_wait3A_2401 = tpu.memref_slice %arg7[%dma_wait3A_2400, %multiple_of3A_2176] : memref<64x1000000xf32, #tpu.memory_space<hbm>> -> memref<64x128xf32, #tpu.memory_space<hbm>>
      %dma_wait3A_2402 = arith.constant 0 : i32
      %dma_wait3A_2403 = tpu.memref_slice %arg7[%dma_wait3A_2402, %multiple_of3A_2176] : memref<64x1000000xf32, #tpu.memory_space<hbm>> -> memref<64x128xf32, #tpu.memory_space<hbm>>
      tpu.wait_dma2 semaphore(%arg37 : memref<!tpu.dma_semaphore, #tpu.memory_space<semaphore_mem>>) src(%dma_wait3A_2403 : memref<64x128xf32, #tpu.memory_space<hbm>>) dst(%arg19 : memref<64x128xf32, #tpu.memory_space<vmem>>)
      %dma_wait3A_2404 = arith.constant 0 : i32
      %dma_wait3A_2405 = tpu.memref_slice %arg8[%dma_wait3A_2404, %multiple_of3A_2173] : memref<1x1000000xf32, #tpu.memory_space<hbm>> -> memref<1x128xf32, #tpu.memory_space<hbm>>
      %dma_wait3A_2406 = arith.constant 0 : i32
      %dma_wait3A_2407 = tpu.memref_slice %arg8[%dma_wait3A_2406, %multiple_of3A_2173] : memref<1x1000000xf32, #tpu.memory_space<hbm>> -> memref<1x128xf32, #tpu.memory_space<hbm>>
      tpu.wait_dma2 semaphore(%arg37 : memref<!tpu.dma_semaphore, #tpu.memory_space<semaphore_mem>>) src(%dma_wait3A_2407 : memref<1x128xf32, #tpu.memory_space<hbm>>) dst(%arg26 : memref<1x128xf32, #tpu.memory_space<vmem>>)
      %dma_wait3A_2408 = arith.constant 0 : i32
      %dma_wait3A_2409 = tpu.memref_slice %arg9[%dma_wait3A_2408, %multiple_of3A_2176] : memref<1x1000000xf32, #tpu.memory_space<hbm>> -> memref<1x128xf32, #tpu.memory_space<hbm>>
      %dma_wait3A_2410 = arith.constant 0 : i32
      %dma_wait3A_2411 = tpu.memref_slice %arg9[%dma_wait3A_2410, %multiple_of3A_2176] : memref<1x1000000xf32, #tpu.memory_space<hbm>> -> memref<1x128xf32, #tpu.memory_space<hbm>>
      tpu.wait_dma2 semaphore(%arg37 : memref<!tpu.dma_semaphore, #tpu.memory_space<semaphore_mem>>) src(%dma_wait3A_2411 : memref<1x128xf32, #tpu.memory_space<hbm>>) dst(%arg30 : memref<1x128xf32, #tpu.memory_space<vmem>>)
      %slice3A_2412 = vector.extract_strided_slice %get3A_1156 {offsets = [14], sizes = [1], strides = [1]} : vector<16xi32> to vector<1xi32>
      %squeeze3A_2413 = vector.extract %slice3A_2412[0] : i32 from vector<1xi32>
      %slice3A_2414 = vector.extract_strided_slice %get3A_1158 {offsets = [14], sizes = [1], strides = [1]} : vector<16xi32> to vector<1xi32>
      %squeeze3A_2415 = vector.extract %slice3A_2414[0] : i32 from vector<1xi32>
      %and3A_2416 = arith.constant 127 : i32
      %and3A_2417 = arith.andi %squeeze3A_2413, %and3A_2416 : i32
      %broadcast_in_dim3A_2418 = vector.broadcast %and3A_2417 : i32 to vector<16xi32>
      %and3A_2419 = arith.constant 127 : i32
      %and3A_2420 = arith.andi %squeeze3A_2415, %and3A_2419 : i32
      %broadcast_in_dim3A_2421 = vector.broadcast %and3A_2420 : i32 to vector<16xi32>
      %add3A_2422 = arith.constant 14 : i32
      %add3A_2423 = arith.addi %mul3A_1154, %add3A_2422 : i32
      %broadcast_in_dim3A_2424 = vector.broadcast %add3A_2423 : i32 to vector<16xi32>
      %add3A_2425 = arith.constant 0 : i32
      %add3A_2426 = vector.broadcast %add3A_2425 : i32 to vector<16xi32>
      %add3A_2427 = arith.addi %add3A_2426, %iota3A : vector<16xi32>
      %gather3A_2428 = tpu.vector_load_idx %arg15[%add3A_2427, %broadcast_in_dim3A_2418] : memref<64x128xf32, #tpu.memory_space<vmem>>[vector<16xi32>, vector<16xi32>], vector<16xf32>,
      %gather3A_2429 = tpu.vector_load_idx %arg19[%add3A_2427, %broadcast_in_dim3A_2421] : memref<64x128xf32, #tpu.memory_space<vmem>>[vector<16xi32>, vector<16xi32>], vector<16xf32>,
      %mul3A_2430 = arith.mulf %gather3A_2428, %gather3A_2429 : vector<16xf32>
      %add3A_2431 = arith.addf %broadcast_in_dim3A_3, %mul3A_2430 : vector<16xf32>
      %add3A_2432 = arith.constant 16 : i32
      %add3A_2433 = vector.broadcast %add3A_2432 : i32 to vector<16xi32>
      %add3A_2434 = arith.addi %add3A_2433, %iota3A : vector<16xi32>
      %gather3A_2435 = tpu.vector_load_idx %arg15[%add3A_2434, %broadcast_in_dim3A_2418] : memref<64x128xf32, #tpu.memory_space<vmem>>[vector<16xi32>, vector<16xi32>], vector<16xf32>,
      %gather3A_2436 = tpu.vector_load_idx %arg19[%add3A_2434, %broadcast_in_dim3A_2421] : memref<64x128xf32, #tpu.memory_space<vmem>>[vector<16xi32>, vector<16xi32>], vector<16xf32>,
      %mul3A_2437 = arith.mulf %gather3A_2435, %gather3A_2436 : vector<16xf32>
      %add3A_2438 = arith.addf %add3A_2431, %mul3A_2437 : vector<16xf32>
      %add3A_2439 = arith.constant 32 : i32
      %add3A_2440 = vector.broadcast %add3A_2439 : i32 to vector<16xi32>
      %add3A_2441 = arith.addi %add3A_2440, %iota3A : vector<16xi32>
      %gather3A_2442 = tpu.vector_load_idx %arg15[%add3A_2441, %broadcast_in_dim3A_2418] : memref<64x128xf32, #tpu.memory_space<vmem>>[vector<16xi32>, vector<16xi32>], vector<16xf32>,
      %gather3A_2443 = tpu.vector_load_idx %arg19[%add3A_2441, %broadcast_in_dim3A_2421] : memref<64x128xf32, #tpu.memory_space<vmem>>[vector<16xi32>, vector<16xi32>], vector<16xf32>,
      %mul3A_2444 = arith.mulf %gather3A_2442, %gather3A_2443 : vector<16xf32>
      %add3A_2445 = arith.addf %add3A_2438, %mul3A_2444 : vector<16xf32>
      %add3A_2446 = arith.constant 48 : i32
      %add3A_2447 = vector.broadcast %add3A_2446 : i32 to vector<16xi32>
      %add3A_2448 = arith.addi %add3A_2447, %iota3A : vector<16xi32>
      %gather3A_2449 = tpu.vector_load_idx %arg15[%add3A_2448, %broadcast_in_dim3A_2418] : memref<64x128xf32, #tpu.memory_space<vmem>>[vector<16xi32>, vector<16xi32>], vector<16xf32>,
      %gather3A_2450 = tpu.vector_load_idx %arg19[%add3A_2448, %broadcast_in_dim3A_2421] : memref<64x128xf32, #tpu.memory_space<vmem>>[vector<16xi32>, vector<16xi32>], vector<16xf32>,
      %mul3A_2451 = arith.mulf %gather3A_2449, %gather3A_2450 : vector<16xf32>
      %add3A_2452 = arith.addf %add3A_2445, %mul3A_2451 : vector<16xf32>
      tpu.vector_store_idx %arg21[%iota3A, %broadcast_in_dim3A_2424], %add3A_2452 : memref<16x128xf32, #tpu.memory_space<vmem>>[vector<16xi32>, vector<16xi32>], vector<16xf32>,
      %gather3A_2453 = tpu.vector_load_idx %arg26[%broadcast_in_dim3A_5, %broadcast_in_dim3A_2418] : memref<1x128xf32, #tpu.memory_space<vmem>>[vector<16xi32>, vector<16xi32>], vector<16xf32>,
      tpu.vector_store_idx %arg32[%broadcast_in_dim3A_5, %broadcast_in_dim3A_2424], %gather3A_2453 masked %eq3A_7 : memref<1x128xf32, #tpu.memory_space<vmem>>[vector<16xi32>, vector<16xi32>], vector<16xf32>, vector<16xi1>
      %gather3A_2454 = tpu.vector_load_idx %arg30[%broadcast_in_dim3A_5, %broadcast_in_dim3A_2421] : memref<1x128xf32, #tpu.memory_space<vmem>>[vector<16xi32>, vector<16xi32>], vector<16xf32>,
      tpu.vector_store_idx %arg33[%broadcast_in_dim3A_5, %broadcast_in_dim3A_2424], %gather3A_2454 masked %eq3A_7 : memref<1x128xf32, #tpu.memory_space<vmem>>[vector<16xi32>, vector<16xi32>], vector<16xf32>, vector<16xi1>
      %dma_wait3A_2455 = arith.constant 0 : i32
      %dma_wait3A_2456 = tpu.memref_slice %arg6[%dma_wait3A_2455, %multiple_of3A_2258] : memref<64x1000000xf32, #tpu.memory_space<hbm>> -> memref<64x128xf32, #tpu.memory_space<hbm>>
      %dma_wait3A_2457 = arith.constant 0 : i32
      %dma_wait3A_2458 = tpu.memref_slice %arg6[%dma_wait3A_2457, %multiple_of3A_2258] : memref<64x1000000xf32, #tpu.memory_space<hbm>> -> memref<64x128xf32, #tpu.memory_space<hbm>>
      tpu.wait_dma2 semaphore(%arg38 : memref<!tpu.dma_semaphore, #tpu.memory_space<semaphore_mem>>) src(%dma_wait3A_2458 : memref<64x128xf32, #tpu.memory_space<hbm>>) dst(%arg16 : memref<64x128xf32, #tpu.memory_space<vmem>>)
      %dma_wait3A_2459 = arith.constant 0 : i32
      %dma_wait3A_2460 = tpu.memref_slice %arg7[%dma_wait3A_2459, %multiple_of3A_2261] : memref<64x1000000xf32, #tpu.memory_space<hbm>> -> memref<64x128xf32, #tpu.memory_space<hbm>>
      %dma_wait3A_2461 = arith.constant 0 : i32
      %dma_wait3A_2462 = tpu.memref_slice %arg7[%dma_wait3A_2461, %multiple_of3A_2261] : memref<64x1000000xf32, #tpu.memory_space<hbm>> -> memref<64x128xf32, #tpu.memory_space<hbm>>
      tpu.wait_dma2 semaphore(%arg38 : memref<!tpu.dma_semaphore, #tpu.memory_space<semaphore_mem>>) src(%dma_wait3A_2462 : memref<64x128xf32, #tpu.memory_space<hbm>>) dst(%arg20 : memref<64x128xf32, #tpu.memory_space<vmem>>)
      %dma_wait3A_2463 = arith.constant 0 : i32
      %dma_wait3A_2464 = tpu.memref_slice %arg8[%dma_wait3A_2463, %multiple_of3A_2258] : memref<1x1000000xf32, #tpu.memory_space<hbm>> -> memref<1x128xf32, #tpu.memory_space<hbm>>
      %dma_wait3A_2465 = arith.constant 0 : i32
      %dma_wait3A_2466 = tpu.memref_slice %arg8[%dma_wait3A_2465, %multiple_of3A_2258] : memref<1x1000000xf32, #tpu.memory_space<hbm>> -> memref<1x128xf32, #tpu.memory_space<hbm>>
      tpu.wait_dma2 semaphore(%arg38 : memref<!tpu.dma_semaphore, #tpu.memory_space<semaphore_mem>>) src(%dma_wait3A_2466 : memref<1x128xf32, #tpu.memory_space<hbm>>) dst(%arg27 : memref<1x128xf32, #tpu.memory_space<vmem>>)
      %dma_wait3A_2467 = arith.constant 0 : i32
      %dma_wait3A_2468 = tpu.memref_slice %arg9[%dma_wait3A_2467, %multiple_of3A_2261] : memref<1x1000000xf32, #tpu.memory_space<hbm>> -> memref<1x128xf32, #tpu.memory_space<hbm>>
      %dma_wait3A_2469 = arith.constant 0 : i32
      %dma_wait3A_2470 = tpu.memref_slice %arg9[%dma_wait3A_2469, %multiple_of3A_2261] : memref<1x1000000xf32, #tpu.memory_space<hbm>> -> memref<1x128xf32, #tpu.memory_space<hbm>>
      tpu.wait_dma2 semaphore(%arg38 : memref<!tpu.dma_semaphore, #tpu.memory_space<semaphore_mem>>) src(%dma_wait3A_2470 : memref<1x128xf32, #tpu.memory_space<hbm>>) dst(%arg31 : memref<1x128xf32, #tpu.memory_space<vmem>>)
      %slice3A_2471 = vector.extract_strided_slice %get3A_1156 {offsets = [15], sizes = [1], strides = [1]} : vector<16xi32> to vector<1xi32>
      %squeeze3A_2472 = vector.extract %slice3A_2471[0] : i32 from vector<1xi32>
      %slice3A_2473 = vector.extract_strided_slice %get3A_1158 {offsets = [15], sizes = [1], strides = [1]} : vector<16xi32> to vector<1xi32>
      %squeeze3A_2474 = vector.extract %slice3A_2473[0] : i32 from vector<1xi32>
      %and3A_2475 = arith.constant 127 : i32
      %and3A_2476 = arith.andi %squeeze3A_2472, %and3A_2475 : i32
      %broadcast_in_dim3A_2477 = vector.broadcast %and3A_2476 : i32 to vector<16xi32>
      %and3A_2478 = arith.constant 127 : i32
      %and3A_2479 = arith.andi %squeeze3A_2474, %and3A_2478 : i32
      %broadcast_in_dim3A_2480 = vector.broadcast %and3A_2479 : i32 to vector<16xi32>
      %add3A_2481 = arith.constant 15 : i32
      %add3A_2482 = arith.addi %mul3A_1154, %add3A_2481 : i32
      %broadcast_in_dim3A_2483 = vector.broadcast %add3A_2482 : i32 to vector<16xi32>
      %add3A_2484 = arith.constant 0 : i32
      %add3A_2485 = vector.broadcast %add3A_2484 : i32 to vector<16xi32>
      %add3A_2486 = arith.addi %add3A_2485, %iota3A : vector<16xi32>
      %gather3A_2487 = tpu.vector_load_idx %arg16[%add3A_2486, %broadcast_in_dim3A_2477] : memref<64x128xf32, #tpu.memory_space<vmem>>[vector<16xi32>, vector<16xi32>], vector<16xf32>,
      %gather3A_2488 = tpu.vector_load_idx %arg20[%add3A_2486, %broadcast_in_dim3A_2480] : memref<64x128xf32, #tpu.memory_space<vmem>>[vector<16xi32>, vector<16xi32>], vector<16xf32>,
      %mul3A_2489 = arith.mulf %gather3A_2487, %gather3A_2488 : vector<16xf32>
      %add3A_2490 = arith.addf %broadcast_in_dim3A_3, %mul3A_2489 : vector<16xf32>
      %add3A_2491 = arith.constant 16 : i32
      %add3A_2492 = vector.broadcast %add3A_2491 : i32 to vector<16xi32>
      %add3A_2493 = arith.addi %add3A_2492, %iota3A : vector<16xi32>
      %gather3A_2494 = tpu.vector_load_idx %arg16[%add3A_2493, %broadcast_in_dim3A_2477] : memref<64x128xf32, #tpu.memory_space<vmem>>[vector<16xi32>, vector<16xi32>], vector<16xf32>,
      %gather3A_2495 = tpu.vector_load_idx %arg20[%add3A_2493, %broadcast_in_dim3A_2480] : memref<64x128xf32, #tpu.memory_space<vmem>>[vector<16xi32>, vector<16xi32>], vector<16xf32>,
      %mul3A_2496 = arith.mulf %gather3A_2494, %gather3A_2495 : vector<16xf32>
      %add3A_2497 = arith.addf %add3A_2490, %mul3A_2496 : vector<16xf32>
      %add3A_2498 = arith.constant 32 : i32
      %add3A_2499 = vector.broadcast %add3A_2498 : i32 to vector<16xi32>
      %add3A_2500 = arith.addi %add3A_2499, %iota3A : vector<16xi32>
      %gather3A_2501 = tpu.vector_load_idx %arg16[%add3A_2500, %broadcast_in_dim3A_2477] : memref<64x128xf32, #tpu.memory_space<vmem>>[vector<16xi32>, vector<16xi32>], vector<16xf32>,
      %gather3A_2502 = tpu.vector_load_idx %arg20[%add3A_2500, %broadcast_in_dim3A_2480] : memref<64x128xf32, #tpu.memory_space<vmem>>[vector<16xi32>, vector<16xi32>], vector<16xf32>,
      %mul3A_2503 = arith.mulf %gather3A_2501, %gather3A_2502 : vector<16xf32>
      %add3A_2504 = arith.addf %add3A_2497, %mul3A_2503 : vector<16xf32>
      %add3A_2505 = arith.constant 48 : i32
      %add3A_2506 = vector.broadcast %add3A_2505 : i32 to vector<16xi32>
      %add3A_2507 = arith.addi %add3A_2506, %iota3A : vector<16xi32>
      %gather3A_2508 = tpu.vector_load_idx %arg16[%add3A_2507, %broadcast_in_dim3A_2477] : memref<64x128xf32, #tpu.memory_space<vmem>>[vector<16xi32>, vector<16xi32>], vector<16xf32>,
      %gather3A_2509 = tpu.vector_load_idx %arg20[%add3A_2507, %broadcast_in_dim3A_2480] : memref<64x128xf32, #tpu.memory_space<vmem>>[vector<16xi32>, vector<16xi32>], vector<16xf32>,
      %mul3A_2510 = arith.mulf %gather3A_2508, %gather3A_2509 : vector<16xf32>
      %add3A_2511 = arith.addf %add3A_2504, %mul3A_2510 : vector<16xf32>
      tpu.vector_store_idx %arg21[%iota3A, %broadcast_in_dim3A_2483], %add3A_2511 : memref<16x128xf32, #tpu.memory_space<vmem>>[vector<16xi32>, vector<16xi32>], vector<16xf32>,
      %gather3A_2512 = tpu.vector_load_idx %arg27[%broadcast_in_dim3A_5, %broadcast_in_dim3A_2477] : memref<1x128xf32, #tpu.memory_space<vmem>>[vector<16xi32>, vector<16xi32>], vector<16xf32>,
      tpu.vector_store_idx %arg32[%broadcast_in_dim3A_5, %broadcast_in_dim3A_2483], %gather3A_2512 masked %eq3A_7 : memref<1x128xf32, #tpu.memory_space<vmem>>[vector<16xi32>, vector<16xi32>], vector<16xf32>, vector<16xi1>
      %gather3A_2513 = tpu.vector_load_idx %arg31[%broadcast_in_dim3A_5, %broadcast_in_dim3A_2480] : memref<1x128xf32, #tpu.memory_space<vmem>>[vector<16xi32>, vector<16xi32>], vector<16xf32>,
      tpu.vector_store_idx %arg33[%broadcast_in_dim3A_5, %broadcast_in_dim3A_2483], %gather3A_2513 masked %eq3A_7 : memref<1x128xf32, #tpu.memory_space<vmem>>[vector<16xi32>, vector<16xi32>], vector<16xf32>, vector<16xi1>
      %scan3A_2514 = arith.constant 0 : i32
      scf.yield %scan3A_2514 : i32
    }
    %scan3A_13 = arith.constant 8 : i32
    %add3A_14 = arith.constant 0 : i32
    %add3A_15 = vector.broadcast %add3A_14 : i32 to vector<16xi32>
    %add3A_16 = arith.addi %add3A_15, %iota3A : vector<16xi32>
    %broadcast_in_dim3A_17 = arith.constant 0 : i32
    %broadcast_in_dim3A_18 = vector.broadcast %broadcast_in_dim3A_17 : i32 to vector<16xi32>
    %gather3A = tpu.vector_load_idx %arg21[%broadcast_in_dim3A_18, %add3A_16] : memref<16x128xf32, #tpu.memory_space<vmem>>[vector<16xi32>, vector<16xi32>], vector<16xf32>,
    %add3A_19 = arith.addf %broadcast_in_dim3A_3, %gather3A : vector<16xf32>
    %broadcast_in_dim3A_20 = arith.constant 1 : i32
    %broadcast_in_dim3A_21 = vector.broadcast %broadcast_in_dim3A_20 : i32 to vector<16xi32>
    %gather3A_22 = tpu.vector_load_idx %arg21[%broadcast_in_dim3A_21, %add3A_16] : memref<16x128xf32, #tpu.memory_space<vmem>>[vector<16xi32>, vector<16xi32>], vector<16xf32>,
    %add3A_23 = arith.addf %add3A_19, %gather3A_22 : vector<16xf32>
    %broadcast_in_dim3A_24 = arith.constant 2 : i32
    %broadcast_in_dim3A_25 = vector.broadcast %broadcast_in_dim3A_24 : i32 to vector<16xi32>
    %gather3A_26 = tpu.vector_load_idx %arg21[%broadcast_in_dim3A_25, %add3A_16] : memref<16x128xf32, #tpu.memory_space<vmem>>[vector<16xi32>, vector<16xi32>], vector<16xf32>,
    %add3A_27 = arith.addf %add3A_23, %gather3A_26 : vector<16xf32>
    %broadcast_in_dim3A_28 = arith.constant 3 : i32
    %broadcast_in_dim3A_29 = vector.broadcast %broadcast_in_dim3A_28 : i32 to vector<16xi32>
    %gather3A_30 = tpu.vector_load_idx %arg21[%broadcast_in_dim3A_29, %add3A_16] : memref<16x128xf32, #tpu.memory_space<vmem>>[vector<16xi32>, vector<16xi32>], vector<16xf32>,
    %add3A_31 = arith.addf %add3A_27, %gather3A_30 : vector<16xf32>
    %broadcast_in_dim3A_32 = arith.constant 4 : i32
    %broadcast_in_dim3A_33 = vector.broadcast %broadcast_in_dim3A_32 : i32 to vector<16xi32>
    %gather3A_34 = tpu.vector_load_idx %arg21[%broadcast_in_dim3A_33, %add3A_16] : memref<16x128xf32, #tpu.memory_space<vmem>>[vector<16xi32>, vector<16xi32>], vector<16xf32>,
    %add3A_35 = arith.addf %add3A_31, %gather3A_34 : vector<16xf32>
    %broadcast_in_dim3A_36 = arith.constant 5 : i32
    %broadcast_in_dim3A_37 = vector.broadcast %broadcast_in_dim3A_36 : i32 to vector<16xi32>
    %gather3A_38 = tpu.vector_load_idx %arg21[%broadcast_in_dim3A_37, %add3A_16] : memref<16x128xf32, #tpu.memory_space<vmem>>[vector<16xi32>, vector<16xi32>], vector<16xf32>,
    %add3A_39 = arith.addf %add3A_35, %gather3A_38 : vector<16xf32>
    %broadcast_in_dim3A_40 = arith.constant 6 : i32
    %broadcast_in_dim3A_41 = vector.broadcast %broadcast_in_dim3A_40 : i32 to vector<16xi32>
    %gather3A_42 = tpu.vector_load_idx %arg21[%broadcast_in_dim3A_41, %add3A_16] : memref<16x128xf32, #tpu.memory_space<vmem>>[vector<16xi32>, vector<16xi32>], vector<16xf32>,
    %add3A_43 = arith.addf %add3A_39, %gather3A_42 : vector<16xf32>
    %broadcast_in_dim3A_44 = arith.constant 7 : i32
    %broadcast_in_dim3A_45 = vector.broadcast %broadcast_in_dim3A_44 : i32 to vector<16xi32>
    %gather3A_46 = tpu.vector_load_idx %arg21[%broadcast_in_dim3A_45, %add3A_16] : memref<16x128xf32, #tpu.memory_space<vmem>>[vector<16xi32>, vector<16xi32>], vector<16xf32>,
    %add3A_47 = arith.addf %add3A_43, %gather3A_46 : vector<16xf32>
    %broadcast_in_dim3A_48 = arith.constant 8 : i32
    %broadcast_in_dim3A_49 = vector.broadcast %broadcast_in_dim3A_48 : i32 to vector<16xi32>
    %gather3A_50 = tpu.vector_load_idx %arg21[%broadcast_in_dim3A_49, %add3A_16] : memref<16x128xf32, #tpu.memory_space<vmem>>[vector<16xi32>, vector<16xi32>], vector<16xf32>,
    %add3A_51 = arith.addf %add3A_47, %gather3A_50 : vector<16xf32>
    %broadcast_in_dim3A_52 = arith.constant 9 : i32
    %broadcast_in_dim3A_53 = vector.broadcast %broadcast_in_dim3A_52 : i32 to vector<16xi32>
    %gather3A_54 = tpu.vector_load_idx %arg21[%broadcast_in_dim3A_53, %add3A_16] : memref<16x128xf32, #tpu.memory_space<vmem>>[vector<16xi32>, vector<16xi32>], vector<16xf32>,
    %add3A_55 = arith.addf %add3A_51, %gather3A_54 : vector<16xf32>
    %broadcast_in_dim3A_56 = arith.constant 10 : i32
    %broadcast_in_dim3A_57 = vector.broadcast %broadcast_in_dim3A_56 : i32 to vector<16xi32>
    %gather3A_58 = tpu.vector_load_idx %arg21[%broadcast_in_dim3A_57, %add3A_16] : memref<16x128xf32, #tpu.memory_space<vmem>>[vector<16xi32>, vector<16xi32>], vector<16xf32>,
    %add3A_59 = arith.addf %add3A_55, %gather3A_58 : vector<16xf32>
    %broadcast_in_dim3A_60 = arith.constant 11 : i32
    %broadcast_in_dim3A_61 = vector.broadcast %broadcast_in_dim3A_60 : i32 to vector<16xi32>
    %gather3A_62 = tpu.vector_load_idx %arg21[%broadcast_in_dim3A_61, %add3A_16] : memref<16x128xf32, #tpu.memory_space<vmem>>[vector<16xi32>, vector<16xi32>], vector<16xf32>,
    %add3A_63 = arith.addf %add3A_59, %gather3A_62 : vector<16xf32>
    %broadcast_in_dim3A_64 = arith.constant 12 : i32
    %broadcast_in_dim3A_65 = vector.broadcast %broadcast_in_dim3A_64 : i32 to vector<16xi32>
    %gather3A_66 = tpu.vector_load_idx %arg21[%broadcast_in_dim3A_65, %add3A_16] : memref<16x128xf32, #tpu.memory_space<vmem>>[vector<16xi32>, vector<16xi32>], vector<16xf32>,
    %add3A_67 = arith.addf %add3A_63, %gather3A_66 : vector<16xf32>
    %broadcast_in_dim3A_68 = arith.constant 13 : i32
    %broadcast_in_dim3A_69 = vector.broadcast %broadcast_in_dim3A_68 : i32 to vector<16xi32>
    %gather3A_70 = tpu.vector_load_idx %arg21[%broadcast_in_dim3A_69, %add3A_16] : memref<16x128xf32, #tpu.memory_space<vmem>>[vector<16xi32>, vector<16xi32>], vector<16xf32>,
    %add3A_71 = arith.addf %add3A_67, %gather3A_70 : vector<16xf32>
    %broadcast_in_dim3A_72 = arith.constant 14 : i32
    %broadcast_in_dim3A_73 = vector.broadcast %broadcast_in_dim3A_72 : i32 to vector<16xi32>
    %gather3A_74 = tpu.vector_load_idx %arg21[%broadcast_in_dim3A_73, %add3A_16] : memref<16x128xf32, #tpu.memory_space<vmem>>[vector<16xi32>, vector<16xi32>], vector<16xf32>,
    %add3A_75 = arith.addf %add3A_71, %gather3A_74 : vector<16xf32>
    %broadcast_in_dim3A_76 = arith.constant 15 : i32
    %broadcast_in_dim3A_77 = vector.broadcast %broadcast_in_dim3A_76 : i32 to vector<16xi32>
    %gather3A_78 = tpu.vector_load_idx %arg21[%broadcast_in_dim3A_77, %add3A_16] : memref<16x128xf32, #tpu.memory_space<vmem>>[vector<16xi32>, vector<16xi32>], vector<16xf32>,
    %add3A_79 = arith.addf %add3A_75, %gather3A_78 : vector<16xf32>
    %get3A = arith.constant 0 : index
    %get3A_80 = tpu.vector_load %arg22[%get3A] {strides = array<i32>} : memref<128xf32, #tpu.memory_space<vmem>>, vector<16xf32>,
    %bitcast_convert_type3A = tpu.bitcast %get3A_80 : vector<16xf32> -> vector<16xi32>
    %shift_right_logical3A = arith.constant 23 : i32
    %shift_right_logical3A_81 = vector.broadcast %shift_right_logical3A : i32 to vector<16xi32>
    %shift_right_logical3A_82 = arith.shrui %bitcast_convert_type3A, %shift_right_logical3A_81 : vector<16xi32>
    %sub3A = arith.constant 127 : i32
    %sub3A_83 = vector.broadcast %sub3A : i32 to vector<16xi32>
    %sub3A_84 = arith.subi %shift_right_logical3A_82, %sub3A_83 : vector<16xi32>
    %and3A = arith.constant 8388607 : i32
    %and3A_85 = vector.broadcast %and3A : i32 to vector<16xi32>
    %and3A_86 = arith.andi %bitcast_convert_type3A, %and3A_85 : vector<16xi32>
    %or3A = arith.constant 1065353216 : i32
    %or3A_87 = vector.broadcast %or3A : i32 to vector<16xi32>
    %or3A_88 = arith.ori %and3A_86, %or3A_87 : vector<16xi32>
    %bitcast_convert_type3A_89 = tpu.bitcast %or3A_88 : vector<16xi32> -> vector<16xf32>
    %gt3A = arith.constant 1.41421354 : f32
    %gt3A_90 = vector.broadcast %gt3A : f32 to vector<16xf32>
    %gt3A_91 = arith.cmpf ogt, %bitcast_convert_type3A_89, %gt3A_90 : vector<16xf32>
    %mul3A_92 = arith.constant 5.000000e-01 : f32
    %mul3A_93 = vector.broadcast %mul3A_92 : f32 to vector<16xf32>
    %mul3A_94 = arith.mulf %mul3A_93, %bitcast_convert_type3A_89 : vector<16xf32>
    %select_n3A = arith.select %gt3A_91, %mul3A_94, %bitcast_convert_type3A_89 : vector<16xi1>, vector<16xf32>
    %jit3A = arith.constant 1 : i32
    %jit3A_95 = arith.constant 0 : i32
    %broadcast_in_dim3A_96 = vector.broadcast %jit3A : i32 to vector<16xi32>
    %broadcast_in_dim3A_97 = vector.broadcast %jit3A_95 : i32 to vector<16xi32>
    %select_n3A_98 = arith.select %gt3A_91, %broadcast_in_dim3A_96, %broadcast_in_dim3A_97 : vector<16xi1>, vector<16xi32>
    %add3A_99 = arith.addi %sub3A_84, %select_n3A_98 : vector<16xi32>
    %convert_element_type3A = arith.sitofp %add3A_99 : vector<16xi32> to vector<16xf32>
    %sub3A_100 = arith.constant 1.000000e+00 : f32
    %sub3A_101 = vector.broadcast %sub3A_100 : f32 to vector<16xf32>
    %sub3A_102 = arith.subf %select_n3A, %sub3A_101 : vector<16xf32>
    %add3A_103 = arith.constant 1.000000e+00 : f32
    %add3A_104 = vector.broadcast %add3A_103 : f32 to vector<16xf32>
    %add3A_105 = arith.addf %select_n3A, %add3A_104 : vector<16xf32>
    %div3A = arith.divf %sub3A_102, %add3A_105 : vector<16xf32>
    %mul3A_106 = arith.mulf %div3A, %div3A : vector<16xf32>
    %mul3A_107 = arith.constant 0.142857149 : f32
    %mul3A_108 = vector.broadcast %mul3A_107 : f32 to vector<16xf32>
    %mul3A_109 = arith.mulf %mul3A_108, %mul3A_106 : vector<16xf32>
    %add3A_110 = arith.constant 2.000000e-01 : f32
    %add3A_111 = vector.broadcast %add3A_110 : f32 to vector<16xf32>
    %add3A_112 = arith.addf %mul3A_109, %add3A_111 : vector<16xf32>
    %mul3A_113 = arith.mulf %add3A_112, %mul3A_106 : vector<16xf32>
    %add3A_114 = arith.constant 0.333333343 : f32
    %add3A_115 = vector.broadcast %add3A_114 : f32 to vector<16xf32>
    %add3A_116 = arith.addf %mul3A_113, %add3A_115 : vector<16xf32>
    %mul3A_117 = arith.mulf %add3A_116, %mul3A_106 : vector<16xf32>
    %add3A_118 = arith.constant 1.000000e+00 : f32
    %add3A_119 = vector.broadcast %add3A_118 : f32 to vector<16xf32>
    %add3A_120 = arith.addf %mul3A_117, %add3A_119 : vector<16xf32>
    %mul3A_121 = arith.constant 0.693147182 : f32
    %mul3A_122 = vector.broadcast %mul3A_121 : f32 to vector<16xf32>
    %mul3A_123 = arith.mulf %convert_element_type3A, %mul3A_122 : vector<16xf32>
    %mul3A_124 = arith.constant 2.000000e+00 : f32
    %mul3A_125 = vector.broadcast %mul3A_124 : f32 to vector<16xf32>
    %mul3A_126 = arith.mulf %mul3A_125, %div3A : vector<16xf32>
    %mul3A_127 = arith.mulf %mul3A_126, %add3A_120 : vector<16xf32>
    %add3A_128 = arith.addf %mul3A_123, %mul3A_127 : vector<16xf32>
    %sub3A_129 = arith.subf %add3A_79, %add3A_128 : vector<16xf32>
    %get3A_130 = arith.constant 0 : index
    %get3A_131 = tpu.vector_load %arg23[%get3A_130] {strides = array<i32>} : memref<128xf32, #tpu.memory_space<vmem>>, vector<16xf32>,
    %mul3A_132 = arith.mulf %get3A_131, %sub3A_129 : vector<16xf32>
    %mul3A_133 = arith.mulf %mul3A_132, %sub3A_129 : vector<16xf32>
    %add3A_134 = arith.addf %broadcast_in_dim3A_3, %mul3A_133 : vector<16xf32>
    %mul3A_135 = arith.mulf %get3A_131, %sub3A_129 : vector<16xf32>
    %add3A_136 = arith.addf %broadcast_in_dim3A_3, %mul3A_135 : vector<16xf32>
    %add3A_137 = arith.addf %broadcast_in_dim3A_3, %get3A_131 : vector<16xf32>
    %gather3A_138 = tpu.vector_load_idx %arg32[%broadcast_in_dim3A_5, %add3A_16] : memref<1x128xf32, #tpu.memory_space<vmem>>[vector<16xi32>, vector<16xi32>], vector<16xf32>,
    %gather3A_139 = tpu.vector_load_idx %arg33[%broadcast_in_dim3A_5, %add3A_16] : memref<1x128xf32, #tpu.memory_space<vmem>>[vector<16xi32>, vector<16xi32>], vector<16xf32>,
    %add3A_140 = arith.addf %gather3A_138, %gather3A_139 : vector<16xf32>
    %add3A_141 = arith.addf %broadcast_in_dim3A_3, %add3A_140 : vector<16xf32>
    %mul3A_142 = arith.mulf %add3A_140, %add3A_140 : vector<16xf32>
    %add3A_143 = arith.addf %broadcast_in_dim3A_3, %mul3A_142 : vector<16xf32>
    %add3A_144 = arith.constant 16 : i32
    %add3A_145 = vector.broadcast %add3A_144 : i32 to vector<16xi32>
    %add3A_146 = arith.addi %add3A_145, %iota3A : vector<16xi32>
    %broadcast_in_dim3A_147 = arith.constant 0 : i32
    %broadcast_in_dim3A_148 = vector.broadcast %broadcast_in_dim3A_147 : i32 to vector<16xi32>
    %gather3A_149 = tpu.vector_load_idx %arg21[%broadcast_in_dim3A_148, %add3A_146] : memref<16x128xf32, #tpu.memory_space<vmem>>[vector<16xi32>, vector<16xi32>], vector<16xf32>,
    %add3A_150 = arith.addf %broadcast_in_dim3A_3, %gather3A_149 : vector<16xf32>
    %broadcast_in_dim3A_151 = arith.constant 1 : i32
    %broadcast_in_dim3A_152 = vector.broadcast %broadcast_in_dim3A_151 : i32 to vector<16xi32>
    %gather3A_153 = tpu.vector_load_idx %arg21[%broadcast_in_dim3A_152, %add3A_146] : memref<16x128xf32, #tpu.memory_space<vmem>>[vector<16xi32>, vector<16xi32>], vector<16xf32>,
    %add3A_154 = arith.addf %add3A_150, %gather3A_153 : vector<16xf32>
    %broadcast_in_dim3A_155 = arith.constant 2 : i32
    %broadcast_in_dim3A_156 = vector.broadcast %broadcast_in_dim3A_155 : i32 to vector<16xi32>
    %gather3A_157 = tpu.vector_load_idx %arg21[%broadcast_in_dim3A_156, %add3A_146] : memref<16x128xf32, #tpu.memory_space<vmem>>[vector<16xi32>, vector<16xi32>], vector<16xf32>,
    %add3A_158 = arith.addf %add3A_154, %gather3A_157 : vector<16xf32>
    %broadcast_in_dim3A_159 = arith.constant 3 : i32
    %broadcast_in_dim3A_160 = vector.broadcast %broadcast_in_dim3A_159 : i32 to vector<16xi32>
    %gather3A_161 = tpu.vector_load_idx %arg21[%broadcast_in_dim3A_160, %add3A_146] : memref<16x128xf32, #tpu.memory_space<vmem>>[vector<16xi32>, vector<16xi32>], vector<16xf32>,
    %add3A_162 = arith.addf %add3A_158, %gather3A_161 : vector<16xf32>
    %broadcast_in_dim3A_163 = arith.constant 4 : i32
    %broadcast_in_dim3A_164 = vector.broadcast %broadcast_in_dim3A_163 : i32 to vector<16xi32>
    %gather3A_165 = tpu.vector_load_idx %arg21[%broadcast_in_dim3A_164, %add3A_146] : memref<16x128xf32, #tpu.memory_space<vmem>>[vector<16xi32>, vector<16xi32>], vector<16xf32>,
    %add3A_166 = arith.addf %add3A_162, %gather3A_165 : vector<16xf32>
    %broadcast_in_dim3A_167 = arith.constant 5 : i32
    %broadcast_in_dim3A_168 = vector.broadcast %broadcast_in_dim3A_167 : i32 to vector<16xi32>
    %gather3A_169 = tpu.vector_load_idx %arg21[%broadcast_in_dim3A_168, %add3A_146] : memref<16x128xf32, #tpu.memory_space<vmem>>[vector<16xi32>, vector<16xi32>], vector<16xf32>,
    %add3A_170 = arith.addf %add3A_166, %gather3A_169 : vector<16xf32>
    %broadcast_in_dim3A_171 = arith.constant 6 : i32
    %broadcast_in_dim3A_172 = vector.broadcast %broadcast_in_dim3A_171 : i32 to vector<16xi32>
    %gather3A_173 = tpu.vector_load_idx %arg21[%broadcast_in_dim3A_172, %add3A_146] : memref<16x128xf32, #tpu.memory_space<vmem>>[vector<16xi32>, vector<16xi32>], vector<16xf32>,
    %add3A_174 = arith.addf %add3A_170, %gather3A_173 : vector<16xf32>
    %broadcast_in_dim3A_175 = arith.constant 7 : i32
    %broadcast_in_dim3A_176 = vector.broadcast %broadcast_in_dim3A_175 : i32 to vector<16xi32>
    %gather3A_177 = tpu.vector_load_idx %arg21[%broadcast_in_dim3A_176, %add3A_146] : memref<16x128xf32, #tpu.memory_space<vmem>>[vector<16xi32>, vector<16xi32>], vector<16xf32>,
    %add3A_178 = arith.addf %add3A_174, %gather3A_177 : vector<16xf32>
    %broadcast_in_dim3A_179 = arith.constant 8 : i32
    %broadcast_in_dim3A_180 = vector.broadcast %broadcast_in_dim3A_179 : i32 to vector<16xi32>
    %gather3A_181 = tpu.vector_load_idx %arg21[%broadcast_in_dim3A_180, %add3A_146] : memref<16x128xf32, #tpu.memory_space<vmem>>[vector<16xi32>, vector<16xi32>], vector<16xf32>,
    %add3A_182 = arith.addf %add3A_178, %gather3A_181 : vector<16xf32>
    %broadcast_in_dim3A_183 = arith.constant 9 : i32
    %broadcast_in_dim3A_184 = vector.broadcast %broadcast_in_dim3A_183 : i32 to vector<16xi32>
    %gather3A_185 = tpu.vector_load_idx %arg21[%broadcast_in_dim3A_184, %add3A_146] : memref<16x128xf32, #tpu.memory_space<vmem>>[vector<16xi32>, vector<16xi32>], vector<16xf32>,
    %add3A_186 = arith.addf %add3A_182, %gather3A_185 : vector<16xf32>
    %broadcast_in_dim3A_187 = arith.constant 10 : i32
    %broadcast_in_dim3A_188 = vector.broadcast %broadcast_in_dim3A_187 : i32 to vector<16xi32>
    %gather3A_189 = tpu.vector_load_idx %arg21[%broadcast_in_dim3A_188, %add3A_146] : memref<16x128xf32, #tpu.memory_space<vmem>>[vector<16xi32>, vector<16xi32>], vector<16xf32>,
    %add3A_190 = arith.addf %add3A_186, %gather3A_189 : vector<16xf32>
    %broadcast_in_dim3A_191 = arith.constant 11 : i32
    %broadcast_in_dim3A_192 = vector.broadcast %broadcast_in_dim3A_191 : i32 to vector<16xi32>
    %gather3A_193 = tpu.vector_load_idx %arg21[%broadcast_in_dim3A_192, %add3A_146] : memref<16x128xf32, #tpu.memory_space<vmem>>[vector<16xi32>, vector<16xi32>], vector<16xf32>,
    %add3A_194 = arith.addf %add3A_190, %gather3A_193 : vector<16xf32>
    %broadcast_in_dim3A_195 = arith.constant 12 : i32
    %broadcast_in_dim3A_196 = vector.broadcast %broadcast_in_dim3A_195 : i32 to vector<16xi32>
    %gather3A_197 = tpu.vector_load_idx %arg21[%broadcast_in_dim3A_196, %add3A_146] : memref<16x128xf32, #tpu.memory_space<vmem>>[vector<16xi32>, vector<16xi32>], vector<16xf32>,
    %add3A_198 = arith.addf %add3A_194, %gather3A_197 : vector<16xf32>
    %broadcast_in_dim3A_199 = arith.constant 13 : i32
    %broadcast_in_dim3A_200 = vector.broadcast %broadcast_in_dim3A_199 : i32 to vector<16xi32>
    %gather3A_201 = tpu.vector_load_idx %arg21[%broadcast_in_dim3A_200, %add3A_146] : memref<16x128xf32, #tpu.memory_space<vmem>>[vector<16xi32>, vector<16xi32>], vector<16xf32>,
    %add3A_202 = arith.addf %add3A_198, %gather3A_201 : vector<16xf32>
    %broadcast_in_dim3A_203 = arith.constant 14 : i32
    %broadcast_in_dim3A_204 = vector.broadcast %broadcast_in_dim3A_203 : i32 to vector<16xi32>
    %gather3A_205 = tpu.vector_load_idx %arg21[%broadcast_in_dim3A_204, %add3A_146] : memref<16x128xf32, #tpu.memory_space<vmem>>[vector<16xi32>, vector<16xi32>], vector<16xf32>,
    %add3A_206 = arith.addf %add3A_202, %gather3A_205 : vector<16xf32>
    %broadcast_in_dim3A_207 = arith.constant 15 : i32
    %broadcast_in_dim3A_208 = vector.broadcast %broadcast_in_dim3A_207 : i32 to vector<16xi32>
    %gather3A_209 = tpu.vector_load_idx %arg21[%broadcast_in_dim3A_208, %add3A_146] : memref<16x128xf32, #tpu.memory_space<vmem>>[vector<16xi32>, vector<16xi32>], vector<16xf32>,
    %add3A_210 = arith.addf %add3A_206, %gather3A_209 : vector<16xf32>
    %get3A_211 = arith.constant 16 : index
    %get3A_212 = tpu.vector_load %arg22[%get3A_211] {strides = array<i32>} : memref<128xf32, #tpu.memory_space<vmem>>, vector<16xf32>,
    %bitcast_convert_type3A_213 = tpu.bitcast %get3A_212 : vector<16xf32> -> vector<16xi32>
    %shift_right_logical3A_214 = arith.constant 23 : i32
    %shift_right_logical3A_215 = vector.broadcast %shift_right_logical3A_214 : i32 to vector<16xi32>
    %shift_right_logical3A_216 = arith.shrui %bitcast_convert_type3A_213, %shift_right_logical3A_215 : vector<16xi32>
    %sub3A_217 = arith.constant 127 : i32
    %sub3A_218 = vector.broadcast %sub3A_217 : i32 to vector<16xi32>
    %sub3A_219 = arith.subi %shift_right_logical3A_216, %sub3A_218 : vector<16xi32>
    %and3A_220 = arith.constant 8388607 : i32
    %and3A_221 = vector.broadcast %and3A_220 : i32 to vector<16xi32>
    %and3A_222 = arith.andi %bitcast_convert_type3A_213, %and3A_221 : vector<16xi32>
    %or3A_223 = arith.constant 1065353216 : i32
    %or3A_224 = vector.broadcast %or3A_223 : i32 to vector<16xi32>
    %or3A_225 = arith.ori %and3A_222, %or3A_224 : vector<16xi32>
    %bitcast_convert_type3A_226 = tpu.bitcast %or3A_225 : vector<16xi32> -> vector<16xf32>
    %gt3A_227 = arith.constant 1.41421354 : f32
    %gt3A_228 = vector.broadcast %gt3A_227 : f32 to vector<16xf32>
    %gt3A_229 = arith.cmpf ogt, %bitcast_convert_type3A_226, %gt3A_228 : vector<16xf32>
    %mul3A_230 = arith.constant 5.000000e-01 : f32
    %mul3A_231 = vector.broadcast %mul3A_230 : f32 to vector<16xf32>
    %mul3A_232 = arith.mulf %mul3A_231, %bitcast_convert_type3A_226 : vector<16xf32>
    %select_n3A_233 = arith.select %gt3A_229, %mul3A_232, %bitcast_convert_type3A_226 : vector<16xi1>, vector<16xf32>
    %jit3A_234 = arith.constant 1 : i32
    %jit3A_235 = arith.constant 0 : i32
    %broadcast_in_dim3A_236 = vector.broadcast %jit3A_234 : i32 to vector<16xi32>
    %broadcast_in_dim3A_237 = vector.broadcast %jit3A_235 : i32 to vector<16xi32>
    %select_n3A_238 = arith.select %gt3A_229, %broadcast_in_dim3A_236, %broadcast_in_dim3A_237 : vector<16xi1>, vector<16xi32>
    %add3A_239 = arith.addi %sub3A_219, %select_n3A_238 : vector<16xi32>
    %convert_element_type3A_240 = arith.sitofp %add3A_239 : vector<16xi32> to vector<16xf32>
    %sub3A_241 = arith.constant 1.000000e+00 : f32
    %sub3A_242 = vector.broadcast %sub3A_241 : f32 to vector<16xf32>
    %sub3A_243 = arith.subf %select_n3A_233, %sub3A_242 : vector<16xf32>
    %add3A_244 = arith.constant 1.000000e+00 : f32
    %add3A_245 = vector.broadcast %add3A_244 : f32 to vector<16xf32>
    %add3A_246 = arith.addf %select_n3A_233, %add3A_245 : vector<16xf32>
    %div3A_247 = arith.divf %sub3A_243, %add3A_246 : vector<16xf32>
    %mul3A_248 = arith.mulf %div3A_247, %div3A_247 : vector<16xf32>
    %mul3A_249 = arith.constant 0.142857149 : f32
    %mul3A_250 = vector.broadcast %mul3A_249 : f32 to vector<16xf32>
    %mul3A_251 = arith.mulf %mul3A_250, %mul3A_248 : vector<16xf32>
    %add3A_252 = arith.constant 2.000000e-01 : f32
    %add3A_253 = vector.broadcast %add3A_252 : f32 to vector<16xf32>
    %add3A_254 = arith.addf %mul3A_251, %add3A_253 : vector<16xf32>
    %mul3A_255 = arith.mulf %add3A_254, %mul3A_248 : vector<16xf32>
    %add3A_256 = arith.constant 0.333333343 : f32
    %add3A_257 = vector.broadcast %add3A_256 : f32 to vector<16xf32>
    %add3A_258 = arith.addf %mul3A_255, %add3A_257 : vector<16xf32>
    %mul3A_259 = arith.mulf %add3A_258, %mul3A_248 : vector<16xf32>
    %add3A_260 = arith.constant 1.000000e+00 : f32
    %add3A_261 = vector.broadcast %add3A_260 : f32 to vector<16xf32>
    %add3A_262 = arith.addf %mul3A_259, %add3A_261 : vector<16xf32>
    %mul3A_263 = arith.constant 0.693147182 : f32
    %mul3A_264 = vector.broadcast %mul3A_263 : f32 to vector<16xf32>
    %mul3A_265 = arith.mulf %convert_element_type3A_240, %mul3A_264 : vector<16xf32>
    %mul3A_266 = arith.constant 2.000000e+00 : f32
    %mul3A_267 = vector.broadcast %mul3A_266 : f32 to vector<16xf32>
    %mul3A_268 = arith.mulf %mul3A_267, %div3A_247 : vector<16xf32>
    %mul3A_269 = arith.mulf %mul3A_268, %add3A_262 : vector<16xf32>
    %add3A_270 = arith.addf %mul3A_265, %mul3A_269 : vector<16xf32>
    %sub3A_271 = arith.subf %add3A_210, %add3A_270 : vector<16xf32>
    %get3A_272 = arith.constant 16 : index
    %get3A_273 = tpu.vector_load %arg23[%get3A_272] {strides = array<i32>} : memref<128xf32, #tpu.memory_space<vmem>>, vector<16xf32>,
    %mul3A_274 = arith.mulf %get3A_273, %sub3A_271 : vector<16xf32>
    %mul3A_275 = arith.mulf %mul3A_274, %sub3A_271 : vector<16xf32>
    %add3A_276 = arith.addf %add3A_134, %mul3A_275 : vector<16xf32>
    %mul3A_277 = arith.mulf %get3A_273, %sub3A_271 : vector<16xf32>
    %add3A_278 = arith.addf %add3A_136, %mul3A_277 : vector<16xf32>
    %add3A_279 = arith.addf %add3A_137, %get3A_273 : vector<16xf32>
    %gather3A_280 = tpu.vector_load_idx %arg32[%broadcast_in_dim3A_5, %add3A_146] : memref<1x128xf32, #tpu.memory_space<vmem>>[vector<16xi32>, vector<16xi32>], vector<16xf32>,
    %gather3A_281 = tpu.vector_load_idx %arg33[%broadcast_in_dim3A_5, %add3A_146] : memref<1x128xf32, #tpu.memory_space<vmem>>[vector<16xi32>, vector<16xi32>], vector<16xf32>,
    %add3A_282 = arith.addf %gather3A_280, %gather3A_281 : vector<16xf32>
    %add3A_283 = arith.addf %add3A_141, %add3A_282 : vector<16xf32>
    %mul3A_284 = arith.mulf %add3A_282, %add3A_282 : vector<16xf32>
    %add3A_285 = arith.addf %add3A_143, %mul3A_284 : vector<16xf32>
    %add3A_286 = arith.constant 32 : i32
    %add3A_287 = vector.broadcast %add3A_286 : i32 to vector<16xi32>
    %add3A_288 = arith.addi %add3A_287, %iota3A : vector<16xi32>
    %broadcast_in_dim3A_289 = arith.constant 0 : i32
    %broadcast_in_dim3A_290 = vector.broadcast %broadcast_in_dim3A_289 : i32 to vector<16xi32>
    %gather3A_291 = tpu.vector_load_idx %arg21[%broadcast_in_dim3A_290, %add3A_288] : memref<16x128xf32, #tpu.memory_space<vmem>>[vector<16xi32>, vector<16xi32>], vector<16xf32>,
    %add3A_292 = arith.addf %broadcast_in_dim3A_3, %gather3A_291 : vector<16xf32>
    %broadcast_in_dim3A_293 = arith.constant 1 : i32
    %broadcast_in_dim3A_294 = vector.broadcast %broadcast_in_dim3A_293 : i32 to vector<16xi32>
    %gather3A_295 = tpu.vector_load_idx %arg21[%broadcast_in_dim3A_294, %add3A_288] : memref<16x128xf32, #tpu.memory_space<vmem>>[vector<16xi32>, vector<16xi32>], vector<16xf32>,
    %add3A_296 = arith.addf %add3A_292, %gather3A_295 : vector<16xf32>
    %broadcast_in_dim3A_297 = arith.constant 2 : i32
    %broadcast_in_dim3A_298 = vector.broadcast %broadcast_in_dim3A_297 : i32 to vector<16xi32>
    %gather3A_299 = tpu.vector_load_idx %arg21[%broadcast_in_dim3A_298, %add3A_288] : memref<16x128xf32, #tpu.memory_space<vmem>>[vector<16xi32>, vector<16xi32>], vector<16xf32>,
    %add3A_300 = arith.addf %add3A_296, %gather3A_299 : vector<16xf32>
    %broadcast_in_dim3A_301 = arith.constant 3 : i32
    %broadcast_in_dim3A_302 = vector.broadcast %broadcast_in_dim3A_301 : i32 to vector<16xi32>
    %gather3A_303 = tpu.vector_load_idx %arg21[%broadcast_in_dim3A_302, %add3A_288] : memref<16x128xf32, #tpu.memory_space<vmem>>[vector<16xi32>, vector<16xi32>], vector<16xf32>,
    %add3A_304 = arith.addf %add3A_300, %gather3A_303 : vector<16xf32>
    %broadcast_in_dim3A_305 = arith.constant 4 : i32
    %broadcast_in_dim3A_306 = vector.broadcast %broadcast_in_dim3A_305 : i32 to vector<16xi32>
    %gather3A_307 = tpu.vector_load_idx %arg21[%broadcast_in_dim3A_306, %add3A_288] : memref<16x128xf32, #tpu.memory_space<vmem>>[vector<16xi32>, vector<16xi32>], vector<16xf32>,
    %add3A_308 = arith.addf %add3A_304, %gather3A_307 : vector<16xf32>
    %broadcast_in_dim3A_309 = arith.constant 5 : i32
    %broadcast_in_dim3A_310 = vector.broadcast %broadcast_in_dim3A_309 : i32 to vector<16xi32>
    %gather3A_311 = tpu.vector_load_idx %arg21[%broadcast_in_dim3A_310, %add3A_288] : memref<16x128xf32, #tpu.memory_space<vmem>>[vector<16xi32>, vector<16xi32>], vector<16xf32>,
    %add3A_312 = arith.addf %add3A_308, %gather3A_311 : vector<16xf32>
    %broadcast_in_dim3A_313 = arith.constant 6 : i32
    %broadcast_in_dim3A_314 = vector.broadcast %broadcast_in_dim3A_313 : i32 to vector<16xi32>
    %gather3A_315 = tpu.vector_load_idx %arg21[%broadcast_in_dim3A_314, %add3A_288] : memref<16x128xf32, #tpu.memory_space<vmem>>[vector<16xi32>, vector<16xi32>], vector<16xf32>,
    %add3A_316 = arith.addf %add3A_312, %gather3A_315 : vector<16xf32>
    %broadcast_in_dim3A_317 = arith.constant 7 : i32
    %broadcast_in_dim3A_318 = vector.broadcast %broadcast_in_dim3A_317 : i32 to vector<16xi32>
    %gather3A_319 = tpu.vector_load_idx %arg21[%broadcast_in_dim3A_318, %add3A_288] : memref<16x128xf32, #tpu.memory_space<vmem>>[vector<16xi32>, vector<16xi32>], vector<16xf32>,
    %add3A_320 = arith.addf %add3A_316, %gather3A_319 : vector<16xf32>
    %broadcast_in_dim3A_321 = arith.constant 8 : i32
    %broadcast_in_dim3A_322 = vector.broadcast %broadcast_in_dim3A_321 : i32 to vector<16xi32>
    %gather3A_323 = tpu.vector_load_idx %arg21[%broadcast_in_dim3A_322, %add3A_288] : memref<16x128xf32, #tpu.memory_space<vmem>>[vector<16xi32>, vector<16xi32>], vector<16xf32>,
    %add3A_324 = arith.addf %add3A_320, %gather3A_323 : vector<16xf32>
    %broadcast_in_dim3A_325 = arith.constant 9 : i32
    %broadcast_in_dim3A_326 = vector.broadcast %broadcast_in_dim3A_325 : i32 to vector<16xi32>
    %gather3A_327 = tpu.vector_load_idx %arg21[%broadcast_in_dim3A_326, %add3A_288] : memref<16x128xf32, #tpu.memory_space<vmem>>[vector<16xi32>, vector<16xi32>], vector<16xf32>,
    %add3A_328 = arith.addf %add3A_324, %gather3A_327 : vector<16xf32>
    %broadcast_in_dim3A_329 = arith.constant 10 : i32
    %broadcast_in_dim3A_330 = vector.broadcast %broadcast_in_dim3A_329 : i32 to vector<16xi32>
    %gather3A_331 = tpu.vector_load_idx %arg21[%broadcast_in_dim3A_330, %add3A_288] : memref<16x128xf32, #tpu.memory_space<vmem>>[vector<16xi32>, vector<16xi32>], vector<16xf32>,
    %add3A_332 = arith.addf %add3A_328, %gather3A_331 : vector<16xf32>
    %broadcast_in_dim3A_333 = arith.constant 11 : i32
    %broadcast_in_dim3A_334 = vector.broadcast %broadcast_in_dim3A_333 : i32 to vector<16xi32>
    %gather3A_335 = tpu.vector_load_idx %arg21[%broadcast_in_dim3A_334, %add3A_288] : memref<16x128xf32, #tpu.memory_space<vmem>>[vector<16xi32>, vector<16xi32>], vector<16xf32>,
    %add3A_336 = arith.addf %add3A_332, %gather3A_335 : vector<16xf32>
    %broadcast_in_dim3A_337 = arith.constant 12 : i32
    %broadcast_in_dim3A_338 = vector.broadcast %broadcast_in_dim3A_337 : i32 to vector<16xi32>
    %gather3A_339 = tpu.vector_load_idx %arg21[%broadcast_in_dim3A_338, %add3A_288] : memref<16x128xf32, #tpu.memory_space<vmem>>[vector<16xi32>, vector<16xi32>], vector<16xf32>,
    %add3A_340 = arith.addf %add3A_336, %gather3A_339 : vector<16xf32>
    %broadcast_in_dim3A_341 = arith.constant 13 : i32
    %broadcast_in_dim3A_342 = vector.broadcast %broadcast_in_dim3A_341 : i32 to vector<16xi32>
    %gather3A_343 = tpu.vector_load_idx %arg21[%broadcast_in_dim3A_342, %add3A_288] : memref<16x128xf32, #tpu.memory_space<vmem>>[vector<16xi32>, vector<16xi32>], vector<16xf32>,
    %add3A_344 = arith.addf %add3A_340, %gather3A_343 : vector<16xf32>
    %broadcast_in_dim3A_345 = arith.constant 14 : i32
    %broadcast_in_dim3A_346 = vector.broadcast %broadcast_in_dim3A_345 : i32 to vector<16xi32>
    %gather3A_347 = tpu.vector_load_idx %arg21[%broadcast_in_dim3A_346, %add3A_288] : memref<16x128xf32, #tpu.memory_space<vmem>>[vector<16xi32>, vector<16xi32>], vector<16xf32>,
    %add3A_348 = arith.addf %add3A_344, %gather3A_347 : vector<16xf32>
    %broadcast_in_dim3A_349 = arith.constant 15 : i32
    %broadcast_in_dim3A_350 = vector.broadcast %broadcast_in_dim3A_349 : i32 to vector<16xi32>
    %gather3A_351 = tpu.vector_load_idx %arg21[%broadcast_in_dim3A_350, %add3A_288] : memref<16x128xf32, #tpu.memory_space<vmem>>[vector<16xi32>, vector<16xi32>], vector<16xf32>,
    %add3A_352 = arith.addf %add3A_348, %gather3A_351 : vector<16xf32>
    %get3A_353 = arith.constant 32 : index
    %get3A_354 = tpu.vector_load %arg22[%get3A_353] {strides = array<i32>} : memref<128xf32, #tpu.memory_space<vmem>>, vector<16xf32>,
    %bitcast_convert_type3A_355 = tpu.bitcast %get3A_354 : vector<16xf32> -> vector<16xi32>
    %shift_right_logical3A_356 = arith.constant 23 : i32
    %shift_right_logical3A_357 = vector.broadcast %shift_right_logical3A_356 : i32 to vector<16xi32>
    %shift_right_logical3A_358 = arith.shrui %bitcast_convert_type3A_355, %shift_right_logical3A_357 : vector<16xi32>
    %sub3A_359 = arith.constant 127 : i32
    %sub3A_360 = vector.broadcast %sub3A_359 : i32 to vector<16xi32>
    %sub3A_361 = arith.subi %shift_right_logical3A_358, %sub3A_360 : vector<16xi32>
    %and3A_362 = arith.constant 8388607 : i32
    %and3A_363 = vector.broadcast %and3A_362 : i32 to vector<16xi32>
    %and3A_364 = arith.andi %bitcast_convert_type3A_355, %and3A_363 : vector<16xi32>
    %or3A_365 = arith.constant 1065353216 : i32
    %or3A_366 = vector.broadcast %or3A_365 : i32 to vector<16xi32>
    %or3A_367 = arith.ori %and3A_364, %or3A_366 : vector<16xi32>
    %bitcast_convert_type3A_368 = tpu.bitcast %or3A_367 : vector<16xi32> -> vector<16xf32>
    %gt3A_369 = arith.constant 1.41421354 : f32
    %gt3A_370 = vector.broadcast %gt3A_369 : f32 to vector<16xf32>
    %gt3A_371 = arith.cmpf ogt, %bitcast_convert_type3A_368, %gt3A_370 : vector<16xf32>
    %mul3A_372 = arith.constant 5.000000e-01 : f32
    %mul3A_373 = vector.broadcast %mul3A_372 : f32 to vector<16xf32>
    %mul3A_374 = arith.mulf %mul3A_373, %bitcast_convert_type3A_368 : vector<16xf32>
    %select_n3A_375 = arith.select %gt3A_371, %mul3A_374, %bitcast_convert_type3A_368 : vector<16xi1>, vector<16xf32>
    %jit3A_376 = arith.constant 1 : i32
    %jit3A_377 = arith.constant 0 : i32
    %broadcast_in_dim3A_378 = vector.broadcast %jit3A_376 : i32 to vector<16xi32>
    %broadcast_in_dim3A_379 = vector.broadcast %jit3A_377 : i32 to vector<16xi32>
    %select_n3A_380 = arith.select %gt3A_371, %broadcast_in_dim3A_378, %broadcast_in_dim3A_379 : vector<16xi1>, vector<16xi32>
    %add3A_381 = arith.addi %sub3A_361, %select_n3A_380 : vector<16xi32>
    %convert_element_type3A_382 = arith.sitofp %add3A_381 : vector<16xi32> to vector<16xf32>
    %sub3A_383 = arith.constant 1.000000e+00 : f32
    %sub3A_384 = vector.broadcast %sub3A_383 : f32 to vector<16xf32>
    %sub3A_385 = arith.subf %select_n3A_375, %sub3A_384 : vector<16xf32>
    %add3A_386 = arith.constant 1.000000e+00 : f32
    %add3A_387 = vector.broadcast %add3A_386 : f32 to vector<16xf32>
    %add3A_388 = arith.addf %select_n3A_375, %add3A_387 : vector<16xf32>
    %div3A_389 = arith.divf %sub3A_385, %add3A_388 : vector<16xf32>
    %mul3A_390 = arith.mulf %div3A_389, %div3A_389 : vector<16xf32>
    %mul3A_391 = arith.constant 0.142857149 : f32
    %mul3A_392 = vector.broadcast %mul3A_391 : f32 to vector<16xf32>
    %mul3A_393 = arith.mulf %mul3A_392, %mul3A_390 : vector<16xf32>
    %add3A_394 = arith.constant 2.000000e-01 : f32
    %add3A_395 = vector.broadcast %add3A_394 : f32 to vector<16xf32>
    %add3A_396 = arith.addf %mul3A_393, %add3A_395 : vector<16xf32>
    %mul3A_397 = arith.mulf %add3A_396, %mul3A_390 : vector<16xf32>
    %add3A_398 = arith.constant 0.333333343 : f32
    %add3A_399 = vector.broadcast %add3A_398 : f32 to vector<16xf32>
    %add3A_400 = arith.addf %mul3A_397, %add3A_399 : vector<16xf32>
    %mul3A_401 = arith.mulf %add3A_400, %mul3A_390 : vector<16xf32>
    %add3A_402 = arith.constant 1.000000e+00 : f32
    %add3A_403 = vector.broadcast %add3A_402 : f32 to vector<16xf32>
    %add3A_404 = arith.addf %mul3A_401, %add3A_403 : vector<16xf32>
    %mul3A_405 = arith.constant 0.693147182 : f32
    %mul3A_406 = vector.broadcast %mul3A_405 : f32 to vector<16xf32>
    %mul3A_407 = arith.mulf %convert_element_type3A_382, %mul3A_406 : vector<16xf32>
    %mul3A_408 = arith.constant 2.000000e+00 : f32
    %mul3A_409 = vector.broadcast %mul3A_408 : f32 to vector<16xf32>
    %mul3A_410 = arith.mulf %mul3A_409, %div3A_389 : vector<16xf32>
    %mul3A_411 = arith.mulf %mul3A_410, %add3A_404 : vector<16xf32>
    %add3A_412 = arith.addf %mul3A_407, %mul3A_411 : vector<16xf32>
    %sub3A_413 = arith.subf %add3A_352, %add3A_412 : vector<16xf32>
    %get3A_414 = arith.constant 32 : index
    %get3A_415 = tpu.vector_load %arg23[%get3A_414] {strides = array<i32>} : memref<128xf32, #tpu.memory_space<vmem>>, vector<16xf32>,
    %mul3A_416 = arith.mulf %get3A_415, %sub3A_413 : vector<16xf32>
    %mul3A_417 = arith.mulf %mul3A_416, %sub3A_413 : vector<16xf32>
    %add3A_418 = arith.addf %add3A_276, %mul3A_417 : vector<16xf32>
    %mul3A_419 = arith.mulf %get3A_415, %sub3A_413 : vector<16xf32>
    %add3A_420 = arith.addf %add3A_278, %mul3A_419 : vector<16xf32>
    %add3A_421 = arith.addf %add3A_279, %get3A_415 : vector<16xf32>
    %gather3A_422 = tpu.vector_load_idx %arg32[%broadcast_in_dim3A_5, %add3A_288] : memref<1x128xf32, #tpu.memory_space<vmem>>[vector<16xi32>, vector<16xi32>], vector<16xf32>,
    %gather3A_423 = tpu.vector_load_idx %arg33[%broadcast_in_dim3A_5, %add3A_288] : memref<1x128xf32, #tpu.memory_space<vmem>>[vector<16xi32>, vector<16xi32>], vector<16xf32>,
    %add3A_424 = arith.addf %gather3A_422, %gather3A_423 : vector<16xf32>
    %add3A_425 = arith.addf %add3A_283, %add3A_424 : vector<16xf32>
    %mul3A_426 = arith.mulf %add3A_424, %add3A_424 : vector<16xf32>
    %add3A_427 = arith.addf %add3A_285, %mul3A_426 : vector<16xf32>
    %add3A_428 = arith.constant 48 : i32
    %add3A_429 = vector.broadcast %add3A_428 : i32 to vector<16xi32>
    %add3A_430 = arith.addi %add3A_429, %iota3A : vector<16xi32>
    %broadcast_in_dim3A_431 = arith.constant 0 : i32
    %broadcast_in_dim3A_432 = vector.broadcast %broadcast_in_dim3A_431 : i32 to vector<16xi32>
    %gather3A_433 = tpu.vector_load_idx %arg21[%broadcast_in_dim3A_432, %add3A_430] : memref<16x128xf32, #tpu.memory_space<vmem>>[vector<16xi32>, vector<16xi32>], vector<16xf32>,
    %add3A_434 = arith.addf %broadcast_in_dim3A_3, %gather3A_433 : vector<16xf32>
    %broadcast_in_dim3A_435 = arith.constant 1 : i32
    %broadcast_in_dim3A_436 = vector.broadcast %broadcast_in_dim3A_435 : i32 to vector<16xi32>
    %gather3A_437 = tpu.vector_load_idx %arg21[%broadcast_in_dim3A_436, %add3A_430] : memref<16x128xf32, #tpu.memory_space<vmem>>[vector<16xi32>, vector<16xi32>], vector<16xf32>,
    %add3A_438 = arith.addf %add3A_434, %gather3A_437 : vector<16xf32>
    %broadcast_in_dim3A_439 = arith.constant 2 : i32
    %broadcast_in_dim3A_440 = vector.broadcast %broadcast_in_dim3A_439 : i32 to vector<16xi32>
    %gather3A_441 = tpu.vector_load_idx %arg21[%broadcast_in_dim3A_440, %add3A_430] : memref<16x128xf32, #tpu.memory_space<vmem>>[vector<16xi32>, vector<16xi32>], vector<16xf32>,
    %add3A_442 = arith.addf %add3A_438, %gather3A_441 : vector<16xf32>
    %broadcast_in_dim3A_443 = arith.constant 3 : i32
    %broadcast_in_dim3A_444 = vector.broadcast %broadcast_in_dim3A_443 : i32 to vector<16xi32>
    %gather3A_445 = tpu.vector_load_idx %arg21[%broadcast_in_dim3A_444, %add3A_430] : memref<16x128xf32, #tpu.memory_space<vmem>>[vector<16xi32>, vector<16xi32>], vector<16xf32>,
    %add3A_446 = arith.addf %add3A_442, %gather3A_445 : vector<16xf32>
    %broadcast_in_dim3A_447 = arith.constant 4 : i32
    %broadcast_in_dim3A_448 = vector.broadcast %broadcast_in_dim3A_447 : i32 to vector<16xi32>
    %gather3A_449 = tpu.vector_load_idx %arg21[%broadcast_in_dim3A_448, %add3A_430] : memref<16x128xf32, #tpu.memory_space<vmem>>[vector<16xi32>, vector<16xi32>], vector<16xf32>,
    %add3A_450 = arith.addf %add3A_446, %gather3A_449 : vector<16xf32>
    %broadcast_in_dim3A_451 = arith.constant 5 : i32
    %broadcast_in_dim3A_452 = vector.broadcast %broadcast_in_dim3A_451 : i32 to vector<16xi32>
    %gather3A_453 = tpu.vector_load_idx %arg21[%broadcast_in_dim3A_452, %add3A_430] : memref<16x128xf32, #tpu.memory_space<vmem>>[vector<16xi32>, vector<16xi32>], vector<16xf32>,
    %add3A_454 = arith.addf %add3A_450, %gather3A_453 : vector<16xf32>
    %broadcast_in_dim3A_455 = arith.constant 6 : i32
    %broadcast_in_dim3A_456 = vector.broadcast %broadcast_in_dim3A_455 : i32 to vector<16xi32>
    %gather3A_457 = tpu.vector_load_idx %arg21[%broadcast_in_dim3A_456, %add3A_430] : memref<16x128xf32, #tpu.memory_space<vmem>>[vector<16xi32>, vector<16xi32>], vector<16xf32>,
    %add3A_458 = arith.addf %add3A_454, %gather3A_457 : vector<16xf32>
    %broadcast_in_dim3A_459 = arith.constant 7 : i32
    %broadcast_in_dim3A_460 = vector.broadcast %broadcast_in_dim3A_459 : i32 to vector<16xi32>
    %gather3A_461 = tpu.vector_load_idx %arg21[%broadcast_in_dim3A_460, %add3A_430] : memref<16x128xf32, #tpu.memory_space<vmem>>[vector<16xi32>, vector<16xi32>], vector<16xf32>,
    %add3A_462 = arith.addf %add3A_458, %gather3A_461 : vector<16xf32>
    %broadcast_in_dim3A_463 = arith.constant 8 : i32
    %broadcast_in_dim3A_464 = vector.broadcast %broadcast_in_dim3A_463 : i32 to vector<16xi32>
    %gather3A_465 = tpu.vector_load_idx %arg21[%broadcast_in_dim3A_464, %add3A_430] : memref<16x128xf32, #tpu.memory_space<vmem>>[vector<16xi32>, vector<16xi32>], vector<16xf32>,
    %add3A_466 = arith.addf %add3A_462, %gather3A_465 : vector<16xf32>
    %broadcast_in_dim3A_467 = arith.constant 9 : i32
    %broadcast_in_dim3A_468 = vector.broadcast %broadcast_in_dim3A_467 : i32 to vector<16xi32>
    %gather3A_469 = tpu.vector_load_idx %arg21[%broadcast_in_dim3A_468, %add3A_430] : memref<16x128xf32, #tpu.memory_space<vmem>>[vector<16xi32>, vector<16xi32>], vector<16xf32>,
    %add3A_470 = arith.addf %add3A_466, %gather3A_469 : vector<16xf32>
    %broadcast_in_dim3A_471 = arith.constant 10 : i32
    %broadcast_in_dim3A_472 = vector.broadcast %broadcast_in_dim3A_471 : i32 to vector<16xi32>
    %gather3A_473 = tpu.vector_load_idx %arg21[%broadcast_in_dim3A_472, %add3A_430] : memref<16x128xf32, #tpu.memory_space<vmem>>[vector<16xi32>, vector<16xi32>], vector<16xf32>,
    %add3A_474 = arith.addf %add3A_470, %gather3A_473 : vector<16xf32>
    %broadcast_in_dim3A_475 = arith.constant 11 : i32
    %broadcast_in_dim3A_476 = vector.broadcast %broadcast_in_dim3A_475 : i32 to vector<16xi32>
    %gather3A_477 = tpu.vector_load_idx %arg21[%broadcast_in_dim3A_476, %add3A_430] : memref<16x128xf32, #tpu.memory_space<vmem>>[vector<16xi32>, vector<16xi32>], vector<16xf32>,
    %add3A_478 = arith.addf %add3A_474, %gather3A_477 : vector<16xf32>
    %broadcast_in_dim3A_479 = arith.constant 12 : i32
    %broadcast_in_dim3A_480 = vector.broadcast %broadcast_in_dim3A_479 : i32 to vector<16xi32>
    %gather3A_481 = tpu.vector_load_idx %arg21[%broadcast_in_dim3A_480, %add3A_430] : memref<16x128xf32, #tpu.memory_space<vmem>>[vector<16xi32>, vector<16xi32>], vector<16xf32>,
    %add3A_482 = arith.addf %add3A_478, %gather3A_481 : vector<16xf32>
    %broadcast_in_dim3A_483 = arith.constant 13 : i32
    %broadcast_in_dim3A_484 = vector.broadcast %broadcast_in_dim3A_483 : i32 to vector<16xi32>
    %gather3A_485 = tpu.vector_load_idx %arg21[%broadcast_in_dim3A_484, %add3A_430] : memref<16x128xf32, #tpu.memory_space<vmem>>[vector<16xi32>, vector<16xi32>], vector<16xf32>,
    %add3A_486 = arith.addf %add3A_482, %gather3A_485 : vector<16xf32>
    %broadcast_in_dim3A_487 = arith.constant 14 : i32
    %broadcast_in_dim3A_488 = vector.broadcast %broadcast_in_dim3A_487 : i32 to vector<16xi32>
    %gather3A_489 = tpu.vector_load_idx %arg21[%broadcast_in_dim3A_488, %add3A_430] : memref<16x128xf32, #tpu.memory_space<vmem>>[vector<16xi32>, vector<16xi32>], vector<16xf32>,
    %add3A_490 = arith.addf %add3A_486, %gather3A_489 : vector<16xf32>
    %broadcast_in_dim3A_491 = arith.constant 15 : i32
    %broadcast_in_dim3A_492 = vector.broadcast %broadcast_in_dim3A_491 : i32 to vector<16xi32>
    %gather3A_493 = tpu.vector_load_idx %arg21[%broadcast_in_dim3A_492, %add3A_430] : memref<16x128xf32, #tpu.memory_space<vmem>>[vector<16xi32>, vector<16xi32>], vector<16xf32>,
    %add3A_494 = arith.addf %add3A_490, %gather3A_493 : vector<16xf32>
    %get3A_495 = arith.constant 48 : index
    %get3A_496 = tpu.vector_load %arg22[%get3A_495] {strides = array<i32>} : memref<128xf32, #tpu.memory_space<vmem>>, vector<16xf32>,
    %bitcast_convert_type3A_497 = tpu.bitcast %get3A_496 : vector<16xf32> -> vector<16xi32>
    %shift_right_logical3A_498 = arith.constant 23 : i32
    %shift_right_logical3A_499 = vector.broadcast %shift_right_logical3A_498 : i32 to vector<16xi32>
    %shift_right_logical3A_500 = arith.shrui %bitcast_convert_type3A_497, %shift_right_logical3A_499 : vector<16xi32>
    %sub3A_501 = arith.constant 127 : i32
    %sub3A_502 = vector.broadcast %sub3A_501 : i32 to vector<16xi32>
    %sub3A_503 = arith.subi %shift_right_logical3A_500, %sub3A_502 : vector<16xi32>
    %and3A_504 = arith.constant 8388607 : i32
    %and3A_505 = vector.broadcast %and3A_504 : i32 to vector<16xi32>
    %and3A_506 = arith.andi %bitcast_convert_type3A_497, %and3A_505 : vector<16xi32>
    %or3A_507 = arith.constant 1065353216 : i32
    %or3A_508 = vector.broadcast %or3A_507 : i32 to vector<16xi32>
    %or3A_509 = arith.ori %and3A_506, %or3A_508 : vector<16xi32>
    %bitcast_convert_type3A_510 = tpu.bitcast %or3A_509 : vector<16xi32> -> vector<16xf32>
    %gt3A_511 = arith.constant 1.41421354 : f32
    %gt3A_512 = vector.broadcast %gt3A_511 : f32 to vector<16xf32>
    %gt3A_513 = arith.cmpf ogt, %bitcast_convert_type3A_510, %gt3A_512 : vector<16xf32>
    %mul3A_514 = arith.constant 5.000000e-01 : f32
    %mul3A_515 = vector.broadcast %mul3A_514 : f32 to vector<16xf32>
    %mul3A_516 = arith.mulf %mul3A_515, %bitcast_convert_type3A_510 : vector<16xf32>
    %select_n3A_517 = arith.select %gt3A_513, %mul3A_516, %bitcast_convert_type3A_510 : vector<16xi1>, vector<16xf32>
    %jit3A_518 = arith.constant 1 : i32
    %jit3A_519 = arith.constant 0 : i32
    %broadcast_in_dim3A_520 = vector.broadcast %jit3A_518 : i32 to vector<16xi32>
    %broadcast_in_dim3A_521 = vector.broadcast %jit3A_519 : i32 to vector<16xi32>
    %select_n3A_522 = arith.select %gt3A_513, %broadcast_in_dim3A_520, %broadcast_in_dim3A_521 : vector<16xi1>, vector<16xi32>
    %add3A_523 = arith.addi %sub3A_503, %select_n3A_522 : vector<16xi32>
    %convert_element_type3A_524 = arith.sitofp %add3A_523 : vector<16xi32> to vector<16xf32>
    %sub3A_525 = arith.constant 1.000000e+00 : f32
    %sub3A_526 = vector.broadcast %sub3A_525 : f32 to vector<16xf32>
    %sub3A_527 = arith.subf %select_n3A_517, %sub3A_526 : vector<16xf32>
    %add3A_528 = arith.constant 1.000000e+00 : f32
    %add3A_529 = vector.broadcast %add3A_528 : f32 to vector<16xf32>
    %add3A_530 = arith.addf %select_n3A_517, %add3A_529 : vector<16xf32>
    %div3A_531 = arith.divf %sub3A_527, %add3A_530 : vector<16xf32>
    %mul3A_532 = arith.mulf %div3A_531, %div3A_531 : vector<16xf32>
    %mul3A_533 = arith.constant 0.142857149 : f32
    %mul3A_534 = vector.broadcast %mul3A_533 : f32 to vector<16xf32>
    %mul3A_535 = arith.mulf %mul3A_534, %mul3A_532 : vector<16xf32>
    %add3A_536 = arith.constant 2.000000e-01 : f32
    %add3A_537 = vector.broadcast %add3A_536 : f32 to vector<16xf32>
    %add3A_538 = arith.addf %mul3A_535, %add3A_537 : vector<16xf32>
    %mul3A_539 = arith.mulf %add3A_538, %mul3A_532 : vector<16xf32>
    %add3A_540 = arith.constant 0.333333343 : f32
    %add3A_541 = vector.broadcast %add3A_540 : f32 to vector<16xf32>
    %add3A_542 = arith.addf %mul3A_539, %add3A_541 : vector<16xf32>
    %mul3A_543 = arith.mulf %add3A_542, %mul3A_532 : vector<16xf32>
    %add3A_544 = arith.constant 1.000000e+00 : f32
    %add3A_545 = vector.broadcast %add3A_544 : f32 to vector<16xf32>
    %add3A_546 = arith.addf %mul3A_543, %add3A_545 : vector<16xf32>
    %mul3A_547 = arith.constant 0.693147182 : f32
    %mul3A_548 = vector.broadcast %mul3A_547 : f32 to vector<16xf32>
    %mul3A_549 = arith.mulf %convert_element_type3A_524, %mul3A_548 : vector<16xf32>
    %mul3A_550 = arith.constant 2.000000e+00 : f32
    %mul3A_551 = vector.broadcast %mul3A_550 : f32 to vector<16xf32>
    %mul3A_552 = arith.mulf %mul3A_551, %div3A_531 : vector<16xf32>
    %mul3A_553 = arith.mulf %mul3A_552, %add3A_546 : vector<16xf32>
    %add3A_554 = arith.addf %mul3A_549, %mul3A_553 : vector<16xf32>
    %sub3A_555 = arith.subf %add3A_494, %add3A_554 : vector<16xf32>
    %get3A_556 = arith.constant 48 : index
    %get3A_557 = tpu.vector_load %arg23[%get3A_556] {strides = array<i32>} : memref<128xf32, #tpu.memory_space<vmem>>, vector<16xf32>,
    %mul3A_558 = arith.mulf %get3A_557, %sub3A_555 : vector<16xf32>
    %mul3A_559 = arith.mulf %mul3A_558, %sub3A_555 : vector<16xf32>
    %add3A_560 = arith.addf %add3A_418, %mul3A_559 : vector<16xf32>
    %mul3A_561 = arith.mulf %get3A_557, %sub3A_555 : vector<16xf32>
    %add3A_562 = arith.addf %add3A_420, %mul3A_561 : vector<16xf32>
    %add3A_563 = arith.addf %add3A_421, %get3A_557 : vector<16xf32>
    %gather3A_564 = tpu.vector_load_idx %arg32[%broadcast_in_dim3A_5, %add3A_430] : memref<1x128xf32, #tpu.memory_space<vmem>>[vector<16xi32>, vector<16xi32>], vector<16xf32>,
    %gather3A_565 = tpu.vector_load_idx %arg33[%broadcast_in_dim3A_5, %add3A_430] : memref<1x128xf32, #tpu.memory_space<vmem>>[vector<16xi32>, vector<16xi32>], vector<16xf32>,
    %add3A_566 = arith.addf %gather3A_564, %gather3A_565 : vector<16xf32>
    %add3A_567 = arith.addf %add3A_425, %add3A_566 : vector<16xf32>
    %mul3A_568 = arith.mulf %add3A_566, %add3A_566 : vector<16xf32>
    %add3A_569 = arith.addf %add3A_427, %mul3A_568 : vector<16xf32>
    %add3A_570 = arith.constant 64 : i32
    %add3A_571 = vector.broadcast %add3A_570 : i32 to vector<16xi32>
    %add3A_572 = arith.addi %add3A_571, %iota3A : vector<16xi32>
    %broadcast_in_dim3A_573 = arith.constant 0 : i32
    %broadcast_in_dim3A_574 = vector.broadcast %broadcast_in_dim3A_573 : i32 to vector<16xi32>
    %gather3A_575 = tpu.vector_load_idx %arg21[%broadcast_in_dim3A_574, %add3A_572] : memref<16x128xf32, #tpu.memory_space<vmem>>[vector<16xi32>, vector<16xi32>], vector<16xf32>,
    %add3A_576 = arith.addf %broadcast_in_dim3A_3, %gather3A_575 : vector<16xf32>
    %broadcast_in_dim3A_577 = arith.constant 1 : i32
    %broadcast_in_dim3A_578 = vector.broadcast %broadcast_in_dim3A_577 : i32 to vector<16xi32>
    %gather3A_579 = tpu.vector_load_idx %arg21[%broadcast_in_dim3A_578, %add3A_572] : memref<16x128xf32, #tpu.memory_space<vmem>>[vector<16xi32>, vector<16xi32>], vector<16xf32>,
    %add3A_580 = arith.addf %add3A_576, %gather3A_579 : vector<16xf32>
    %broadcast_in_dim3A_581 = arith.constant 2 : i32
    %broadcast_in_dim3A_582 = vector.broadcast %broadcast_in_dim3A_581 : i32 to vector<16xi32>
    %gather3A_583 = tpu.vector_load_idx %arg21[%broadcast_in_dim3A_582, %add3A_572] : memref<16x128xf32, #tpu.memory_space<vmem>>[vector<16xi32>, vector<16xi32>], vector<16xf32>,
    %add3A_584 = arith.addf %add3A_580, %gather3A_583 : vector<16xf32>
    %broadcast_in_dim3A_585 = arith.constant 3 : i32
    %broadcast_in_dim3A_586 = vector.broadcast %broadcast_in_dim3A_585 : i32 to vector<16xi32>
    %gather3A_587 = tpu.vector_load_idx %arg21[%broadcast_in_dim3A_586, %add3A_572] : memref<16x128xf32, #tpu.memory_space<vmem>>[vector<16xi32>, vector<16xi32>], vector<16xf32>,
    %add3A_588 = arith.addf %add3A_584, %gather3A_587 : vector<16xf32>
    %broadcast_in_dim3A_589 = arith.constant 4 : i32
    %broadcast_in_dim3A_590 = vector.broadcast %broadcast_in_dim3A_589 : i32 to vector<16xi32>
    %gather3A_591 = tpu.vector_load_idx %arg21[%broadcast_in_dim3A_590, %add3A_572] : memref<16x128xf32, #tpu.memory_space<vmem>>[vector<16xi32>, vector<16xi32>], vector<16xf32>,
    %add3A_592 = arith.addf %add3A_588, %gather3A_591 : vector<16xf32>
    %broadcast_in_dim3A_593 = arith.constant 5 : i32
    %broadcast_in_dim3A_594 = vector.broadcast %broadcast_in_dim3A_593 : i32 to vector<16xi32>
    %gather3A_595 = tpu.vector_load_idx %arg21[%broadcast_in_dim3A_594, %add3A_572] : memref<16x128xf32, #tpu.memory_space<vmem>>[vector<16xi32>, vector<16xi32>], vector<16xf32>,
    %add3A_596 = arith.addf %add3A_592, %gather3A_595 : vector<16xf32>
    %broadcast_in_dim3A_597 = arith.constant 6 : i32
    %broadcast_in_dim3A_598 = vector.broadcast %broadcast_in_dim3A_597 : i32 to vector<16xi32>
    %gather3A_599 = tpu.vector_load_idx %arg21[%broadcast_in_dim3A_598, %add3A_572] : memref<16x128xf32, #tpu.memory_space<vmem>>[vector<16xi32>, vector<16xi32>], vector<16xf32>,
    %add3A_600 = arith.addf %add3A_596, %gather3A_599 : vector<16xf32>
    %broadcast_in_dim3A_601 = arith.constant 7 : i32
    %broadcast_in_dim3A_602 = vector.broadcast %broadcast_in_dim3A_601 : i32 to vector<16xi32>
    %gather3A_603 = tpu.vector_load_idx %arg21[%broadcast_in_dim3A_602, %add3A_572] : memref<16x128xf32, #tpu.memory_space<vmem>>[vector<16xi32>, vector<16xi32>], vector<16xf32>,
    %add3A_604 = arith.addf %add3A_600, %gather3A_603 : vector<16xf32>
    %broadcast_in_dim3A_605 = arith.constant 8 : i32
    %broadcast_in_dim3A_606 = vector.broadcast %broadcast_in_dim3A_605 : i32 to vector<16xi32>
    %gather3A_607 = tpu.vector_load_idx %arg21[%broadcast_in_dim3A_606, %add3A_572] : memref<16x128xf32, #tpu.memory_space<vmem>>[vector<16xi32>, vector<16xi32>], vector<16xf32>,
    %add3A_608 = arith.addf %add3A_604, %gather3A_607 : vector<16xf32>
    %broadcast_in_dim3A_609 = arith.constant 9 : i32
    %broadcast_in_dim3A_610 = vector.broadcast %broadcast_in_dim3A_609 : i32 to vector<16xi32>
    %gather3A_611 = tpu.vector_load_idx %arg21[%broadcast_in_dim3A_610, %add3A_572] : memref<16x128xf32, #tpu.memory_space<vmem>>[vector<16xi32>, vector<16xi32>], vector<16xf32>,
    %add3A_612 = arith.addf %add3A_608, %gather3A_611 : vector<16xf32>
    %broadcast_in_dim3A_613 = arith.constant 10 : i32
    %broadcast_in_dim3A_614 = vector.broadcast %broadcast_in_dim3A_613 : i32 to vector<16xi32>
    %gather3A_615 = tpu.vector_load_idx %arg21[%broadcast_in_dim3A_614, %add3A_572] : memref<16x128xf32, #tpu.memory_space<vmem>>[vector<16xi32>, vector<16xi32>], vector<16xf32>,
    %add3A_616 = arith.addf %add3A_612, %gather3A_615 : vector<16xf32>
    %broadcast_in_dim3A_617 = arith.constant 11 : i32
    %broadcast_in_dim3A_618 = vector.broadcast %broadcast_in_dim3A_617 : i32 to vector<16xi32>
    %gather3A_619 = tpu.vector_load_idx %arg21[%broadcast_in_dim3A_618, %add3A_572] : memref<16x128xf32, #tpu.memory_space<vmem>>[vector<16xi32>, vector<16xi32>], vector<16xf32>,
    %add3A_620 = arith.addf %add3A_616, %gather3A_619 : vector<16xf32>
    %broadcast_in_dim3A_621 = arith.constant 12 : i32
    %broadcast_in_dim3A_622 = vector.broadcast %broadcast_in_dim3A_621 : i32 to vector<16xi32>
    %gather3A_623 = tpu.vector_load_idx %arg21[%broadcast_in_dim3A_622, %add3A_572] : memref<16x128xf32, #tpu.memory_space<vmem>>[vector<16xi32>, vector<16xi32>], vector<16xf32>,
    %add3A_624 = arith.addf %add3A_620, %gather3A_623 : vector<16xf32>
    %broadcast_in_dim3A_625 = arith.constant 13 : i32
    %broadcast_in_dim3A_626 = vector.broadcast %broadcast_in_dim3A_625 : i32 to vector<16xi32>
    %gather3A_627 = tpu.vector_load_idx %arg21[%broadcast_in_dim3A_626, %add3A_572] : memref<16x128xf32, #tpu.memory_space<vmem>>[vector<16xi32>, vector<16xi32>], vector<16xf32>,
    %add3A_628 = arith.addf %add3A_624, %gather3A_627 : vector<16xf32>
    %broadcast_in_dim3A_629 = arith.constant 14 : i32
    %broadcast_in_dim3A_630 = vector.broadcast %broadcast_in_dim3A_629 : i32 to vector<16xi32>
    %gather3A_631 = tpu.vector_load_idx %arg21[%broadcast_in_dim3A_630, %add3A_572] : memref<16x128xf32, #tpu.memory_space<vmem>>[vector<16xi32>, vector<16xi32>], vector<16xf32>,
    %add3A_632 = arith.addf %add3A_628, %gather3A_631 : vector<16xf32>
    %broadcast_in_dim3A_633 = arith.constant 15 : i32
    %broadcast_in_dim3A_634 = vector.broadcast %broadcast_in_dim3A_633 : i32 to vector<16xi32>
    %gather3A_635 = tpu.vector_load_idx %arg21[%broadcast_in_dim3A_634, %add3A_572] : memref<16x128xf32, #tpu.memory_space<vmem>>[vector<16xi32>, vector<16xi32>], vector<16xf32>,
    %add3A_636 = arith.addf %add3A_632, %gather3A_635 : vector<16xf32>
    %get3A_637 = arith.constant 64 : index
    %get3A_638 = tpu.vector_load %arg22[%get3A_637] {strides = array<i32>} : memref<128xf32, #tpu.memory_space<vmem>>, vector<16xf32>,
    %bitcast_convert_type3A_639 = tpu.bitcast %get3A_638 : vector<16xf32> -> vector<16xi32>
    %shift_right_logical3A_640 = arith.constant 23 : i32
    %shift_right_logical3A_641 = vector.broadcast %shift_right_logical3A_640 : i32 to vector<16xi32>
    %shift_right_logical3A_642 = arith.shrui %bitcast_convert_type3A_639, %shift_right_logical3A_641 : vector<16xi32>
    %sub3A_643 = arith.constant 127 : i32
    %sub3A_644 = vector.broadcast %sub3A_643 : i32 to vector<16xi32>
    %sub3A_645 = arith.subi %shift_right_logical3A_642, %sub3A_644 : vector<16xi32>
    %and3A_646 = arith.constant 8388607 : i32
    %and3A_647 = vector.broadcast %and3A_646 : i32 to vector<16xi32>
    %and3A_648 = arith.andi %bitcast_convert_type3A_639, %and3A_647 : vector<16xi32>
    %or3A_649 = arith.constant 1065353216 : i32
    %or3A_650 = vector.broadcast %or3A_649 : i32 to vector<16xi32>
    %or3A_651 = arith.ori %and3A_648, %or3A_650 : vector<16xi32>
    %bitcast_convert_type3A_652 = tpu.bitcast %or3A_651 : vector<16xi32> -> vector<16xf32>
    %gt3A_653 = arith.constant 1.41421354 : f32
    %gt3A_654 = vector.broadcast %gt3A_653 : f32 to vector<16xf32>
    %gt3A_655 = arith.cmpf ogt, %bitcast_convert_type3A_652, %gt3A_654 : vector<16xf32>
    %mul3A_656 = arith.constant 5.000000e-01 : f32
    %mul3A_657 = vector.broadcast %mul3A_656 : f32 to vector<16xf32>
    %mul3A_658 = arith.mulf %mul3A_657, %bitcast_convert_type3A_652 : vector<16xf32>
    %select_n3A_659 = arith.select %gt3A_655, %mul3A_658, %bitcast_convert_type3A_652 : vector<16xi1>, vector<16xf32>
    %jit3A_660 = arith.constant 1 : i32
    %jit3A_661 = arith.constant 0 : i32
    %broadcast_in_dim3A_662 = vector.broadcast %jit3A_660 : i32 to vector<16xi32>
    %broadcast_in_dim3A_663 = vector.broadcast %jit3A_661 : i32 to vector<16xi32>
    %select_n3A_664 = arith.select %gt3A_655, %broadcast_in_dim3A_662, %broadcast_in_dim3A_663 : vector<16xi1>, vector<16xi32>
    %add3A_665 = arith.addi %sub3A_645, %select_n3A_664 : vector<16xi32>
    %convert_element_type3A_666 = arith.sitofp %add3A_665 : vector<16xi32> to vector<16xf32>
    %sub3A_667 = arith.constant 1.000000e+00 : f32
    %sub3A_668 = vector.broadcast %sub3A_667 : f32 to vector<16xf32>
    %sub3A_669 = arith.subf %select_n3A_659, %sub3A_668 : vector<16xf32>
    %add3A_670 = arith.constant 1.000000e+00 : f32
    %add3A_671 = vector.broadcast %add3A_670 : f32 to vector<16xf32>
    %add3A_672 = arith.addf %select_n3A_659, %add3A_671 : vector<16xf32>
    %div3A_673 = arith.divf %sub3A_669, %add3A_672 : vector<16xf32>
    %mul3A_674 = arith.mulf %div3A_673, %div3A_673 : vector<16xf32>
    %mul3A_675 = arith.constant 0.142857149 : f32
    %mul3A_676 = vector.broadcast %mul3A_675 : f32 to vector<16xf32>
    %mul3A_677 = arith.mulf %mul3A_676, %mul3A_674 : vector<16xf32>
    %add3A_678 = arith.constant 2.000000e-01 : f32
    %add3A_679 = vector.broadcast %add3A_678 : f32 to vector<16xf32>
    %add3A_680 = arith.addf %mul3A_677, %add3A_679 : vector<16xf32>
    %mul3A_681 = arith.mulf %add3A_680, %mul3A_674 : vector<16xf32>
    %add3A_682 = arith.constant 0.333333343 : f32
    %add3A_683 = vector.broadcast %add3A_682 : f32 to vector<16xf32>
    %add3A_684 = arith.addf %mul3A_681, %add3A_683 : vector<16xf32>
    %mul3A_685 = arith.mulf %add3A_684, %mul3A_674 : vector<16xf32>
    %add3A_686 = arith.constant 1.000000e+00 : f32
    %add3A_687 = vector.broadcast %add3A_686 : f32 to vector<16xf32>
    %add3A_688 = arith.addf %mul3A_685, %add3A_687 : vector<16xf32>
    %mul3A_689 = arith.constant 0.693147182 : f32
    %mul3A_690 = vector.broadcast %mul3A_689 : f32 to vector<16xf32>
    %mul3A_691 = arith.mulf %convert_element_type3A_666, %mul3A_690 : vector<16xf32>
    %mul3A_692 = arith.constant 2.000000e+00 : f32
    %mul3A_693 = vector.broadcast %mul3A_692 : f32 to vector<16xf32>
    %mul3A_694 = arith.mulf %mul3A_693, %div3A_673 : vector<16xf32>
    %mul3A_695 = arith.mulf %mul3A_694, %add3A_688 : vector<16xf32>
    %add3A_696 = arith.addf %mul3A_691, %mul3A_695 : vector<16xf32>
    %sub3A_697 = arith.subf %add3A_636, %add3A_696 : vector<16xf32>
    %get3A_698 = arith.constant 64 : index
    %get3A_699 = tpu.vector_load %arg23[%get3A_698] {strides = array<i32>} : memref<128xf32, #tpu.memory_space<vmem>>, vector<16xf32>,
    %mul3A_700 = arith.mulf %get3A_699, %sub3A_697 : vector<16xf32>
    %mul3A_701 = arith.mulf %mul3A_700, %sub3A_697 : vector<16xf32>
    %add3A_702 = arith.addf %add3A_560, %mul3A_701 : vector<16xf32>
    %mul3A_703 = arith.mulf %get3A_699, %sub3A_697 : vector<16xf32>
    %add3A_704 = arith.addf %add3A_562, %mul3A_703 : vector<16xf32>
    %add3A_705 = arith.addf %add3A_563, %get3A_699 : vector<16xf32>
    %gather3A_706 = tpu.vector_load_idx %arg32[%broadcast_in_dim3A_5, %add3A_572] : memref<1x128xf32, #tpu.memory_space<vmem>>[vector<16xi32>, vector<16xi32>], vector<16xf32>,
    %gather3A_707 = tpu.vector_load_idx %arg33[%broadcast_in_dim3A_5, %add3A_572] : memref<1x128xf32, #tpu.memory_space<vmem>>[vector<16xi32>, vector<16xi32>], vector<16xf32>,
    %add3A_708 = arith.addf %gather3A_706, %gather3A_707 : vector<16xf32>
    %add3A_709 = arith.addf %add3A_567, %add3A_708 : vector<16xf32>
    %mul3A_710 = arith.mulf %add3A_708, %add3A_708 : vector<16xf32>
    %add3A_711 = arith.addf %add3A_569, %mul3A_710 : vector<16xf32>
    %add3A_712 = arith.constant 80 : i32
    %add3A_713 = vector.broadcast %add3A_712 : i32 to vector<16xi32>
    %add3A_714 = arith.addi %add3A_713, %iota3A : vector<16xi32>
    %broadcast_in_dim3A_715 = arith.constant 0 : i32
    %broadcast_in_dim3A_716 = vector.broadcast %broadcast_in_dim3A_715 : i32 to vector<16xi32>
    %gather3A_717 = tpu.vector_load_idx %arg21[%broadcast_in_dim3A_716, %add3A_714] : memref<16x128xf32, #tpu.memory_space<vmem>>[vector<16xi32>, vector<16xi32>], vector<16xf32>,
    %add3A_718 = arith.addf %broadcast_in_dim3A_3, %gather3A_717 : vector<16xf32>
    %broadcast_in_dim3A_719 = arith.constant 1 : i32
    %broadcast_in_dim3A_720 = vector.broadcast %broadcast_in_dim3A_719 : i32 to vector<16xi32>
    %gather3A_721 = tpu.vector_load_idx %arg21[%broadcast_in_dim3A_720, %add3A_714] : memref<16x128xf32, #tpu.memory_space<vmem>>[vector<16xi32>, vector<16xi32>], vector<16xf32>,
    %add3A_722 = arith.addf %add3A_718, %gather3A_721 : vector<16xf32>
    %broadcast_in_dim3A_723 = arith.constant 2 : i32
    %broadcast_in_dim3A_724 = vector.broadcast %broadcast_in_dim3A_723 : i32 to vector<16xi32>
    %gather3A_725 = tpu.vector_load_idx %arg21[%broadcast_in_dim3A_724, %add3A_714] : memref<16x128xf32, #tpu.memory_space<vmem>>[vector<16xi32>, vector<16xi32>], vector<16xf32>,
    %add3A_726 = arith.addf %add3A_722, %gather3A_725 : vector<16xf32>
    %broadcast_in_dim3A_727 = arith.constant 3 : i32
    %broadcast_in_dim3A_728 = vector.broadcast %broadcast_in_dim3A_727 : i32 to vector<16xi32>
    %gather3A_729 = tpu.vector_load_idx %arg21[%broadcast_in_dim3A_728, %add3A_714] : memref<16x128xf32, #tpu.memory_space<vmem>>[vector<16xi32>, vector<16xi32>], vector<16xf32>,
    %add3A_730 = arith.addf %add3A_726, %gather3A_729 : vector<16xf32>
    %broadcast_in_dim3A_731 = arith.constant 4 : i32
    %broadcast_in_dim3A_732 = vector.broadcast %broadcast_in_dim3A_731 : i32 to vector<16xi32>
    %gather3A_733 = tpu.vector_load_idx %arg21[%broadcast_in_dim3A_732, %add3A_714] : memref<16x128xf32, #tpu.memory_space<vmem>>[vector<16xi32>, vector<16xi32>], vector<16xf32>,
    %add3A_734 = arith.addf %add3A_730, %gather3A_733 : vector<16xf32>
    %broadcast_in_dim3A_735 = arith.constant 5 : i32
    %broadcast_in_dim3A_736 = vector.broadcast %broadcast_in_dim3A_735 : i32 to vector<16xi32>
    %gather3A_737 = tpu.vector_load_idx %arg21[%broadcast_in_dim3A_736, %add3A_714] : memref<16x128xf32, #tpu.memory_space<vmem>>[vector<16xi32>, vector<16xi32>], vector<16xf32>,
    %add3A_738 = arith.addf %add3A_734, %gather3A_737 : vector<16xf32>
    %broadcast_in_dim3A_739 = arith.constant 6 : i32
    %broadcast_in_dim3A_740 = vector.broadcast %broadcast_in_dim3A_739 : i32 to vector<16xi32>
    %gather3A_741 = tpu.vector_load_idx %arg21[%broadcast_in_dim3A_740, %add3A_714] : memref<16x128xf32, #tpu.memory_space<vmem>>[vector<16xi32>, vector<16xi32>], vector<16xf32>,
    %add3A_742 = arith.addf %add3A_738, %gather3A_741 : vector<16xf32>
    %broadcast_in_dim3A_743 = arith.constant 7 : i32
    %broadcast_in_dim3A_744 = vector.broadcast %broadcast_in_dim3A_743 : i32 to vector<16xi32>
    %gather3A_745 = tpu.vector_load_idx %arg21[%broadcast_in_dim3A_744, %add3A_714] : memref<16x128xf32, #tpu.memory_space<vmem>>[vector<16xi32>, vector<16xi32>], vector<16xf32>,
    %add3A_746 = arith.addf %add3A_742, %gather3A_745 : vector<16xf32>
    %broadcast_in_dim3A_747 = arith.constant 8 : i32
    %broadcast_in_dim3A_748 = vector.broadcast %broadcast_in_dim3A_747 : i32 to vector<16xi32>
    %gather3A_749 = tpu.vector_load_idx %arg21[%broadcast_in_dim3A_748, %add3A_714] : memref<16x128xf32, #tpu.memory_space<vmem>>[vector<16xi32>, vector<16xi32>], vector<16xf32>,
    %add3A_750 = arith.addf %add3A_746, %gather3A_749 : vector<16xf32>
    %broadcast_in_dim3A_751 = arith.constant 9 : i32
    %broadcast_in_dim3A_752 = vector.broadcast %broadcast_in_dim3A_751 : i32 to vector<16xi32>
    %gather3A_753 = tpu.vector_load_idx %arg21[%broadcast_in_dim3A_752, %add3A_714] : memref<16x128xf32, #tpu.memory_space<vmem>>[vector<16xi32>, vector<16xi32>], vector<16xf32>,
    %add3A_754 = arith.addf %add3A_750, %gather3A_753 : vector<16xf32>
    %broadcast_in_dim3A_755 = arith.constant 10 : i32
    %broadcast_in_dim3A_756 = vector.broadcast %broadcast_in_dim3A_755 : i32 to vector<16xi32>
    %gather3A_757 = tpu.vector_load_idx %arg21[%broadcast_in_dim3A_756, %add3A_714] : memref<16x128xf32, #tpu.memory_space<vmem>>[vector<16xi32>, vector<16xi32>], vector<16xf32>,
    %add3A_758 = arith.addf %add3A_754, %gather3A_757 : vector<16xf32>
    %broadcast_in_dim3A_759 = arith.constant 11 : i32
    %broadcast_in_dim3A_760 = vector.broadcast %broadcast_in_dim3A_759 : i32 to vector<16xi32>
    %gather3A_761 = tpu.vector_load_idx %arg21[%broadcast_in_dim3A_760, %add3A_714] : memref<16x128xf32, #tpu.memory_space<vmem>>[vector<16xi32>, vector<16xi32>], vector<16xf32>,
    %add3A_762 = arith.addf %add3A_758, %gather3A_761 : vector<16xf32>
    %broadcast_in_dim3A_763 = arith.constant 12 : i32
    %broadcast_in_dim3A_764 = vector.broadcast %broadcast_in_dim3A_763 : i32 to vector<16xi32>
    %gather3A_765 = tpu.vector_load_idx %arg21[%broadcast_in_dim3A_764, %add3A_714] : memref<16x128xf32, #tpu.memory_space<vmem>>[vector<16xi32>, vector<16xi32>], vector<16xf32>,
    %add3A_766 = arith.addf %add3A_762, %gather3A_765 : vector<16xf32>
    %broadcast_in_dim3A_767 = arith.constant 13 : i32
    %broadcast_in_dim3A_768 = vector.broadcast %broadcast_in_dim3A_767 : i32 to vector<16xi32>
    %gather3A_769 = tpu.vector_load_idx %arg21[%broadcast_in_dim3A_768, %add3A_714] : memref<16x128xf32, #tpu.memory_space<vmem>>[vector<16xi32>, vector<16xi32>], vector<16xf32>,
    %add3A_770 = arith.addf %add3A_766, %gather3A_769 : vector<16xf32>
    %broadcast_in_dim3A_771 = arith.constant 14 : i32
    %broadcast_in_dim3A_772 = vector.broadcast %broadcast_in_dim3A_771 : i32 to vector<16xi32>
    %gather3A_773 = tpu.vector_load_idx %arg21[%broadcast_in_dim3A_772, %add3A_714] : memref<16x128xf32, #tpu.memory_space<vmem>>[vector<16xi32>, vector<16xi32>], vector<16xf32>,
    %add3A_774 = arith.addf %add3A_770, %gather3A_773 : vector<16xf32>
    %broadcast_in_dim3A_775 = arith.constant 15 : i32
    %broadcast_in_dim3A_776 = vector.broadcast %broadcast_in_dim3A_775 : i32 to vector<16xi32>
    %gather3A_777 = tpu.vector_load_idx %arg21[%broadcast_in_dim3A_776, %add3A_714] : memref<16x128xf32, #tpu.memory_space<vmem>>[vector<16xi32>, vector<16xi32>], vector<16xf32>,
    %add3A_778 = arith.addf %add3A_774, %gather3A_777 : vector<16xf32>
    %get3A_779 = arith.constant 80 : index
    %get3A_780 = tpu.vector_load %arg22[%get3A_779] {strides = array<i32>} : memref<128xf32, #tpu.memory_space<vmem>>, vector<16xf32>,
    %bitcast_convert_type3A_781 = tpu.bitcast %get3A_780 : vector<16xf32> -> vector<16xi32>
    %shift_right_logical3A_782 = arith.constant 23 : i32
    %shift_right_logical3A_783 = vector.broadcast %shift_right_logical3A_782 : i32 to vector<16xi32>
    %shift_right_logical3A_784 = arith.shrui %bitcast_convert_type3A_781, %shift_right_logical3A_783 : vector<16xi32>
    %sub3A_785 = arith.constant 127 : i32
    %sub3A_786 = vector.broadcast %sub3A_785 : i32 to vector<16xi32>
    %sub3A_787 = arith.subi %shift_right_logical3A_784, %sub3A_786 : vector<16xi32>
    %and3A_788 = arith.constant 8388607 : i32
    %and3A_789 = vector.broadcast %and3A_788 : i32 to vector<16xi32>
    %and3A_790 = arith.andi %bitcast_convert_type3A_781, %and3A_789 : vector<16xi32>
    %or3A_791 = arith.constant 1065353216 : i32
    %or3A_792 = vector.broadcast %or3A_791 : i32 to vector<16xi32>
    %or3A_793 = arith.ori %and3A_790, %or3A_792 : vector<16xi32>
    %bitcast_convert_type3A_794 = tpu.bitcast %or3A_793 : vector<16xi32> -> vector<16xf32>
    %gt3A_795 = arith.constant 1.41421354 : f32
    %gt3A_796 = vector.broadcast %gt3A_795 : f32 to vector<16xf32>
    %gt3A_797 = arith.cmpf ogt, %bitcast_convert_type3A_794, %gt3A_796 : vector<16xf32>
    %mul3A_798 = arith.constant 5.000000e-01 : f32
    %mul3A_799 = vector.broadcast %mul3A_798 : f32 to vector<16xf32>
    %mul3A_800 = arith.mulf %mul3A_799, %bitcast_convert_type3A_794 : vector<16xf32>
    %select_n3A_801 = arith.select %gt3A_797, %mul3A_800, %bitcast_convert_type3A_794 : vector<16xi1>, vector<16xf32>
    %jit3A_802 = arith.constant 1 : i32
    %jit3A_803 = arith.constant 0 : i32
    %broadcast_in_dim3A_804 = vector.broadcast %jit3A_802 : i32 to vector<16xi32>
    %broadcast_in_dim3A_805 = vector.broadcast %jit3A_803 : i32 to vector<16xi32>
    %select_n3A_806 = arith.select %gt3A_797, %broadcast_in_dim3A_804, %broadcast_in_dim3A_805 : vector<16xi1>, vector<16xi32>
    %add3A_807 = arith.addi %sub3A_787, %select_n3A_806 : vector<16xi32>
    %convert_element_type3A_808 = arith.sitofp %add3A_807 : vector<16xi32> to vector<16xf32>
    %sub3A_809 = arith.constant 1.000000e+00 : f32
    %sub3A_810 = vector.broadcast %sub3A_809 : f32 to vector<16xf32>
    %sub3A_811 = arith.subf %select_n3A_801, %sub3A_810 : vector<16xf32>
    %add3A_812 = arith.constant 1.000000e+00 : f32
    %add3A_813 = vector.broadcast %add3A_812 : f32 to vector<16xf32>
    %add3A_814 = arith.addf %select_n3A_801, %add3A_813 : vector<16xf32>
    %div3A_815 = arith.divf %sub3A_811, %add3A_814 : vector<16xf32>
    %mul3A_816 = arith.mulf %div3A_815, %div3A_815 : vector<16xf32>
    %mul3A_817 = arith.constant 0.142857149 : f32
    %mul3A_818 = vector.broadcast %mul3A_817 : f32 to vector<16xf32>
    %mul3A_819 = arith.mulf %mul3A_818, %mul3A_816 : vector<16xf32>
    %add3A_820 = arith.constant 2.000000e-01 : f32
    %add3A_821 = vector.broadcast %add3A_820 : f32 to vector<16xf32>
    %add3A_822 = arith.addf %mul3A_819, %add3A_821 : vector<16xf32>
    %mul3A_823 = arith.mulf %add3A_822, %mul3A_816 : vector<16xf32>
    %add3A_824 = arith.constant 0.333333343 : f32
    %add3A_825 = vector.broadcast %add3A_824 : f32 to vector<16xf32>
    %add3A_826 = arith.addf %mul3A_823, %add3A_825 : vector<16xf32>
    %mul3A_827 = arith.mulf %add3A_826, %mul3A_816 : vector<16xf32>
    %add3A_828 = arith.constant 1.000000e+00 : f32
    %add3A_829 = vector.broadcast %add3A_828 : f32 to vector<16xf32>
    %add3A_830 = arith.addf %mul3A_827, %add3A_829 : vector<16xf32>
    %mul3A_831 = arith.constant 0.693147182 : f32
    %mul3A_832 = vector.broadcast %mul3A_831 : f32 to vector<16xf32>
    %mul3A_833 = arith.mulf %convert_element_type3A_808, %mul3A_832 : vector<16xf32>
    %mul3A_834 = arith.constant 2.000000e+00 : f32
    %mul3A_835 = vector.broadcast %mul3A_834 : f32 to vector<16xf32>
    %mul3A_836 = arith.mulf %mul3A_835, %div3A_815 : vector<16xf32>
    %mul3A_837 = arith.mulf %mul3A_836, %add3A_830 : vector<16xf32>
    %add3A_838 = arith.addf %mul3A_833, %mul3A_837 : vector<16xf32>
    %sub3A_839 = arith.subf %add3A_778, %add3A_838 : vector<16xf32>
    %get3A_840 = arith.constant 80 : index
    %get3A_841 = tpu.vector_load %arg23[%get3A_840] {strides = array<i32>} : memref<128xf32, #tpu.memory_space<vmem>>, vector<16xf32>,
    %mul3A_842 = arith.mulf %get3A_841, %sub3A_839 : vector<16xf32>
    %mul3A_843 = arith.mulf %mul3A_842, %sub3A_839 : vector<16xf32>
    %add3A_844 = arith.addf %add3A_702, %mul3A_843 : vector<16xf32>
    %mul3A_845 = arith.mulf %get3A_841, %sub3A_839 : vector<16xf32>
    %add3A_846 = arith.addf %add3A_704, %mul3A_845 : vector<16xf32>
    %add3A_847 = arith.addf %add3A_705, %get3A_841 : vector<16xf32>
    %gather3A_848 = tpu.vector_load_idx %arg32[%broadcast_in_dim3A_5, %add3A_714] : memref<1x128xf32, #tpu.memory_space<vmem>>[vector<16xi32>, vector<16xi32>], vector<16xf32>,
    %gather3A_849 = tpu.vector_load_idx %arg33[%broadcast_in_dim3A_5, %add3A_714] : memref<1x128xf32, #tpu.memory_space<vmem>>[vector<16xi32>, vector<16xi32>], vector<16xf32>,
    %add3A_850 = arith.addf %gather3A_848, %gather3A_849 : vector<16xf32>
    %add3A_851 = arith.addf %add3A_709, %add3A_850 : vector<16xf32>
    %mul3A_852 = arith.mulf %add3A_850, %add3A_850 : vector<16xf32>
    %add3A_853 = arith.addf %add3A_711, %mul3A_852 : vector<16xf32>
    %add3A_854 = arith.constant 96 : i32
    %add3A_855 = vector.broadcast %add3A_854 : i32 to vector<16xi32>
    %add3A_856 = arith.addi %add3A_855, %iota3A : vector<16xi32>
    %broadcast_in_dim3A_857 = arith.constant 0 : i32
    %broadcast_in_dim3A_858 = vector.broadcast %broadcast_in_dim3A_857 : i32 to vector<16xi32>
    %gather3A_859 = tpu.vector_load_idx %arg21[%broadcast_in_dim3A_858, %add3A_856] : memref<16x128xf32, #tpu.memory_space<vmem>>[vector<16xi32>, vector<16xi32>], vector<16xf32>,
    %add3A_860 = arith.addf %broadcast_in_dim3A_3, %gather3A_859 : vector<16xf32>
    %broadcast_in_dim3A_861 = arith.constant 1 : i32
    %broadcast_in_dim3A_862 = vector.broadcast %broadcast_in_dim3A_861 : i32 to vector<16xi32>
    %gather3A_863 = tpu.vector_load_idx %arg21[%broadcast_in_dim3A_862, %add3A_856] : memref<16x128xf32, #tpu.memory_space<vmem>>[vector<16xi32>, vector<16xi32>], vector<16xf32>,
    %add3A_864 = arith.addf %add3A_860, %gather3A_863 : vector<16xf32>
    %broadcast_in_dim3A_865 = arith.constant 2 : i32
    %broadcast_in_dim3A_866 = vector.broadcast %broadcast_in_dim3A_865 : i32 to vector<16xi32>
    %gather3A_867 = tpu.vector_load_idx %arg21[%broadcast_in_dim3A_866, %add3A_856] : memref<16x128xf32, #tpu.memory_space<vmem>>[vector<16xi32>, vector<16xi32>], vector<16xf32>,
    %add3A_868 = arith.addf %add3A_864, %gather3A_867 : vector<16xf32>
    %broadcast_in_dim3A_869 = arith.constant 3 : i32
    %broadcast_in_dim3A_870 = vector.broadcast %broadcast_in_dim3A_869 : i32 to vector<16xi32>
    %gather3A_871 = tpu.vector_load_idx %arg21[%broadcast_in_dim3A_870, %add3A_856] : memref<16x128xf32, #tpu.memory_space<vmem>>[vector<16xi32>, vector<16xi32>], vector<16xf32>,
    %add3A_872 = arith.addf %add3A_868, %gather3A_871 : vector<16xf32>
    %broadcast_in_dim3A_873 = arith.constant 4 : i32
    %broadcast_in_dim3A_874 = vector.broadcast %broadcast_in_dim3A_873 : i32 to vector<16xi32>
    %gather3A_875 = tpu.vector_load_idx %arg21[%broadcast_in_dim3A_874, %add3A_856] : memref<16x128xf32, #tpu.memory_space<vmem>>[vector<16xi32>, vector<16xi32>], vector<16xf32>,
    %add3A_876 = arith.addf %add3A_872, %gather3A_875 : vector<16xf32>
    %broadcast_in_dim3A_877 = arith.constant 5 : i32
    %broadcast_in_dim3A_878 = vector.broadcast %broadcast_in_dim3A_877 : i32 to vector<16xi32>
    %gather3A_879 = tpu.vector_load_idx %arg21[%broadcast_in_dim3A_878, %add3A_856] : memref<16x128xf32, #tpu.memory_space<vmem>>[vector<16xi32>, vector<16xi32>], vector<16xf32>,
    %add3A_880 = arith.addf %add3A_876, %gather3A_879 : vector<16xf32>
    %broadcast_in_dim3A_881 = arith.constant 6 : i32
    %broadcast_in_dim3A_882 = vector.broadcast %broadcast_in_dim3A_881 : i32 to vector<16xi32>
    %gather3A_883 = tpu.vector_load_idx %arg21[%broadcast_in_dim3A_882, %add3A_856] : memref<16x128xf32, #tpu.memory_space<vmem>>[vector<16xi32>, vector<16xi32>], vector<16xf32>,
    %add3A_884 = arith.addf %add3A_880, %gather3A_883 : vector<16xf32>
    %broadcast_in_dim3A_885 = arith.constant 7 : i32
    %broadcast_in_dim3A_886 = vector.broadcast %broadcast_in_dim3A_885 : i32 to vector<16xi32>
    %gather3A_887 = tpu.vector_load_idx %arg21[%broadcast_in_dim3A_886, %add3A_856] : memref<16x128xf32, #tpu.memory_space<vmem>>[vector<16xi32>, vector<16xi32>], vector<16xf32>,
    %add3A_888 = arith.addf %add3A_884, %gather3A_887 : vector<16xf32>
    %broadcast_in_dim3A_889 = arith.constant 8 : i32
    %broadcast_in_dim3A_890 = vector.broadcast %broadcast_in_dim3A_889 : i32 to vector<16xi32>
    %gather3A_891 = tpu.vector_load_idx %arg21[%broadcast_in_dim3A_890, %add3A_856] : memref<16x128xf32, #tpu.memory_space<vmem>>[vector<16xi32>, vector<16xi32>], vector<16xf32>,
    %add3A_892 = arith.addf %add3A_888, %gather3A_891 : vector<16xf32>
    %broadcast_in_dim3A_893 = arith.constant 9 : i32
    %broadcast_in_dim3A_894 = vector.broadcast %broadcast_in_dim3A_893 : i32 to vector<16xi32>
    %gather3A_895 = tpu.vector_load_idx %arg21[%broadcast_in_dim3A_894, %add3A_856] : memref<16x128xf32, #tpu.memory_space<vmem>>[vector<16xi32>, vector<16xi32>], vector<16xf32>,
    %add3A_896 = arith.addf %add3A_892, %gather3A_895 : vector<16xf32>
    %broadcast_in_dim3A_897 = arith.constant 10 : i32
    %broadcast_in_dim3A_898 = vector.broadcast %broadcast_in_dim3A_897 : i32 to vector<16xi32>
    %gather3A_899 = tpu.vector_load_idx %arg21[%broadcast_in_dim3A_898, %add3A_856] : memref<16x128xf32, #tpu.memory_space<vmem>>[vector<16xi32>, vector<16xi32>], vector<16xf32>,
    %add3A_900 = arith.addf %add3A_896, %gather3A_899 : vector<16xf32>
    %broadcast_in_dim3A_901 = arith.constant 11 : i32
    %broadcast_in_dim3A_902 = vector.broadcast %broadcast_in_dim3A_901 : i32 to vector<16xi32>
    %gather3A_903 = tpu.vector_load_idx %arg21[%broadcast_in_dim3A_902, %add3A_856] : memref<16x128xf32, #tpu.memory_space<vmem>>[vector<16xi32>, vector<16xi32>], vector<16xf32>,
    %add3A_904 = arith.addf %add3A_900, %gather3A_903 : vector<16xf32>
    %broadcast_in_dim3A_905 = arith.constant 12 : i32
    %broadcast_in_dim3A_906 = vector.broadcast %broadcast_in_dim3A_905 : i32 to vector<16xi32>
    %gather3A_907 = tpu.vector_load_idx %arg21[%broadcast_in_dim3A_906, %add3A_856] : memref<16x128xf32, #tpu.memory_space<vmem>>[vector<16xi32>, vector<16xi32>], vector<16xf32>,
    %add3A_908 = arith.addf %add3A_904, %gather3A_907 : vector<16xf32>
    %broadcast_in_dim3A_909 = arith.constant 13 : i32
    %broadcast_in_dim3A_910 = vector.broadcast %broadcast_in_dim3A_909 : i32 to vector<16xi32>
    %gather3A_911 = tpu.vector_load_idx %arg21[%broadcast_in_dim3A_910, %add3A_856] : memref<16x128xf32, #tpu.memory_space<vmem>>[vector<16xi32>, vector<16xi32>], vector<16xf32>,
    %add3A_912 = arith.addf %add3A_908, %gather3A_911 : vector<16xf32>
    %broadcast_in_dim3A_913 = arith.constant 14 : i32
    %broadcast_in_dim3A_914 = vector.broadcast %broadcast_in_dim3A_913 : i32 to vector<16xi32>
    %gather3A_915 = tpu.vector_load_idx %arg21[%broadcast_in_dim3A_914, %add3A_856] : memref<16x128xf32, #tpu.memory_space<vmem>>[vector<16xi32>, vector<16xi32>], vector<16xf32>,
    %add3A_916 = arith.addf %add3A_912, %gather3A_915 : vector<16xf32>
    %broadcast_in_dim3A_917 = arith.constant 15 : i32
    %broadcast_in_dim3A_918 = vector.broadcast %broadcast_in_dim3A_917 : i32 to vector<16xi32>
    %gather3A_919 = tpu.vector_load_idx %arg21[%broadcast_in_dim3A_918, %add3A_856] : memref<16x128xf32, #tpu.memory_space<vmem>>[vector<16xi32>, vector<16xi32>], vector<16xf32>,
    %add3A_920 = arith.addf %add3A_916, %gather3A_919 : vector<16xf32>
    %get3A_921 = arith.constant 96 : index
    %get3A_922 = tpu.vector_load %arg22[%get3A_921] {strides = array<i32>} : memref<128xf32, #tpu.memory_space<vmem>>, vector<16xf32>,
    %bitcast_convert_type3A_923 = tpu.bitcast %get3A_922 : vector<16xf32> -> vector<16xi32>
    %shift_right_logical3A_924 = arith.constant 23 : i32
    %shift_right_logical3A_925 = vector.broadcast %shift_right_logical3A_924 : i32 to vector<16xi32>
    %shift_right_logical3A_926 = arith.shrui %bitcast_convert_type3A_923, %shift_right_logical3A_925 : vector<16xi32>
    %sub3A_927 = arith.constant 127 : i32
    %sub3A_928 = vector.broadcast %sub3A_927 : i32 to vector<16xi32>
    %sub3A_929 = arith.subi %shift_right_logical3A_926, %sub3A_928 : vector<16xi32>
    %and3A_930 = arith.constant 8388607 : i32
    %and3A_931 = vector.broadcast %and3A_930 : i32 to vector<16xi32>
    %and3A_932 = arith.andi %bitcast_convert_type3A_923, %and3A_931 : vector<16xi32>
    %or3A_933 = arith.constant 1065353216 : i32
    %or3A_934 = vector.broadcast %or3A_933 : i32 to vector<16xi32>
    %or3A_935 = arith.ori %and3A_932, %or3A_934 : vector<16xi32>
    %bitcast_convert_type3A_936 = tpu.bitcast %or3A_935 : vector<16xi32> -> vector<16xf32>
    %gt3A_937 = arith.constant 1.41421354 : f32
    %gt3A_938 = vector.broadcast %gt3A_937 : f32 to vector<16xf32>
    %gt3A_939 = arith.cmpf ogt, %bitcast_convert_type3A_936, %gt3A_938 : vector<16xf32>
    %mul3A_940 = arith.constant 5.000000e-01 : f32
    %mul3A_941 = vector.broadcast %mul3A_940 : f32 to vector<16xf32>
    %mul3A_942 = arith.mulf %mul3A_941, %bitcast_convert_type3A_936 : vector<16xf32>
    %select_n3A_943 = arith.select %gt3A_939, %mul3A_942, %bitcast_convert_type3A_936 : vector<16xi1>, vector<16xf32>
    %jit3A_944 = arith.constant 1 : i32
    %jit3A_945 = arith.constant 0 : i32
    %broadcast_in_dim3A_946 = vector.broadcast %jit3A_944 : i32 to vector<16xi32>
    %broadcast_in_dim3A_947 = vector.broadcast %jit3A_945 : i32 to vector<16xi32>
    %select_n3A_948 = arith.select %gt3A_939, %broadcast_in_dim3A_946, %broadcast_in_dim3A_947 : vector<16xi1>, vector<16xi32>
    %add3A_949 = arith.addi %sub3A_929, %select_n3A_948 : vector<16xi32>
    %convert_element_type3A_950 = arith.sitofp %add3A_949 : vector<16xi32> to vector<16xf32>
    %sub3A_951 = arith.constant 1.000000e+00 : f32
    %sub3A_952 = vector.broadcast %sub3A_951 : f32 to vector<16xf32>
    %sub3A_953 = arith.subf %select_n3A_943, %sub3A_952 : vector<16xf32>
    %add3A_954 = arith.constant 1.000000e+00 : f32
    %add3A_955 = vector.broadcast %add3A_954 : f32 to vector<16xf32>
    %add3A_956 = arith.addf %select_n3A_943, %add3A_955 : vector<16xf32>
    %div3A_957 = arith.divf %sub3A_953, %add3A_956 : vector<16xf32>
    %mul3A_958 = arith.mulf %div3A_957, %div3A_957 : vector<16xf32>
    %mul3A_959 = arith.constant 0.142857149 : f32
    %mul3A_960 = vector.broadcast %mul3A_959 : f32 to vector<16xf32>
    %mul3A_961 = arith.mulf %mul3A_960, %mul3A_958 : vector<16xf32>
    %add3A_962 = arith.constant 2.000000e-01 : f32
    %add3A_963 = vector.broadcast %add3A_962 : f32 to vector<16xf32>
    %add3A_964 = arith.addf %mul3A_961, %add3A_963 : vector<16xf32>
    %mul3A_965 = arith.mulf %add3A_964, %mul3A_958 : vector<16xf32>
    %add3A_966 = arith.constant 0.333333343 : f32
    %add3A_967 = vector.broadcast %add3A_966 : f32 to vector<16xf32>
    %add3A_968 = arith.addf %mul3A_965, %add3A_967 : vector<16xf32>
    %mul3A_969 = arith.mulf %add3A_968, %mul3A_958 : vector<16xf32>
    %add3A_970 = arith.constant 1.000000e+00 : f32
    %add3A_971 = vector.broadcast %add3A_970 : f32 to vector<16xf32>
    %add3A_972 = arith.addf %mul3A_969, %add3A_971 : vector<16xf32>
    %mul3A_973 = arith.constant 0.693147182 : f32
    %mul3A_974 = vector.broadcast %mul3A_973 : f32 to vector<16xf32>
    %mul3A_975 = arith.mulf %convert_element_type3A_950, %mul3A_974 : vector<16xf32>
    %mul3A_976 = arith.constant 2.000000e+00 : f32
    %mul3A_977 = vector.broadcast %mul3A_976 : f32 to vector<16xf32>
    %mul3A_978 = arith.mulf %mul3A_977, %div3A_957 : vector<16xf32>
    %mul3A_979 = arith.mulf %mul3A_978, %add3A_972 : vector<16xf32>
    %add3A_980 = arith.addf %mul3A_975, %mul3A_979 : vector<16xf32>
    %sub3A_981 = arith.subf %add3A_920, %add3A_980 : vector<16xf32>
    %get3A_982 = arith.constant 96 : index
    %get3A_983 = tpu.vector_load %arg23[%get3A_982] {strides = array<i32>} : memref<128xf32, #tpu.memory_space<vmem>>, vector<16xf32>,
    %mul3A_984 = arith.mulf %get3A_983, %sub3A_981 : vector<16xf32>
    %mul3A_985 = arith.mulf %mul3A_984, %sub3A_981 : vector<16xf32>
    %add3A_986 = arith.addf %add3A_844, %mul3A_985 : vector<16xf32>
    %mul3A_987 = arith.mulf %get3A_983, %sub3A_981 : vector<16xf32>
    %add3A_988 = arith.addf %add3A_846, %mul3A_987 : vector<16xf32>
    %add3A_989 = arith.addf %add3A_847, %get3A_983 : vector<16xf32>
    %gather3A_990 = tpu.vector_load_idx %arg32[%broadcast_in_dim3A_5, %add3A_856] : memref<1x128xf32, #tpu.memory_space<vmem>>[vector<16xi32>, vector<16xi32>], vector<16xf32>,
    %gather3A_991 = tpu.vector_load_idx %arg33[%broadcast_in_dim3A_5, %add3A_856] : memref<1x128xf32, #tpu.memory_space<vmem>>[vector<16xi32>, vector<16xi32>], vector<16xf32>,
    %add3A_992 = arith.addf %gather3A_990, %gather3A_991 : vector<16xf32>
    %add3A_993 = arith.addf %add3A_851, %add3A_992 : vector<16xf32>
    %mul3A_994 = arith.mulf %add3A_992, %add3A_992 : vector<16xf32>
    %add3A_995 = arith.addf %add3A_853, %mul3A_994 : vector<16xf32>
    %add3A_996 = arith.constant 112 : i32
    %add3A_997 = vector.broadcast %add3A_996 : i32 to vector<16xi32>
    %add3A_998 = arith.addi %add3A_997, %iota3A : vector<16xi32>
    %broadcast_in_dim3A_999 = arith.constant 0 : i32
    %broadcast_in_dim3A_1000 = vector.broadcast %broadcast_in_dim3A_999 : i32 to vector<16xi32>
    %gather3A_1001 = tpu.vector_load_idx %arg21[%broadcast_in_dim3A_1000, %add3A_998] : memref<16x128xf32, #tpu.memory_space<vmem>>[vector<16xi32>, vector<16xi32>], vector<16xf32>,
    %add3A_1002 = arith.addf %broadcast_in_dim3A_3, %gather3A_1001 : vector<16xf32>
    %broadcast_in_dim3A_1003 = arith.constant 1 : i32
    %broadcast_in_dim3A_1004 = vector.broadcast %broadcast_in_dim3A_1003 : i32 to vector<16xi32>
    %gather3A_1005 = tpu.vector_load_idx %arg21[%broadcast_in_dim3A_1004, %add3A_998] : memref<16x128xf32, #tpu.memory_space<vmem>>[vector<16xi32>, vector<16xi32>], vector<16xf32>,
    %add3A_1006 = arith.addf %add3A_1002, %gather3A_1005 : vector<16xf32>
    %broadcast_in_dim3A_1007 = arith.constant 2 : i32
    %broadcast_in_dim3A_1008 = vector.broadcast %broadcast_in_dim3A_1007 : i32 to vector<16xi32>
    %gather3A_1009 = tpu.vector_load_idx %arg21[%broadcast_in_dim3A_1008, %add3A_998] : memref<16x128xf32, #tpu.memory_space<vmem>>[vector<16xi32>, vector<16xi32>], vector<16xf32>,
    %add3A_1010 = arith.addf %add3A_1006, %gather3A_1009 : vector<16xf32>
    %broadcast_in_dim3A_1011 = arith.constant 3 : i32
    %broadcast_in_dim3A_1012 = vector.broadcast %broadcast_in_dim3A_1011 : i32 to vector<16xi32>
    %gather3A_1013 = tpu.vector_load_idx %arg21[%broadcast_in_dim3A_1012, %add3A_998] : memref<16x128xf32, #tpu.memory_space<vmem>>[vector<16xi32>, vector<16xi32>], vector<16xf32>,
    %add3A_1014 = arith.addf %add3A_1010, %gather3A_1013 : vector<16xf32>
    %broadcast_in_dim3A_1015 = arith.constant 4 : i32
    %broadcast_in_dim3A_1016 = vector.broadcast %broadcast_in_dim3A_1015 : i32 to vector<16xi32>
    %gather3A_1017 = tpu.vector_load_idx %arg21[%broadcast_in_dim3A_1016, %add3A_998] : memref<16x128xf32, #tpu.memory_space<vmem>>[vector<16xi32>, vector<16xi32>], vector<16xf32>,
    %add3A_1018 = arith.addf %add3A_1014, %gather3A_1017 : vector<16xf32>
    %broadcast_in_dim3A_1019 = arith.constant 5 : i32
    %broadcast_in_dim3A_1020 = vector.broadcast %broadcast_in_dim3A_1019 : i32 to vector<16xi32>
    %gather3A_1021 = tpu.vector_load_idx %arg21[%broadcast_in_dim3A_1020, %add3A_998] : memref<16x128xf32, #tpu.memory_space<vmem>>[vector<16xi32>, vector<16xi32>], vector<16xf32>,
    %add3A_1022 = arith.addf %add3A_1018, %gather3A_1021 : vector<16xf32>
    %broadcast_in_dim3A_1023 = arith.constant 6 : i32
    %broadcast_in_dim3A_1024 = vector.broadcast %broadcast_in_dim3A_1023 : i32 to vector<16xi32>
    %gather3A_1025 = tpu.vector_load_idx %arg21[%broadcast_in_dim3A_1024, %add3A_998] : memref<16x128xf32, #tpu.memory_space<vmem>>[vector<16xi32>, vector<16xi32>], vector<16xf32>,
    %add3A_1026 = arith.addf %add3A_1022, %gather3A_1025 : vector<16xf32>
    %broadcast_in_dim3A_1027 = arith.constant 7 : i32
    %broadcast_in_dim3A_1028 = vector.broadcast %broadcast_in_dim3A_1027 : i32 to vector<16xi32>
    %gather3A_1029 = tpu.vector_load_idx %arg21[%broadcast_in_dim3A_1028, %add3A_998] : memref<16x128xf32, #tpu.memory_space<vmem>>[vector<16xi32>, vector<16xi32>], vector<16xf32>,
    %add3A_1030 = arith.addf %add3A_1026, %gather3A_1029 : vector<16xf32>
    %broadcast_in_dim3A_1031 = arith.constant 8 : i32
    %broadcast_in_dim3A_1032 = vector.broadcast %broadcast_in_dim3A_1031 : i32 to vector<16xi32>
    %gather3A_1033 = tpu.vector_load_idx %arg21[%broadcast_in_dim3A_1032, %add3A_998] : memref<16x128xf32, #tpu.memory_space<vmem>>[vector<16xi32>, vector<16xi32>], vector<16xf32>,
    %add3A_1034 = arith.addf %add3A_1030, %gather3A_1033 : vector<16xf32>
    %broadcast_in_dim3A_1035 = arith.constant 9 : i32
    %broadcast_in_dim3A_1036 = vector.broadcast %broadcast_in_dim3A_1035 : i32 to vector<16xi32>
    %gather3A_1037 = tpu.vector_load_idx %arg21[%broadcast_in_dim3A_1036, %add3A_998] : memref<16x128xf32, #tpu.memory_space<vmem>>[vector<16xi32>, vector<16xi32>], vector<16xf32>,
    %add3A_1038 = arith.addf %add3A_1034, %gather3A_1037 : vector<16xf32>
    %broadcast_in_dim3A_1039 = arith.constant 10 : i32
    %broadcast_in_dim3A_1040 = vector.broadcast %broadcast_in_dim3A_1039 : i32 to vector<16xi32>
    %gather3A_1041 = tpu.vector_load_idx %arg21[%broadcast_in_dim3A_1040, %add3A_998] : memref<16x128xf32, #tpu.memory_space<vmem>>[vector<16xi32>, vector<16xi32>], vector<16xf32>,
    %add3A_1042 = arith.addf %add3A_1038, %gather3A_1041 : vector<16xf32>
    %broadcast_in_dim3A_1043 = arith.constant 11 : i32
    %broadcast_in_dim3A_1044 = vector.broadcast %broadcast_in_dim3A_1043 : i32 to vector<16xi32>
    %gather3A_1045 = tpu.vector_load_idx %arg21[%broadcast_in_dim3A_1044, %add3A_998] : memref<16x128xf32, #tpu.memory_space<vmem>>[vector<16xi32>, vector<16xi32>], vector<16xf32>,
    %add3A_1046 = arith.addf %add3A_1042, %gather3A_1045 : vector<16xf32>
    %broadcast_in_dim3A_1047 = arith.constant 12 : i32
    %broadcast_in_dim3A_1048 = vector.broadcast %broadcast_in_dim3A_1047 : i32 to vector<16xi32>
    %gather3A_1049 = tpu.vector_load_idx %arg21[%broadcast_in_dim3A_1048, %add3A_998] : memref<16x128xf32, #tpu.memory_space<vmem>>[vector<16xi32>, vector<16xi32>], vector<16xf32>,
    %add3A_1050 = arith.addf %add3A_1046, %gather3A_1049 : vector<16xf32>
    %broadcast_in_dim3A_1051 = arith.constant 13 : i32
    %broadcast_in_dim3A_1052 = vector.broadcast %broadcast_in_dim3A_1051 : i32 to vector<16xi32>
    %gather3A_1053 = tpu.vector_load_idx %arg21[%broadcast_in_dim3A_1052, %add3A_998] : memref<16x128xf32, #tpu.memory_space<vmem>>[vector<16xi32>, vector<16xi32>], vector<16xf32>,
    %add3A_1054 = arith.addf %add3A_1050, %gather3A_1053 : vector<16xf32>
    %broadcast_in_dim3A_1055 = arith.constant 14 : i32
    %broadcast_in_dim3A_1056 = vector.broadcast %broadcast_in_dim3A_1055 : i32 to vector<16xi32>
    %gather3A_1057 = tpu.vector_load_idx %arg21[%broadcast_in_dim3A_1056, %add3A_998] : memref<16x128xf32, #tpu.memory_space<vmem>>[vector<16xi32>, vector<16xi32>], vector<16xf32>,
    %add3A_1058 = arith.addf %add3A_1054, %gather3A_1057 : vector<16xf32>
    %broadcast_in_dim3A_1059 = arith.constant 15 : i32
    %broadcast_in_dim3A_1060 = vector.broadcast %broadcast_in_dim3A_1059 : i32 to vector<16xi32>
    %gather3A_1061 = tpu.vector_load_idx %arg21[%broadcast_in_dim3A_1060, %add3A_998] : memref<16x128xf32, #tpu.memory_space<vmem>>[vector<16xi32>, vector<16xi32>], vector<16xf32>,
    %add3A_1062 = arith.addf %add3A_1058, %gather3A_1061 : vector<16xf32>
    %get3A_1063 = arith.constant 112 : index
    %get3A_1064 = tpu.vector_load %arg22[%get3A_1063] {strides = array<i32>} : memref<128xf32, #tpu.memory_space<vmem>>, vector<16xf32>,
    %bitcast_convert_type3A_1065 = tpu.bitcast %get3A_1064 : vector<16xf32> -> vector<16xi32>
    %shift_right_logical3A_1066 = arith.constant 23 : i32
    %shift_right_logical3A_1067 = vector.broadcast %shift_right_logical3A_1066 : i32 to vector<16xi32>
    %shift_right_logical3A_1068 = arith.shrui %bitcast_convert_type3A_1065, %shift_right_logical3A_1067 : vector<16xi32>
    %sub3A_1069 = arith.constant 127 : i32
    %sub3A_1070 = vector.broadcast %sub3A_1069 : i32 to vector<16xi32>
    %sub3A_1071 = arith.subi %shift_right_logical3A_1068, %sub3A_1070 : vector<16xi32>
    %and3A_1072 = arith.constant 8388607 : i32
    %and3A_1073 = vector.broadcast %and3A_1072 : i32 to vector<16xi32>
    %and3A_1074 = arith.andi %bitcast_convert_type3A_1065, %and3A_1073 : vector<16xi32>
    %or3A_1075 = arith.constant 1065353216 : i32
    %or3A_1076 = vector.broadcast %or3A_1075 : i32 to vector<16xi32>
    %or3A_1077 = arith.ori %and3A_1074, %or3A_1076 : vector<16xi32>
    %bitcast_convert_type3A_1078 = tpu.bitcast %or3A_1077 : vector<16xi32> -> vector<16xf32>
    %gt3A_1079 = arith.constant 1.41421354 : f32
    %gt3A_1080 = vector.broadcast %gt3A_1079 : f32 to vector<16xf32>
    %gt3A_1081 = arith.cmpf ogt, %bitcast_convert_type3A_1078, %gt3A_1080 : vector<16xf32>
    %mul3A_1082 = arith.constant 5.000000e-01 : f32
    %mul3A_1083 = vector.broadcast %mul3A_1082 : f32 to vector<16xf32>
    %mul3A_1084 = arith.mulf %mul3A_1083, %bitcast_convert_type3A_1078 : vector<16xf32>
    %select_n3A_1085 = arith.select %gt3A_1081, %mul3A_1084, %bitcast_convert_type3A_1078 : vector<16xi1>, vector<16xf32>
    %jit3A_1086 = arith.constant 1 : i32
    %jit3A_1087 = arith.constant 0 : i32
    %broadcast_in_dim3A_1088 = vector.broadcast %jit3A_1086 : i32 to vector<16xi32>
    %broadcast_in_dim3A_1089 = vector.broadcast %jit3A_1087 : i32 to vector<16xi32>
    %select_n3A_1090 = arith.select %gt3A_1081, %broadcast_in_dim3A_1088, %broadcast_in_dim3A_1089 : vector<16xi1>, vector<16xi32>
    %add3A_1091 = arith.addi %sub3A_1071, %select_n3A_1090 : vector<16xi32>
    %convert_element_type3A_1092 = arith.sitofp %add3A_1091 : vector<16xi32> to vector<16xf32>
    %sub3A_1093 = arith.constant 1.000000e+00 : f32
    %sub3A_1094 = vector.broadcast %sub3A_1093 : f32 to vector<16xf32>
    %sub3A_1095 = arith.subf %select_n3A_1085, %sub3A_1094 : vector<16xf32>
    %add3A_1096 = arith.constant 1.000000e+00 : f32
    %add3A_1097 = vector.broadcast %add3A_1096 : f32 to vector<16xf32>
    %add3A_1098 = arith.addf %select_n3A_1085, %add3A_1097 : vector<16xf32>
    %div3A_1099 = arith.divf %sub3A_1095, %add3A_1098 : vector<16xf32>
    %mul3A_1100 = arith.mulf %div3A_1099, %div3A_1099 : vector<16xf32>
    %mul3A_1101 = arith.constant 0.142857149 : f32
    %mul3A_1102 = vector.broadcast %mul3A_1101 : f32 to vector<16xf32>
    %mul3A_1103 = arith.mulf %mul3A_1102, %mul3A_1100 : vector<16xf32>
    %add3A_1104 = arith.constant 2.000000e-01 : f32
    %add3A_1105 = vector.broadcast %add3A_1104 : f32 to vector<16xf32>
    %add3A_1106 = arith.addf %mul3A_1103, %add3A_1105 : vector<16xf32>
    %mul3A_1107 = arith.mulf %add3A_1106, %mul3A_1100 : vector<16xf32>
    %add3A_1108 = arith.constant 0.333333343 : f32
    %add3A_1109 = vector.broadcast %add3A_1108 : f32 to vector<16xf32>
    %add3A_1110 = arith.addf %mul3A_1107, %add3A_1109 : vector<16xf32>
    %mul3A_1111 = arith.mulf %add3A_1110, %mul3A_1100 : vector<16xf32>
    %add3A_1112 = arith.constant 1.000000e+00 : f32
    %add3A_1113 = vector.broadcast %add3A_1112 : f32 to vector<16xf32>
    %add3A_1114 = arith.addf %mul3A_1111, %add3A_1113 : vector<16xf32>
    %mul3A_1115 = arith.constant 0.693147182 : f32
    %mul3A_1116 = vector.broadcast %mul3A_1115 : f32 to vector<16xf32>
    %mul3A_1117 = arith.mulf %convert_element_type3A_1092, %mul3A_1116 : vector<16xf32>
    %mul3A_1118 = arith.constant 2.000000e+00 : f32
    %mul3A_1119 = vector.broadcast %mul3A_1118 : f32 to vector<16xf32>
    %mul3A_1120 = arith.mulf %mul3A_1119, %div3A_1099 : vector<16xf32>
    %mul3A_1121 = arith.mulf %mul3A_1120, %add3A_1114 : vector<16xf32>
    %add3A_1122 = arith.addf %mul3A_1117, %mul3A_1121 : vector<16xf32>
    %sub3A_1123 = arith.subf %add3A_1062, %add3A_1122 : vector<16xf32>
    %get3A_1124 = arith.constant 112 : index
    %get3A_1125 = tpu.vector_load %arg23[%get3A_1124] {strides = array<i32>} : memref<128xf32, #tpu.memory_space<vmem>>, vector<16xf32>,
    %mul3A_1126 = arith.mulf %get3A_1125, %sub3A_1123 : vector<16xf32>
    %mul3A_1127 = arith.mulf %mul3A_1126, %sub3A_1123 : vector<16xf32>
    %add3A_1128 = arith.addf %add3A_986, %mul3A_1127 : vector<16xf32>
    %mul3A_1129 = arith.mulf %get3A_1125, %sub3A_1123 : vector<16xf32>
    %add3A_1130 = arith.addf %add3A_988, %mul3A_1129 : vector<16xf32>
    %add3A_1131 = arith.addf %add3A_989, %get3A_1125 : vector<16xf32>
    %gather3A_1132 = tpu.vector_load_idx %arg32[%broadcast_in_dim3A_5, %add3A_998] : memref<1x128xf32, #tpu.memory_space<vmem>>[vector<16xi32>, vector<16xi32>], vector<16xf32>,
    %gather3A_1133 = tpu.vector_load_idx %arg33[%broadcast_in_dim3A_5, %add3A_998] : memref<1x128xf32, #tpu.memory_space<vmem>>[vector<16xi32>, vector<16xi32>], vector<16xf32>,
    %add3A_1134 = arith.addf %gather3A_1132, %gather3A_1133 : vector<16xf32>
    %add3A_1135 = arith.addf %add3A_993, %add3A_1134 : vector<16xf32>
    %mul3A_1136 = arith.mulf %add3A_1134, %add3A_1134 : vector<16xf32>
    %add3A_1137 = arith.addf %add3A_995, %mul3A_1136 : vector<16xf32>
    %swap3A = arith.constant 0 : index
    %swap3A_1138 = tpu.vector_load %arg34[%swap3A] {strides = array<i32>} : memref<80xf32, #tpu.memory_space<vmem>>, vector<16xf32>,
    tpu.vector_store %arg34[%swap3A], %add3A_1128 {strides = array<i32>} : memref<80xf32, #tpu.memory_space<vmem>>, vector<16xf32>,
    %swap3A_1139 = arith.constant 16 : index
    %swap3A_1140 = tpu.vector_load %arg34[%swap3A_1139] {strides = array<i32>} : memref<80xf32, #tpu.memory_space<vmem>>, vector<16xf32>,
    tpu.vector_store %arg34[%swap3A_1139], %add3A_1130 {strides = array<i32>} : memref<80xf32, #tpu.memory_space<vmem>>, vector<16xf32>,
    %swap3A_1141 = arith.constant 32 : index
    %swap3A_1142 = tpu.vector_load %arg34[%swap3A_1141] {strides = array<i32>} : memref<80xf32, #tpu.memory_space<vmem>>, vector<16xf32>,
    tpu.vector_store %arg34[%swap3A_1141], %add3A_1131 {strides = array<i32>} : memref<80xf32, #tpu.memory_space<vmem>>, vector<16xf32>,
    %swap3A_1143 = arith.constant 48 : index
    %swap3A_1144 = tpu.vector_load %arg34[%swap3A_1143] {strides = array<i32>} : memref<80xf32, #tpu.memory_space<vmem>>, vector<16xf32>,
    tpu.vector_store %arg34[%swap3A_1143], %add3A_1135 {strides = array<i32>} : memref<80xf32, #tpu.memory_space<vmem>>, vector<16xf32>,
    %swap3A_1145 = arith.constant 64 : index
    %swap3A_1146 = tpu.vector_load %arg34[%swap3A_1145] {strides = array<i32>} : memref<80xf32, #tpu.memory_space<vmem>>, vector<16xf32>,
    tpu.vector_store %arg34[%swap3A_1145], %add3A_1137 {strides = array<i32>} : memref<80xf32, #tpu.memory_space<vmem>>, vector<16xf32>,
    %mul3A_1147 = arith.constant 5 : i32
    %mul3A_1148 = arith.muli %add3A, %mul3A_1147 : i32
    %mul3A_1149 = arith.constant 16 : i32
    %mul3A_1150 = arith.muli %mul3A_1148, %mul3A_1149 : i32
    "tpu.region"() ({
      %run_scoped3A = tpu.sem_alloc : memref<!tpu.dma_semaphore, #tpu.memory_space<semaphore_mem>>
      %dma_start3A = tpu.memref_slice %arg10[%mul3A_1150] : memref<2560xf32, #tpu.memory_space<hbm>> -> memref<80xf32, #tpu.memory_space<hbm>>
      %dma_start3A_1151 = tpu.memref_slice %arg10[%mul3A_1150] : memref<2560xf32, #tpu.memory_space<hbm>> -> memref<80xf32, #tpu.memory_space<hbm>>
      tpu.enqueue_dma source(%arg34 : memref<80xf32, #tpu.memory_space<vmem>>) target(%dma_start3A_1151 : memref<80xf32, #tpu.memory_space<hbm>>) target_semaphore(%run_scoped3A : memref<!tpu.dma_semaphore, #tpu.memory_space<semaphore_mem>>)
      %dma_wait3A = tpu.memref_slice %arg10[%mul3A_1150] : memref<2560xf32, #tpu.memory_space<hbm>> -> memref<80xf32, #tpu.memory_space<hbm>>
      %dma_wait3A_1152 = tpu.memref_slice %arg10[%mul3A_1150] : memref<2560xf32, #tpu.memory_space<hbm>> -> memref<80xf32, #tpu.memory_space<hbm>>
      tpu.wait_dma2 semaphore(%run_scoped3A : memref<!tpu.dma_semaphore, #tpu.memory_space<semaphore_mem>>) src(%arg34 : memref<80xf32, #tpu.memory_space<vmem>>) dst(%dma_wait3A_1152 : memref<80xf32, #tpu.memory_space<hbm>>)
      tpu.yield
    }) : () -> ()
    return
  }
}

</mosaic_0001>

<sc_bundles>
// kernel: kernel.3.cloned.1.call-start
scs
__scs_entry_jumppad:
0x0: {  	(pc) =	sbr.rel $0x88, $3  }
0x1: {  	(tag) =	ssettag $0x0;
	lr =	simm.s32 $0x1  }
0x2: {  	[smem:$0x3F99] =	sst lr;
	_ =	strace $0xD0000000  }
0x3: {  	_ = 	snop  }
0x4: {  	_ = 	snop  }
0x5: {  	_ = 	snop  }
0x6: {  	_ = 	snop  }
0x7: {  	_ = 	snop  }
__scs_overlays_trampoline_lowered:
0x8: {  	[smem:$0x3FA8] =	sst s0  }
0x9: {  	[smem:$0x3FA9] =	sst s1  }
0xa: {  	[smem:$0x3FAA] =	sst s2  }
0xb: {  	[smem:$0x3FAB] =	sst s3  }
0xc: {  	[smem:$0x3FAC] =	sst s4  }
0xd: {  	[smem:$0x3FAD] =	sst s5  }
0xe: {  	[smem:$0x3FAE] =	sst s6  }
0xf: {  	[smem:$0x3FAF] =	sst s7  }
0x10: {  	[smem:$0x3FB0] =	sst s8  }
0x11: {  	[smem:$0x3FB1] =	sst s9;
	s0 =	simm.s32 @!p0 $0x0  }
0x12: {  	s1 =	sld [smem:$0x3F97];
	s0 =	simm.s32 @p0 $0x1  }
0x13: {  	[smem:$0x3FB2] =	sst s0;
	s0 =	simm.s32 @!p1 $0x0  }
0x14: {  	s2 =	sld [smem:$0x3F96];
	s0 =	simm.s32 @p1 $0x1  }
0x15: {  	[smem:$0x3FB3] =	sst s0;
	s0 =	simm.s32 @!p2 $0x0  }
0x16: {  	s3 =	sld [smem:$0x3FDB];
	s0 =	simm.s32 @p2 $0x1  }
0x17: {  	s4 =	simm.s32 $0x1BF5;
	[smem:$0x3FB5] =	sst s0  }
0x18: {  	s0 =	sld [smem:$0x3F98];
	_ =	swait.ge [sflag:s4], $0x0  }
0x19: {  	s7 =	sld [smem:$0x3F99]  }
0x1a: {  	s8 =	sadd.s32 $0xFFFFE003, lr  }
0x1b: {  	s9 =	sadd.s32 $0xFFFFFEF7, lr;
	s5 =	simm.s32 $0xFFFFFFFF;
	p2 =	slt.u32 s8, $0xFFFFF086  }
0x1c: {  	p1 =	slt.u32 s9, $0xF7A;
	s5 =	simm.s32 @!p2 $0x0  }
0x1d: {  	s5 =	simm.s32 @p1 $0x1;
	p0 =	seq.s32 s7, s2  }
0x1e: {  	s7 =	smul.u32 @!p0 $0xF7A, s2;
	p2 =	seq.s32 @!p0 s5, $0x0  }
0x1f: {  	s9 =	smul.u32 $0xF7A, s1;
	s8 =	simm.s32 @!p0 $0x1BF5;
	p2 =	por !p2, p0  }
0x20: {  	[sflag:s8] =	ssyncset.s32 @!p0 $0xFFFFF086;
	s6 =	sadd.s32 @!p0 s3, s7;
	s7 =	simm.s32 @!p0 $0x108  }
0x21: {  	s3 =	sadd.s32 s3, s9;
	s6 =	sadd.s32 @!p0 $0x88, s6;
	s7 =	simm.s32 @p2 $0x1082  }
0x22: {  	[simem:s7], [sflag:s8] =	dma.local @!p0 [hbm:s6], $0xF7A  }
0x23: {  	s9 =	sor.u32 $0xD0000000, s2;
	s6 =	simm.s32 $0x108;
	_ =	swait.ge @!p0 [sflag:s8], $0x0  }
0x24: {  	s3 =	sadd.s32 $0x88, s3;
	s6 =	simm.s32 @!p1 $0x1082;
	[sflag:s4] =	ssyncset.s32 $0xFFFFF086  }
0x25: {  	[simem:s6], [sflag:s4] =	dma.local [hbm:s3], $0xF7A  }
0x26: {  	[smem:$0x3F99] =	sst s1;
	(tag) =	ssettag s2;
	_ =	strace s9  }
0x27: {  	s1 =	sld [smem:$0x3FA9]  }
0x28: {  	s2 =	sld [smem:$0x3FAA]  }
0x29: {  	s4 =	sld [smem:$0x3FAC]  }
0x2a: {  	p0 =	seq.s32 s5, $0x0;
	s5 =	sld [smem:$0x3FAD]  }
0x2b: {  	s6 =	sld [smem:$0x3FAE]  }
0x2c: {  	s7 =	sld [smem:$0x3FAF]  }
0x2d: {  	s3 =	simm.s32 $0x108;
	s8 =	sld [smem:$0x3FB0]  }
0x2e: {  	s3 =	simm.s32 @!p0 $0x1082;
	s9 =	sld [smem:$0x3FB1]  }
0x2f: {  	lr =	sadd.s32 s0, s3;
	s0 =	sld [smem:$0x3FA8]  }
0x30: {  	s3 =	sld [smem:$0x3FAB]  }
0x31: {  	[smem:$0x3FB4] =	sst s10  }
0x32: {  	s10 =	sld [smem:$0x3FB2];
	_ =	sdelay $0x3  }
0x33: {  	p0 =	seq.s32 s10, $0x1;
	s10 =	sld [smem:$0x3FB4];
	_ =	sdelay $0x3  }
0x34: {  	[smem:$0x3FB4] =	sst s10  }
0x35: {  	s10 =	sld [smem:$0x3FB3];
	_ =	sdelay $0x3  }
0x36: {  	p1 =	seq.s32 s10, $0x1;
	s10 =	sld [smem:$0x3FB4];
	_ =	sdelay $0x3  }
0x37: {  	[smem:$0x3FB4] =	sst s10  }
0x38: {  	s10 =	sld [smem:$0x3FB5]  }
0x39: {  	_ = 	snop;
	(pc) =	sbr.ind lr, $3  }
0x3a: {  	_ = 	snop  }
0x3b: {  	_ = 	snop  }
0x3c: {  	p2 =	seq.s32 s10, $0x1;
	s10 =	sld [smem:$0x3FB4]  }
0x3d: {  	_ =	shalt  }
0x3e: {  	_ =	shalt  }
0x3f: {  	_ =	shalt  }
0x40: {  	_ =	shalt  }
0x41: {  	_ =	shalt  }
0x42: {  	_ =	shalt  }
0x43: {  	_ =	shalt  }
0x44: {  	_ =	shalt  }
0x45: {  	_ =	shalt  }
0x46: {  	_ =	shalt  }
0x47: {  	_ =	shalt  }
0x48: {  	_ =	shalt  }
0x49: {  	_ =	shalt  }
0x4a: {  	_ =	shalt  }
0x4b: {  	_ =	shalt  }
0x4c: {  	_ =	shalt  }
0x4d: {  	_ =	shalt  }
0x4e: {  	_ =	shalt  }
0x4f: {  	_ =	shalt  }
0x50: {  	_ =	shalt  }
0x51: {  	_ =	shalt  }
0x52: {  	_ =	shalt  }
0x53: {  	_ =	shalt  }
0x54: {  	_ =	shalt  }
0x55: {  	_ =	shalt  }
0x56: {  	_ =	shalt  }
0x57: {  	_ =	shalt  }
0x58: {  	_ =	shalt  }
0x59: {  	_ =	shalt  }
0x5a: {  	_ =	shalt  }
0x5b: {  	_ =	shalt  }
0x5c: {  	_ =	shalt  }
0x5d: {  	_ =	shalt  }
0x5e: {  	_ =	shalt  }
0x5f: {  	_ =	shalt  }
0x60: {  	_ =	shalt  }
0x61: {  	_ =	shalt  }
0x62: {  	_ =	shalt  }
0x63: {  	_ =	shalt  }
0x64: {  	_ =	shalt  }
0x65: {  	_ =	shalt  }
0x66: {  	_ =	shalt  }
0x67: {  	_ =	shalt  }
0x68: {  	_ =	shalt  }
0x69: {  	_ =	shalt  }
0x6a: {  	_ =	shalt  }
0x6b: {  	_ =	shalt  }
0x6c: {  	_ =	shalt  }
0x6d: {  	_ =	shalt  }
0x6e: {  	_ =	shalt  }
0x6f: {  	_ =	shalt  }
0x70: {  	_ =	shalt  }
0x71: {  	_ =	shalt  }
0x72: {  	_ =	shalt  }
0x73: {  	_ =	shalt  }
0x74: {  	_ =	shalt  }
0x75: {  	_ =	shalt  }
0x76: {  	_ =	shalt  }
0x77: {  	_ =	shalt  }
0x78: {  	_ =	shalt  }
0x79: {  	_ =	shalt  }
0x7a: {  	_ =	shalt  }
0x7b: {  	_ =	shalt  }
0x7c: {  	_ =	shalt  }
0x7d: {  	_ =	shalt  }
0x7e: {  	_ =	shalt  }
0x7f: {  	_ =	shalt  }
0x80: {  	_ =	shalt  }
0x81: {  	_ =	shalt  }
0x82: {  	_ =	shalt  }
0x83: {  	_ =	shalt  }
0x84: {  	_ =	shalt  }
0x85: {  	_ =	shalt  }
0x86: {  	_ =	shalt  }
0x87: {  	_ =	shalt  }
.Lfunc_end0:
.L_simem_size_0:
called_computation_lowered:
.L_overlay_start_0:
0x88: {  	s2 =	sld [smem:$0x3FD9]  }
0x89: {  	s3 =	sld [smem:$0x3FFE];
	_ =	sdelay $0x1  }
0x8a: {  	s1 =	srdreg.scid  }
0x8b: {  	s0 =	sand.u32 $0x1, s1  }
0x8c: {  	s17 =	sshll.u32 s0, $0xA;
	s2 =	sadd.s32 s3, s2  }
0x8d: {  	s2 =	sadd.s32 s2, s17  }
0x8e: {  	[smem:$0x3FC0] =	sst s2  }
0x8f: {  	_ = 	snop  }
0x90: {  	s2 =	sld [smem:$0x3FC9]  }
0x91: {  	s18 =	sld [smem:$0x3FC8]  }
0x92: {  	s4 =	sld [smem:$0x3FC7]  }
0x93: {  	s5 =	sld [smem:$0x3FC6]  }
0x94: {  	s6 =	sld [smem:$0x3FC5]  }
0x95: {  	s7 =	sld [smem:$0x3FC4]  }
0x96: {  	s8 =	sld [smem:$0x3FC3]  }
0x97: {  	s9 =	sld [smem:$0x3FC2];
	(tm) =	ssettm $0x1  }
0x98: {  	s10 =	sld [smem:$0x3FFB];
	_ =	sdelay $0x3  }
0x99: {  	_ =	strace s10  }
0x9a: {  	s10 =	sld [smem:$0x3FFC];
	_ =	sdelay $0x3  }
0x9b: {  	_ =	strace s10  }
0x9c: {  	s10 =	sld [smem:$0x3FFD];
	_ =	sdelay $0x3  }
0x9d: {  	_ =	strace s10  }
0x9e: {  	_ =	strace $0x8FFFFFFF  }
0x9f: {  	s19 =	sld [smem:$0x3FDB];
	_ =	sdelay $0x1  }
0xa0: {  	s11 =	simm.s32 $_scs_section_size  }
0xa1: {  	s12 =	simm.s32 $_size__tile_overlayer_lowered;
	s13 =	simm.s32 $_tile_overlayer_lowered  }
0xa2: {  	s22 =	simm.s32 $0x1BFF;
	s21 =	sshll.u32 s13, $0x1;
	s10 =	sadd.s32 s11, s19  }
0xa3: {  	s14 =	simm.s32 $0x0;
	s20 =	sshll.u32 s12, $0x1;
	s12 =	sadd.s32 s21, s10  }
0xa4: {  	[timem:s14], [sflag:s22] =	dma.local [hbm:s12], s20  }
0xa5: {  	_ =	swait.ge [sflag:s22], s20  }
0xa6: {  	s11 =	ssub.s32 $0x0, s20;
	[sflag:s22] =	ssyncset.done $0x0  }
0xa7: {  	[sflag:s22] =	ssyncadd.s32 s11;
	_ =	sdelay $0x1  }
0xa8: {  	s23 =	simm.s32 $0x1B8B  }
0xa9: {  	_ =	swait.ge [sflag:s23], $0x1  }
0xaa: {  	[sflag:s23] =	ssyncset.done $0x0  }
0xab: {  	s25 =	simm.s32 $0x1B8E;
	s24 =	sld [smem:$0x3FFE];
	[sflag:s23] =	ssyncadd.s32 $0xFFFFFFFF  }
0xac: {  	s26 =	simm.s32 $execute0_lowered;
	[smem:$0x3FD2] =	sst s25  }
0xad: {  	s12 =	sshll.u32 s26, $0x1;
	_ =	strace $0x80000046;
	[dreg:$0x1] =	wrdreg $0xFFFFFFFF  }
0xae: {  	s28 =	simm.s32 $_size_execute0_lowered;
	s10 =	sadd.s32 s10, s12;
	[dreg:$0x0] =	wrdreg $0x0  }
0xaf: {  	s12 =	sshll.u32 s28, $0x1;
	[dreg:$0x2] =	wrdreg s10  }
0xb0: {  	[dreg:$0x3] =	wrdreg s12  }
0xb1: {  	[dreg:$0x4] =	wrdreg $0xC0  }
0xb2: {  	_ =	task [dreg:s14], $0x5FFFF  }
0xb3: {  	[dreg:$0x1] =	wrdreg $0xFFFFFFFF  }
0xb4: {  	[dreg:$0x0] =	wrdreg $0x60  }
0xb5: {  	[dreg:$0x2] =	wrdreg s2  }
0xb6: {  	[dreg:$0x3] =	wrdreg s18  }
0xb7: {  	[dreg:$0x4] =	wrdreg s4  }
0xb8: {  	[dreg:$0x5] =	wrdreg s5  }
0xb9: {  	[dreg:$0x6] =	wrdreg s6  }
0xba: {  	[dreg:$0x7] =	wrdreg s7  }
0xbb: {  	[dreg:$0x8] =	wrdreg s8  }
0xbc: {  	[dreg:$0x9] =	wrdreg s9  }
0xbd: {  	[dreg:$0xa] =	wrdreg s24  }
0xbe: {  	[dreg:$0xb] =	wrdreg $0x9  }
0xbf: {  	_ =	task.clear_ibuf [dreg:s14], $0xCFFFF;
	_ =	strace $0x90000046  }
0xc0: {  	s29 =	simm.s32 $0x9;
	_ =	strace $0x80000048  }
0xc1: {  	_ =	swait.ge [sflag:s29], $0x1  }
0xc2: {  	[sflag:s29] =	ssyncadd.s32 $0xFFFFFFFF  }
0xc3: {  	_ =	strace $0x90000048  }
0xc4: {  	_ =	sfence  }
0xc5: {  	s30 =	sld [smem:$0x0];
	_ =	sdelay $0x2  }
0xc6: {  	s31 =	sshll.u32 s1, $0xD;
	s1 =	sshrl.u32 s1, $0x2  }
0xc7: {  	s3 =	sand.u32 $0x4000, s31;
	s1 =	sadd.s32 s1, s30  }
0xc8: {  	s0 =	sor.u32 s3, s0;
	s1 =	sshll.u32 s1, $0x11  }
0xc9: {  	s0 =	sor.u32 s1, s0  }
0xca: {  	s0 =	sadd.s32 $0x8F2B, s0  }
0xcb: {  	[sflag:s0] =	ssyncadd.remote.s32 $0x1  }
0xcc: {  	_ =	sfence.sel $0xFFFF  }
0xcd: {  	[dreg:$0x0] =	wrdreg $0xFFFFFFFF;
	(pc) =	sbr.abs _section_cstart, $3  }
0xce: {  	[dreg:$0x1] =	wrdreg $0xFFFFFFFF  }
0xcf: {  	_ =	task.clear_ibuf [dreg:s14], $0x2FFFF;
	_ =	strace $0x9FFFFFFF  }
0xd0: {  	(tm) =	ssettm $0x7FFFFFFF  }
0xd1: {  	_ =	shalt  }
tec
execute0_lowered:
.L_overlay_start_1:
0x0: {  	(tag) =	ssettag $0x1  }
0x1: {  	s0 =	rddreg [dreg:$0x0]  }
0x2: {  	s1 =	rddreg [dreg:$0x1]  }
0x3: {  	s3 =	rddreg [dreg:$0x2]  }
0x4: {  	s5 =	rddreg [dreg:$0x3]  }
0x5: {  	s4 =	rddreg [dreg:$0x4]  }
0x6: {  	s2 =	rddreg [dreg:$0x5]  }
0x7: {  	s25 =	rddreg [dreg:$0x6]  }
0x8: {  	s18 =	rddreg [dreg:$0x7];
	v0 =	vlaneseq.u32;
	s23 =	simm.s32 $0x0  }
0x9: {  	[smem:$0x7FF] =	sst s23;
	v5 =	vor.u32 $0x80, v0  }
0xa: {  	s8 =	rddreg [dreg:$0x8];
	_ =	strace $0x80000047;
	[tilespmem:$0x1FF00] =	vst v5;
	v5 =	vor.u32 $0x100, v0  }
0xb: {  	v20 =	vimm.s32 $0x0;
	[tilespmem:$0x1FF10] =	vst v5;
	v5 =	vor.u32 $0x180, v0  }
0xc: {  	s17 =	simm.s32 $0x7A1400;
	v1 =	vmul.u32 $0x80, v0;
	v21 =	vor.u32 $0x10, v0;
	[tilespmem:$0x1FF20] =	vst v5;
	v5 =	vor.u32 $0x200, v0  }
0xd: {  	s6 =	srdreg.scid;
	s19 =	simm.s32 $0x8100;
	s31 =	simm.s32 $0x10C00;
	v23 =	vor.u32 $0x110, v0;
	v24 =	vor.u32 $0x190, v0;
	[tilespmem:$0x1FF30] =	vst v5;
	v5 =	vor.u32 $0x280, v0  }
0xe: {  	s10 =	stileid.u32;
	s22 =	simm.s32 $0xA100;
	s13 =	simm.s32 $0x10A80;
	v25 =	vor.u32 $0x210, v0;
	v26 =	vor.u32 $0x290, v0;
	[tilespmem:$0x1FF40] =	vst v5;
	v5 =	vor.u32 $0x300, v0  }
0xf: {  	s21 =	simm.s32 $0xC100;
	s12 =	simm.s32 $0x4;
	s7 =	sand.u32 $0x1, s6;
	v27 =	vor.u32 $0x310, v0;
	v28 =	vor.u32 $0x390, v0;
	[tilespmem:$0x1FF50] =	vst v5;
	v5 =	vor.u32 $0x380, v0  }
0x10: {  	s23 =	simm.s32 $0x10A00;
	v29 =	vor.u32 $0x410, v0;
	v30 =	vor.u32 $0x490, v0;
	s9 =	sshll.u32 s7, $0x4;
	s7 =	ssub.s32 $0x2, s7;
	[tilespmem:$0x1FF60] =	vst v5;
	v5 =	vor.u32 $0x400, v0  }
0x11: {  	v31 =	vor.u32 $0x510, v0;
	v32 =	vor.u32 $0x590, v0;
	s6 =	simm.s32 $0x1;
	s9 =	sor.u32 s10, s9;
	s11 =	sshrl.u32 s7, $0x1;
	[tilespmem:$0x1FF70] =	vst v5;
	v5 =	vor.u32 $0x480, v0  }
0x12: {  	v33 =	vor.u32 $0x610, v0;
	v34 =	vor.u32 $0x690, v0;
	s10 =	smul.u32 $0xA, s9;
	s7 =	ssub.s32 s7, s11;
	s9 =	sshll.u32 s9, $0x4;
	[tilespmem:$0x1FF80] =	vst v5;
	v5 =	vor.u32 $0x500, v0  }
0x13: {  	v35 =	vor.u32 $0x710, v0;
	v36 =	vor.u32 $0x790, v0;
	s11 =	simm.s32 $0x3;
	s0 =	sadd.s32 s0, s9;
	s24 =	sadd.s32 s1, s9;
	[tilespmem:$0x1FF90] =	vst v5;
	v5 =	vor.u32 $0x580, v0  }
0x14: {  	v37 =	vor.u32 $0x20, v0;
	v38 =	vor.u32 $0xA0, v0;
	s26 =	sadd.s32 s3, s9;
	s28 =	sadd.s32 s5, s9;
	[dreg:$0xa] =	wrdreg s0;
	[tilespmem:$0x1FFA0] =	vst v5;
	v5 =	vor.u32 $0x600, v0  }
0x15: {  	v39 =	vor.u32 $0x120, v0;
	v40 =	vor.u32 $0x1A0, v0;
	s30 =	smax.u32 s7, $0x1;
	s1 =	simm.s32 $0x5;
	[dreg:$0xb] =	wrdreg s24;
	[tilespmem:$0x1FFB0] =	vst v5;
	v5 =	vor.u32 $0x680, v0  }
0x16: {  	v41 =	vor.u32 $0x220, v0;
	v42 =	vor.u32 $0x2A0, v0;
	s9 =	simm.s32 $0x400;
	s5 =	simm.s32 $0x4100;
	[dreg:$0xc] =	wrdreg s26;
	[tilespmem:$0x1FFC0] =	vst v5;
	v5 =	vor.u32 $0x700, v0  }
0x17: {  	v43 =	vor.u32 $0x320, v0;
	v44 =	vor.u32 $0x3A0, v0;
	s3 =	simm.s32 $0x0;
	s8 =	sadd.s32 s10, s8;
	[dreg:$0xd] =	wrdreg s28;
	[tilespmem:$0x1FFD0] =	vst v5;
	v5 =	vor.u32 $0x780, v0  }
0x18: {  	v45 =	vor.u32 $0x420, v0;
	v46 =	vor.u32 $0x4A0, v0;
	[dreg:$0xf] =	wrdreg s30;
	s26 =	simm.s32 $0x2100;
	s29 =	sadd.s32 $0x200, s8;
	[tilespmem:$0x1FFE0] =	vst v5;
	v5 =	vor.u32 $0x90, v0  }
0x19: {  	v2 =	vor.u32 $0x800, v1;
	v3 =	vor.u32 $0x1000, v1;
	v4 =	vor.u32 $0x1800, v1;
	s10 =	simm.s32 $0x2;
	s8 =	simm.s32 $0x100;
	[dreg:$0xe] =	wrdreg s29;
	[tilespmem:$0x1FFF0] =	vst v5  }
.LBB2_1:
0x1a: {  	[dreg:$0x10] =	wrdreg s3  }
0x1b: {  	s0 =	rddreg [dreg:$0xa];
	s14 =	simm.s32 $0x0  }
0x1c: {  	[tilespmem:s14], [sflag:$0x5] =	stream.linear.gather [hbm4b:s0+s14], $0x80, $0x38;
	[tilespmem:$0x10F80] =	vst v63  }
0x1d: {  	_ =	swait.ge [sflag:s1], $0x80  }
0x1e: {  	[sflag:s1] =	ssyncset.done $0x0  }
0x1f: {  	s15 =	simm.s32 $0x80;
	s20 =	rddreg [dreg:$0xb];
	[sflag:s1] =	ssyncadd.s32 $0xFFFFFF80  }
0x20: {  	[tilespmem:s15], [sflag:$0x5] =	stream.linear.gather [hbm4b:s20+s14], $0x80, $0x38;
	[tilespmem:$0x10F80] =	vst v63  }
0x21: {  	_ =	swait.ge [sflag:s1], $0x80  }
0x22: {  	[sflag:s1] =	ssyncset.done $0x0  }
0x23: {  	s28 =	simm.s32 $0x10900;
	s24 =	rddreg [dreg:$0xc];
	[sflag:s1] =	ssyncadd.s32 $0xFFFFFF80  }
0x24: {  	[tilespmem:s28], [sflag:$0x5] =	stream.linear.gather [hbm4b:s24+s14], $0x80, $0x38;
	[tilespmem:$0x10F80] =	vst v63  }
0x25: {  	_ =	swait.ge [sflag:s1], $0x80  }
0x26: {  	[sflag:s1] =	ssyncset.done $0x0  }
0x27: {  	s30 =	simm.s32 $0x10980;
	s29 =	rddreg [dreg:$0xd];
	[sflag:s1] =	ssyncadd.s32 $0xFFFFFF80  }
0x28: {  	[tilespmem:s30], [sflag:$0x5] =	stream.linear.gather [hbm4b:s29+s14], $0x80, $0x38;
	[tilespmem:$0x10F80] =	vst v63  }
0x29: {  	_ =	swait.ge [sflag:s1], $0x80  }
0x2a: {  	[sflag:s1] =	ssyncset.done $0x0  }
0x2b: {  	s0 =	simm.s32 $0x0;
	s20 =	simm.s32 $0xF;
	[sflag:s1] =	ssyncadd.s32 $0xFFFFFF80  }
.LBB2_2:
0x2c: {  	v48 =	vld [tilespmem:s0+$0x0]  }
0x2d: {  	v47 =	vld [tilespmem:s15+$0x0];
	_ =	sdelay $0x3  }
0x2e: {  	(v2sf) =	vpush v48, $0x0  }
0x2f: {  	(v2sf) =	vpush v47, $0x0;
	_ =	sdelay $0xd  }
0x30: {  	s14 =	spop (v2sf);
	(v2sf) =	vpush v48, $0x1  }
0x31: {  	s24 =	spop (v2sf);
	(v2sf) =	vpush v47, $0x1;
	_ =	sdelay $0x2  }
0x32: {  	s29 =	sand.u32 $0x1FFFFF80, s14  }
0x33: {  	[dreg:$0x12] =	wrdreg s0;
	s0 =	sadd.s32 s4, s29;
	s30 =	sand.u32 $0x1FFFFF80, s24  }
0x34: {  	[tilespmem:s8], [sflag:$0x1] =	stream.strided.gather [hbm4b:s0+s9], $0x2000, s17, s9, $0x38;
	[tilespmem:$0x10F80] =	vst v63  }
0x35: {  	s1 =	sshrl.u32 s14, $0x3;
	s0 =	sadd.s32 s2, s30  }
0x36: {  	[tilespmem:s19], [sflag:$0x1] =	stream.strided.gather [hbm4b:s0+s9], $0x2000, s17, s9, $0x38;
	[tilespmem:$0x10F80] =	vst v63  }
0x37: {  	s0 =	sand.u32 $0x1FFFFFF0, s1  }
0x38: {  	s16 =	simm.s32 $0x0;
	s3 =	sshrl.u32 s24, $0x3;
	s0 =	sadd.s32 s25, s0  }
0x39: {  	[tilespmem:s23], [sflag:$0x1] =	stream.linear.gather [hbm4b:s0+s16], $0x80, $0x38;
	[tilespmem:$0x10F80] =	vst v63  }
0x3a: {  	s0 =	sand.u32 $0x1FFFFFF0, s3  }
0x3b: {  	s0 =	sadd.s32 s18, s0  }
0x3c: {  	[tilespmem:s31], [sflag:$0x1] =	stream.linear.gather [hbm4b:s0+s16], $0x80, $0x38;
	[tilespmem:$0x10F80] =	vst v63  }
0x3d: {  	s0 =	spop (v2sf);
	(v2sf) =	vpush v48, $0x2  }
0x3e: {  	s9 =	smov.u32 s25;
	s25 =	spop (v2sf);
	(v2sf) =	vpush v47, $0x2;
	_ =	sdelay $0x1  }
0x3f: {  	[dreg:$0x11] =	wrdreg s15;
	s15 =	simm.s32 $0x7A1400;
	s1 =	sand.u32 $0x1FFFFF80, s0  }
0x40: {  	s17 =	simm.s32 $0x400;
	s1 =	sadd.s32 s4, s1;
	s7 =	sand.u32 $0x1FFFFF80, s25  }
0x41: {  	[tilespmem:s26], [sflag:$0x2] =	stream.strided.gather [hbm4b:s1+s17], $0x2000, s15, s17, $0x38;
	[tilespmem:$0x10F80] =	vst v63  }
0x42: {  	s8 =	sshrl.u32 s0, $0x3;
	s1 =	sadd.s32 s2, s7  }
0x43: {  	[tilespmem:s22], [sflag:$0x2] =	stream.strided.gather [hbm4b:s1+s17], $0x2000, s15, s17, $0x38;
	[tilespmem:$0x10F80] =	vst v63  }
0x44: {  	s1 =	sand.u32 $0x1FFFFFF0, s8  }
0x45: {  	s1 =	sadd.s32 s9, s1  }
0x46: {  	[tilespmem:s13], [sflag:$0x2] =	stream.linear.gather [hbm4b:s1+s16], $0x80, $0x38;
	[tilespmem:$0x10F80] =	vst v63  }
0x47: {  	s13 =	sshrl.u32 s25, $0x3  }
0x48: {  	s1 =	sand.u32 $0x1FFFFFF0, s13  }
0x49: {  	s3 =	simm.s32 $0x10C80;
	s1 =	sadd.s32 s18, s1  }
0x4a: {  	[tilespmem:s3], [sflag:$0x2] =	stream.linear.gather [hbm4b:s1+s16], $0x80, $0x38;
	[tilespmem:$0x10F80] =	vst v63  }
0x4b: {  	s1 =	spop (v2sf);
	(v2sf) =	vpush v48, $0x3  }
0x4c: {  	s29 =	spop (v2sf);
	(v2sf) =	vpush v47, $0x3;
	_ =	sdelay $0x2  }
0x4d: {  	s19 =	sand.u32 $0x1FFFFF80, s1  }
0x4e: {  	s3 =	sadd.s32 s4, s19;
	s22 =	sand.u32 $0x1FFFFF80, s29  }
0x4f: {  	[tilespmem:s5], [sflag:$0x3] =	stream.strided.gather [hbm4b:s3+s17], $0x2000, s15, s17, $0x38;
	[tilespmem:$0x10F80] =	vst v63  }
0x50: {  	s23 =	sshrl.u32 s1, $0x3;
	s3 =	sadd.s32 s2, s22  }
0x51: {  	[tilespmem:s21], [sflag:$0x3] =	stream.strided.gather [hbm4b:s3+s17], $0x2000, s15, s17, $0x38;
	[tilespmem:$0x10F80] =	vst v63  }
0x52: {  	s3 =	sand.u32 $0x1FFFFFF0, s23  }
0x53: {  	s26 =	simm.s32 $0x10B00;
	s28 =	sshrl.u32 s29, $0x3;
	s3 =	sadd.s32 s9, s3  }
0x54: {  	[tilespmem:s26], [sflag:$0x3] =	stream.linear.gather [hbm4b:s3+s16], $0x80, $0x38;
	[tilespmem:$0x10F80] =	vst v63  }
0x55: {  	s3 =	sand.u32 $0x1FFFFFF0, s28  }
0x56: {  	s30 =	simm.s32 $0x10D00;
	s3 =	sadd.s32 s18, s3  }
0x57: {  	[tilespmem:s30], [sflag:$0x3] =	stream.linear.gather [hbm4b:s3+s16], $0x80, $0x38;
	[tilespmem:$0x10F80] =	vst v63  }
0x58: {  	s30 =	spop (v2sf)  }
0x59: {  	s8 =	smov.u32 s2;
	s7 =	sand.u32 $0x1FFFFF80, s30;
	s3 =	spop (v2sf)  }
0x5a: {  	s2 =	sadd.s32 s4, s7;
	s7 =	simm.s32 $0x6100;
	s13 =	sand.u32 $0x1FFFFF80, s3  }
0x5b: {  	[tilespmem:s7], [sflag:$0x4] =	stream.strided.gather [hbm4b:s2+s17], $0x2000, s15, s17, $0x38;
	[tilespmem:$0x10F80] =	vst v63  }
0x5c: {  	s22 =	simm.s32 $0xE100;
	s23 =	sshrl.u32 s30, $0x3;
	s2 =	sadd.s32 s8, s13  }
0x5d: {  	[tilespmem:s22], [sflag:$0x4] =	stream.strided.gather [hbm4b:s2+s17], $0x2000, s15, s17, $0x38;
	[tilespmem:$0x10F80] =	vst v63  }
0x5e: {  	s2 =	sand.u32 $0x1FFFFFF0, s23  }
0x5f: {  	s26 =	simm.s32 $0x10B80;
	s28 =	sshrl.u32 s3, $0x3;
	s2 =	sadd.s32 s9, s2  }
0x60: {  	[tilespmem:s26], [sflag:$0x4] =	stream.linear.gather [hbm4b:s2+s16], $0x80, $0x38;
	[tilespmem:$0x10F80] =	vst v63  }
0x61: {  	s2 =	sand.u32 $0x1FFFFFF0, s28  }
0x62: {  	s7 =	simm.s32 $0x10D80;
	s2 =	sadd.s32 s18, s2  }
0x63: {  	[tilespmem:s7], [sflag:$0x4] =	stream.linear.gather [hbm4b:s2+s16], $0x80, $0x38;
	[tilespmem:$0x10F80] =	vst v63  }
0x64: {  	_ =	swait.ge [sflag:s6], $0x2000  }
0x65: {  	[sflag:s6] =	ssyncset.done $0x0  }
0x66: {  	[sflag:s6] =	ssyncadd.s32 $0xFFFFE000  }
0x67: {  	_ =	swait.ge [sflag:s6], $0x2000  }
0x68: {  	[sflag:s6] =	ssyncset.done $0x0  }
0x69: {  	[sflag:s6] =	ssyncadd.s32 $0xFFFFE000  }
0x6a: {  	s22 =	sand.u32 $0x7F, s14;
	_ =	swait.ge [sflag:s6], $0x80  }
0x6b: {  	s14 =	sand.u32 $0x7F, s24;
	v49 =	vor.u32 s22, v1;
	[sflag:s6] =	ssyncset.done $0x0  }
0x6c: {  	v50 =	vor.u32 s14, v1;
	[sflag:s6] =	ssyncadd.s32 $0xFFFFFF80  }
0x6d: {  	v51 =	vor.u32 s22, v2;
	_ =	swait.ge [sflag:s6], $0x80  }
0x6e: {  	v52 =	vor.u32 s14, v2;
	[sflag:s6] =	ssyncset.done $0x0  }
0x6f: {  	s19 =	simm.s32 $0x100;
	v53 =	vor.u32 s22, v3;
	[sflag:s6] =	ssyncadd.s32 $0xFFFFFF80  }
0x70: {  	s23 =	simm.s32 $0x8100;
	v54 =	vor.u32 s14, v3;
	v49 =	vld.idx.msk [tilespmem:v49+s19+$0x0], $0xffff  }
0x71: {  	v55 =	vor.u32 s22, v4;
	v50 =	vld.idx.msk [tilespmem:v50+s23+$0x0], $0xffff  }
0x72: {  	s24 =	simm.s32 $0x8100;
	v56 =	vor.u32 s14, v4;
	v51 =	vld.idx.msk [tilespmem:v51+s19+$0x0], $0xffff  }
0x73: {  	v52 =	vld.idx.msk [tilespmem:v52+s24+$0x0], $0xffff  }
0x74: {  	s26 =	simm.s32 $0x8100;
	v53 =	vld.idx.msk [tilespmem:v53+s19+$0x0], $0xffff  }
0x75: {  	v54 =	vld.idx.msk [tilespmem:v54+s26+$0x0], $0xffff  }
0x76: {  	s28 =	simm.s32 $0x8100;
	v58 =	vld.idx.msk [tilespmem:v55+s19+$0x0], $0xffff;
	v49 =	vmul.f32 v50, v49  }
0x77: {  	v59 =	vld.idx.msk [tilespmem:v56+s28+$0x0], $0xffff  }
0x78: {  	v51 =	vmul.f32 v52, v51;
	v49 =	vadd.f32 $0.0e+00, v49;
	_ =	sdelay $0x1  }
0x79: {  	s13 =	sadd.s32 $0xFFFFFFF1, s20;
	v60 =	vmul.f32 v54, v53;
	v49 =	vadd.f32 v51, v49  }
0x7a: {  	v61 =	vor.u32 s13, v1;
	(v2sf) =	vpush v48, $0x4  }
0x7b: {  	v62 =	vmov s22;
	v50 =	vmul.f32 v59, v58;
	v49 =	vadd.f32 v60, v49  }
0x7c: {  	(v2sf) =	vpush v47, $0x4  }
0x7d: {  	v49 =	vadd.f32 v50, v49  }
0x7e: {  	s22 =	simm.s32 $0x10100  }
0x7f: {  	s23 =	simm.s32 $0x10A00;
	[tilespmem:v61+s22+$0x0] =	vst.idx.msk $0xffff, v49  }
0x80: {  	v63 =	vmov s13;
	v8 =	vld.idx.msk [tilespmem:v62+s23+$0x0], $0xffff  }
0x81: {  	v9 =	vmov s14;
	_ =	sdelay $0x2  }
0x82: {  	s24 =	simm.s32 $0x10E00  }
0x83: {  	s26 =	simm.s32 $0x10C00;
	[tilespmem:v63+s24+$0x0] =	vst.idx.msk $0x1, v8  }
0x84: {  	v50 =	vld.idx.msk [tilespmem:v9+s26+$0x0], $0xffff;
	_ =	sdelay $0x2  }
0x85: {  	s24 =	spop (v2sf)  }
0x86: {  	s14 =	simm.s32 $0x10E80;
	s28 =	sand.u32 $0x1FFFFF80, s24  }
0x87: {  	s2 =	sadd.s32 s4, s28;
	[tilespmem:v63+s14+$0x0] =	vst.idx.msk $0x1, v50;
	s14 =	spop (v2sf)  }
0x88: {  	[tilespmem:s19], [sflag:$0x1] =	stream.strided.gather [hbm4b:s2+s17], $0x2000, s15, s17, $0x38;
	[tilespmem:$0x10F80] =	vst v63  }
0x89: {  	s22 =	sand.u32 $0x1FFFFF80, s14  }
0x8a: {  	s23 =	simm.s32 $0x8100;
	s26 =	sshrl.u32 s24, $0x3;
	s2 =	sadd.s32 s8, s22  }
0x8b: {  	[tilespmem:s23], [sflag:$0x1] =	stream.strided.gather [hbm4b:s2+s17], $0x2000, s15, s17, $0x38;
	[tilespmem:$0x10F80] =	vst v63  }
0x8c: {  	s2 =	sand.u32 $0x1FFFFFF0, s26  }
0x8d: {  	s28 =	simm.s32 $0x10A00;
	s13 =	sshrl.u32 s14, $0x3;
	s2 =	sadd.s32 s9, s2  }
0x8e: {  	[tilespmem:s28], [sflag:$0x1] =	stream.linear.gather [hbm4b:s2+s16], $0x80, $0x38;
	[tilespmem:$0x10F80] =	vst v63  }
0x8f: {  	s2 =	sand.u32 $0x1FFFFFF0, s13  }
0x90: {  	s22 =	simm.s32 $0x10C00;
	s2 =	sadd.s32 s18, s2  }
0x91: {  	[tilespmem:s22], [sflag:$0x1] =	stream.linear.gather [hbm4b:s2+s16], $0x80, $0x38;
	[tilespmem:$0x10F80] =	vst v63  }
0x92: {  	_ =	swait.ge [sflag:s10], $0x2000  }
0x93: {  	[sflag:s10] =	ssyncset.done $0x0  }
0x94: {  	[sflag:s10] =	ssyncadd.s32 $0xFFFFE000  }
0x95: {  	_ =	swait.ge [sflag:s10], $0x2000  }
0x96: {  	[sflag:s10] =	ssyncset.done $0x0  }
0x97: {  	[sflag:s10] =	ssyncadd.s32 $0xFFFFE000  }
0x98: {  	s0 =	sand.u32 $0x7F, s0;
	_ =	swait.ge [sflag:s10], $0x80  }
0x99: {  	v10 =	vor.u32 s0, v1;
	s23 =	sand.u32 $0x7F, s25;
	[sflag:s10] =	ssyncset.done $0x0  }
0x9a: {  	v11 =	vor.u32 s23, v1;
	[sflag:s10] =	ssyncadd.s32 $0xFFFFFF80  }
0x9b: {  	v12 =	vor.u32 s0, v2;
	_ =	swait.ge [sflag:s10], $0x80  }
0x9c: {  	v13 =	vor.u32 s23, v2;
	[sflag:s10] =	ssyncset.done $0x0  }
0x9d: {  	v14 =	vor.u32 s0, v3;
	s28 =	simm.s32 $0x2100;
	[sflag:s10] =	ssyncadd.s32 $0xFFFFFF80  }
0x9e: {  	s31 =	simm.s32 $0xA100;
	v15 =	vor.u32 s23, v3;
	v49 =	vld.idx.msk [tilespmem:v10+s28+$0x0], $0xffff  }
0x9f: {  	v16 =	vor.u32 s0, v4;
	v50 =	vld.idx.msk [tilespmem:v11+s31+$0x0], $0xffff  }
0xa0: {  	v17 =	vor.u32 s23, v4;
	v51 =	vld.idx.msk [tilespmem:v12+s28+$0x0], $0xffff  }
0xa1: {  	v52 =	vld.idx.msk [tilespmem:v13+s31+$0x0], $0xffff  }
0xa2: {  	v53 =	vld.idx.msk [tilespmem:v14+s28+$0x0], $0xffff  }
0xa3: {  	v54 =	vld.idx.msk [tilespmem:v15+s31+$0x0], $0xffff  }
0xa4: {  	v58 =	vld.idx.msk [tilespmem:v16+s28+$0x0], $0xffff;
	v49 =	vmul.f32 v50, v49  }
0xa5: {  	v59 =	vld.idx.msk [tilespmem:v17+s31+$0x0], $0xffff  }
0xa6: {  	v51 =	vmul.f32 v52, v51;
	v49 =	vadd.f32 $0.0e+00, v49;
	_ =	sdelay $0x1  }
0xa7: {  	s26 =	sadd.s32 $0xFFFFFFF2, s20;
	v60 =	vmul.f32 v54, v53;
	v49 =	vadd.f32 v51, v49  }
0xa8: {  	v62 =	vmov s0;
	v61 =	vor.u32 s26, v1;
	(v2sf) =	vpush v48, $0x5  }
0xa9: {  	(v2sf) =	vpush v47, $0x5;
	v50 =	vmul.f32 v59, v58;
	v49 =	vadd.f32 v60, v49;
	_ =	sdelay $0x1  }
0xaa: {  	v49 =	vadd.f32 v50, v49  }
0xab: {  	s13 =	simm.s32 $0x10100  }
0xac: {  	v63 =	vmov s26;
	s26 =	simm.s32 $0x10A80;
	[tilespmem:v61+s13+$0x0] =	vst.idx.msk $0xffff, v49  }
0xad: {  	v8 =	vld.idx.msk [tilespmem:v62+s26+$0x0], $0xffff  }
0xae: {  	v9 =	vmov s23;
	_ =	sdelay $0x2  }
0xaf: {  	s31 =	simm.s32 $0x10E00  }
0xb0: {  	s2 =	simm.s32 $0x10C80;
	[tilespmem:v63+s31+$0x0] =	vst.idx.msk $0x1, v8  }
0xb1: {  	v50 =	vld.idx.msk [tilespmem:v9+s2+$0x0], $0xffff;
	_ =	sdelay $0x2  }
0xb2: {  	s25 =	spop (v2sf)  }
0xb3: {  	s7 =	simm.s32 $0x10E80;
	s22 =	sand.u32 $0x1FFFFF80, s25;
	s0 =	spop (v2sf)  }
0xb4: {  	s23 =	sand.u32 $0x1FFFFF80, s0;
	s2 =	sadd.s32 s4, s22;
	[tilespmem:v63+s7+$0x0] =	vst.idx.msk $0x1, v50  }
0xb5: {  	[tilespmem:s28], [sflag:$0x2] =	stream.strided.gather [hbm4b:s2+s17], $0x2000, s15, s17, $0x38;
	[tilespmem:$0x10F80] =	vst v63  }
0xb6: {  	s22 =	simm.s32 $0xA100;
	s2 =	sadd.s32 s8, s23;
	s28 =	sshrl.u32 s25, $0x3  }
0xb7: {  	[tilespmem:s22], [sflag:$0x2] =	stream.strided.gather [hbm4b:s2+s17], $0x2000, s15, s17, $0x38;
	[tilespmem:$0x10F80] =	vst v63  }
0xb8: {  	s2 =	sand.u32 $0x1FFFFFF0, s28  }
0xb9: {  	s7 =	sshrl.u32 s0, $0x3;
	s2 =	sadd.s32 s9, s2  }
0xba: {  	[tilespmem:s26], [sflag:$0x2] =	stream.linear.gather [hbm4b:s2+s16], $0x80, $0x38;
	[tilespmem:$0x10F80] =	vst v63  }
0xbb: {  	s2 =	sand.u32 $0x1FFFFFF0, s7  }
0xbc: {  	s23 =	simm.s32 $0x10C80;
	s2 =	sadd.s32 s18, s2  }
0xbd: {  	[tilespmem:s23], [sflag:$0x2] =	stream.linear.gather [hbm4b:s2+s16], $0x80, $0x38;
	[tilespmem:$0x10F80] =	vst v63  }
0xbe: {  	_ =	swait.ge [sflag:s11], $0x2000  }
0xbf: {  	[sflag:s11] =	ssyncset.done $0x0  }
0xc0: {  	[sflag:s11] =	ssyncadd.s32 $0xFFFFE000  }
0xc1: {  	_ =	swait.ge [sflag:s11], $0x2000  }
0xc2: {  	[sflag:s11] =	ssyncset.done $0x0  }
0xc3: {  	[sflag:s11] =	ssyncadd.s32 $0xFFFFE000  }
0xc4: {  	s1 =	sand.u32 $0x7F, s1;
	_ =	swait.ge [sflag:s11], $0x80  }
0xc5: {  	v10 =	vor.u32 s1, v1;
	s26 =	sand.u32 $0x7F, s29;
	[sflag:s11] =	ssyncset.done $0x0  }
0xc6: {  	v11 =	vor.u32 s26, v1;
	[sflag:s11] =	ssyncadd.s32 $0xFFFFFF80  }
0xc7: {  	v12 =	vor.u32 s1, v2;
	_ =	swait.ge [sflag:s11], $0x80  }
0xc8: {  	v13 =	vor.u32 s26, v2;
	[sflag:s11] =	ssyncset.done $0x0  }
0xc9: {  	v14 =	vor.u32 s1, v3;
	[sflag:s11] =	ssyncadd.s32 $0xFFFFFF80  }
0xca: {  	v15 =	vor.u32 s26, v3;
	v49 =	vld.idx.msk [tilespmem:v10+s5+$0x0], $0xffff  }
0xcb: {  	v16 =	vor.u32 s1, v4;
	v50 =	vld.idx.msk [tilespmem:v11+s21+$0x0], $0xffff  }
0xcc: {  	v17 =	vor.u32 s26, v4;
	v51 =	vld.idx.msk [tilespmem:v12+s5+$0x0], $0xffff  }
0xcd: {  	v52 =	vld.idx.msk [tilespmem:v13+s21+$0x0], $0xffff  }
0xce: {  	v53 =	vld.idx.msk [tilespmem:v14+s5+$0x0], $0xffff  }
0xcf: {  	v54 =	vld.idx.msk [tilespmem:v15+s21+$0x0], $0xffff  }
0xd0: {  	v58 =	vld.idx.msk [tilespmem:v16+s5+$0x0], $0xffff;
	v49 =	vmul.f32 v50, v49  }
0xd1: {  	v59 =	vld.idx.msk [tilespmem:v17+s21+$0x0], $0xffff  }
0xd2: {  	v51 =	vmul.f32 v52, v51;
	v49 =	vadd.f32 $0.0e+00, v49;
	_ =	sdelay $0x1  }
0xd3: {  	s28 =	sadd.s32 $0xFFFFFFF3, s20;
	v60 =	vmul.f32 v54, v53;
	v49 =	vadd.f32 v51, v49  }
0xd4: {  	v61 =	vor.u32 s28, v1;
	(v2sf) =	vpush v48, $0x6  }
0xd5: {  	v62 =	vmov s1;
	v50 =	vmul.f32 v59, v58;
	v49 =	vadd.f32 v60, v49  }
0xd6: {  	(v2sf) =	vpush v47, $0x6  }
0xd7: {  	v49 =	vadd.f32 v50, v49;
	_ =	sdelay $0x1  }
0xd8: {  	[tilespmem:v61+s13+$0x0] =	vst.idx.msk $0xffff, v49;
	s13 =	simm.s32 $0x10B00  }
0xd9: {  	v63 =	vmov s28;
	v8 =	vld.idx.msk [tilespmem:v62+s13+$0x0], $0xffff  }
0xda: {  	v9 =	vmov s26;
	_ =	sdelay $0x3  }
0xdb: {  	s23 =	simm.s32 $0x10D00;
	[tilespmem:v63+s31+$0x0] =	vst.idx.msk $0x1, v8  }
0xdc: {  	v50 =	vld.idx.msk [tilespmem:v9+s23+$0x0], $0xffff;
	_ =	sdelay $0x2  }
0xdd: {  	s29 =	spop (v2sf)  }
0xde: {  	s28 =	sand.u32 $0x1FFFFF80, s29;
	s13 =	simm.s32 $0x10E80  }
0xdf: {  	s1 =	spop (v2sf);
	s2 =	sadd.s32 s4, s28;
	[tilespmem:v63+s13+$0x0] =	vst.idx.msk $0x1, v50  }
0xe0: {  	[tilespmem:s5], [sflag:$0x3] =	stream.strided.gather [hbm4b:s2+s17], $0x2000, s15, s17, $0x38;
	[tilespmem:$0x10F80] =	vst v63  }
0xe1: {  	s5 =	sand.u32 $0x1FFFFF80, s1  }
0xe2: {  	s23 =	sshrl.u32 s29, $0x3;
	s2 =	sadd.s32 s8, s5  }
0xe3: {  	[tilespmem:s21], [sflag:$0x3] =	stream.strided.gather [hbm4b:s2+s17], $0x2000, s15, s17, $0x38;
	[tilespmem:$0x10F80] =	vst v63  }
0xe4: {  	s2 =	sand.u32 $0x1FFFFFF0, s23  }
0xe5: {  	s28 =	simm.s32 $0x10B00;
	s21 =	sshrl.u32 s1, $0x3;
	s2 =	sadd.s32 s9, s2  }
0xe6: {  	[tilespmem:s28], [sflag:$0x3] =	stream.linear.gather [hbm4b:s2+s16], $0x80, $0x38;
	[tilespmem:$0x10F80] =	vst v63  }
0xe7: {  	s2 =	sand.u32 $0x1FFFFFF0, s21  }
0xe8: {  	s23 =	simm.s32 $0x10D00;
	s2 =	sadd.s32 s18, s2  }
0xe9: {  	[tilespmem:s23], [sflag:$0x3] =	stream.linear.gather [hbm4b:s2+s16], $0x80, $0x38;
	[tilespmem:$0x10F80] =	vst v63  }
0xea: {  	_ =	swait.ge [sflag:s12], $0x2000  }
0xeb: {  	[sflag:s12] =	ssyncset.done $0x0  }
0xec: {  	[sflag:s12] =	ssyncadd.s32 $0xFFFFE000  }
0xed: {  	_ =	swait.ge [sflag:s12], $0x2000  }
0xee: {  	[sflag:s12] =	ssyncset.done $0x0  }
0xef: {  	[sflag:s12] =	ssyncadd.s32 $0xFFFFE000  }
0xf0: {  	s2 =	sand.u32 $0x7F, s30;
	_ =	swait.ge [sflag:s12], $0x80  }
0xf1: {  	s3 =	sand.u32 $0x7F, s3;
	v10 =	vor.u32 s2, v1;
	[sflag:s12] =	ssyncset.done $0x0  }
0xf2: {  	v11 =	vor.u32 s3, v1;
	[sflag:s12] =	ssyncadd.s32 $0xFFFFFF80  }
0xf3: {  	v12 =	vor.u32 s2, v2;
	_ =	swait.ge [sflag:s12], $0x80  }
0xf4: {  	v13 =	vor.u32 s3, v2;
	[sflag:s12] =	ssyncset.done $0x0  }
0xf5: {  	s28 =	simm.s32 $0x6100;
	v14 =	vor.u32 s2, v3;
	[sflag:s12] =	ssyncadd.s32 $0xFFFFFF80  }
0xf6: {  	v15 =	vor.u32 s3, v3;
	s30 =	simm.s32 $0xE100;
	v49 =	vld.idx.msk [tilespmem:v10+s28+$0x0], $0xffff  }
0xf7: {  	s21 =	simm.s32 $0x6100;
	v16 =	vor.u32 s2, v4;
	v50 =	vld.idx.msk [tilespmem:v11+s30+$0x0], $0xffff  }
0xf8: {  	v17 =	vor.u32 s3, v4;
	s23 =	simm.s32 $0xE100;
	v51 =	vld.idx.msk [tilespmem:v12+s21+$0x0], $0xffff  }
0xf9: {  	v52 =	vld.idx.msk [tilespmem:v13+s23+$0x0], $0xffff;
	s28 =	simm.s32 $0x6100  }
0xfa: {  	s30 =	simm.s32 $0xE100;
	v53 =	vld.idx.msk [tilespmem:v14+s28+$0x0], $0xffff  }
0xfb: {  	s21 =	simm.s32 $0x6100;
	v54 =	vld.idx.msk [tilespmem:v15+s30+$0x0], $0xffff  }
0xfc: {  	s23 =	simm.s32 $0xE100;
	v58 =	vld.idx.msk [tilespmem:v16+s21+$0x0], $0xffff;
	v49 =	vmul.f32 v50, v49  }
0xfd: {  	v59 =	vld.idx.msk [tilespmem:v17+s23+$0x0], $0xffff  }
0xfe: {  	v51 =	vmul.f32 v52, v51;
	v49 =	vadd.f32 $0.0e+00, v49;
	_ =	sdelay $0x1  }
0xff: {  	s28 =	sadd.s32 $0xFFFFFFF4, s20;
	v60 =	vmul.f32 v54, v53;
	v49 =	vadd.f32 v51, v49  }
0x100: {  	v62 =	vmov s2;
	(v2sf) =	vpush v48, $0x7;
	v61 =	vor.u32 s28, v1  }
0x101: {  	(v2sf) =	vpush v47, $0x7;
	v50 =	vmul.f32 v59, v58;
	v49 =	vadd.f32 v60, v49;
	_ =	sdelay $0x1  }
0x102: {  	v49 =	vadd.f32 v50, v49  }
0x103: {  	s7 =	simm.s32 $0x10100  }
0x104: {  	s30 =	simm.s32 $0x10B80;
	[tilespmem:v61+s7+$0x0] =	vst.idx.msk $0xffff, v49  }
0x105: {  	v63 =	vmov s28;
	v8 =	vld.idx.msk [tilespmem:v62+s30+$0x0], $0xffff  }
0x106: {  	v9 =	vmov s3;
	_ =	sdelay $0x2  }
0x107: {  	s26 =	simm.s32 $0x10E00  }
0x108: {  	s5 =	simm.s32 $0x10D80;
	[tilespmem:v63+s26+$0x0] =	vst.idx.msk $0x1, v8  }
0x109: {  	v50 =	vld.idx.msk [tilespmem:v9+s5+$0x0], $0xffff;
	_ =	sdelay $0x2  }
0x10a: {  	s30 =	spop (v2sf)  }
0x10b: {  	s23 =	sand.u32 $0x1FFFFF80, s30;
	s3 =	spop (v2sf)  }
0x10c: {  	s28 =	simm.s32 $0x6100;
	s2 =	sadd.s32 s4, s23;
	s5 =	sand.u32 $0x1FFFFF80, s3;
	[tilespmem:v63+s13+$0x0] =	vst.idx.msk $0x1, v50  }
0x10d: {  	[tilespmem:s28], [sflag:$0x4] =	stream.strided.gather [hbm4b:s2+s17], $0x2000, s15, s17, $0x38;
	[tilespmem:$0x10F80] =	vst v63  }
0x10e: {  	s23 =	sshrl.u32 s30, $0x3;
	s13 =	simm.s32 $0xE100;
	s2 =	sadd.s32 s8, s5  }
0x10f: {  	[tilespmem:s13], [sflag:$0x4] =	stream.strided.gather [hbm4b:s2+s17], $0x2000, s15, s17, $0x38;
	[tilespmem:$0x10F80] =	vst v63  }
0x110: {  	s2 =	sand.u32 $0x1FFFFFF0, s23  }
0x111: {  	s28 =	simm.s32 $0x10B80;
	s5 =	sshrl.u32 s3, $0x3;
	s2 =	sadd.s32 s9, s2  }
0x112: {  	[tilespmem:s28], [sflag:$0x4] =	stream.linear.gather [hbm4b:s2+s16], $0x80, $0x38;
	[tilespmem:$0x10F80] =	vst v63  }
0x113: {  	s2 =	sand.u32 $0x1FFFFFF0, s5  }
0x114: {  	s13 =	simm.s32 $0x10D80;
	s2 =	sadd.s32 s18, s2  }
0x115: {  	[tilespmem:s13], [sflag:$0x4] =	stream.linear.gather [hbm4b:s2+s16], $0x80, $0x38;
	[tilespmem:$0x10F80] =	vst v63  }
0x116: {  	_ =	swait.ge [sflag:s6], $0x2000  }
0x117: {  	[sflag:s6] =	ssyncset.done $0x0  }
0x118: {  	[sflag:s6] =	ssyncadd.s32 $0xFFFFE000  }
0x119: {  	_ =	swait.ge [sflag:s6], $0x2000  }
0x11a: {  	[sflag:s6] =	ssyncset.done $0x0  }
0x11b: {  	[sflag:s6] =	ssyncadd.s32 $0xFFFFE000  }
0x11c: {  	s2 =	sand.u32 $0x7F, s24;
	_ =	swait.ge [sflag:s6], $0x80  }
0x11d: {  	s14 =	sand.u32 $0x7F, s14;
	v10 =	vor.u32 s2, v1;
	[sflag:s6] =	ssyncset.done $0x0  }
0x11e: {  	v11 =	vor.u32 s14, v1;
	[sflag:s6] =	ssyncadd.s32 $0xFFFFFF80  }
0x11f: {  	v12 =	vor.u32 s2, v2;
	_ =	swait.ge [sflag:s6], $0x80  }
0x120: {  	v13 =	vor.u32 s14, v2;
	[sflag:s6] =	ssyncset.done $0x0  }
0x121: {  	v14 =	vor.u32 s2, v3;
	[sflag:s6] =	ssyncadd.s32 $0xFFFFFF80  }
0x122: {  	v15 =	vor.u32 s14, v3;
	s23 =	simm.s32 $0x8100;
	v49 =	vld.idx.msk [tilespmem:v10+s19+$0x0], $0xffff  }
0x123: {  	v16 =	vor.u32 s2, v4;
	v50 =	vld.idx.msk [tilespmem:v11+s23+$0x0], $0xffff  }
0x124: {  	v17 =	vor.u32 s14, v4;
	s24 =	simm.s32 $0x8100;
	v51 =	vld.idx.msk [tilespmem:v12+s19+$0x0], $0xffff  }
0x125: {  	v52 =	vld.idx.msk [tilespmem:v13+s24+$0x0], $0xffff  }
0x126: {  	s28 =	simm.s32 $0x8100;
	v53 =	vld.idx.msk [tilespmem:v14+s19+$0x0], $0xffff  }
0x127: {  	v54 =	vld.idx.msk [tilespmem:v15+s28+$0x0], $0xffff  }
0x128: {  	s13 =	simm.s32 $0x8100;
	v58 =	vld.idx.msk [tilespmem:v16+s19+$0x0], $0xffff;
	v49 =	vmul.f32 v50, v49  }
0x129: {  	v59 =	vld.idx.msk [tilespmem:v17+s13+$0x0], $0xffff  }
0x12a: {  	v51 =	vmul.f32 v52, v51;
	v49 =	vadd.f32 $0.0e+00, v49;
	_ =	sdelay $0x1  }
0x12b: {  	s23 =	sadd.s32 $0xFFFFFFF5, s20;
	v60 =	vmul.f32 v54, v53;
	v49 =	vadd.f32 v51, v49  }
0x12c: {  	v62 =	vmov s2;
	(v2sf) =	vpush v48, $0x8;
	v61 =	vor.u32 s23, v1  }
0x12d: {  	(v2sf) =	vpush v47, $0x8;
	v50 =	vmul.f32 v59, v58;
	v49 =	vadd.f32 v60, v49;
	_ =	sdelay $0x1  }
0x12e: {  	v49 =	vadd.f32 v50, v49  }
0x12f: {  	s7 =	simm.s32 $0x10100  }
0x130: {  	s24 =	simm.s32 $0x10A00;
	[tilespmem:v61+s7+$0x0] =	vst.idx.msk $0xffff, v49  }
0x131: {  	v63 =	vmov s23;
	v8 =	vld.idx.msk [tilespmem:v62+s24+$0x0], $0xffff  }
0x132: {  	v9 =	vmov s14;
	_ =	sdelay $0x2  }
0x133: {  	s21 =	simm.s32 $0x10E00  }
0x134: {  	s28 =	simm.s32 $0x10C00;
	[tilespmem:v63+s21+$0x0] =	vst.idx.msk $0x1, v8  }
0x135: {  	v50 =	vld.idx.msk [tilespmem:v9+s28+$0x0], $0xffff;
	_ =	sdelay $0x2  }
0x136: {  	s24 =	spop (v2sf)  }
0x137: {  	s26 =	simm.s32 $0x10E80;
	s5 =	sand.u32 $0x1FFFFF80, s24;
	s14 =	spop (v2sf)  }
0x138: {  	s2 =	sadd.s32 s4, s5;
	s21 =	sand.u32 $0x1FFFFF80, s14;
	[tilespmem:v63+s26+$0x0] =	vst.idx.msk $0x1, v50  }
0x139: {  	[tilespmem:s19], [sflag:$0x1] =	stream.strided.gather [hbm4b:s2+s17], $0x2000, s15, s17, $0x38;
	[tilespmem:$0x10F80] =	vst v63  }
0x13a: {  	s23 =	simm.s32 $0x8100;
	s26 =	sshrl.u32 s24, $0x3;
	s2 =	sadd.s32 s8, s21  }
0x13b: {  	[tilespmem:s23], [sflag:$0x1] =	stream.strided.gather [hbm4b:s2+s17], $0x2000, s15, s17, $0x38;
	[tilespmem:$0x10F80] =	vst v63  }
0x13c: {  	s2 =	sand.u32 $0x1FFFFFF0, s26  }
0x13d: {  	s28 =	simm.s32 $0x10A00;
	s21 =	sshrl.u32 s14, $0x3;
	s2 =	sadd.s32 s9, s2  }
0x13e: {  	[tilespmem:s28], [sflag:$0x1] =	stream.linear.gather [hbm4b:s2+s16], $0x80, $0x38;
	[tilespmem:$0x10F80] =	vst v63  }
0x13f: {  	s2 =	sand.u32 $0x1FFFFFF0, s21  }
0x140: {  	s23 =	simm.s32 $0x10C00;
	s2 =	sadd.s32 s18, s2  }
0x141: {  	[tilespmem:s23], [sflag:$0x1] =	stream.linear.gather [hbm4b:s2+s16], $0x80, $0x38;
	[tilespmem:$0x10F80] =	vst v63  }
0x142: {  	_ =	swait.ge [sflag:s10], $0x2000  }
0x143: {  	[sflag:s10] =	ssyncset.done $0x0  }
0x144: {  	[sflag:s10] =	ssyncadd.s32 $0xFFFFE000  }
0x145: {  	_ =	swait.ge [sflag:s10], $0x2000  }
0x146: {  	[sflag:s10] =	ssyncset.done $0x0  }
0x147: {  	[sflag:s10] =	ssyncadd.s32 $0xFFFFE000  }
0x148: {  	s28 =	sand.u32 $0x7F, s25;
	_ =	swait.ge [sflag:s10], $0x80  }
0x149: {  	s0 =	sand.u32 $0x7F, s0;
	v10 =	vor.u32 s28, v1;
	[sflag:s10] =	ssyncset.done $0x0  }
0x14a: {  	v11 =	vor.u32 s0, v1;
	[sflag:s10] =	ssyncadd.s32 $0xFFFFFF80  }
0x14b: {  	v12 =	vor.u32 s28, v2;
	_ =	swait.ge [sflag:s10], $0x80  }
0x14c: {  	v13 =	vor.u32 s0, v2;
	[sflag:s10] =	ssyncset.done $0x0  }
0x14d: {  	s26 =	simm.s32 $0x2100;
	v14 =	vor.u32 s28, v3;
	[sflag:s10] =	ssyncadd.s32 $0xFFFFFF80  }
0x14e: {  	v15 =	vor.u32 s0, v3;
	v49 =	vld.idx.msk [tilespmem:v10+s26+$0x0], $0xffff  }
0x14f: {  	v16 =	vor.u32 s28, v4;
	v50 =	vld.idx.msk [tilespmem:v11+s22+$0x0], $0xffff  }
0x150: {  	v17 =	vor.u32 s0, v4;
	v51 =	vld.idx.msk [tilespmem:v12+s26+$0x0], $0xffff  }
0x151: {  	v52 =	vld.idx.msk [tilespmem:v13+s22+$0x0], $0xffff  }
0x152: {  	v53 =	vld.idx.msk [tilespmem:v14+s26+$0x0], $0xffff  }
0x153: {  	v54 =	vld.idx.msk [tilespmem:v15+s22+$0x0], $0xffff  }
0x154: {  	v58 =	vld.idx.msk [tilespmem:v16+s26+$0x0], $0xffff;
	v49 =	vmul.f32 v50, v49  }
0x155: {  	v59 =	vld.idx.msk [tilespmem:v17+s22+$0x0], $0xffff  }
0x156: {  	v51 =	vmul.f32 v52, v51;
	v49 =	vadd.f32 $0.0e+00, v49;
	_ =	sdelay $0x1  }
0x157: {  	s5 =	sadd.s32 $0xFFFFFFF6, s20;
	v60 =	vmul.f32 v54, v53;
	v49 =	vadd.f32 v51, v49  }
0x158: {  	v61 =	vor.u32 s5, v1;
	v62 =	vmov s28;
	(v2sf) =	vpush v48, $0x9  }
0x159: {  	(v2sf) =	vpush v47, $0x9;
	v50 =	vmul.f32 v59, v58;
	v49 =	vadd.f32 v60, v49;
	_ =	sdelay $0x1  }
0x15a: {  	v49 =	vadd.f32 v50, v49  }
0x15b: {  	s7 =	simm.s32 $0x10100  }
0x15c: {  	v63 =	vmov s5;
	s5 =	simm.s32 $0x10A80;
	[tilespmem:v61+s7+$0x0] =	vst.idx.msk $0xffff, v49  }
0x15d: {  	v8 =	vld.idx.msk [tilespmem:v62+s5+$0x0], $0xffff  }
0x15e: {  	v9 =	vmov s0;
	_ =	sdelay $0x2  }
0x15f: {  	s13 =	simm.s32 $0x10E00  }
0x160: {  	s7 =	simm.s32 $0x10C80;
	[tilespmem:v63+s13+$0x0] =	vst.idx.msk $0x1, v8  }
0x161: {  	v50 =	vld.idx.msk [tilespmem:v9+s7+$0x0], $0xffff;
	_ =	sdelay $0x2  }
0x162: {  	s25 =	spop (v2sf)  }
0x163: {  	s28 =	simm.s32 $0x10E80;
	s0 =	spop (v2sf);
	s13 =	sand.u32 $0x1FFFFF80, s25  }
0x164: {  	s23 =	sand.u32 $0x1FFFFF80, s0;
	s2 =	sadd.s32 s4, s13;
	[tilespmem:v63+s28+$0x0] =	vst.idx.msk $0x1, v50  }
0x165: {  	[tilespmem:s26], [sflag:$0x2] =	stream.strided.gather [hbm4b:s2+s17], $0x2000, s15, s17, $0x38;
	[tilespmem:$0x10F80] =	vst v63  }
0x166: {  	s7 =	sshrl.u32 s25, $0x3;
	s2 =	sadd.s32 s8, s23  }
0x167: {  	[tilespmem:s22], [sflag:$0x2] =	stream.strided.gather [hbm4b:s2+s17], $0x2000, s15, s17, $0x38;
	[tilespmem:$0x10F80] =	vst v63  }
0x168: {  	s2 =	sand.u32 $0x1FFFFFF0, s7  }
0x169: {  	s13 =	sshrl.u32 s0, $0x3;
	s2 =	sadd.s32 s9, s2  }
0x16a: {  	[tilespmem:s5], [sflag:$0x2] =	stream.linear.gather [hbm4b:s2+s16], $0x80, $0x38;
	[tilespmem:$0x10F80] =	vst v63  }
0x16b: {  	s2 =	sand.u32 $0x1FFFFFF0, s13  }
0x16c: {  	s23 =	simm.s32 $0x10C80;
	s2 =	sadd.s32 s18, s2  }
0x16d: {  	[tilespmem:s23], [sflag:$0x2] =	stream.linear.gather [hbm4b:s2+s16], $0x80, $0x38;
	[tilespmem:$0x10F80] =	vst v63  }
0x16e: {  	_ =	swait.ge [sflag:s11], $0x2000  }
0x16f: {  	[sflag:s11] =	ssyncset.done $0x0  }
0x170: {  	[sflag:s11] =	ssyncadd.s32 $0xFFFFE000  }
0x171: {  	_ =	swait.ge [sflag:s11], $0x2000  }
0x172: {  	[sflag:s11] =	ssyncset.done $0x0  }
0x173: {  	[sflag:s11] =	ssyncadd.s32 $0xFFFFE000  }
0x174: {  	s5 =	sand.u32 $0x7F, s29;
	_ =	swait.ge [sflag:s11], $0x80  }
0x175: {  	s1 =	sand.u32 $0x7F, s1;
	v10 =	vor.u32 s5, v1;
	[sflag:s11] =	ssyncset.done $0x0  }
0x176: {  	v11 =	vor.u32 s1, v1;
	[sflag:s11] =	ssyncadd.s32 $0xFFFFFF80  }
0x177: {  	v12 =	vor.u32 s5, v2;
	_ =	swait.ge [sflag:s11], $0x80  }
0x178: {  	v13 =	vor.u32 s1, v2;
	[sflag:s11] =	ssyncset.done $0x0  }
0x179: {  	s7 =	simm.s32 $0x4100;
	v14 =	vor.u32 s5, v3;
	[sflag:s11] =	ssyncadd.s32 $0xFFFFFF80  }
0x17a: {  	v15 =	vor.u32 s1, v3;
	s13 =	simm.s32 $0xC100;
	v49 =	vld.idx.msk [tilespmem:v10+s7+$0x0], $0xffff  }
0x17b: {  	v16 =	vor.u32 s5, v4;
	v50 =	vld.idx.msk [tilespmem:v11+s13+$0x0], $0xffff  }
0x17c: {  	v17 =	vor.u32 s1, v4;
	v51 =	vld.idx.msk [tilespmem:v12+s7+$0x0], $0xffff  }
0x17d: {  	v52 =	vld.idx.msk [tilespmem:v13+s13+$0x0], $0xffff  }
0x17e: {  	v53 =	vld.idx.msk [tilespmem:v14+s7+$0x0], $0xffff  }
0x17f: {  	v54 =	vld.idx.msk [tilespmem:v15+s13+$0x0], $0xffff  }
0x180: {  	v58 =	vld.idx.msk [tilespmem:v16+s7+$0x0], $0xffff;
	v49 =	vmul.f32 v50, v49  }
0x181: {  	v59 =	vld.idx.msk [tilespmem:v17+s13+$0x0], $0xffff  }
0x182: {  	v51 =	vmul.f32 v52, v51;
	v49 =	vadd.f32 $0.0e+00, v49;
	_ =	sdelay $0x1  }
0x183: {  	s23 =	sadd.s32 $0xFFFFFFF7, s20;
	v60 =	vmul.f32 v54, v53;
	v49 =	vadd.f32 v51, v49  }
0x184: {  	v62 =	vmov s5;
	v61 =	vor.u32 s23, v1;
	(v2sf) =	vpush v48, $0xA  }
0x185: {  	(v2sf) =	vpush v47, $0xA;
	v50 =	vmul.f32 v59, v58;
	v49 =	vadd.f32 v60, v49;
	_ =	sdelay $0x1  }
0x186: {  	v49 =	vadd.f32 v50, v49  }
0x187: {  	s21 =	simm.s32 $0x10100  }
0x188: {  	s29 =	simm.s32 $0x10B00;
	[tilespmem:v61+s21+$0x0] =	vst.idx.msk $0xffff, v49  }
0x189: {  	v63 =	vmov s23;
	v8 =	vld.idx.msk [tilespmem:v62+s29+$0x0], $0xffff  }
0x18a: {  	v9 =	vmov s1;
	_ =	sdelay $0x2  }
0x18b: {  	s31 =	simm.s32 $0x10E00  }
0x18c: {  	s2 =	simm.s32 $0x10D00;
	[tilespmem:v63+s31+$0x0] =	vst.idx.msk $0x1, v8  }
0x18d: {  	v50 =	vld.idx.msk [tilespmem:v9+s2+$0x0], $0xffff;
	_ =	sdelay $0x2  }
0x18e: {  	s29 =	spop (v2sf)  }
0x18f: {  	s5 =	sand.u32 $0x1FFFFF80, s29;
	s1 =	spop (v2sf)  }
0x190: {  	s23 =	sand.u32 $0x1FFFFF80, s1;
	s2 =	sadd.s32 s4, s5;
	[tilespmem:v63+s28+$0x0] =	vst.idx.msk $0x1, v50  }
0x191: {  	[tilespmem:s7], [sflag:$0x3] =	stream.strided.gather [hbm4b:s2+s17], $0x2000, s15, s17, $0x38;
	[tilespmem:$0x10F80] =	vst v63  }
0x192: {  	s5 =	sshrl.u32 s29, $0x3;
	s2 =	sadd.s32 s8, s23  }
0x193: {  	[tilespmem:s13], [sflag:$0x3] =	stream.strided.gather [hbm4b:s2+s17], $0x2000, s15, s17, $0x38;
	[tilespmem:$0x10F80] =	vst v63  }
0x194: {  	s2 =	sand.u32 $0x1FFFFFF0, s5  }
0x195: {  	s23 =	simm.s32 $0x10B00;
	s5 =	sshrl.u32 s1, $0x3;
	s2 =	sadd.s32 s9, s2  }
0x196: {  	[tilespmem:s23], [sflag:$0x3] =	stream.linear.gather [hbm4b:s2+s16], $0x80, $0x38;
	[tilespmem:$0x10F80] =	vst v63  }
0x197: {  	s2 =	sand.u32 $0x1FFFFFF0, s5  }
0x198: {  	s23 =	simm.s32 $0x10D00;
	s2 =	sadd.s32 s18, s2  }
0x199: {  	[tilespmem:s23], [sflag:$0x3] =	stream.linear.gather [hbm4b:s2+s16], $0x80, $0x38;
	[tilespmem:$0x10F80] =	vst v63  }
0x19a: {  	_ =	swait.ge [sflag:s12], $0x2000  }
0x19b: {  	[sflag:s12] =	ssyncset.done $0x0  }
0x19c: {  	[sflag:s12] =	ssyncadd.s32 $0xFFFFE000  }
0x19d: {  	_ =	swait.ge [sflag:s12], $0x2000  }
0x19e: {  	[sflag:s12] =	ssyncset.done $0x0  }
0x19f: {  	[sflag:s12] =	ssyncadd.s32 $0xFFFFE000  }
0x1a0: {  	s2 =	sand.u32 $0x7F, s30;
	_ =	swait.ge [sflag:s12], $0x80  }
0x1a1: {  	s3 =	sand.u32 $0x7F, s3;
	v10 =	vor.u32 s2, v1;
	[sflag:s12] =	ssyncset.done $0x0  }
0x1a2: {  	v11 =	vor.u32 s3, v1;
	[sflag:s12] =	ssyncadd.s32 $0xFFFFFF80  }
0x1a3: {  	v12 =	vor.u32 s2, v2;
	_ =	swait.ge [sflag:s12], $0x80  }
0x1a4: {  	v13 =	vor.u32 s3, v2;
	[sflag:s12] =	ssyncset.done $0x0  }
0x1a5: {  	s23 =	simm.s32 $0x6100;
	v14 =	vor.u32 s2, v3;
	[sflag:s12] =	ssyncadd.s32 $0xFFFFFF80  }
0x1a6: {  	v15 =	vor.u32 s3, v3;
	s30 =	simm.s32 $0xE100;
	v49 =	vld.idx.msk [tilespmem:v10+s23+$0x0], $0xffff  }
0x1a7: {  	v16 =	vor.u32 s2, v4;
	v50 =	vld.idx.msk [tilespmem:v11+s30+$0x0], $0xffff;
	s23 =	simm.s32 $0x6100  }
0x1a8: {  	v17 =	vor.u32 s3, v4;
	s30 =	simm.s32 $0xE100;
	v51 =	vld.idx.msk [tilespmem:v12+s23+$0x0], $0xffff  }
0x1a9: {  	v52 =	vld.idx.msk [tilespmem:v13+s30+$0x0], $0xffff;
	s23 =	simm.s32 $0x6100  }
0x1aa: {  	s30 =	simm.s32 $0xE100;
	v53 =	vld.idx.msk [tilespmem:v14+s23+$0x0], $0xffff  }
0x1ab: {  	v54 =	vld.idx.msk [tilespmem:v15+s30+$0x0], $0xffff;
	s23 =	simm.s32 $0x6100  }
0x1ac: {  	s30 =	simm.s32 $0xE100;
	v58 =	vld.idx.msk [tilespmem:v16+s23+$0x0], $0xffff;
	v49 =	vmul.f32 v50, v49  }
0x1ad: {  	v59 =	vld.idx.msk [tilespmem:v17+s30+$0x0], $0xffff  }
0x1ae: {  	v51 =	vmul.f32 v52, v51;
	v49 =	vadd.f32 $0.0e+00, v49;
	_ =	sdelay $0x1  }
0x1af: {  	s23 =	sadd.s32 $0xFFFFFFF8, s20;
	v60 =	vmul.f32 v54, v53;
	v49 =	vadd.f32 v51, v49  }
0x1b0: {  	v62 =	vmov s2;
	(v2sf) =	vpush v48, $0xB;
	v61 =	vor.u32 s23, v1  }
0x1b1: {  	(v2sf) =	vpush v47, $0xB;
	v50 =	vmul.f32 v59, v58;
	v49 =	vadd.f32 v60, v49;
	_ =	sdelay $0x1  }
0x1b2: {  	v49 =	vadd.f32 v50, v49  }
0x1b3: {  	s21 =	simm.s32 $0x10100  }
0x1b4: {  	s30 =	simm.s32 $0x10B80;
	[tilespmem:v61+s21+$0x0] =	vst.idx.msk $0xffff, v49  }
0x1b5: {  	v63 =	vmov s23;
	v8 =	vld.idx.msk [tilespmem:v62+s30+$0x0], $0xffff  }
0x1b6: {  	v9 =	vmov s3;
	_ =	sdelay $0x2  }
0x1b7: {  	s21 =	simm.s32 $0x10E00  }
0x1b8: {  	s5 =	simm.s32 $0x10D80;
	[tilespmem:v63+s21+$0x0] =	vst.idx.msk $0x1, v8  }
0x1b9: {  	v50 =	vld.idx.msk [tilespmem:v9+s5+$0x0], $0xffff;
	_ =	sdelay $0x2  }
0x1ba: {  	s30 =	spop (v2sf)  }
0x1bb: {  	s28 =	simm.s32 $0x10E80;
	s23 =	sand.u32 $0x1FFFFF80, s30;
	s3 =	spop (v2sf)  }
0x1bc: {  	s2 =	sadd.s32 s4, s23;
	s23 =	sand.u32 $0x1FFFFF80, s3;
	[tilespmem:v63+s28+$0x0] =	vst.idx.msk $0x1, v50;
	s28 =	simm.s32 $0x6100  }
0x1bd: {  	[tilespmem:s28], [sflag:$0x4] =	stream.strided.gather [hbm4b:s2+s17], $0x2000, s15, s17, $0x38;
	[tilespmem:$0x10F80] =	vst v63  }
0x1be: {  	s2 =	sadd.s32 s8, s23;
	s28 =	simm.s32 $0xE100;
	s23 =	sshrl.u32 s30, $0x3  }
0x1bf: {  	[tilespmem:s28], [sflag:$0x4] =	stream.strided.gather [hbm4b:s2+s17], $0x2000, s15, s17, $0x38;
	[tilespmem:$0x10F80] =	vst v63  }
0x1c0: {  	s2 =	sand.u32 $0x1FFFFFF0, s23  }
0x1c1: {  	s5 =	sshrl.u32 s3, $0x3;
	s28 =	simm.s32 $0x10B80;
	s2 =	sadd.s32 s9, s2  }
0x1c2: {  	[tilespmem:s28], [sflag:$0x4] =	stream.linear.gather [hbm4b:s2+s16], $0x80, $0x38;
	[tilespmem:$0x10F80] =	vst v63  }
0x1c3: {  	s2 =	sand.u32 $0x1FFFFFF0, s5  }
0x1c4: {  	s23 =	simm.s32 $0x10D80;
	s2 =	sadd.s32 s18, s2  }
0x1c5: {  	[tilespmem:s23], [sflag:$0x4] =	stream.linear.gather [hbm4b:s2+s16], $0x80, $0x38;
	[tilespmem:$0x10F80] =	vst v63  }
0x1c6: {  	_ =	swait.ge [sflag:s6], $0x2000  }
0x1c7: {  	[sflag:s6] =	ssyncset.done $0x0  }
0x1c8: {  	[sflag:s6] =	ssyncadd.s32 $0xFFFFE000  }
0x1c9: {  	_ =	swait.ge [sflag:s6], $0x2000  }
0x1ca: {  	[sflag:s6] =	ssyncset.done $0x0  }
0x1cb: {  	[sflag:s6] =	ssyncadd.s32 $0xFFFFE000  }
0x1cc: {  	s2 =	sand.u32 $0x7F, s24;
	_ =	swait.ge [sflag:s6], $0x80  }
0x1cd: {  	s14 =	sand.u32 $0x7F, s14;
	v10 =	vor.u32 s2, v1;
	[sflag:s6] =	ssyncset.done $0x0  }
0x1ce: {  	v11 =	vor.u32 s14, v1;
	[sflag:s6] =	ssyncadd.s32 $0xFFFFFF80  }
0x1cf: {  	v12 =	vor.u32 s2, v2;
	_ =	swait.ge [sflag:s6], $0x80  }
0x1d0: {  	v13 =	vor.u32 s14, v2;
	[sflag:s6] =	ssyncset.done $0x0  }
0x1d1: {  	v14 =	vor.u32 s2, v3;
	[sflag:s6] =	ssyncadd.s32 $0xFFFFFF80  }
0x1d2: {  	v15 =	vor.u32 s14, v3;
	s28 =	simm.s32 $0x8100;
	v49 =	vld.idx.msk [tilespmem:v10+s19+$0x0], $0xffff  }
0x1d3: {  	v16 =	vor.u32 s2, v4;
	v50 =	vld.idx.msk [tilespmem:v11+s28+$0x0], $0xffff  }
0x1d4: {  	v17 =	vor.u32 s14, v4;
	s23 =	simm.s32 $0x8100;
	v51 =	vld.idx.msk [tilespmem:v12+s19+$0x0], $0xffff  }
0x1d5: {  	v52 =	vld.idx.msk [tilespmem:v13+s23+$0x0], $0xffff  }
0x1d6: {  	s24 =	simm.s32 $0x8100;
	v53 =	vld.idx.msk [tilespmem:v14+s19+$0x0], $0xffff  }
0x1d7: {  	v54 =	vld.idx.msk [tilespmem:v15+s24+$0x0], $0xffff  }
0x1d8: {  	v58 =	vld.idx.msk [tilespmem:v16+s19+$0x0], $0xffff;
	s28 =	simm.s32 $0x8100;
	v49 =	vmul.f32 v50, v49  }
0x1d9: {  	v59 =	vld.idx.msk [tilespmem:v17+s28+$0x0], $0xffff  }
0x1da: {  	v51 =	vmul.f32 v52, v51;
	v49 =	vadd.f32 $0.0e+00, v49;
	_ =	sdelay $0x1  }
0x1db: {  	s23 =	sadd.s32 $0xFFFFFFF9, s20;
	v60 =	vmul.f32 v54, v53;
	v49 =	vadd.f32 v51, v49  }
0x1dc: {  	v62 =	vmov s2;
	(v2sf) =	vpush v48, $0xC;
	v61 =	vor.u32 s23, v1  }
0x1dd: {  	(v2sf) =	vpush v47, $0xC;
	v50 =	vmul.f32 v59, v58;
	v49 =	vadd.f32 v60, v49;
	_ =	sdelay $0x1  }
0x1de: {  	v49 =	vadd.f32 v50, v49  }
0x1df: {  	s31 =	simm.s32 $0x10100  }
0x1e0: {  	s5 =	simm.s32 $0x10A00;
	[tilespmem:v61+s31+$0x0] =	vst.idx.msk $0xffff, v49  }
0x1e1: {  	v63 =	vmov s23;
	v8 =	vld.idx.msk [tilespmem:v62+s5+$0x0], $0xffff  }
0x1e2: {  	v9 =	vmov s14;
	_ =	sdelay $0x3  }
0x1e3: {  	[tilespmem:v63+s21+$0x0] =	vst.idx.msk $0x1, v8;
	s21 =	simm.s32 $0x10C00  }
0x1e4: {  	v50 =	vld.idx.msk [tilespmem:v9+s21+$0x0], $0xffff;
	_ =	sdelay $0x2  }
0x1e5: {  	s24 =	spop (v2sf)  }
0x1e6: {  	s23 =	sand.u32 $0x1FFFFF80, s24;
	s14 =	spop (v2sf);
	s21 =	simm.s32 $0x10E80  }
0x1e7: {  	s2 =	sadd.s32 s4, s23;
	s5 =	sand.u32 $0x1FFFFF80, s14;
	[tilespmem:v63+s21+$0x0] =	vst.idx.msk $0x1, v50  }
0x1e8: {  	[tilespmem:s19], [sflag:$0x1] =	stream.strided.gather [hbm4b:s2+s17], $0x2000, s15, s17, $0x38;
	[tilespmem:$0x10F80] =	vst v63  }
0x1e9: {  	s23 =	simm.s32 $0x8100;
	s2 =	sadd.s32 s8, s5;
	s5 =	sshrl.u32 s24, $0x3  }
0x1ea: {  	[tilespmem:s23], [sflag:$0x1] =	stream.strided.gather [hbm4b:s2+s17], $0x2000, s15, s17, $0x38;
	[tilespmem:$0x10F80] =	vst v63  }
0x1eb: {  	s2 =	sand.u32 $0x1FFFFFF0, s5  }
0x1ec: {  	s23 =	simm.s32 $0x10A00;
	s2 =	sadd.s32 s9, s2  }
0x1ed: {  	[tilespmem:s23], [sflag:$0x1] =	stream.linear.gather [hbm4b:s2+s16], $0x80, $0x38;
	[tilespmem:$0x10F80] =	vst v63  }
0x1ee: {  	s23 =	sshrl.u32 s14, $0x3  }
0x1ef: {  	s2 =	sand.u32 $0x1FFFFFF0, s23  }
0x1f0: {  	s5 =	simm.s32 $0x10C00;
	s2 =	sadd.s32 s18, s2  }
0x1f1: {  	[tilespmem:s5], [sflag:$0x1] =	stream.linear.gather [hbm4b:s2+s16], $0x80, $0x38;
	[tilespmem:$0x10F80] =	vst v63  }
0x1f2: {  	_ =	swait.ge [sflag:s10], $0x2000  }
0x1f3: {  	[sflag:s10] =	ssyncset.done $0x0  }
0x1f4: {  	[sflag:s10] =	ssyncadd.s32 $0xFFFFE000  }
0x1f5: {  	_ =	swait.ge [sflag:s10], $0x2000  }
0x1f6: {  	[sflag:s10] =	ssyncset.done $0x0  }
0x1f7: {  	[sflag:s10] =	ssyncadd.s32 $0xFFFFE000  }
0x1f8: {  	s5 =	sand.u32 $0x7F, s25;
	_ =	swait.ge [sflag:s10], $0x80  }
0x1f9: {  	s0 =	sand.u32 $0x7F, s0;
	v10 =	vor.u32 s5, v1;
	[sflag:s10] =	ssyncset.done $0x0  }
0x1fa: {  	v11 =	vor.u32 s0, v1;
	[sflag:s10] =	ssyncadd.s32 $0xFFFFFF80  }
0x1fb: {  	v12 =	vor.u32 s5, v2;
	_ =	swait.ge [sflag:s10], $0x80  }
0x1fc: {  	v13 =	vor.u32 s0, v2;
	[sflag:s10] =	ssyncset.done $0x0  }
0x1fd: {  	v14 =	vor.u32 s5, v3;
	[sflag:s10] =	ssyncadd.s32 $0xFFFFFF80  }
0x1fe: {  	v15 =	vor.u32 s0, v3;
	v49 =	vld.idx.msk [tilespmem:v10+s26+$0x0], $0xffff  }
0x1ff: {  	v16 =	vor.u32 s5, v4;
	v50 =	vld.idx.msk [tilespmem:v11+s22+$0x0], $0xffff  }
0x200: {  	v17 =	vor.u32 s0, v4;
	v51 =	vld.idx.msk [tilespmem:v12+s26+$0x0], $0xffff  }
0x201: {  	v52 =	vld.idx.msk [tilespmem:v13+s22+$0x0], $0xffff  }
0x202: {  	v53 =	vld.idx.msk [tilespmem:v14+s26+$0x0], $0xffff  }
0x203: {  	v54 =	vld.idx.msk [tilespmem:v15+s22+$0x0], $0xffff  }
0x204: {  	v58 =	vld.idx.msk [tilespmem:v16+s26+$0x0], $0xffff;
	v49 =	vmul.f32 v50, v49  }
0x205: {  	v59 =	vld.idx.msk [tilespmem:v17+s22+$0x0], $0xffff  }
0x206: {  	v51 =	vmul.f32 v52, v51;
	v49 =	vadd.f32 $0.0e+00, v49;
	_ =	sdelay $0x1  }
0x207: {  	s23 =	sadd.s32 $0xFFFFFFFA, s20;
	v60 =	vmul.f32 v54, v53;
	v49 =	vadd.f32 v51, v49  }
0x208: {  	v61 =	vor.u32 s23, v1;
	v62 =	vmov s5;
	(v2sf) =	vpush v48, $0xD  }
0x209: {  	(v2sf) =	vpush v47, $0xD;
	v50 =	vmul.f32 v59, v58;
	v49 =	vadd.f32 v60, v49;
	_ =	sdelay $0x1  }
0x20a: {  	v49 =	vadd.f32 v50, v49  }
0x20b: {  	s28 =	simm.s32 $0x10100  }
0x20c: {  	s5 =	simm.s32 $0x10A80;
	[tilespmem:v61+s28+$0x0] =	vst.idx.msk $0xffff, v49  }
0x20d: {  	v63 =	vmov s23;
	v8 =	vld.idx.msk [tilespmem:v62+s5+$0x0], $0xffff  }
0x20e: {  	v9 =	vmov s0;
	_ =	sdelay $0x2  }
0x20f: {  	s23 =	simm.s32 $0x10E00  }
0x210: {  	s2 =	simm.s32 $0x10C80;
	[tilespmem:v63+s23+$0x0] =	vst.idx.msk $0x1, v8  }
0x211: {  	v50 =	vld.idx.msk [tilespmem:v9+s2+$0x0], $0xffff;
	_ =	sdelay $0x2  }
0x212: {  	s0 =	spop (v2sf)  }
0x213: {  	s25 =	spop (v2sf);
	s2 =	sand.u32 $0x1FFFFF80, s0  }
0x214: {  	s2 =	sadd.s32 s4, s2;
	[tilespmem:v63+s21+$0x0] =	vst.idx.msk $0x1, v50;
	s21 =	sand.u32 $0x1FFFFF80, s25  }
0x215: {  	[tilespmem:s26], [sflag:$0x2] =	stream.strided.gather [hbm4b:s2+s17], $0x2000, s15, s17, $0x38;
	[tilespmem:$0x10F80] =	vst v63  }
0x216: {  	s2 =	sadd.s32 s8, s21;
	s21 =	sshrl.u32 s0, $0x3  }
0x217: {  	[tilespmem:s22], [sflag:$0x2] =	stream.strided.gather [hbm4b:s2+s17], $0x2000, s15, s17, $0x38;
	[tilespmem:$0x10F80] =	vst v63  }
0x218: {  	s2 =	sand.u32 $0x1FFFFFF0, s21  }
0x219: {  	s2 =	sadd.s32 s9, s2  }
0x21a: {  	[tilespmem:s5], [sflag:$0x2] =	stream.linear.gather [hbm4b:s2+s16], $0x80, $0x38;
	[tilespmem:$0x10F80] =	vst v63  }
0x21b: {  	s5 =	sshrl.u32 s25, $0x3  }
0x21c: {  	s2 =	sand.u32 $0x1FFFFFF0, s5  }
0x21d: {  	s21 =	simm.s32 $0x10C80;
	s2 =	sadd.s32 s18, s2  }
0x21e: {  	[tilespmem:s21], [sflag:$0x2] =	stream.linear.gather [hbm4b:s2+s16], $0x80, $0x38;
	[tilespmem:$0x10F80] =	vst v63  }
0x21f: {  	_ =	swait.ge [sflag:s11], $0x2000  }
0x220: {  	[sflag:s11] =	ssyncset.done $0x0  }
0x221: {  	[sflag:s11] =	ssyncadd.s32 $0xFFFFE000  }
0x222: {  	_ =	swait.ge [sflag:s11], $0x2000  }
0x223: {  	[sflag:s11] =	ssyncset.done $0x0  }
0x224: {  	[sflag:s11] =	ssyncadd.s32 $0xFFFFE000  }
0x225: {  	s21 =	sand.u32 $0x7F, s29;
	_ =	swait.ge [sflag:s11], $0x80  }
0x226: {  	s1 =	sand.u32 $0x7F, s1;
	v10 =	vor.u32 s21, v1;
	[sflag:s11] =	ssyncset.done $0x0  }
0x227: {  	v11 =	vor.u32 s1, v1;
	[sflag:s11] =	ssyncadd.s32 $0xFFFFFF80  }
0x228: {  	v12 =	vor.u32 s21, v2;
	_ =	swait.ge [sflag:s11], $0x80  }
0x229: {  	v13 =	vor.u32 s1, v2;
	[sflag:s11] =	ssyncset.done $0x0  }
0x22a: {  	v14 =	vor.u32 s21, v3;
	[sflag:s11] =	ssyncadd.s32 $0xFFFFFF80  }
0x22b: {  	v15 =	vor.u32 s1, v3;
	v49 =	vld.idx.msk [tilespmem:v10+s7+$0x0], $0xffff  }
0x22c: {  	v16 =	vor.u32 s21, v4;
	v50 =	vld.idx.msk [tilespmem:v11+s13+$0x0], $0xffff  }
0x22d: {  	v17 =	vor.u32 s1, v4;
	v51 =	vld.idx.msk [tilespmem:v12+s7+$0x0], $0xffff  }
0x22e: {  	v52 =	vld.idx.msk [tilespmem:v13+s13+$0x0], $0xffff  }
0x22f: {  	v53 =	vld.idx.msk [tilespmem:v14+s7+$0x0], $0xffff  }
0x230: {  	v54 =	vld.idx.msk [tilespmem:v15+s13+$0x0], $0xffff  }
0x231: {  	v59 =	vld.idx.msk [tilespmem:v16+s7+$0x0], $0xffff;
	v49 =	vmul.f32 v50, v49  }
0x232: {  	v60 =	vld.idx.msk [tilespmem:v17+s13+$0x0], $0xffff  }
0x233: {  	v51 =	vmul.f32 v52, v51;
	v49 =	vadd.f32 $0.0e+00, v49;
	_ =	sdelay $0x1  }
0x234: {  	s5 =	sadd.s32 $0xFFFFFFFB, s20;
	v61 =	vmul.f32 v54, v53;
	v49 =	vadd.f32 v51, v49  }
0x235: {  	v62 =	vor.u32 s5, v1;
	v63 =	vmov s21;
	(v2sf) =	vpush v48, $0xE  }
0x236: {  	(v2sf) =	vpush v47, $0xE;
	v50 =	vmul.f32 v60, v59;
	v49 =	vadd.f32 v61, v49;
	_ =	sdelay $0x1  }
0x237: {  	v49 =	vadd.f32 v50, v49  }
0x238: {  	s31 =	simm.s32 $0x10100  }
0x239: {  	s13 =	simm.s32 $0x10B00;
	[tilespmem:v62+s31+$0x0] =	vst.idx.msk $0xffff, v49  }
0x23a: {  	v8 =	vmov s5;
	v9 =	vld.idx.msk [tilespmem:v63+s13+$0x0], $0xffff  }
0x23b: {  	v10 =	vmov s1;
	_ =	sdelay $0x3  }
0x23c: {  	s21 =	simm.s32 $0x10D00;
	[tilespmem:v8+s23+$0x0] =	vst.idx.msk $0x1, v9  }
0x23d: {  	v50 =	vld.idx.msk [tilespmem:v10+s21+$0x0], $0xffff;
	_ =	sdelay $0x2  }
0x23e: {  	s1 =	spop (v2sf)  }
0x23f: {  	s28 =	simm.s32 $0x10E80;
	s29 =	spop (v2sf);
	s23 =	sand.u32 $0x1FFFFF80, s1  }
0x240: {  	s5 =	sand.u32 $0x1FFFFF80, s29;
	s2 =	sadd.s32 s4, s23;
	[tilespmem:v8+s28+$0x0] =	vst.idx.msk $0x1, v50  }
0x241: {  	[tilespmem:s7], [sflag:$0x3] =	stream.strided.gather [hbm4b:s2+s17], $0x2000, s15, s17, $0x38;
	[tilespmem:$0x10F80] =	vst v63  }
0x242: {  	s21 =	simm.s32 $0xC100;
	s2 =	sadd.s32 s8, s5;
	s7 =	sshrl.u32 s1, $0x3  }
0x243: {  	[tilespmem:s21], [sflag:$0x3] =	stream.strided.gather [hbm4b:s2+s17], $0x2000, s15, s17, $0x38;
	[tilespmem:$0x10F80] =	vst v63  }
0x244: {  	s2 =	sand.u32 $0x1FFFFFF0, s7  }
0x245: {  	s23 =	simm.s32 $0x10B00;
	s7 =	sshrl.u32 s29, $0x3;
	s2 =	sadd.s32 s9, s2  }
0x246: {  	[tilespmem:s23], [sflag:$0x3] =	stream.linear.gather [hbm4b:s2+s16], $0x80, $0x38;
	[tilespmem:$0x10F80] =	vst v63  }
0x247: {  	s2 =	sand.u32 $0x1FFFFFF0, s7  }
0x248: {  	s23 =	simm.s32 $0x10D00;
	s2 =	sadd.s32 s18, s2  }
0x249: {  	[tilespmem:s23], [sflag:$0x3] =	stream.linear.gather [hbm4b:s2+s16], $0x80, $0x38;
	[tilespmem:$0x10F80] =	vst v63  }
0x24a: {  	_ =	swait.ge [sflag:s12], $0x2000  }
0x24b: {  	[sflag:s12] =	ssyncset.done $0x0  }
0x24c: {  	[sflag:s12] =	ssyncadd.s32 $0xFFFFE000  }
0x24d: {  	_ =	swait.ge [sflag:s12], $0x2000  }
0x24e: {  	[sflag:s12] =	ssyncset.done $0x0  }
0x24f: {  	[sflag:s12] =	ssyncadd.s32 $0xFFFFE000  }
0x250: {  	s2 =	sand.u32 $0x7F, s30;
	_ =	swait.ge [sflag:s12], $0x80  }
0x251: {  	s3 =	sand.u32 $0x7F, s3;
	v11 =	vor.u32 s2, v1;
	[sflag:s12] =	ssyncset.done $0x0  }
0x252: {  	v12 =	vor.u32 s3, v1;
	[sflag:s12] =	ssyncadd.s32 $0xFFFFFF80  }
0x253: {  	v13 =	vor.u32 s2, v2;
	_ =	swait.ge [sflag:s12], $0x80  }
0x254: {  	v14 =	vor.u32 s3, v2;
	[sflag:s12] =	ssyncset.done $0x0  }
0x255: {  	s30 =	simm.s32 $0x6100;
	v15 =	vor.u32 s2, v3;
	[sflag:s12] =	ssyncadd.s32 $0xFFFFFF80  }
0x256: {  	v16 =	vor.u32 s3, v3;
	s7 =	simm.s32 $0xE100;
	v49 =	vld.idx.msk [tilespmem:v11+s30+$0x0], $0xffff  }
0x257: {  	s23 =	simm.s32 $0x6100;
	v17 =	vor.u32 s2, v4;
	v50 =	vld.idx.msk [tilespmem:v12+s7+$0x0], $0xffff  }
0x258: {  	v60 =	vor.u32 s3, v4;
	v51 =	vld.idx.msk [tilespmem:v13+s23+$0x0], $0xffff;
	s30 =	simm.s32 $0xE100  }
0x259: {  	s7 =	simm.s32 $0x6100;
	v52 =	vld.idx.msk [tilespmem:v14+s30+$0x0], $0xffff  }
0x25a: {  	s23 =	simm.s32 $0xE100;
	v53 =	vld.idx.msk [tilespmem:v15+s7+$0x0], $0xffff  }
0x25b: {  	v54 =	vld.idx.msk [tilespmem:v16+s23+$0x0], $0xffff;
	s30 =	simm.s32 $0x6100  }
0x25c: {  	s7 =	simm.s32 $0xE100;
	v61 =	vld.idx.msk [tilespmem:v17+s30+$0x0], $0xffff;
	v49 =	vmul.f32 v50, v49  }
0x25d: {  	v62 =	vld.idx.msk [tilespmem:v60+s7+$0x0], $0xffff  }
0x25e: {  	v51 =	vmul.f32 v52, v51;
	v49 =	vadd.f32 $0.0e+00, v49;
	_ =	sdelay $0x1  }
0x25f: {  	s23 =	sadd.s32 $0xFFFFFFFC, s20;
	v63 =	vmul.f32 v54, v53;
	v49 =	vadd.f32 v51, v49  }
0x260: {  	v9 =	vmov s2;
	(v2sf) =	vpush v48, $0xF;
	v8 =	vor.u32 s23, v1  }
0x261: {  	(v2sf) =	vpush v47, $0xF;
	v50 =	vmul.f32 v62, v61;
	v49 =	vadd.f32 v63, v49;
	_ =	sdelay $0x1  }
0x262: {  	v10 =	vadd.f32 v50, v49;
	_ =	sdelay $0x1  }
0x263: {  	s30 =	simm.s32 $0x10B80;
	[tilespmem:v8+s31+$0x0] =	vst.idx.msk $0xffff, v10  }
0x264: {  	v11 =	vmov s23;
	v48 =	vld.idx.msk [tilespmem:v9+s30+$0x0], $0xffff  }
0x265: {  	v12 =	vmov s3;
	_ =	sdelay $0x2  }
0x266: {  	s13 =	simm.s32 $0x10E00  }
0x267: {  	s3 =	simm.s32 $0x10D80;
	[tilespmem:v11+s13+$0x0] =	vst.idx.msk $0x1, v48  }
0x268: {  	v48 =	vld.idx.msk [tilespmem:v12+s3+$0x0], $0xffff;
	_ =	sdelay $0x2  }
0x269: {  	s3 =	spop (v2sf)  }
0x26a: {  	s5 =	sand.u32 $0x1FFFFF80, s3;
	s30 =	spop (v2sf)  }
0x26b: {  	s7 =	simm.s32 $0x6100;
	s2 =	sadd.s32 s4, s5;
	s13 =	sand.u32 $0x1FFFFF80, s30;
	[tilespmem:v11+s28+$0x0] =	vst.idx.msk $0x1, v48  }
0x26c: {  	[tilespmem:s7], [sflag:$0x4] =	stream.strided.gather [hbm4b:s2+s17], $0x2000, s15, s17, $0x38;
	[tilespmem:$0x10F80] =	vst v63  }
0x26d: {  	s23 =	simm.s32 $0xE100;
	s5 =	sshrl.u32 s3, $0x3;
	s2 =	sadd.s32 s8, s13  }
0x26e: {  	[tilespmem:s23], [sflag:$0x4] =	stream.strided.gather [hbm4b:s2+s17], $0x2000, s15, s17, $0x38;
	[tilespmem:$0x10F80] =	vst v63  }
0x26f: {  	s2 =	sand.u32 $0x1FFFFFF0, s5  }
0x270: {  	s7 =	simm.s32 $0x10B80;
	s13 =	sshrl.u32 s30, $0x3;
	s2 =	sadd.s32 s9, s2  }
0x271: {  	[tilespmem:s7], [sflag:$0x4] =	stream.linear.gather [hbm4b:s2+s16], $0x80, $0x38;
	[tilespmem:$0x10F80] =	vst v63  }
0x272: {  	s2 =	sand.u32 $0x1FFFFFF0, s13  }
0x273: {  	s23 =	simm.s32 $0x10D80;
	s2 =	sadd.s32 s18, s2  }
0x274: {  	[tilespmem:s23], [sflag:$0x4] =	stream.linear.gather [hbm4b:s2+s16], $0x80, $0x38;
	[tilespmem:$0x10F80] =	vst v63  }
0x275: {  	s15 =	rddreg [dreg:$0x11];
	_ =	swait.ge [sflag:s6], $0x2000  }
0x276: {  	[sflag:s6] =	ssyncset.done $0x0  }
0x277: {  	[sflag:s6] =	ssyncadd.s32 $0xFFFFE000  }
0x278: {  	_ =	swait.ge [sflag:s6], $0x2000  }
0x279: {  	[sflag:s6] =	ssyncset.done $0x0  }
0x27a: {  	[sflag:s6] =	ssyncadd.s32 $0xFFFFE000  }
0x27b: {  	s2 =	sand.u32 $0x7F, s24;
	_ =	swait.ge [sflag:s6], $0x80  }
0x27c: {  	s14 =	sand.u32 $0x7F, s14;
	v13 =	vor.u32 s2, v1;
	[sflag:s6] =	ssyncset.done $0x0  }
0x27d: {  	v14 =	vor.u32 s14, v1;
	[sflag:s6] =	ssyncadd.s32 $0xFFFFFF80  }
0x27e: {  	v15 =	vor.u32 s2, v2;
	_ =	swait.ge [sflag:s6], $0x80  }
0x27f: {  	v16 =	vor.u32 s14, v2;
	[sflag:s6] =	ssyncset.done $0x0  }
0x280: {  	v17 =	vor.u32 s2, v3;
	[sflag:s6] =	ssyncadd.s32 $0xFFFFFF80  }
0x281: {  	v57 =	vor.u32 s14, v3;
	s24 =	simm.s32 $0x8100;
	v47 =	vld.idx.msk [tilespmem:v13+s19+$0x0], $0xffff  }
0x282: {  	v58 =	vor.u32 s2, v4;
	v48 =	vld.idx.msk [tilespmem:v14+s24+$0x0], $0xffff  }
0x283: {  	v59 =	vor.u32 s14, v4;
	s7 =	simm.s32 $0x8100;
	v49 =	vld.idx.msk [tilespmem:v15+s19+$0x0], $0xffff  }
0x284: {  	v50 =	vld.idx.msk [tilespmem:v16+s7+$0x0], $0xffff  }
0x285: {  	s13 =	simm.s32 $0x8100;
	v51 =	vld.idx.msk [tilespmem:v17+s19+$0x0], $0xffff  }
0x286: {  	v52 =	vld.idx.msk [tilespmem:v57+s13+$0x0], $0xffff  }
0x287: {  	v60 =	vld.idx.msk [tilespmem:v58+s19+$0x0], $0xffff;
	s19 =	simm.s32 $0x8100;
	v47 =	vmul.f32 v48, v47  }
0x288: {  	v61 =	vld.idx.msk [tilespmem:v59+s19+$0x0], $0xffff  }
0x289: {  	v49 =	vmul.f32 v50, v49;
	v47 =	vadd.f32 $0.0e+00, v47;
	_ =	sdelay $0x1  }
0x28a: {  	s16 =	sadd.s32 $0xFFFFFFFD, s20;
	v62 =	vmul.f32 v52, v51;
	v47 =	vadd.f32 v49, v47  }
0x28b: {  	v63 =	vor.u32 s16, v1  }
0x28c: {  	v8 =	vmov s2;
	v48 =	vmul.f32 v61, v60;
	v47 =	vadd.f32 v62, v47;
	_ =	sdelay $0x1  }
0x28d: {  	v47 =	vadd.f32 v48, v47;
	_ =	sdelay $0x1  }
0x28e: {  	s23 =	simm.s32 $0x10A00;
	[tilespmem:v63+s31+$0x0] =	vst.idx.msk $0xffff, v47  }
0x28f: {  	v9 =	vmov s16;
	v10 =	vld.idx.msk [tilespmem:v8+s23+$0x0], $0xffff  }
0x290: {  	v11 =	vmov s14;
	_ =	sdelay $0x2  }
0x291: {  	s16 =	simm.s32 $0x10E00  }
0x292: {  	s24 =	simm.s32 $0x10C00;
	[tilespmem:v9+s16+$0x0] =	vst.idx.msk $0x1, v10  }
0x293: {  	v48 =	vld.idx.msk [tilespmem:v11+s24+$0x0], $0xffff;
	_ =	sdelay $0x4  }
0x294: {  	[tilespmem:v9+s28+$0x0] =	vst.idx.msk $0x1, v48  }
0x295: {  	_ =	swait.ge [sflag:s10], $0x2000  }
0x296: {  	[sflag:s10] =	ssyncset.done $0x0  }
0x297: {  	[sflag:s10] =	ssyncadd.s32 $0xFFFFE000  }
0x298: {  	_ =	swait.ge [sflag:s10], $0x2000  }
0x299: {  	[sflag:s10] =	ssyncset.done $0x0  }
0x29a: {  	[sflag:s10] =	ssyncadd.s32 $0xFFFFE000  }
0x29b: {  	s0 =	sand.u32 $0x7F, s0;
	_ =	swait.ge [sflag:s10], $0x80  }
0x29c: {  	v12 =	vor.u32 s0, v1;
	s5 =	sand.u32 $0x7F, s25;
	[sflag:s10] =	ssyncset.done $0x0  }
0x29d: {  	v13 =	vor.u32 s5, v1;
	[sflag:s10] =	ssyncadd.s32 $0xFFFFFF80  }
0x29e: {  	v14 =	vor.u32 s0, v2;
	_ =	swait.ge [sflag:s10], $0x80  }
0x29f: {  	v15 =	vor.u32 s5, v2;
	[sflag:s10] =	ssyncset.done $0x0  }
0x2a0: {  	v16 =	vor.u32 s0, v3;
	[sflag:s10] =	ssyncadd.s32 $0xFFFFFF80  }
0x2a1: {  	v17 =	vor.u32 s5, v3;
	v47 =	vld.idx.msk [tilespmem:v12+s26+$0x0], $0xffff  }
0x2a2: {  	v57 =	vor.u32 s0, v4;
	v48 =	vld.idx.msk [tilespmem:v13+s22+$0x0], $0xffff  }
0x2a3: {  	v58 =	vor.u32 s5, v4;
	v49 =	vld.idx.msk [tilespmem:v14+s26+$0x0], $0xffff  }
0x2a4: {  	v50 =	vld.idx.msk [tilespmem:v15+s22+$0x0], $0xffff  }
0x2a5: {  	v51 =	vld.idx.msk [tilespmem:v16+s26+$0x0], $0xffff  }
0x2a6: {  	v52 =	vld.idx.msk [tilespmem:v17+s22+$0x0], $0xffff  }
0x2a7: {  	v59 =	vld.idx.msk [tilespmem:v57+s26+$0x0], $0xffff;
	v47 =	vmul.f32 v48, v47  }
0x2a8: {  	v60 =	vld.idx.msk [tilespmem:v58+s22+$0x0], $0xffff  }
0x2a9: {  	v49 =	vmul.f32 v50, v49;
	v47 =	vadd.f32 $0.0e+00, v47;
	_ =	sdelay $0x1  }
0x2aa: {  	s13 =	sadd.s32 $0xFFFFFFFE, s20;
	v61 =	vmul.f32 v52, v51;
	v47 =	vadd.f32 v49, v47  }
0x2ab: {  	v62 =	vor.u32 s13, v1  }
0x2ac: {  	v63 =	vmov s0;
	v48 =	vmul.f32 v60, v59;
	v47 =	vadd.f32 v61, v47;
	_ =	sdelay $0x1  }
0x2ad: {  	v47 =	vadd.f32 v48, v47  }
0x2ae: {  	s24 =	simm.s32 $0x10100  }
0x2af: {  	s14 =	simm.s32 $0x10A80;
	[tilespmem:v62+s24+$0x0] =	vst.idx.msk $0xffff, v47  }
0x2b0: {  	v8 =	vmov s13;
	v9 =	vld.idx.msk [tilespmem:v63+s14+$0x0], $0xffff  }
0x2b1: {  	v10 =	vmov s5;
	_ =	sdelay $0x3  }
0x2b2: {  	s7 =	simm.s32 $0x10C80;
	[tilespmem:v8+s16+$0x0] =	vst.idx.msk $0x1, v9  }
0x2b3: {  	v48 =	vld.idx.msk [tilespmem:v10+s7+$0x0], $0xffff;
	_ =	sdelay $0x3  }
0x2b4: {  	s7 =	simm.s32 $0x10E80  }
0x2b5: {  	[tilespmem:v8+s7+$0x0] =	vst.idx.msk $0x1, v48  }
0x2b6: {  	_ =	swait.ge [sflag:s11], $0x2000  }
0x2b7: {  	[sflag:s11] =	ssyncset.done $0x0  }
0x2b8: {  	[sflag:s11] =	ssyncadd.s32 $0xFFFFE000  }
0x2b9: {  	_ =	swait.ge [sflag:s11], $0x2000  }
0x2ba: {  	[sflag:s11] =	ssyncset.done $0x0  }
0x2bb: {  	[sflag:s11] =	ssyncadd.s32 $0xFFFFE000  }
0x2bc: {  	s16 =	sand.u32 $0x7F, s1;
	_ =	swait.ge [sflag:s11], $0x80  }
0x2bd: {  	s28 =	sand.u32 $0x7F, s29;
	v11 =	vor.u32 s16, v1;
	[sflag:s11] =	ssyncset.done $0x0  }
0x2be: {  	v12 =	vor.u32 s28, v1;
	[sflag:s11] =	ssyncadd.s32 $0xFFFFFF80  }
0x2bf: {  	v13 =	vor.u32 s16, v2;
	_ =	swait.ge [sflag:s11], $0x80  }
0x2c0: {  	v14 =	vor.u32 s28, v2;
	[sflag:s11] =	ssyncset.done $0x0  }
0x2c1: {  	s5 =	simm.s32 $0x4100;
	v15 =	vor.u32 s16, v3;
	[sflag:s11] =	ssyncadd.s32 $0xFFFFFF80  }
0x2c2: {  	v16 =	vor.u32 s28, v3;
	v47 =	vld.idx.msk [tilespmem:v11+s5+$0x0], $0xffff  }
0x2c3: {  	v17 =	vor.u32 s16, v4;
	v48 =	vld.idx.msk [tilespmem:v12+s21+$0x0], $0xffff  }
0x2c4: {  	v57 =	vor.u32 s28, v4;
	v49 =	vld.idx.msk [tilespmem:v13+s5+$0x0], $0xffff  }
0x2c5: {  	v50 =	vld.idx.msk [tilespmem:v14+s21+$0x0], $0xffff  }
0x2c6: {  	v51 =	vld.idx.msk [tilespmem:v15+s5+$0x0], $0xffff  }
0x2c7: {  	v52 =	vld.idx.msk [tilespmem:v16+s21+$0x0], $0xffff  }
0x2c8: {  	v58 =	vld.idx.msk [tilespmem:v17+s5+$0x0], $0xffff;
	v47 =	vmul.f32 v48, v47  }
0x2c9: {  	v59 =	vld.idx.msk [tilespmem:v57+s21+$0x0], $0xffff  }
0x2ca: {  	v49 =	vmul.f32 v50, v49;
	v47 =	vadd.f32 $0.0e+00, v47;
	_ =	sdelay $0x1  }
0x2cb: {  	s29 =	sadd.s32 $0xFFFFFFFF, s20;
	v60 =	vmul.f32 v52, v51;
	v47 =	vadd.f32 v49, v47  }
0x2cc: {  	v61 =	vor.u32 s29, v1  }
0x2cd: {  	v62 =	vmov s16;
	v48 =	vmul.f32 v59, v58;
	v47 =	vadd.f32 v60, v47;
	_ =	sdelay $0x1  }
0x2ce: {  	v47 =	vadd.f32 v48, v47;
	_ =	sdelay $0x1  }
0x2cf: {  	s25 =	smov.u32 s9;
	s9 =	simm.s32 $0x10B00;
	[tilespmem:v61+s24+$0x0] =	vst.idx.msk $0xffff, v47  }
0x2d0: {  	v63 =	vmov s29;
	v8 =	vld.idx.msk [tilespmem:v62+s9+$0x0], $0xffff  }
0x2d1: {  	v9 =	vmov s28;
	_ =	sdelay $0x2  }
0x2d2: {  	s14 =	simm.s32 $0x10E00  }
0x2d3: {  	s24 =	simm.s32 $0x10D00;
	[tilespmem:v63+s14+$0x0] =	vst.idx.msk $0x1, v8  }
0x2d4: {  	v48 =	vld.idx.msk [tilespmem:v9+s24+$0x0], $0xffff;
	_ =	sdelay $0x4  }
0x2d5: {  	[tilespmem:v63+s7+$0x0] =	vst.idx.msk $0x1, v48  }
0x2d6: {  	_ =	swait.ge [sflag:s12], $0x2000  }
0x2d7: {  	[sflag:s12] =	ssyncset.done $0x0  }
0x2d8: {  	[sflag:s12] =	ssyncadd.s32 $0xFFFFE000  }
0x2d9: {  	_ =	swait.ge [sflag:s12], $0x2000  }
0x2da: {  	[sflag:s12] =	ssyncset.done $0x0  }
0x2db: {  	[sflag:s12] =	ssyncadd.s32 $0xFFFFE000  }
0x2dc: {  	s0 =	sand.u32 $0x7F, s3;
	_ =	swait.ge [sflag:s12], $0x80  }
0x2dd: {  	s1 =	sand.u32 $0x7F, s30;
	v10 =	vor.u32 s0, v1;
	[sflag:s12] =	ssyncset.done $0x0  }
0x2de: {  	v11 =	vor.u32 s1, v1;
	[sflag:s12] =	ssyncadd.s32 $0xFFFFFF80  }
0x2df: {  	v12 =	vor.u32 s0, v2;
	_ =	swait.ge [sflag:s12], $0x80  }
0x2e0: {  	v13 =	vor.u32 s1, v2;
	[sflag:s12] =	ssyncset.done $0x0  }
0x2e1: {  	v14 =	vor.u32 s0, v3;
	s9 =	simm.s32 $0x6100;
	[sflag:s12] =	ssyncadd.s32 $0xFFFFFF80  }
0x2e2: {  	s28 =	simm.s32 $0xE100;
	v15 =	vor.u32 s1, v3;
	v47 =	vld.idx.msk [tilespmem:v10+s9+$0x0], $0xffff  }
0x2e3: {  	v16 =	vor.u32 s0, v4;
	v48 =	vld.idx.msk [tilespmem:v11+s28+$0x0], $0xffff  }
0x2e4: {  	s29 =	simm.s32 $0xE100;
	v17 =	vor.u32 s1, v4;
	v49 =	vld.idx.msk [tilespmem:v12+s9+$0x0], $0xffff  }
0x2e5: {  	v50 =	vld.idx.msk [tilespmem:v13+s29+$0x0], $0xffff  }
0x2e6: {  	s30 =	simm.s32 $0xE100;
	v51 =	vld.idx.msk [tilespmem:v14+s9+$0x0], $0xffff  }
0x2e7: {  	v52 =	vld.idx.msk [tilespmem:v15+s30+$0x0], $0xffff  }
0x2e8: {  	v56 =	vld.idx.msk [tilespmem:v16+s9+$0x0], $0xffff;
	s28 =	simm.s32 $0xE100;
	v47 =	vmul.f32 v48, v47  }
0x2e9: {  	v57 =	vld.idx.msk [tilespmem:v17+s28+$0x0], $0xffff  }
0x2ea: {  	v49 =	vmul.f32 v50, v49;
	v47 =	vadd.f32 $0.0e+00, v47;
	_ =	sdelay $0x1  }
0x2eb: {  	v58 =	vmul.f32 v52, v51;
	v47 =	vadd.f32 v49, v47  }
0x2ec: {  	v59 =	vor.u32 s20, v1  }
0x2ed: {  	v60 =	vmov s0;
	v48 =	vmul.f32 v57, v56;
	v47 =	vadd.f32 v58, v47;
	_ =	sdelay $0x1  }
0x2ee: {  	v47 =	vadd.f32 v48, v47  }
0x2ef: {  	s16 =	simm.s32 $0x10100  }
0x2f0: {  	s24 =	simm.s32 $0x10B80;
	[tilespmem:v59+s16+$0x0] =	vst.idx.msk $0xffff, v47  }
0x2f1: {  	v61 =	vmov s20;
	v62 =	vld.idx.msk [tilespmem:v60+s24+$0x0], $0xffff  }
0x2f2: {  	v63 =	vmov s1;
	_ =	sdelay $0x3  }
0x2f3: {  	s29 =	simm.s32 $0x10D80;
	[tilespmem:v61+s14+$0x0] =	vst.idx.msk $0x1, v62  }
0x2f4: {  	p0 =	sne.s32 s20, $0x7F;
	v48 =	vld.idx.msk [tilespmem:v63+s29+$0x0], $0xffff  }
.Ltmp0:
0x2f5: {  	_ = 	snop;
	(pc) =	sbr.rel @p0 .LBB2_2-.Ltmp0, $4  }
0x2f6: {  	s17 =	simm.s32 $0x7A1400;
	s15 =	sadd.s32 $0x10, s15  }
0x2f7: {  	s2 =	smov.u32 s8;
	s8 =	simm.s32 $0x100;
	s31 =	simm.s32 $0x10C00  }
0x2f8: {  	s13 =	simm.s32 $0x10A80;
	s7 =	simm.s32 $0x10E80;
	s30 =	rddreg [dreg:$0x12]  }
0x2f9: {  	s20 =	sadd.s32 $0x10, s20;
	s9 =	simm.s32 $0x400;
	s0 =	sadd.s32 $0x10, s30;
	[tilespmem:v61+s7+$0x0] =	vst.idx.msk $0x1, v48  }
0x2fa: {  	v5 =	vld [tilespmem:$0x1FF00];
	_ =	sdelay $0x6  }
0x2fb: {  	s3 =	simm.s32 $0x10100  }
0x2fc: {  	v49 =	vld.idx.msk [tilespmem:v5+s3+$0x0], $0xffff  }
0x2fd: {  	v5 =	vld [tilespmem:$0x1FF10];
	_ =	sdelay $0x7  }
0x2fe: {  	v50 =	vld.idx.msk [tilespmem:v5+s3+$0x0], $0xffff  }
0x2ff: {  	v5 =	vld [tilespmem:$0x1FF20];
	_ =	sdelay $0x7  }
0x300: {  	v52 =	vld.idx.msk [tilespmem:v5+s3+$0x0], $0xffff  }
0x301: {  	v5 =	vld [tilespmem:$0x1FF30];
	_ =	sdelay $0x7  }
0x302: {  	v57 =	vld.idx.msk [tilespmem:v5+s3+$0x0], $0xffff  }
0x303: {  	v5 =	vld [tilespmem:$0x1FF40];
	_ =	sdelay $0x7  }
0x304: {  	v59 =	vld.idx.msk [tilespmem:v5+s3+$0x0], $0xffff  }
0x305: {  	v5 =	vld [tilespmem:$0x1FF50];
	_ =	sdelay $0x7  }
0x306: {  	v60 =	vld.idx.msk [tilespmem:v5+s3+$0x0], $0xffff  }
0x307: {  	v5 =	vld [tilespmem:$0x1FF60];
	_ =	sdelay $0x7  }
0x308: {  	v61 =	vld.idx.msk [tilespmem:v5+s3+$0x0], $0xffff  }
0x309: {  	v5 =	vld [tilespmem:$0x1FF70];
	_ =	sdelay $0x7  }
0x30a: {  	v62 =	vld.idx.msk [tilespmem:v5+s3+$0x0], $0xffff  }
0x30b: {  	v5 =	vld [tilespmem:$0x1FF80];
	_ =	sdelay $0x7  }
0x30c: {  	v63 =	vld.idx.msk [tilespmem:v5+s3+$0x0], $0xffff  }
0x30d: {  	v5 =	vld [tilespmem:$0x1FF90];
	_ =	sdelay $0x7  }
0x30e: {  	v8 =	vld.idx.msk [tilespmem:v5+s3+$0x0], $0xffff  }
0x30f: {  	v5 =	vld [tilespmem:$0x1FFA0];
	_ =	sdelay $0x7  }
0x310: {  	v9 =	vld.idx.msk [tilespmem:v5+s3+$0x0], $0xffff  }
0x311: {  	v5 =	vld [tilespmem:$0x1FFB0];
	_ =	sdelay $0x7  }
0x312: {  	v54 =	vld.idx.msk [tilespmem:v5+s3+$0x0], $0xffff  }
0x313: {  	v5 =	vld [tilespmem:$0x1FFC0];
	_ =	sdelay $0x2  }
0x314: {  	v47 =	vld [tilespmem:$0x10900]  }
0x315: {  	v48 =	vld.idx.msk [tilespmem:v0+s3+$0x0], $0xffff;
	_ =	sdelay $0x3  }
0x316: {  	v51 =	vand.u32 $0x7FFFFF, v47;
	v10 =	vld.idx.msk [tilespmem:v5+s3+$0x0], $0xffff  }
0x317: {  	v48 =	vadd.f32 $0.0e+00, v48;
	v51 =	vor.u32 $0x3F800000, v51;
	v5 =	vld [tilespmem:$0x1FFD0]  }
0x318: {  	v53 =	vmul.f32 $5.000000000e-01, v51  }
0x319: {  	vm0 =	vgt.f32 v51, $1.414213540e+00;
	v48 =	vadd.f32 v49, v48  }
0x31a: {  	v51 =	vsel vm0, v53, v51  }
0x31b: {  	v58 =	vadd.f32 $1.000000000e+00, v51;
	v48 =	vadd.f32 v50, v48;
	_ =	sdelay $0x1  }
0x31c: {  	(erf) = vrcp.f32 v58;
	v48 =	vadd.f32 v52, v48;
	_ =	sdelay $0x1  }
0x31d: {  	v48 =	vadd.f32 v57, v48;
	v57 =	vld.idx.msk [tilespmem:v5+s3+$0x0], $0xffff  }
0x31e: {  	v5 =	vld [tilespmem:$0x1FFF0];
	_ =	sdelay $0x4  }
0x31f: {  	v51 =	vadd.f32 $-1.000000000e+00, v51  }
0x320: {  	v55 =	vpop (erf);
	v48 =	vadd.f32 v59, v48  }
0x321: {  	v56 =	vld [tilespmem:$0x10910];
	v51 =	vmul.f32 v55, v51  }
0x322: {  	v48 =	vadd.f32 v60, v48;
	v58 =	vld.idx.msk [tilespmem:v5+s3+$0x0], $0xffff  }
0x323: {  	v12 =	vmul.f32 v51, v51;
	v5 =	vld [tilespmem:$0x1FFE0]  }
0x324: {  	v11 =	vld.idx.msk [tilespmem:v21+s3+$0x0], $0xffff;
	v48 =	vadd.f32 v61, v48  }
0x325: {  	v13 =	vmul.f32 $1.428571490e-01, v12  }
0x326: {  	v48 =	vadd.f32 v62, v48  }
0x327: {  	v15 =	vld.idx.msk [tilespmem:v23+s3+$0x0], $0xffff;
	v14 =	vadd.f32 $2.000000030e-01, v13;
	v61 =	vand.u32 $0x7FFFFF, v56  }
0x328: {  	v16 =	vld.idx.msk [tilespmem:v24+s3+$0x0], $0xffff;
	v61 =	vor.u32 $0x3F800000, v61;
	v48 =	vadd.f32 v63, v48  }
0x329: {  	v55 =	vadd.f32 $0.0e+00, v11;
	v11 =	vld.idx.msk [tilespmem:v28+s3+$0x0], $0xffff;
	v49 =	vmul.f32 v14, v12;
	v17 =	vmul.f32 $5.000000000e-01, v61  }
0x32a: {  	v13 =	vld.idx.msk [tilespmem:v29+s3+$0x0], $0xffff;
	vm1 =	vgt.f32 v61, $1.414213540e+00;
	v48 =	vadd.f32 v8, v48  }
0x32b: {  	v49 =	vadd.f32 $3.333333430e-01, v49;
	v61 =	vsel vm1, v17, v61;
	v55 =	vadd.f32 v58, v55;
	v59 =	vld.idx.msk [tilespmem:v5+s3+$0x0], $0xffff  }
0x32c: {  	v48 =	vadd.f32 v9, v48;
	v58 =	vadd.f32 $1.000000000e+00, v61;
	v5 =	vld.idx.msk [tilespmem:v25+s3+$0x0], $0xffff  }
0x32d: {  	v49 =	vmul.f32 v49, v12;
	v12 =	vld.idx.msk [tilespmem:v37+s3+$0x0], $0xffff;
	v53 =	vadd.f32 v15, v55  }
0x32e: {  	v47 =	vshrl.u32 v47, $0x17;
	v8 =	vld.idx.msk [tilespmem:v26+s3+$0x0], $0xffff;
	v48 =	vadd.f32 v54, v48;
	(erf) = vrcp.f32 v58  }
0x32f: {  	v51 =	vadd.f32 v51, v51;
	v63 =	vsel vm0, $0x1, v20;
	v54 =	vld [tilespmem:$0x10920];
	v9 =	vadd.f32 v16, v53  }
0x330: {  	v49 =	vadd.f32 $1.000000000e+00, v49;
	v47 =	vadd.s32 v63, v47;
	v48 =	vadd.f32 v10, v48;
	v10 =	vld.idx.msk [tilespmem:v27+s3+$0x0], $0xffff  }
0x331: {  	v14 =	vld.idx.msk [tilespmem:v38+s3+$0x0], $0xffff;
	v47 =	vadd.s32 $0xFFFFFF81, v47;
	v5 =	vadd.f32 v5, v9  }
0x332: {  	v49 =	vmul.f32 v49, v51;
	v51 =	vadd.f32 $0.0e+00, v12;
	v12 =	vld.idx.msk [tilespmem:v40+s3+$0x0], $0xffff;
	v47 =	vcvt.s32.f32 v47  }
0x333: {  	v60 =	vld [tilespmem:$0x10980];
	v5 =	vadd.f32 v8, v5  }
0x334: {  	s1 =	simm.s32 $0x10E00;
	v17 =	vld.idx.msk [tilespmem:v39+s3+$0x0], $0xffff;
	v47 =	vmul.f32 $6.931471820e-01, v47;
	v16 =	vand.u32 $0x7FFFFF, v54  }
0x335: {  	v62 =	vld.idx.msk [tilespmem:v0+s1+$0x0], $0xffff;
	v48 =	vadd.f32 v57, v48;
	v57 =	vor.u32 $0x3F800000, v16;
	v5 =	vadd.f32 v10, v5  }
0x336: {  	s0 =	simm.s32 $0x10E80;
	v47 =	vadd.f32 v49, v47;
	v15 =	vld.idx.msk [tilespmem:v30+s3+$0x0], $0xffff;
	v55 =	vadd.f32 $-1.000000000e+00, v61;
	v10 =	vmul.f32 $5.000000000e-01, v57  }
0x337: {  	v63 =	vld.idx.msk [tilespmem:v0+s0+$0x0], $0xffff;
	v49 =	vadd.f32 v14, v51;
	vm10 =	vgt.f32 v57, $1.414213540e+00;
	v6 =	vpop (erf);
	v5 =	vadd.f32 v11, v5  }
0x338: {  	v48 =	vadd.f32 v59, v48;
	v9 =	vld.idx.msk [tilespmem:v31+s3+$0x0], $0xffff;
	v6 =	vmul.f32 v6, v55;
	v51 =	vsel vm10, v10, v57  }
0x339: {  	v14 =	vld.idx.msk [tilespmem:v41+s3+$0x0], $0xffff;
	v57 =	vadd.f32 $1.000000000e+00, v51;
	v5 =	vadd.f32 v13, v5  }
0x33a: {  	v47 =	vsub.f32 v48, v47;
	v48 =	vadd.f32 v17, v49;
	v49 =	vmul.f32 v6, v6  }
0x33b: {  	v16 =	vld.idx.msk [tilespmem:v42+s3+$0x0], $0xffff;
	(erf) = vrcp.f32 v57;
	v5 =	vadd.f32 v15, v5  }
0x33c: {  	v58 =	vadd.f32 $0.0e+00, v60;
	v48 =	vadd.f32 v12, v48;
	v13 =	vld.idx.msk [tilespmem:v32+s3+$0x0], $0xffff;
	v8 =	vmul.f32 $1.428571490e-01, v49  }
0x33d: {  	v59 =	vadd.f32 v63, v62;
	v11 =	vmul.f32 v47, v60;
	v5 =	vadd.f32 v9, v5;
	v9 =	vld.idx.msk [tilespmem:v43+s3+$0x0], $0xffff  }
0x33e: {  	v48 =	vadd.f32 v14, v48;
	v15 =	vld.idx.msk [tilespmem:v33+s3+$0x0], $0xffff;
	v10 =	vadd.f32 $2.000000030e-01, v8  }
0x33f: {  	v12 =	vor.u32 $0x520, v0;
	v47 =	vmul.f32 v11, v47;
	v55 =	vadd.f32 $0.0e+00, v11;
	v11 =	vld.idx.msk [tilespmem:v44+s3+$0x0], $0xffff  }
0x340: {  	v17 =	vld.idx.msk [tilespmem:v34+s3+$0x0], $0xffff;
	v6 =	vadd.f32 v6, v6;
	v48 =	vadd.f32 v16, v48;
	v50 =	vmul.f32 v10, v49  }
0x341: {  	v51 =	vadd.f32 $-1.000000000e+00, v51;
	v5 =	vadd.f32 v13, v5;
	v13 =	vld.idx.msk [tilespmem:v45+s3+$0x0], $0xffff  }
0x342: {  	v14 =	vor.u32 $0x5A0, v0;
	v50 =	vadd.f32 $3.333333430e-01, v50;
	v48 =	vadd.f32 v9, v48  }
0x343: {  	v56 =	vshrl.u32 v56, $0x17;
	v47 =	vadd.f32 $0.0e+00, v47;
	v5 =	vadd.f32 v15, v5;
	v15 =	vld.idx.msk [tilespmem:v46+s3+$0x0], $0xffff  }
0x344: {  	v16 =	vld.idx.msk [tilespmem:v35+s3+$0x0], $0xffff;
	v49 =	vmul.f32 v50, v49;
	v9 =	vor.u32 $0x620, v0;
	v7 =	vpop (erf);
	v48 =	vadd.f32 v11, v48  }
0x345: {  	v10 =	vld.idx.msk [tilespmem:v12+s3+$0x0], $0xffff;
	v5 =	vadd.f32 v17, v5;
	v17 =	vsel vm1, $0x1, v20;
	v7 =	vmul.f32 v7, v51  }
0x346: {  	v56 =	vadd.s32 v17, v56;
	v11 =	vld.idx.msk [tilespmem:v36+s3+$0x0], $0xffff;
	v48 =	vadd.f32 v13, v48;
	v13 =	vor.u32 $0x6A0, v0  }
0x347: {  	v52 =	vld.idx.msk [tilespmem:v14+s3+$0x0], $0xffff;
	v14 =	vor.u32 $0x720, v0;
	v12 =	vadd.s32 $0xFFFFFF81, v56;
	v60 =	vmul.f32 v7, v7  }
0x348: {  	v49 =	vadd.f32 $1.000000000e+00, v49;
	v53 =	vcvt.s32.f32 v12;
	v61 =	vadd.f32 v15, v48  }
0x349: {  	v5 =	vadd.f32 v16, v5;
	v57 =	vld.idx.msk [tilespmem:v9+s3+$0x0], $0xffff;
	v15 =	vmul.f32 $1.428571490e-01, v60;
	v48 =	vor.u32 $0x30, v0  }
0x34a: {  	v6 =	vmul.f32 v49, v6;
	v49 =	vld [tilespmem:$0x10990];
	v53 =	vmul.f32 $6.931471820e-01, v53;
	v50 =	vadd.f32 v10, v61  }
0x34b: {  	v17 =	vor.u32 $0xB0, v0;
	v5 =	vadd.f32 v11, v5;
	v16 =	vadd.f32 $2.000000030e-01, v15;
	v51 =	vld.idx.msk [tilespmem:v13+s3+$0x0], $0xffff  }
0x34c: {  	v12 =	vor.u32 $0x7A0, v0;
	v6 =	vadd.f32 v6, v53;
	v50 =	vadd.f32 v52, v50  }
0x34d: {  	v8 =	vor.u32 $0x1B0, v0;
	v62 =	vld.idx.msk [tilespmem:v14+s3+$0x0], $0xffff;
	v14 =	vshrl.u32 v54, $0x17;
	v56 =	vmul.f32 v16, v60  }
0x34e: {  	v13 =	vor.u32 $0x130, v0;
	v5 =	vsub.f32 v5, v6;
	v15 =	vld.idx.msk [tilespmem:v48+s3+$0x0], $0xffff;
	v6 =	vadd.f32 v57, v50  }
0x34f: {  	v7 =	vadd.f32 v7, v7;
	v9 =	vld [tilespmem:$0x10930];
	v16 =	vsel vm10, $0x1, v20;
	v56 =	vadd.f32 $3.333333430e-01, v56  }
0x350: {  	v17 =	vld.idx.msk [tilespmem:v17+s3+$0x0], $0xffff;
	v10 =	vmul.f32 v5, v49;
	v50 =	vadd.s32 v16, v14;
	v6 =	vadd.f32 v51, v6  }
0x351: {  	v52 =	vld.idx.msk [tilespmem:v12+s3+$0x0], $0xffff;
	v12 =	vor.u32 $0x230, v0;
	v50 =	vadd.s32 $0xFFFFFF81, v50;
	v56 =	vmul.f32 v56, v60  }
0x352: {  	v8 =	vld.idx.msk [tilespmem:v8+s3+$0x0], $0xffff;
	v5 =	vmul.f32 v10, v5;
	v50 =	vcvt.s32.f32 v50;
	v6 =	vadd.f32 v62, v6  }
0x353: {  	v14 =	vor.u32 $0x2B0, v0;
	v13 =	vld.idx.msk [tilespmem:v13+s3+$0x0], $0xffff;
	v56 =	vadd.f32 $1.000000000e+00, v56;
	v54 =	vadd.f32 $0.0e+00, v15  }
0x354: {  	v11 =	vld.idx.msk [tilespmem:v21+s0+$0x0], $0xffff;
	v50 =	vmul.f32 $6.931471820e-01, v50;
	v15 =	vand.u32 $0x7FFFFF, v9;
	v5 =	vadd.f32 v5, v47  }
0x355: {  	v61 =	vld.idx.msk [tilespmem:v21+s1+$0x0], $0xffff;
	v63 =	vor.u32 $0x3F800000, v15;
	v51 =	vadd.f32 v17, v54;
	v54 =	vor.u32 $0x330, v0  }
0x356: {  	v57 =	vld [tilespmem:$0x109A0];
	v6 =	vadd.f32 v52, v6;
	v7 =	vmul.f32 v56, v7;
	v16 =	vmul.f32 $5.000000000e-01, v63  }
0x357: {  	v52 =	vld.idx.msk [tilespmem:v12+s3+$0x0], $0xffff;
	v17 =	vor.u32 $0x3B0, v0;
	vm11 =	vgt.f32 v63, $1.414213540e+00;
	v12 =	vor.u32 $0x430, v0  }
0x358: {  	v47 =	vld.idx.msk [tilespmem:v37+s0+$0x0], $0xffff;
	v51 =	vadd.f32 v13, v51;
	v7 =	vadd.f32 v7, v50;
	v56 =	vsel vm11, v16, v63  }
0x359: {  	v53 =	vadd.f32 $0.0e+00, v59;
	v62 =	vld.idx.msk [tilespmem:v14+s3+$0x0], $0xffff;
	v16 =	vor.u32 $0x4B0, v0;
	v13 =	vadd.f32 $1.000000000e+00, v56  }
0x35a: {  	v63 =	vld.idx.msk [tilespmem:v37+s1+$0x0], $0xffff;
	v50 =	vor.u32 $0x40, v0;
	v8 =	vadd.f32 v8, v51;
	v6 =	vsub.f32 v6, v7  }
0x35b: {  	v11 =	vadd.f32 v11, v61;
	v7 =	vld.idx.msk [tilespmem:v54+s3+$0x0], $0xffff;
	(erf) = vrcp.f32 v13;
	v13 =	vor.u32 $0xC0, v0  }
0x35c: {  	v49 =	vadd.f32 v49, v58;
	v54 =	vld.idx.msk [tilespmem:v17+s3+$0x0], $0xffff;
	v8 =	vadd.f32 v52, v8;
	v52 =	vmul.f32 v6, v57  }
0x35d: {  	v61 =	vor.u32 $0x730, v0;
	v15 =	vmul.f32 v11, v11;
	v17 =	vmul.f32 v59, v59;
	v12 =	vld.idx.msk [tilespmem:v12+s3+$0x0], $0xffff  }
0x35e: {  	v10 =	vadd.f32 v10, v55;
	v60 =	vor.u32 $0x140, v0;
	v59 =	vld.idx.msk [tilespmem:v16+s3+$0x0], $0xffff;
	v6 =	vmul.f32 v52, v6  }
0x35f: {  	v16 =	vld.idx.msk [tilespmem:v50+s3+$0x0], $0xffff;
	v55 =	vadd.f32 v15, v17;
	v17 =	vor.u32 $0x5B0, v0;
	v8 =	vadd.f32 v62, v8  }
0x360: {  	v11 =	vadd.f32 v11, v53;
	v53 =	vadd.f32 v6, v5;
	v5 =	vld.idx.msk [tilespmem:v13+s3+$0x0], $0xffff;
	v6 =	vor.u32 $0x1C0, v0  }
0x361: {  	v9 =	vshrl.u32 v9, $0x17;
	v7 =	vadd.f32 v7, v8;
	v8 =	vor.u32 $0x530, v0;
	v13 =	vld [tilespmem:$0x10940]  }
0x362: {  	v51 =	vadd.f32 v57, v49;
	v49 =	vadd.f32 v47, v63;
	v47 =	vor.u32 $0x240, v0  }
0x363: {  	v14 =	vor.u32 $0x7B0, v0;
	v56 =	vadd.f32 $-1.000000000e+00, v56;
	v57 =	vld.idx.msk [tilespmem:v60+s3+$0x0], $0xffff;
	v7 =	vadd.f32 v54, v7  }
0x364: {  	v60 =	vor.u32 $0x2C0, v0;
	v52 =	vadd.f32 v52, v10;
	v16 =	vadd.f32 $0.0e+00, v16;
	v10 =	vld.idx.msk [tilespmem:v17+s3+$0x0], $0xffff;
	v15 =	vpop (erf)  }
0x365: {  	v54 =	vadd.f32 v49, v11;
	v7 =	vadd.f32 v12, v7;
	v11 =	vmul.f32 v15, v56;
	v6 =	vld.idx.msk [tilespmem:v6+s3+$0x0], $0xffff  }
0x366: {  	v8 =	vld.idx.msk [tilespmem:v8+s3+$0x0], $0xffff;
	v5 =	vadd.f32 v5, v16;
	v56 =	vor.u32 $0x340, v0;
	v17 =	vand.u32 $0x7FFFFF, v13  }
0x367: {  	v47 =	vld.idx.msk [tilespmem:v47+s3+$0x0], $0xffff;
	v12 =	vor.u32 $0x630, v0;
	v7 =	vadd.f32 v59, v7;
	v58 =	vor.u32 $0x3F800000, v17  }
0x368: {  	v5 =	vadd.f32 v57, v5;
	v57 =	vor.u32 $0x3C0, v0;
	v63 =	vmul.f32 $5.000000000e-01, v58  }
0x369: {  	v60 =	vld.idx.msk [tilespmem:v60+s3+$0x0], $0xffff;
	v59 =	vor.u32 $0x6B0, v0;
	v62 =	vmul.f32 v11, v11;
	vm12 =	vgt.f32 v58, $1.414213540e+00  }
0x36a: {  	v61 =	vld.idx.msk [tilespmem:v61+s3+$0x0], $0xffff;
	v58 =	vsel vm12, v63, v58;
	v5 =	vadd.f32 v6, v5;
	v6 =	vor.u32 $0x440, v0  }
0x36b: {  	v15 =	vmul.f32 $1.428571490e-01, v62;
	v7 =	vadd.f32 v8, v7;
	v8 =	vld.idx.msk [tilespmem:v56+s3+$0x0], $0xffff;
	v56 =	vadd.f32 $1.000000000e+00, v58  }
0x36c: {  	v16 =	vor.u32 $0x4C0, v0;
	v17 =	vor.u32 $0x540, v0;
	v12 =	vld.idx.msk [tilespmem:v12+s3+$0x0], $0xffff;
	v5 =	vadd.f32 v47, v5  }
0x36d: {  	v11 =	vadd.f32 v11, v11;
	v15 =	vadd.f32 $2.000000030e-01, v15;
	v57 =	vld.idx.msk [tilespmem:v57+s3+$0x0], $0xffff;
	(erf) = vrcp.f32 v56  }
0x36e: {  	v63 =	vsel vm11, $0x1, v20;
	v59 =	vld.idx.msk [tilespmem:v59+s3+$0x0], $0xffff;
	v47 =	vor.u32 $0x50, v0;
	v5 =	vadd.f32 v60, v5  }
0x36f: {  	v7 =	vadd.f32 v10, v7;
	v10 =	vor.u32 $0x5C0, v0;
	v15 =	vmul.f32 v15, v62;
	v6 =	vld.idx.msk [tilespmem:v6+s3+$0x0], $0xffff  }
0x370: {  	v14 =	vld.idx.msk [tilespmem:v14+s3+$0x0], $0xffff;
	v9 =	vadd.s32 v63, v9;
	v5 =	vadd.f32 v8, v5;
	v8 =	vor.u32 $0xD0, v0  }
0x371: {  	v7 =	vadd.f32 v12, v7;
	v12 =	vld.idx.msk [tilespmem:v16+s3+$0x0], $0xffff;
	v16 =	vor.u32 $0x640, v0;
	v15 =	vadd.f32 $3.333333430e-01, v15  }
0x372: {  	v9 =	vadd.s32 $0xFFFFFF81, v9;
	v17 =	vld.idx.msk [tilespmem:v17+s3+$0x0], $0xffff;
	v5 =	vadd.f32 v57, v5;
	v57 =	vor.u32 $0x150, v0  }
0x373: {  	v7 =	vadd.f32 v59, v7;
	v59 =	vor.u32 $0x6C0, v0;
	v15 =	vmul.f32 v15, v62;
	v60 =	vld.idx.msk [tilespmem:v47+s3+$0x0], $0xffff  }
0x374: {  	v9 =	vcvt.s32.f32 v9;
	v5 =	vadd.f32 v6, v5;
	v6 =	vld.idx.msk [tilespmem:v10+s3+$0x0], $0xffff;
	v10 =	vor.u32 $0x1D0, v0  }
0x375: {  	v58 =	vadd.f32 $-1.000000000e+00, v58;
	v62 =	vor.u32 $0x740, v0;
	v15 =	vadd.f32 $1.000000000e+00, v15;
	v8 =	vld.idx.msk [tilespmem:v8+s3+$0x0], $0xffff  }
0x376: {  	v63 =	vor.u32 $0x250, v0;
	v9 =	vmul.f32 $6.931471820e-01, v9;
	v5 =	vadd.f32 v12, v5;
	v12 =	vld.idx.msk [tilespmem:v16+s3+$0x0], $0xffff;
	v16 =	vpop (erf)  }
0x377: {  	v7 =	vadd.f32 v61, v7;
	v11 =	vmul.f32 v15, v11;
	v15 =	vmul.f32 v16, v58;
	v16 =	vld.idx.msk [tilespmem:v57+s3+$0x0], $0xffff  }
0x378: {  	v61 =	vadd.f32 $0.0e+00, v60;
	v58 =	vor.u32 $0x2D0, v0;
	v5 =	vadd.f32 v17, v5;
	v17 =	vld.idx.msk [tilespmem:v59+s3+$0x0], $0xffff  }
0x379: {  	v7 =	vadd.f32 v14, v7;
	v9 =	vadd.f32 v11, v9;
	v11 =	vmul.f32 v15, v15;
	v10 =	vld.idx.msk [tilespmem:v10+s3+$0x0], $0xffff  }
0x37a: {  	v14 =	vor.u32 $0x350, v0;
	v5 =	vadd.f32 v6, v5;
	v6 =	vld.idx.msk [tilespmem:v62+s3+$0x0], $0xffff;
	v8 =	vadd.f32 v8, v61  }
0x37b: {  	v49 =	vmul.f32 v49, v49;
	v7 =	vsub.f32 v7, v9;
	v61 =	vld.idx.msk [tilespmem:v63+s3+$0x0], $0xffff;
	v60 =	vmul.f32 $1.428571490e-01, v11  }
0x37c: {  	v56 =	vld [tilespmem:$0x109B0];
	v62 =	vor.u32 $0x3D0, v0;
	v5 =	vadd.f32 v12, v5;
	v8 =	vadd.f32 v16, v8  }
0x37d: {  	v16 =	vadd.f32 v49, v55;
	v49 =	vld.idx.msk [tilespmem:v58+s3+$0x0], $0xffff;
	v9 =	vadd.f32 $2.000000030e-01, v60  }
0x37e: {  	v57 =	vld [tilespmem:$0x10950];
	v5 =	vadd.f32 v17, v5;
	v8 =	vadd.f32 v10, v8;
	v10 =	vor.u32 $0x450, v0  }
0x37f: {  	v13 =	vshrl.u32 v13, $0x17;
	v59 =	vsel vm12, $0x1, v20;
	v14 =	vld.idx.msk [tilespmem:v14+s3+$0x0], $0xffff;
	v9 =	vmul.f32 v9, v11  }
0x380: {  	v58 =	vld.idx.msk [tilespmem:v48+s1+$0x0], $0xffff;
	v5 =	vadd.f32 v6, v5;
	v6 =	vadd.f32 v61, v8;
	v8 =	vor.u32 $0x4D0, v0  }
0x381: {  	v13 =	vadd.s32 v59, v13;
	v17 =	vor.u32 $0x7C0, v0;
	v12 =	vld.idx.msk [tilespmem:v62+s3+$0x0], $0xffff;
	v9 =	vadd.f32 $3.333333430e-01, v9  }
0x382: {  	v63 =	vor.u32 $0x550, v0;
	v13 =	vadd.s32 $0xFFFFFF81, v13;
	v60 =	vld.idx.msk [tilespmem:v48+s0+$0x0], $0xffff;
	v6 =	vadd.f32 v49, v6  }
0x383: {  	v13 =	vcvt.s32.f32 v13;
	v61 =	vand.u32 $0x7FFFFF, v57;
	v9 =	vmul.f32 v9, v11;
	v10 =	vld.idx.msk [tilespmem:v10+s3+$0x0], $0xffff  }
0x384: {  	v48 =	vld [tilespmem:$0x109C0];
	v11 =	vor.u32 $0x3F800000, v61;
	v6 =	vadd.f32 v14, v6;
	v14 =	vor.u32 $0x5D0, v0  }
0x385: {  	v15 =	vadd.f32 v15, v15;
	v55 =	vmul.f32 v7, v56;
	v59 =	vmul.f32 $5.000000000e-01, v11;
	v8 =	vld.idx.msk [tilespmem:v8+s3+$0x0], $0xffff  }
0x386: {  	v17 =	vld.idx.msk [tilespmem:v17+s3+$0x0], $0xffff;
	vm13 =	vgt.f32 v11, $1.414213540e+00;
	v6 =	vadd.f32 v12, v6;
	v12 =	vor.u32 $0x650, v0  }
0x387: {  	v62 =	vor.u32 $0x6D0, v0;
	v61 =	vld.idx.msk [tilespmem:v63+s3+$0x0], $0xffff;
	v9 =	vadd.f32 $1.000000000e+00, v9;
	v11 =	vsel vm13, v59, v11  }
0x388: {  	v59 =	vld.idx.msk [tilespmem:v50+s1+$0x0], $0xffff;
	v63 =	vadd.f32 $1.000000000e+00, v11;
	v6 =	vadd.f32 v10, v6;
	v10 =	vor.u32 $0x750, v0  }
0x389: {  	v13 =	vmul.f32 $6.931471820e-01, v13;
	v49 =	vor.u32 $0x60, v0;
	v9 =	vmul.f32 v9, v15;
	v14 =	vld.idx.msk [tilespmem:v14+s3+$0x0], $0xffff  }
0x38a: {  	v7 =	vmul.f32 v55, v7;
	v15 =	vld.idx.msk [tilespmem:v50+s0+$0x0], $0xffff;
	(erf) = vrcp.f32 v63;
	v6 =	vadd.f32 v8, v6  }
0x38b: {  	v5 =	vadd.f32 v17, v5;
	v9 =	vadd.f32 v9, v13;
	v13 =	vor.u32 $0xE0, v0;
	v12 =	vld.idx.msk [tilespmem:v12+s3+$0x0], $0xffff  }
0x38c: {  	v17 =	vld.idx.msk [tilespmem:v62+s3+$0x0], $0xffff;
	v8 =	vor.u32 $0x7D0, v0;
	v6 =	vadd.f32 v61, v6  }
0x38d: {  	v7 =	vadd.f32 v7, v53;
	v53 =	vor.u32 $0x160, v0;
	v5 =	vsub.f32 v5, v9;
	v9 =	vld.idx.msk [tilespmem:v10+s3+$0x0], $0xffff  }
0x38e: {  	v19 =	vor.u32 $0x4E0, v0;
	v51 =	vadd.f32 v56, v51;
	v6 =	vadd.f32 v14, v6;
	v14 =	vld.idx.msk [tilespmem:v49+s3+$0x0], $0xffff  }
0x38f: {  	v55 =	vadd.f32 v55, v52;
	v10 =	vadd.f32 v60, v58;
	v60 =	vor.u32 $0x1E0, v0;
	v58 =	vld [tilespmem:$0x10960]  }
0x390: {  	v57 =	vshrl.u32 v57, $0x17;
	v56 =	vmul.f32 v5, v48;
	v6 =	vadd.f32 v12, v6;
	v12 =	vld.idx.msk [tilespmem:v13+s3+$0x0], $0xffff  }
0x391: {  	v11 =	vadd.f32 $-1.000000000e+00, v11;
	v62 =	vor.u32 $0x2E0, v0;
	v61 =	vor.u32 $0x260, v0;
	v8 =	vld.idx.msk [tilespmem:v8+s3+$0x0], $0xffff  }
0x392: {  	v50 =	vadd.f32 v10, v54;
	v5 =	vmul.f32 v56, v5;
	v13 =	vld.idx.msk [tilespmem:v53+s3+$0x0], $0xffff;
	v6 =	vadd.f32 v17, v6  }
0x393: {  	v10 =	vmul.f32 v10, v10;
	v54 =	vadd.f32 v56, v55;
	v63 =	vpop (erf);
	v14 =	vadd.f32 $0.0e+00, v14  }
0x394: {  	v52 =	vadd.f32 v5, v7;
	v7 =	vld.idx.msk [tilespmem:v60+s3+$0x0], $0xffff;
	v5 =	vadd.f32 v9, v6;
	v6 =	vmul.f32 v63, v11  }
0x395: {  	v55 =	vor.u32 $0x70, v0;
	v53 =	vadd.f32 v10, v16;
	v16 =	vadd.f32 v12, v14  }
0x396: {  	v56 =	vadd.f32 v15, v59;
	v10 =	vld.idx.msk [tilespmem:v61+s3+$0x0], $0xffff;
	v5 =	vadd.f32 v8, v5;
	v8 =	vmul.f32 v6, v6  }
0x397: {  	v59 =	vand.u32 $0x7FFFFF, v58;
	v11 =	vld.idx.msk [tilespmem:v62+s3+$0x0], $0xffff;
	v9 =	vadd.f32 v13, v16;
	v13 =	vor.u32 $0xF0, v0  }
0x398: {  	v15 =	vor.u32 $0x360, v0;
	v12 =	vor.u32 $0x3F800000, v59;
	v16 =	vld [tilespmem:$0x10970];
	v60 =	vmul.f32 $1.428571490e-01, v8  }
0x399: {  	v17 =	vor.u32 $0x170, v0;
	v7 =	vadd.f32 v7, v9;
	v9 =	vmul.f32 $5.000000000e-01, v12  }
0x39a: {  	v63 =	vor.u32 $0x460, v0;
	vm14 =	vgt.f32 v12, $1.414213540e+00;
	v14 =	vadd.f32 $2.000000030e-01, v60;
	v60 =	vld.idx.msk [tilespmem:v55+s3+$0x0], $0xffff  }
0x39b: {  	v7 =	vadd.f32 v10, v7;
	v9 =	vsel vm14, v9, v12;
	v10 =	vor.u32 $0x1F0, v0  }
0x39c: {  	v12 =	vmul.f32 v14, v8;
	v14 =	vor.u32 $0x3E0, v0;
	v61 =	vadd.f32 $1.000000000e+00, v9;
	v13 =	vld.idx.msk [tilespmem:v13+s3+$0x0], $0xffff  }
0x39d: {  	v62 =	vand.u32 $0x7FFFFF, v16;
	v7 =	vadd.f32 v11, v7;
	v11 =	vld.idx.msk [tilespmem:v15+s3+$0x0], $0xffff;
	v15 =	vor.u32 $0x270, v0  }
0x39e: {  	v59 =	vsel vm13, $0x1, v20;
	v17 =	vld.idx.msk [tilespmem:v17+s3+$0x0], $0xffff;
	(erf) = vrcp.f32 v61;
	v61 =	vor.u32 $0x3F800000, v62  }
0x39f: {  	v62 =	vor.u32 $0x2F0, v0;
	v60 =	vadd.f32 $0.0e+00, v60;
	v18 =	vmul.f32 $5.000000000e-01, v61  }
0x3a0: {  	v57 =	vadd.s32 v59, v57;
	v6 =	vadd.f32 v6, v6;
	vm15 =	vgt.f32 v61, $1.414213540e+00;
	v10 =	vld.idx.msk [tilespmem:v10+s3+$0x0], $0xffff  }
0x3a1: {  	v14 =	vld.idx.msk [tilespmem:v14+s3+$0x0], $0xffff;
	v13 =	vadd.f32 v13, v60;
	v60 =	vor.u32 $0x370, v0;
	v18 =	vsel vm15, v18, v61  }
0x3a2: {  	v7 =	vadd.f32 v11, v7;
	v11 =	vor.u32 $0x560, v0;
	v15 =	vld.idx.msk [tilespmem:v15+s3+$0x0], $0xffff;
	v61 =	vadd.f32 $1.000000000e+00, v18  }
0x3a3: {  	v22 =	vsel vm14, $0x1, v20;
	v63 =	vld.idx.msk [tilespmem:v63+s3+$0x0], $0xffff;
	v13 =	vadd.f32 v17, v13;
	v17 =	vor.u32 $0x3F0, v0  }
0x3a4: {  	v12 =	vadd.f32 $3.333333430e-01, v12;
	v62 =	vld.idx.msk [tilespmem:v62+s3+$0x0], $0xffff;
	(erf) = vrcp.f32 v61;
	v61 =	vor.u32 $0x5E0, v0  }
0x3a5: {  	v19 =	vld.idx.msk [tilespmem:v19+s3+$0x0], $0xffff;
	v57 =	vadd.s32 $0xFFFFFF81, v57;
	v10 =	vadd.f32 v10, v13;
	v13 =	vor.u32 $0x470, v0  }
0x3a6: {  	v8 =	vmul.f32 v12, v8;
	v12 =	vor.u32 $0x660, v0;
	v7 =	vadd.f32 v14, v7;
	v14 =	vld.idx.msk [tilespmem:v60+s3+$0x0], $0xffff  }
0x3a7: {  	v9 =	vadd.f32 $-1.000000000e+00, v9;
	v11 =	vld.idx.msk [tilespmem:v11+s3+$0x0], $0xffff;
	v10 =	vadd.f32 v15, v10;
	v15 =	vor.u32 $0x4F0, v0  }
0x3a8: {  	v57 =	vcvt.s32.f32 v57;
	v60 =	vor.u32 $0x6E0, v0;
	v59 =	vpop (erf);
	v7 =	vadd.f32 v63, v7;
	v17 =	vld.idx.msk [tilespmem:v17+s3+$0x0], $0xffff  }
0x3a9: {  	v9 =	vmul.f32 v59, v9;
	v59 =	vor.u32 $0x570, v0;
	v61 =	vld.idx.msk [tilespmem:v61+s3+$0x0], $0xffff;
	v10 =	vadd.f32 v62, v10  }
0x3aa: {  	v8 =	vadd.f32 $1.000000000e+00, v8;
	v7 =	vadd.f32 v19, v7;
	v19 =	vor.u32 $0x760, v0;
	v13 =	vld.idx.msk [tilespmem:v13+s3+$0x0], $0xffff  }
0x3ab: {  	v12 =	vld.idx.msk [tilespmem:v12+s3+$0x0], $0xffff;
	v62 =	vmul.f32 v9, v9;
	v10 =	vadd.f32 v14, v10;
	v14 =	vor.u32 $0x5F0, v0  }
0x3ac: {  	v6 =	vmul.f32 v8, v6;
	v7 =	vadd.f32 v11, v7;
	v11 =	vld.idx.msk [tilespmem:v15+s3+$0x0], $0xffff;
	v15 =	vadd.f32 $-1.000000000e+00, v18  }
0x3ad: {  	v9 =	vadd.f32 v9, v9;
	v18 =	vld.idx.msk [tilespmem:v60+s3+$0x0], $0xffff;
	v60 =	vmul.f32 $1.428571490e-01, v62;
	v10 =	vadd.f32 v17, v10;
	v63 =	vpop (erf)  }
0x3ae: {  	v17 =	vor.u32 $0x670, v0;
	v59 =	vld.idx.msk [tilespmem:v59+s3+$0x0], $0xffff;
	v7 =	vadd.f32 v61, v7;
	v15 =	vmul.f32 v63, v15  }
0x3af: {  	v63 =	vadd.f32 $2.000000030e-01, v60;
	v60 =	vor.u32 $0x6F0, v0;
	v8 =	vadd.f32 v13, v10;
	v61 =	vld.idx.msk [tilespmem:v19+s3+$0x0], $0xffff  }
0x3b0: {  	v19 =	vmul.f32 $6.931471820e-01, v57;
	v7 =	vadd.f32 v12, v7;
	v57 =	vld.idx.msk [tilespmem:v14+s3+$0x0], $0xffff;
	v14 =	vmul.f32 v15, v15  }
0x3b1: {  	v13 =	vmul.f32 v63, v62;
	v63 =	vor.u32 $0x7F0, v0;
	v15 =	vadd.f32 v15, v15  }
0x3b2: {  	v6 =	vadd.f32 v6, v19;
	v7 =	vadd.f32 v18, v7;
	v18 =	vmul.f32 $1.428571490e-01, v14  }
0x3b3: {  	v8 =	vadd.f32 v11, v8;
	v19 =	vor.u32 $0x7E0, v0;
	v13 =	vadd.f32 $3.333333430e-01, v13  }
0x3b4: {  	v17 =	vld.idx.msk [tilespmem:v17+s3+$0x0], $0xffff;
	v5 =	vsub.f32 v5, v6;
	v6 =	vor.u32 $0x770, v0;
	v18 =	vadd.f32 $2.000000030e-01, v18  }
0x3b5: {  	v16 =	vshrl.u32 v16, $0x17;
	v8 =	vadd.f32 v59, v8;
	v11 =	vld.idx.msk [tilespmem:v60+s3+$0x0], $0xffff;
	v7 =	vadd.f32 v61, v7  }
0x3b6: {  	v61 =	vmul.f32 v13, v62;
	v62 =	vshrl.u32 v58, $0x17;
	v58 =	vld.idx.msk [tilespmem:v47+s1+$0x0], $0xffff;
	v18 =	vmul.f32 v18, v14  }
0x3b7: {  	v8 =	vadd.f32 v57, v8;
	v12 =	vadd.s32 v22, v62;
	v22 =	vsel vm15, $0x1, v20;
	v60 =	vld.idx.msk [tilespmem:v63+s3+$0x0], $0xffff  }
0x3b8: {  	v10 =	vadd.f32 $1.000000000e+00, v61;
	v19 =	vld.idx.msk [tilespmem:v19+s3+$0x0], $0xffff;
	v12 =	vadd.s32 $0xFFFFFF81, v12;
	v18 =	vadd.f32 $3.333333430e-01, v18  }
0x3b9: {  	v63 =	vadd.f32 v48, v51;
	v8 =	vadd.f32 v17, v8;
	v12 =	vcvt.s32.f32 v12;
	v6 =	vld.idx.msk [tilespmem:v6+s3+$0x0], $0xffff  }
0x3ba: {  	v57 =	vadd.s32 v22, v16;
	v61 =	vld.idx.msk [tilespmem:v47+s0+$0x0], $0xffff;
	v9 =	vmul.f32 v10, v9;
	v14 =	vmul.f32 v18, v14  }
0x3bb: {  	v17 =	vld [tilespmem:$0x109D0];
	v10 =	vadd.s32 $0xFFFFFF81, v57;
	v8 =	vadd.f32 v11, v8;
	v59 =	vmul.f32 $6.931471820e-01, v12  }
0x3bc: {  	v10 =	vcvt.s32.f32 v10;
	v18 =	vadd.f32 v56, v50;
	v14 =	vadd.f32 $1.000000000e+00, v14  }
0x3bd: {  	v11 =	vld [tilespmem:$0x109E0];
	v7 =	vadd.f32 v19, v7;
	v9 =	vadd.f32 v9, v59  }
0x3be: {  	v10 =	vmul.f32 $6.931471820e-01, v10;
	v6 =	vadd.f32 v6, v8;
	v62 =	vmul.f32 v14, v15  }
0x3bf: {  	v48 =	vld [tilespmem:$0x109F0];
	v51 =	vmul.f32 v56, v56;
	v13 =	vadd.f32 v61, v58;
	v7 =	vsub.f32 v7, v9  }
0x3c0: {  	v57 =	vld.idx.msk [tilespmem:v49+s1+$0x0], $0xffff;
	v47 =	vmul.f32 v5, v17;
	v6 =	vadd.f32 v60, v6;
	v8 =	vadd.f32 v62, v10  }
0x3c1: {  	v12 =	vadd.f32 v51, v53;
	v58 =	vld.idx.msk [tilespmem:v49+s0+$0x0], $0xffff;
	v22 =	vmul.f32 v13, v13;
	v13 =	vadd.f32 v13, v18  }
0x3c2: {  	v59 =	vld.idx.msk [tilespmem:v55+s1+$0x0], $0xffff;
	v5 =	vmul.f32 v47, v5;
	v19 =	vmul.f32 v7, v11;
	v6 =	vsub.f32 v6, v8  }
0x3c3: {  	v15 =	vadd.f32 v47, v54;
	v14 =	vadd.f32 v17, v63;
	v60 =	vld.idx.msk [tilespmem:v55+s0+$0x0], $0xffff  }
0x3c4: {  	v5 =	vadd.f32 v5, v52;
	v7 =	vmul.f32 v19, v7;
	v61 =	vmul.f32 v6, v48  }
0x3c5: {  	v12 =	vadd.f32 v22, v12;
	v11 =	vadd.f32 v11, v14  }
0x3c6: {  	v5 =	vadd.f32 v7, v5;
	v7 =	vadd.f32 v58, v57;
	v6 =	vmul.f32 v61, v6  }
0x3c7: {  	v62 =	vadd.f32 v19, v15;
	v9 =	vadd.f32 v48, v11  }
0x3c8: {  	v8 =	vadd.f32 v60, v59;
	v5 =	vadd.f32 v6, v5;
	v6 =	vmul.f32 v7, v7  }
0x3c9: {  	v7 =	vadd.f32 v7, v13  }
0x3ca: {  	[tilespmem:$0x10F20] =	vst v9;
	v10 =	vadd.f32 v61, v62;
	v63 =	vmul.f32 v8, v8;
	v6 =	vadd.f32 v6, v12  }
0x3cb: {  	[tilespmem:$0x10F00] =	vst v5;
	v5 =	vadd.f32 v8, v7  }
0x3cc: {  	[tilespmem:$0x10F10] =	vst v10;
	v6 =	vadd.f32 v63, v6  }
0x3cd: {  	s20 =	rddreg [dreg:$0xe];
	[tilespmem:$0x10F30] =	vst v5  }
0x3ce: {  	s24 =	simm.s32 $0x10F00;
	s28 =	simm.s32 $0x0;
	s1 =	simm.s32 $0x5;
	[tilespmem:$0x10F40] =	vst v6  }
0x3cf: {  	[hbm4b:s20+s28] =	stream.linear.scatter [tilespmem:s24], [sflag:$0x5], $0x50, $0x38;
	[tilespmem:$0x10F80] =	vst v63  }
0x3d0: {  	_ =	swait.ge [sflag:s1], $0x50  }
0x3d1: {  	s29 =	rddreg [dreg:$0x10]  }
0x3d2: {  	s30 =	rddreg [dreg:$0xf];
	s3 =	sadd.s32 $0x1, s29  }
0x3d3: {  	p0 =	sne.s32 s3, s30  }
.Ltmp1:
0x3d4: {  	_ = 	snop;
	(pc) =	sbr.rel @p0 .LBB2_1-.Ltmp1, $3  }
0x3d5: {  	_ =	sdelay $0x1  }
0x3d6: {  	[sflag:s1] =	ssyncset.done $0x0  }
0x3d7: {  	[sflag:s1] =	ssyncadd.s32 $0xFFFFFFB0  }
0x3d8: {  	_ =	sfence.sel $0x180000  }
0x3d9: {  	[bflag:$0x0] =	sbarrier.arrive $0xFFFF  }
0x3da: {  	_ =	strace $0x90000047  }
0x3db: {  	s0 =	stileid.u32;
	[bflag:$0x2] =	sbarrier.arrive $0xFFFF  }
0x3dc: {  	p0 =	sne.s32 s0, $0x0;
	s0 =	rddreg [dreg:$0x9]  }
0x3dd: {  	s0 =	sadd.s32 @!p0 $0x100000, s0  }
0x3de: {  	[sflag:s0] =	ssyncadd.tile.s32 @!p0 $0x1;
	_ =	shalt  }
.Lfunc_end2:
_tile_overlayer_lowered:
.L_overlay_start_2:
0x3df: {  	(tag) =	ssettag $0x2  }
0x3e0: {  	s0 =	rddreg [dreg:$0x0];
	s2 =	stileid.u32  }
0x3e1: {  	s1 =	rddreg [dreg:$0x1];
	p0 =	sne.s32 s2, $0x0  }
0x3e2: {  	s3 =	rddreg [dreg:$0x2];
	[bflag:$0x3] =	sbarrier.arrive $0xFFFF;
	s2 =	simm.s32 @!p0 $0x1C05  }
0x3e3: {  	[timem:s3], [sflag:s2] =	dma.local @!p0 [hbm:s0], s1  }
0x3e4: {  	s0 =	simm.s32 @!p0 $0x5  }
0x3e5: {  	_ =	swait.ge @!p0 [sflag:s0], s1  }
0x3e6: {  	s1 =	ssub.s32 @!p0 $0x0, s1;
	[sflag:s0] =	ssyncset.done @!p0 $0x0  }
0x3e7: {  	[sflag:s0] =	ssyncadd.s32 @!p0 s1  }
0x3e8: {  	[bflag:$0x3] =	sbarrier.arrive $0xFFFF  }
0x3e9: {  	_ =	shalt  }

</sc_bundles>
